<compile_context>
chip_gen: v7x
topology: tpu7x:2x2x1
jax: 0.10.2.dev20260603
libtpu: 0.0.44.dev20260713+nightly
codegen_flags: <defaults>
</compile_context>

<pallas_src>
import functools
import jax
import jax.numpy as jnp
from jax import lax
from jax.experimental import pallas as pl
from jax.experimental.pallas import tpu as pltpu
from jax.experimental.pallas import tpu_sc as plsc

B = 32
L = 100
NW = 32
DT = 320
DW = 384
D_IN = NW * DT
D_OUT = NW * DW
F_PAD = 640
FB = 32
NFB = F_PAD // FB
NJ = DT // 16


def _sc_body(xT_hbm, id_hbm, lvl_hbm, out_hbm,
             xb_v, idx_v, lvl_v, id_v, acc_v, sem0, sem1):
    cid = lax.axis_index("c")
    sid = lax.axis_index("s")
    wid = sid * 2 + cid
    off = 64 * (wid % 2)
    da = pl.multiple_of(wid * DT - off, 128)

    pltpu.sync_copy(lvl_hbm.at[wid], lvl_v)
    pltpu.sync_copy(xT_hbm, xb_v)

    @plsc.parallel_loop(0, F_PAD * B // 16, unroll=8)
    def idx_body(i):
        v = xb_v[pl.ds(i * 16, 16)]
        idx_v[pl.ds(i * 16, 16)] = DW * jnp.clip(
            (v * float(L)).astype(jnp.int32), 0, L - 1)

    zero = jnp.zeros((16,), jnp.float32)

    @plsc.parallel_loop(0, B * (DW // 16), unroll=8)
    def zero_body(i):
        acc_v[i // (DW // 16), pl.ds(16 * (i % (DW // 16)), 16)] = zero

    lane_iota = lax.broadcasted_iota(jnp.int32, (16,), 0)
    cols = [lane_iota + (off + 16 * j) for j in range(NJ)]
    sems = (sem0, sem1)

    def id_slice(fb):
        return id_hbm.at[pl.ds(fb * FB, FB), pl.ds(da, DW)]

    pltpu.async_copy(id_slice(0), id_v.at[0], sem0)
    pltpu.async_copy(id_slice(1), id_v.at[1], sem1)

    def fb_pair_body(g, _):
        for par in range(2):
            fb = 2 * g + par
            pltpu.make_async_copy(id_slice(fb), id_v.at[par], sems[par]).wait()

            def fl_body(fl, _):
                idrow = [id_v[par, fl, pl.ds(off + 16 * j, 16)]
                         for j in range(NJ)]

                @plsc.parallel_loop(0, B, unroll=4)
                def b_body(b):
                    pos = jnp.full((16,), (fb * FB + fl) * B + b, jnp.int32)
                    row = plsc.load_gather(idx_v, [pos])
                    for j in range(NJ):
                        lv = plsc.load_gather(lvl_v, [row + cols[j]])
                        plsc.addupdate(
                            acc_v.at[b, pl.ds(off + 16 * j, 16)],
                            lv * idrow[j])

                return 0

            lax.fori_loop(0, FB, fl_body, 0)

            @pl.when(fb + 2 < NFB)
            def _():
                pltpu.async_copy(id_slice(fb + 2), id_v.at[par], sems[par])

        return 0

    lax.fori_loop(0, NFB // 2, fb_pair_body, 0)

    one = jnp.full((16,), 1.0, jnp.float32)
    neg = jnp.full((16,), -1.0, jnp.float32)

    @plsc.parallel_loop(0, B * (DW // 16), unroll=8)
    def q_body(i):
        b = i // (DW // 16)
        j = i % (DW // 16)
        s = acc_v[b, pl.ds(16 * j, 16)]
        acc_v[b, pl.ds(16 * j, 16)] = jnp.where(s > 0, one, neg)

    pltpu.sync_copy(acc_v, out_hbm.at[:, pl.ds(wid * DW, DW)])


def _classify_body(q_ref, cw_ref, out_ref):
    out_ref[...] = jax.lax.dot_general(
        q_ref[...], cw_ref[...],
        (((1,), (1,)), ((), ())),
        preferred_element_type=jnp.float32,
    )


def kernel(x, id_weight, level_weight, classify_weight):
    F = x.shape[1]
    D = level_weight.shape[1]
    C = classify_weight.shape[0]
    xT = jnp.pad(x.T, ((0, F_PAD - F), (0, 0))).reshape(-1)
    id_p = jnp.pad(id_weight, ((0, F_PAD - F), (0, D_IN - D)))
    lvl_p = jnp.pad(level_weight, ((0, 0), (0, D_IN - D)))
    lvl_r = jnp.stack([
        lax.slice(lvl_p, (0, w * DT - 64 * (w % 2)),
                  (L, w * DT - 64 * (w % 2) + DW)).reshape(-1)
        for w in range(NW)])

    cw_r = jnp.pad(classify_weight, ((0, 0), (0, D_IN - D))).reshape(C, NW, DT)
    cw_e = jnp.pad(cw_r, ((0, 0), (0, 0), (0, DW - DT)))
    cw_o = jnp.pad(cw_r, ((0, 0), (0, 0), (DW - DT, 0)))
    odd = (jnp.arange(NW) % 2) == 1
    cw_q = jnp.where(odd[None, :, None], cw_o, cw_e).reshape(C, D_OUT)

    mesh = plsc.VectorSubcoreMesh(
        core_axis_name="c", subcore_axis_name="s", num_cores=2, num_subcores=16)
    sc = functools.partial(
        pl.kernel,
        out_type=jax.ShapeDtypeStruct((B, D_OUT), jnp.float32),
        mesh=mesh,
        compiler_params=pltpu.CompilerParams(needs_layout_passes=False),
        scratch_types=[
            pltpu.VMEM((F_PAD * B,), jnp.float32),
            pltpu.VMEM((F_PAD * B,), jnp.int32),
            pltpu.VMEM((L * DW,), jnp.float32),
            pltpu.VMEM((2, FB, DW), jnp.float32),
            pltpu.VMEM((B, DW), jnp.float32),
            pltpu.SemaphoreType.DMA,
            pltpu.SemaphoreType.DMA,
        ],
    )(_sc_body)
    q = sc(xT, id_p, lvl_r)

    logit = pl.pallas_call(
        _classify_body,
        in_specs=[
            pl.BlockSpec((B, D_OUT), lambda: (0, 0)),
            pl.BlockSpec((C, D_OUT), lambda: (0, 0)),
        ],
        out_specs=pl.BlockSpec((B, C), lambda: (0, 0)),
        out_shape=jax.ShapeDtypeStruct((B, C), jnp.float32),
    )(q, cw_q)
    return logit

# --- scband reference (transcript-rebuilt; emitter-appended) ---
"""Pipeline reference for scband-model-36850819399702 (READ-ONLY COPY).

The authoritative reference and input builder live on the scoring server;
editing this copy changes nothing except your own understanding.
"""

import jax, jax.numpy as jnp
import numpy as np

DIMENSIONS = 10000
NUM_LEVELS = 100
NUM_FEATURES = 617
NUM_CLASSES = 26
BATCH = 32


def setup_inputs(seed: int = 0) -> dict:
    key = jax.random.key(seed)
    k1, k2, k3, k4 = jax.random.split(key, 4)
    x = jax.random.uniform(k1, (BATCH, NUM_FEATURES), dtype=jnp.float32)
    # Random (MAP) id hypervectors: +/-1
    id_weight = jnp.where(jax.random.bernoulli(k2, 0.5, (NUM_FEATURES, DIMENSIONS)), 1.0, -1.0).astype(jnp.float32)
    # Level hypervectors: correlated span construction (torchhd-style):
    # each dimension flips from base to -base at a random level threshold,
    # so nearby levels share most coordinates.
    base = jnp.where(jax.random.bernoulli(k3, 0.5, (DIMENSIONS,)), 1.0, -1.0).astype(jnp.float32)
    flip_point = jax.random.uniform(k4, (DIMENSIONS,), dtype=jnp.float32)
    frac = jnp.arange(NUM_LEVELS, dtype=jnp.float32)[:, None] / float(NUM_LEVELS - 1)
    level_weight = jnp.where(frac < flip_point[None, :], base[None, :], -base[None, :]).astype(jnp.float32)
    # classify linear, zero-initialized, no bias (as in original model)
    classify_weight = jnp.zeros((NUM_CLASSES, DIMENSIONS), dtype=jnp.float32)
    return {"x": x, "id_weight": id_weight, "level_weight": level_weight, "classify_weight": classify_weight}


def reference(x, id_weight, level_weight, classify_weight):
    num_levels = level_weight.shape[0]
    # torchhd Level embedding: map value in [0,1] to a level index, then lookup
    idx = jnp.clip(jnp.floor(x * num_levels).astype(jnp.int32), 0, num_levels - 1)
    hv = jnp.take(level_weight, idx, axis=0)              # [B, F, D] gather
    bound = id_weight[None, :, :] * hv                    # torchhd.bind (MAP: elementwise mul)
    s = jnp.sum(bound, axis=1)                            # torchhd.multiset (bundle/sum over features)
    q = jnp.where(s > 0, 1.0, -1.0).astype(jnp.float32)   # torchhd.hard_quantize
    logit = q @ classify_weight.T                         # nn.Linear(DIMENSIONS, num_classes, bias=False)
    return logit

if __name__ == "__main__":
    import jax
    _d = setup_inputs()
    print(jax.jit(kernel)(*tuple(_d.values())))

</pallas_src>

<mosaic_0001>
#map = affine_map<(d0, d1) -> (0)>
#map1 = affine_map<(d0, d1) -> (0, 0)>
module attributes {stable_mosaic.version = 14 : i64} {
  func.func @_sc_body(%arg0: i32, %arg1: i32, %arg2: memref<20480xf32, #tpu.memory_space<hbm>>, %arg3: memref<640x10240xf32, #tpu.memory_space<hbm>>, %arg4: memref<32x38400xf32, #tpu.memory_space<hbm>>, %arg5: memref<32x12288xf32, #tpu.memory_space<hbm>>, %arg6: memref<20480xf32, #tpu.memory_space<vmem>>, %arg7: memref<20480xi32, #tpu.memory_space<vmem>>, %arg8: memref<38400xf32, #tpu.memory_space<vmem>>, %arg9: memref<2x32x384xf32, #tpu.memory_space<vmem>>, %arg10: memref<32x384xf32, #tpu.memory_space<vmem>>, %arg11: memref<!tpu.dma_semaphore, #tpu.memory_space<semaphore_mem>>, %arg12: memref<!tpu.dma_semaphore, #tpu.memory_space<semaphore_mem>>) attributes {dimension_semantics = [#tpu.dimension_semantics<core_parallel>, #tpu.dimension_semantics<subcore_parallel>], iteration_bounds = array<i64: 2, 16>, scalar_prefetch = 0 : i64, scratch_operands = 7 : i64, tpu.core_type = #tpu.core_type<sc_vector_subcore>, window_params = [{transform_indices = #map}, {transform_indices = #map1}, {transform_indices = #map1}, {transform_indices = #map1}]} {
    %mul3A = arith.constant 2 : i32
    %mul3A_0 = arith.muli %arg1, %mul3A : i32
    %add3A = arith.addi %mul3A_0, %arg0 : i32
    %jit3A = arith.constant 2 : i32
    %eq3A = arith.constant 0 : i32
    %eq3A_1 = arith.cmpi eq, %jit3A, %eq3A : i32
    %jit3A_2 = arith.constant 1 : i32
    %select_n3A = arith.select %eq3A_1, %jit3A_2, %jit3A : i32
    %rem3A = arith.remsi %add3A, %select_n3A : i32
    %ne3A = arith.constant 0 : i32
    %ne3A_3 = arith.cmpi ne, %rem3A, %ne3A : i32
    %lt3A = arith.constant 0 : i32
    %lt3A_4 = arith.cmpi slt, %rem3A, %lt3A : i32
    %lt3A_5 = arith.constant 0 : i32
    %lt3A_6 = arith.cmpi slt, %select_n3A, %lt3A_5 : i32
    %ne3A_7 = arith.xori %lt3A_4, %lt3A_6 : i1
    %and3A = arith.andi %ne3A_7, %ne3A_3 : i1
    %add3A_8 = arith.addi %rem3A, %select_n3A : i32
    %select_n3A_9 = arith.select %and3A, %add3A_8, %rem3A : i32
    %mul3A_10 = arith.constant 64 : i32
    %mul3A_11 = arith.muli %mul3A_10, %select_n3A_9 : i32
    %mul3A_12 = arith.constant 320 : i32
    %mul3A_13 = arith.muli %add3A, %mul3A_12 : i32
    %sub3A = arith.subi %mul3A_13, %mul3A_11 : i32
    %multiple_of3A = tpu.assume_multiple %sub3A, 128 : i32
    "tpu.region"() ({
      %run_scoped3A = tpu.sem_alloc : memref<!tpu.dma_semaphore, #tpu.memory_space<semaphore_mem>>
      %dma_start3A_140 = arith.constant 0 : i32
      %dma_start3A_141 = tpu.memref_slice %arg4[%add3A, %dma_start3A_140] : memref<32x38400xf32, #tpu.memory_space<hbm>> -> memref<1x38400xf32, #tpu.memory_space<hbm>>
      %dma_start3A_142 = tpu.memref_squeeze %dma_start3A_141 : memref<1x38400xf32, #tpu.memory_space<hbm>> -> memref<38400xf32, #tpu.memory_space<hbm>>
      %dma_start3A_143 = arith.constant 0 : i32
      %dma_start3A_144 = tpu.memref_slice %arg4[%add3A, %dma_start3A_143] : memref<32x38400xf32, #tpu.memory_space<hbm>> -> memref<1x38400xf32, #tpu.memory_space<hbm>>
      %dma_start3A_145 = tpu.memref_squeeze %dma_start3A_144 : memref<1x38400xf32, #tpu.memory_space<hbm>> -> memref<38400xf32, #tpu.memory_space<hbm>>
      tpu.enqueue_dma source(%dma_start3A_145 : memref<38400xf32, #tpu.memory_space<hbm>>) target(%arg8 : memref<38400xf32, #tpu.memory_space<vmem>>) target_semaphore(%run_scoped3A : memref<!tpu.dma_semaphore, #tpu.memory_space<semaphore_mem>>)
      %dma_wait3A = arith.constant 0 : i32
      %dma_wait3A_146 = tpu.memref_slice %arg4[%add3A, %dma_wait3A] : memref<32x38400xf32, #tpu.memory_space<hbm>> -> memref<1x38400xf32, #tpu.memory_space<hbm>>
      %dma_wait3A_147 = tpu.memref_squeeze %dma_wait3A_146 : memref<1x38400xf32, #tpu.memory_space<hbm>> -> memref<38400xf32, #tpu.memory_space<hbm>>
      %dma_wait3A_148 = arith.constant 0 : i32
      %dma_wait3A_149 = tpu.memref_slice %arg4[%add3A, %dma_wait3A_148] : memref<32x38400xf32, #tpu.memory_space<hbm>> -> memref<1x38400xf32, #tpu.memory_space<hbm>>
      %dma_wait3A_150 = tpu.memref_squeeze %dma_wait3A_149 : memref<1x38400xf32, #tpu.memory_space<hbm>> -> memref<38400xf32, #tpu.memory_space<hbm>>
      tpu.wait_dma2 semaphore(%run_scoped3A : memref<!tpu.dma_semaphore, #tpu.memory_space<semaphore_mem>>) src(%dma_wait3A_150 : memref<38400xf32, #tpu.memory_space<hbm>>) dst(%arg8 : memref<38400xf32, #tpu.memory_space<vmem>>)
      tpu.yield
    }) : () -> ()
    "tpu.region"() ({
      %run_scoped3A = tpu.sem_alloc : memref<!tpu.dma_semaphore, #tpu.memory_space<semaphore_mem>>
      tpu.enqueue_dma source(%arg2 : memref<20480xf32, #tpu.memory_space<hbm>>) target(%arg6 : memref<20480xf32, #tpu.memory_space<vmem>>) target_semaphore(%run_scoped3A : memref<!tpu.dma_semaphore, #tpu.memory_space<semaphore_mem>>)
      tpu.wait_dma2 semaphore(%run_scoped3A : memref<!tpu.dma_semaphore, #tpu.memory_space<semaphore_mem>>) src(%arg2 : memref<20480xf32, #tpu.memory_space<hbm>>) dst(%arg6 : memref<20480xf32, #tpu.memory_space<vmem>>)
      tpu.yield
    }) : () -> ()
    %parallel_loop3A = arith.constant 0 : i32
    %parallel_loop3A_14 = arith.constant 1280 : i32
    %parallel_loop3A_15 = arith.constant 1 : i32
    scf.for %parallel_loop3A_140 = %parallel_loop3A to %parallel_loop3A_14 step %parallel_loop3A_15  : i32 {
      %parallel_loop3A_141 = arith.constant 16 : i32
      %parallel_loop3A_142 = arith.muli %parallel_loop3A_140, %parallel_loop3A_141 : i32
      %parallel_loop3A_143 = arith.index_cast %parallel_loop3A_142 : i32 to index
      %parallel_loop3A_144 = tpu.vector_load %arg6[%parallel_loop3A_143] {strides = array<i32>} : memref<20480xf32, #tpu.memory_space<vmem>>, vector<16xf32>,
      %parallel_loop3A_145 = arith.constant 1.000000e+02 : f32
      %parallel_loop3A_146 = vector.broadcast %parallel_loop3A_145 : f32 to vector<16xf32>
      %parallel_loop3A_147 = arith.mulf %parallel_loop3A_144, %parallel_loop3A_146 : vector<16xf32>
      %parallel_loop3A_148 = arith.fptosi %parallel_loop3A_147 : vector<16xf32> to vector<16xi32>
      %parallel_loop3A_149 = arith.constant 0 : i32
      %parallel_loop3A_150 = arith.constant 99 : i32
      %parallel_loop3A_151 = vector.broadcast %parallel_loop3A_149 : i32 to vector<16xi32>
      %parallel_loop3A_152 = arith.maxsi %parallel_loop3A_151, %parallel_loop3A_148 : vector<16xi32>
      %parallel_loop3A_153 = vector.broadcast %parallel_loop3A_150 : i32 to vector<16xi32>
      %parallel_loop3A_154 = arith.minsi %parallel_loop3A_153, %parallel_loop3A_152 : vector<16xi32>
      %parallel_loop3A_155 = arith.constant 384 : i32
      %parallel_loop3A_156 = vector.broadcast %parallel_loop3A_155 : i32 to vector<16xi32>
      %parallel_loop3A_157 = arith.muli %parallel_loop3A_156, %parallel_loop3A_154 : vector<16xi32>
      %parallel_loop3A_158 = arith.constant 16 : i32
      %parallel_loop3A_159 = arith.muli %parallel_loop3A_140, %parallel_loop3A_158 : i32
      %parallel_loop3A_160 = arith.index_cast %parallel_loop3A_159 : i32 to index
      %parallel_loop3A_161 = tpu.vector_load %arg7[%parallel_loop3A_160] {strides = array<i32>} : memref<20480xi32, #tpu.memory_space<vmem>>, vector<16xi32>,
      tpu.vector_store %arg7[%parallel_loop3A_160], %parallel_loop3A_157 {strides = array<i32>} : memref<20480xi32, #tpu.memory_space<vmem>>, vector<16xi32>,
    } {sc.loop_unroll_factor = 8 : i64, sc.parallel_access}
    %broadcast_in_dim3A = arith.constant 0.000000e+00 : f32
    %broadcast_in_dim3A_16 = vector.broadcast %broadcast_in_dim3A : f32 to vector<16xf32>
    %parallel_loop3A_17 = arith.constant 0 : i32
    %parallel_loop3A_18 = arith.constant 768 : i32
    %parallel_loop3A_19 = arith.constant 1 : i32
    scf.for %parallel_loop3A_140 = %parallel_loop3A_17 to %parallel_loop3A_18 step %parallel_loop3A_19  : i32 {
      %parallel_loop3A_141 = arith.constant 24 : i32
      %parallel_loop3A_142 = arith.divsi %parallel_loop3A_140, %parallel_loop3A_141 : i32
      %parallel_loop3A_143 = arith.constant 0 : i32
      %parallel_loop3A_144 = arith.cmpi sgt, %parallel_loop3A_140, %parallel_loop3A_143 : i32
      %parallel_loop3A_145 = arith.extui %parallel_loop3A_144 : i1 to i32
      %parallel_loop3A_146 = arith.constant 0 : i32
      %parallel_loop3A_147 = arith.cmpi slt, %parallel_loop3A_140, %parallel_loop3A_146 : i32
      %parallel_loop3A_148 = arith.extui %parallel_loop3A_147 : i1 to i32
      %parallel_loop3A_149 = arith.subi %parallel_loop3A_145, %parallel_loop3A_148 : i32
      %parallel_loop3A_150 = arith.constant 0 : i32
      %parallel_loop3A_151 = arith.cmpi sgt, %parallel_loop3A_141, %parallel_loop3A_150 : i32
      %parallel_loop3A_152 = arith.extui %parallel_loop3A_151 : i1 to i32
      %parallel_loop3A_153 = arith.constant 0 : i32
      %parallel_loop3A_154 = arith.cmpi slt, %parallel_loop3A_141, %parallel_loop3A_153 : i32
      %parallel_loop3A_155 = arith.extui %parallel_loop3A_154 : i1 to i32
      %parallel_loop3A_156 = arith.subi %parallel_loop3A_152, %parallel_loop3A_155 : i32
      %parallel_loop3A_157 = arith.cmpi ne, %parallel_loop3A_149, %parallel_loop3A_156 : i32
      %parallel_loop3A_158 = arith.remsi %parallel_loop3A_140, %parallel_loop3A_141 : i32
      %parallel_loop3A_159 = arith.constant 0 : i32
      %parallel_loop3A_160 = arith.cmpi ne, %parallel_loop3A_158, %parallel_loop3A_159 : i32
      %parallel_loop3A_161 = arith.andi %parallel_loop3A_157, %parallel_loop3A_160 : i1
      %parallel_loop3A_162 = arith.constant 1 : i32
      %parallel_loop3A_163 = arith.subi %parallel_loop3A_142, %parallel_loop3A_162 : i32
      %parallel_loop3A_164 = arith.select %parallel_loop3A_161, %parallel_loop3A_163, %parallel_loop3A_142 : i32
      %parallel_loop3A_165 = arith.constant 24 : i32
      %parallel_loop3A_166 = arith.constant 0 : i32
      %parallel_loop3A_167 = arith.cmpi eq, %parallel_loop3A_165, %parallel_loop3A_166 : i32
      %parallel_loop3A_168 = arith.constant 1 : i32
      %parallel_loop3A_169 = arith.select %parallel_loop3A_167, %parallel_loop3A_168, %parallel_loop3A_165 : i32
      %parallel_loop3A_170 = arith.remsi %parallel_loop3A_140, %parallel_loop3A_169 : i32
      %parallel_loop3A_171 = arith.constant 0 : i32
      %parallel_loop3A_172 = arith.cmpi ne, %parallel_loop3A_170, %parallel_loop3A_171 : i32
      %parallel_loop3A_173 = arith.constant 0 : i32
      %parallel_loop3A_174 = arith.cmpi slt, %parallel_loop3A_170, %parallel_loop3A_173 : i32
      %parallel_loop3A_175 = arith.constant 0 : i32
      %parallel_loop3A_176 = arith.cmpi slt, %parallel_loop3A_169, %parallel_loop3A_175 : i32
      %parallel_loop3A_177 = arith.xori %parallel_loop3A_174, %parallel_loop3A_176 : i1
      %parallel_loop3A_178 = arith.andi %parallel_loop3A_177, %parallel_loop3A_172 : i1
      %parallel_loop3A_179 = arith.addi %parallel_loop3A_170, %parallel_loop3A_169 : i32
      %parallel_loop3A_180 = arith.select %parallel_loop3A_178, %parallel_loop3A_179, %parallel_loop3A_170 : i32
      %parallel_loop3A_181 = arith.constant 16 : i32
      %parallel_loop3A_182 = arith.muli %parallel_loop3A_181, %parallel_loop3A_180 : i32
      %parallel_loop3A_183 = arith.index_cast %parallel_loop3A_164 : i32 to index
      %parallel_loop3A_184 = arith.index_cast %parallel_loop3A_182 : i32 to index
      %parallel_loop3A_185 = tpu.vector_load %arg10[%parallel_loop3A_183, %parallel_loop3A_184] {strides = array<i32>} : memref<32x384xf32, #tpu.memory_space<vmem>>, vector<16xf32>,
      tpu.vector_store %arg10[%parallel_loop3A_183, %parallel_loop3A_184], %broadcast_in_dim3A_16 {strides = array<i32>} : memref<32x384xf32, #tpu.memory_space<vmem>>, vector<16xf32>,
    } {sc.loop_unroll_factor = 8 : i64, sc.parallel_access}
    %iota3A = tpu.iota {dimensions = array<i32: 0>} : vector<16xi32>
    %add3A_20 = arith.constant 0 : i32
    %add3A_21 = arith.addi %mul3A_11, %add3A_20 : i32
    %add3A_22 = vector.broadcast %add3A_21 : i32 to vector<16xi32>
    %add3A_23 = arith.addi %iota3A, %add3A_22 : vector<16xi32>
    %add3A_24 = arith.constant 16 : i32
    %add3A_25 = arith.addi %mul3A_11, %add3A_24 : i32
    %add3A_26 = vector.broadcast %add3A_25 : i32 to vector<16xi32>
    %add3A_27 = arith.addi %iota3A, %add3A_26 : vector<16xi32>
    %add3A_28 = arith.constant 32 : i32
    %add3A_29 = arith.addi %mul3A_11, %add3A_28 : i32
    %add3A_30 = vector.broadcast %add3A_29 : i32 to vector<16xi32>
    %add3A_31 = arith.addi %iota3A, %add3A_30 : vector<16xi32>
    %add3A_32 = arith.constant 48 : i32
    %add3A_33 = arith.addi %mul3A_11, %add3A_32 : i32
    %add3A_34 = vector.broadcast %add3A_33 : i32 to vector<16xi32>
    %add3A_35 = arith.addi %iota3A, %add3A_34 : vector<16xi32>
    %add3A_36 = arith.constant 64 : i32
    %add3A_37 = arith.addi %mul3A_11, %add3A_36 : i32
    %add3A_38 = vector.broadcast %add3A_37 : i32 to vector<16xi32>
    %add3A_39 = arith.addi %iota3A, %add3A_38 : vector<16xi32>
    %add3A_40 = arith.constant 80 : i32
    %add3A_41 = arith.addi %mul3A_11, %add3A_40 : i32
    %add3A_42 = vector.broadcast %add3A_41 : i32 to vector<16xi32>
    %add3A_43 = arith.addi %iota3A, %add3A_42 : vector<16xi32>
    %add3A_44 = arith.constant 96 : i32
    %add3A_45 = arith.addi %mul3A_11, %add3A_44 : i32
    %add3A_46 = vector.broadcast %add3A_45 : i32 to vector<16xi32>
    %add3A_47 = arith.addi %iota3A, %add3A_46 : vector<16xi32>
    %add3A_48 = arith.constant 112 : i32
    %add3A_49 = arith.addi %mul3A_11, %add3A_48 : i32
    %add3A_50 = vector.broadcast %add3A_49 : i32 to vector<16xi32>
    %add3A_51 = arith.addi %iota3A, %add3A_50 : vector<16xi32>
    %add3A_52 = arith.constant 128 : i32
    %add3A_53 = arith.addi %mul3A_11, %add3A_52 : i32
    %add3A_54 = vector.broadcast %add3A_53 : i32 to vector<16xi32>
    %add3A_55 = arith.addi %iota3A, %add3A_54 : vector<16xi32>
    %add3A_56 = arith.constant 144 : i32
    %add3A_57 = arith.addi %mul3A_11, %add3A_56 : i32
    %add3A_58 = vector.broadcast %add3A_57 : i32 to vector<16xi32>
    %add3A_59 = arith.addi %iota3A, %add3A_58 : vector<16xi32>
    %add3A_60 = arith.constant 160 : i32
    %add3A_61 = arith.addi %mul3A_11, %add3A_60 : i32
    %add3A_62 = vector.broadcast %add3A_61 : i32 to vector<16xi32>
    %add3A_63 = arith.addi %iota3A, %add3A_62 : vector<16xi32>
    %add3A_64 = arith.constant 176 : i32
    %add3A_65 = arith.addi %mul3A_11, %add3A_64 : i32
    %add3A_66 = vector.broadcast %add3A_65 : i32 to vector<16xi32>
    %add3A_67 = arith.addi %iota3A, %add3A_66 : vector<16xi32>
    %add3A_68 = arith.constant 192 : i32
    %add3A_69 = arith.addi %mul3A_11, %add3A_68 : i32
    %add3A_70 = vector.broadcast %add3A_69 : i32 to vector<16xi32>
    %add3A_71 = arith.addi %iota3A, %add3A_70 : vector<16xi32>
    %add3A_72 = arith.constant 208 : i32
    %add3A_73 = arith.addi %mul3A_11, %add3A_72 : i32
    %add3A_74 = vector.broadcast %add3A_73 : i32 to vector<16xi32>
    %add3A_75 = arith.addi %iota3A, %add3A_74 : vector<16xi32>
    %add3A_76 = arith.constant 224 : i32
    %add3A_77 = arith.addi %mul3A_11, %add3A_76 : i32
    %add3A_78 = vector.broadcast %add3A_77 : i32 to vector<16xi32>
    %add3A_79 = arith.addi %iota3A, %add3A_78 : vector<16xi32>
    %add3A_80 = arith.constant 240 : i32
    %add3A_81 = arith.addi %mul3A_11, %add3A_80 : i32
    %add3A_82 = vector.broadcast %add3A_81 : i32 to vector<16xi32>
    %add3A_83 = arith.addi %iota3A, %add3A_82 : vector<16xi32>
    %add3A_84 = arith.constant 256 : i32
    %add3A_85 = arith.addi %mul3A_11, %add3A_84 : i32
    %add3A_86 = vector.broadcast %add3A_85 : i32 to vector<16xi32>
    %add3A_87 = arith.addi %iota3A, %add3A_86 : vector<16xi32>
    %add3A_88 = arith.constant 272 : i32
    %add3A_89 = arith.addi %mul3A_11, %add3A_88 : i32
    %add3A_90 = vector.broadcast %add3A_89 : i32 to vector<16xi32>
    %add3A_91 = arith.addi %iota3A, %add3A_90 : vector<16xi32>
    %add3A_92 = arith.constant 288 : i32
    %add3A_93 = arith.addi %mul3A_11, %add3A_92 : i32
    %add3A_94 = vector.broadcast %add3A_93 : i32 to vector<16xi32>
    %add3A_95 = arith.addi %iota3A, %add3A_94 : vector<16xi32>
    %add3A_96 = arith.constant 304 : i32
    %add3A_97 = arith.addi %mul3A_11, %add3A_96 : i32
    %add3A_98 = vector.broadcast %add3A_97 : i32 to vector<16xi32>
    %add3A_99 = arith.addi %iota3A, %add3A_98 : vector<16xi32>
    %dma_start3A = arith.constant 0 : i32
    %dma_start3A_100 = arith.constant 0 : i32
    %dma_start3A_101 = arith.constant 0 : i32
    %dma_start3A_102 = tpu.memref_slice %arg9[%dma_start3A, %dma_start3A_100, %dma_start3A_101] : memref<2x32x384xf32, #tpu.memory_space<vmem>> -> memref<1x32x384xf32, #tpu.memory_space<vmem>>
    %dma_start3A_103 = tpu.memref_squeeze %dma_start3A_102 : memref<1x32x384xf32, #tpu.memory_space<vmem>> -> memref<32x384xf32, #tpu.memory_space<vmem>>
    %dma_start3A_104 = arith.constant 0 : i32
    %dma_start3A_105 = tpu.memref_slice %arg3[%dma_start3A_104, %multiple_of3A] : memref<640x10240xf32, #tpu.memory_space<hbm>> -> memref<32x384xf32, #tpu.memory_space<hbm>>
    %dma_start3A_106 = arith.constant 0 : i32
    %dma_start3A_107 = arith.constant 0 : i32
    %dma_start3A_108 = tpu.memref_slice %arg9[%dma_start3A, %dma_start3A_106, %dma_start3A_107] : memref<2x32x384xf32, #tpu.memory_space<vmem>> -> memref<1x32x384xf32, #tpu.memory_space<vmem>>
    %dma_start3A_109 = tpu.memref_squeeze %dma_start3A_108 : memref<1x32x384xf32, #tpu.memory_space<vmem>> -> memref<32x384xf32, #tpu.memory_space<vmem>>
    %dma_start3A_110 = arith.constant 0 : i32
    %dma_start3A_111 = tpu.memref_slice %arg3[%dma_start3A_110, %multiple_of3A] : memref<640x10240xf32, #tpu.memory_space<hbm>> -> memref<32x384xf32, #tpu.memory_space<hbm>>
    tpu.enqueue_dma source(%dma_start3A_111 : memref<32x384xf32, #tpu.memory_space<hbm>>) target(%dma_start3A_109 : memref<32x384xf32, #tpu.memory_space<vmem>>) target_semaphore(%arg11 : memref<!tpu.dma_semaphore, #tpu.memory_space<semaphore_mem>>)
    %dma_start3A_112 = arith.constant 1 : i32
    %dma_start3A_113 = arith.constant 0 : i32
    %dma_start3A_114 = arith.constant 0 : i32
    %dma_start3A_115 = tpu.memref_slice %arg9[%dma_start3A_112, %dma_start3A_113, %dma_start3A_114] : memref<2x32x384xf32, #tpu.memory_space<vmem>> -> memref<1x32x384xf32, #tpu.memory_space<vmem>>
    %dma_start3A_116 = tpu.memref_squeeze %dma_start3A_115 : memref<1x32x384xf32, #tpu.memory_space<vmem>> -> memref<32x384xf32, #tpu.memory_space<vmem>>
    %dma_start3A_117 = arith.constant 32 : i32
    %dma_start3A_118 = tpu.memref_slice %arg3[%dma_start3A_117, %multiple_of3A] : memref<640x10240xf32, #tpu.memory_space<hbm>> -> memref<32x384xf32, #tpu.memory_space<hbm>>
    %dma_start3A_119 = arith.constant 0 : i32
    %dma_start3A_120 = arith.constant 0 : i32
    %dma_start3A_121 = tpu.memref_slice %arg9[%dma_start3A_112, %dma_start3A_119, %dma_start3A_120] : memref<2x32x384xf32, #tpu.memory_space<vmem>> -> memref<1x32x384xf32, #tpu.memory_space<vmem>>
    %dma_start3A_122 = tpu.memref_squeeze %dma_start3A_121 : memref<1x32x384xf32, #tpu.memory_space<vmem>> -> memref<32x384xf32, #tpu.memory_space<vmem>>
    %dma_start3A_123 = arith.constant 32 : i32
    %dma_start3A_124 = tpu.memref_slice %arg3[%dma_start3A_123, %multiple_of3A] : memref<640x10240xf32, #tpu.memory_space<hbm>> -> memref<32x384xf32, #tpu.memory_space<hbm>>
    tpu.enqueue_dma source(%dma_start3A_124 : memref<32x384xf32, #tpu.memory_space<hbm>>) target(%dma_start3A_122 : memref<32x384xf32, #tpu.memory_space<vmem>>) target_semaphore(%arg12 : memref<!tpu.dma_semaphore, #tpu.memory_space<semaphore_mem>>)
    %scan3A = arith.constant 0 : i32
    %scan3A_125 = arith.constant 0 : i32
    %scan3A_126 = arith.constant 10 : i32
    %scan3A_127 = arith.addi %scan3A_125, %scan3A_126 : i32
    %scan3A_128 = arith.constant 1 : i32
    %scan3A_129 = scf.for %scan3A_140 = %scan3A_125 to %scan3A_127 step %scan3A_128 iter_args(%scan3A_141 = %scan3A) -> (i32)  : i32 {
      %mul3A_142 = arith.constant 2 : i32
      %mul3A_143 = arith.muli %mul3A_142, %scan3A_140 : i32
      %add3A_144 = arith.constant 0 : i32
      %add3A_145 = arith.addi %mul3A_143, %add3A_144 : i32
      %mul3A_146 = arith.constant 32 : i32
      %mul3A_147 = arith.muli %add3A_145, %mul3A_146 : i32
      %dma_wait3A = arith.constant 0 : i32
      %dma_wait3A_148 = arith.constant 0 : i32
      %dma_wait3A_149 = arith.constant 0 : i32
      %dma_wait3A_150 = tpu.memref_slice %arg9[%dma_wait3A, %dma_wait3A_148, %dma_wait3A_149] : memref<2x32x384xf32, #tpu.memory_space<vmem>> -> memref<1x32x384xf32, #tpu.memory_space<vmem>>
      %dma_wait3A_151 = tpu.memref_squeeze %dma_wait3A_150 : memref<1x32x384xf32, #tpu.memory_space<vmem>> -> memref<32x384xf32, #tpu.memory_space<vmem>>
      %dma_wait3A_152 = tpu.memref_slice %arg3[%mul3A_147, %multiple_of3A] : memref<640x10240xf32, #tpu.memory_space<hbm>> -> memref<32x384xf32, #tpu.memory_space<hbm>>
      %dma_wait3A_153 = arith.constant 0 : i32
      %dma_wait3A_154 = arith.constant 0 : i32
      %dma_wait3A_155 = tpu.memref_slice %arg9[%dma_wait3A, %dma_wait3A_153, %dma_wait3A_154] : memref<2x32x384xf32, #tpu.memory_space<vmem>> -> memref<1x32x384xf32, #tpu.memory_space<vmem>>
      %dma_wait3A_156 = tpu.memref_squeeze %dma_wait3A_155 : memref<1x32x384xf32, #tpu.memory_space<vmem>> -> memref<32x384xf32, #tpu.memory_space<vmem>>
      %dma_wait3A_157 = tpu.memref_slice %arg3[%mul3A_147, %multiple_of3A] : memref<640x10240xf32, #tpu.memory_space<hbm>> -> memref<32x384xf32, #tpu.memory_space<hbm>>
      tpu.wait_dma2 semaphore(%arg11 : memref<!tpu.dma_semaphore, #tpu.memory_space<semaphore_mem>>) src(%dma_wait3A_157 : memref<32x384xf32, #tpu.memory_space<hbm>>) dst(%dma_wait3A_156 : memref<32x384xf32, #tpu.memory_space<vmem>>)
      %scan3A_158 = arith.constant 0 : i32
      %scan3A_159 = arith.constant 0 : i32
      %scan3A_160 = arith.constant 32 : i32
      %scan3A_161 = arith.addi %scan3A_159, %scan3A_160 : i32
      %scan3A_162 = arith.constant 1 : i32
      %scan3A_163 = scf.for %scan3A_202 = %scan3A_159 to %scan3A_161 step %scan3A_162 iter_args(%scan3A_203 = %scan3A_158) -> (i32)  : i32 {
        %add3A_204 = arith.constant 0 : i32
        %add3A_205 = arith.addi %mul3A_11, %add3A_204 : i32
        %get3A = arith.constant 0 : i32
        %get3A_206 = arith.index_cast %get3A : i32 to index
        %get3A_207 = arith.index_cast %scan3A_202 : i32 to index
        %get3A_208 = arith.index_cast %add3A_205 : i32 to index
        %get3A_209 = tpu.vector_load %arg9[%get3A_206, %get3A_207, %get3A_208] {strides = array<i32>} : memref<2x32x384xf32, #tpu.memory_space<vmem>>, vector<16xf32>,
        %add3A_210 = arith.constant 16 : i32
        %add3A_211 = arith.addi %mul3A_11, %add3A_210 : i32
        %get3A_212 = arith.constant 0 : i32
        %get3A_213 = arith.index_cast %get3A_212 : i32 to index
        %get3A_214 = arith.index_cast %scan3A_202 : i32 to index
        %get3A_215 = arith.index_cast %add3A_211 : i32 to index
        %get3A_216 = tpu.vector_load %arg9[%get3A_213, %get3A_214, %get3A_215] {strides = array<i32>} : memref<2x32x384xf32, #tpu.memory_space<vmem>>, vector<16xf32>,
        %add3A_217 = arith.constant 32 : i32
        %add3A_218 = arith.addi %mul3A_11, %add3A_217 : i32
        %get3A_219 = arith.constant 0 : i32
        %get3A_220 = arith.index_cast %get3A_219 : i32 to index
        %get3A_221 = arith.index_cast %scan3A_202 : i32 to index
        %get3A_222 = arith.index_cast %add3A_218 : i32 to index
        %get3A_223 = tpu.vector_load %arg9[%get3A_220, %get3A_221, %get3A_222] {strides = array<i32>} : memref<2x32x384xf32, #tpu.memory_space<vmem>>, vector<16xf32>,
        %add3A_224 = arith.constant 48 : i32
        %add3A_225 = arith.addi %mul3A_11, %add3A_224 : i32
        %get3A_226 = arith.constant 0 : i32
        %get3A_227 = arith.index_cast %get3A_226 : i32 to index
        %get3A_228 = arith.index_cast %scan3A_202 : i32 to index
        %get3A_229 = arith.index_cast %add3A_225 : i32 to index
        %get3A_230 = tpu.vector_load %arg9[%get3A_227, %get3A_228, %get3A_229] {strides = array<i32>} : memref<2x32x384xf32, #tpu.memory_space<vmem>>, vector<16xf32>,
        %add3A_231 = arith.constant 64 : i32
        %add3A_232 = arith.addi %mul3A_11, %add3A_231 : i32
        %get3A_233 = arith.constant 0 : i32
        %get3A_234 = arith.index_cast %get3A_233 : i32 to index
        %get3A_235 = arith.index_cast %scan3A_202 : i32 to index
        %get3A_236 = arith.index_cast %add3A_232 : i32 to index
        %get3A_237 = tpu.vector_load %arg9[%get3A_234, %get3A_235, %get3A_236] {strides = array<i32>} : memref<2x32x384xf32, #tpu.memory_space<vmem>>, vector<16xf32>,
        %add3A_238 = arith.constant 80 : i32
        %add3A_239 = arith.addi %mul3A_11, %add3A_238 : i32
        %get3A_240 = arith.constant 0 : i32
        %get3A_241 = arith.index_cast %get3A_240 : i32 to index
        %get3A_242 = arith.index_cast %scan3A_202 : i32 to index
        %get3A_243 = arith.index_cast %add3A_239 : i32 to index
        %get3A_244 = tpu.vector_load %arg9[%get3A_241, %get3A_242, %get3A_243] {strides = array<i32>} : memref<2x32x384xf32, #tpu.memory_space<vmem>>, vector<16xf32>,
        %add3A_245 = arith.constant 96 : i32
        %add3A_246 = arith.addi %mul3A_11, %add3A_245 : i32
        %get3A_247 = arith.constant 0 : i32
        %get3A_248 = arith.index_cast %get3A_247 : i32 to index
        %get3A_249 = arith.index_cast %scan3A_202 : i32 to index
        %get3A_250 = arith.index_cast %add3A_246 : i32 to index
        %get3A_251 = tpu.vector_load %arg9[%get3A_248, %get3A_249, %get3A_250] {strides = array<i32>} : memref<2x32x384xf32, #tpu.memory_space<vmem>>, vector<16xf32>,
        %add3A_252 = arith.constant 112 : i32
        %add3A_253 = arith.addi %mul3A_11, %add3A_252 : i32
        %get3A_254 = arith.constant 0 : i32
        %get3A_255 = arith.index_cast %get3A_254 : i32 to index
        %get3A_256 = arith.index_cast %scan3A_202 : i32 to index
        %get3A_257 = arith.index_cast %add3A_253 : i32 to index
        %get3A_258 = tpu.vector_load %arg9[%get3A_255, %get3A_256, %get3A_257] {strides = array<i32>} : memref<2x32x384xf32, #tpu.memory_space<vmem>>, vector<16xf32>,
        %add3A_259 = arith.constant 128 : i32
        %add3A_260 = arith.addi %mul3A_11, %add3A_259 : i32
        %get3A_261 = arith.constant 0 : i32
        %get3A_262 = arith.index_cast %get3A_261 : i32 to index
        %get3A_263 = arith.index_cast %scan3A_202 : i32 to index
        %get3A_264 = arith.index_cast %add3A_260 : i32 to index
        %get3A_265 = tpu.vector_load %arg9[%get3A_262, %get3A_263, %get3A_264] {strides = array<i32>} : memref<2x32x384xf32, #tpu.memory_space<vmem>>, vector<16xf32>,
        %add3A_266 = arith.constant 144 : i32
        %add3A_267 = arith.addi %mul3A_11, %add3A_266 : i32
        %get3A_268 = arith.constant 0 : i32
        %get3A_269 = arith.index_cast %get3A_268 : i32 to index
        %get3A_270 = arith.index_cast %scan3A_202 : i32 to index
        %get3A_271 = arith.index_cast %add3A_267 : i32 to index
        %get3A_272 = tpu.vector_load %arg9[%get3A_269, %get3A_270, %get3A_271] {strides = array<i32>} : memref<2x32x384xf32, #tpu.memory_space<vmem>>, vector<16xf32>,
        %add3A_273 = arith.constant 160 : i32
        %add3A_274 = arith.addi %mul3A_11, %add3A_273 : i32
        %get3A_275 = arith.constant 0 : i32
        %get3A_276 = arith.index_cast %get3A_275 : i32 to index
        %get3A_277 = arith.index_cast %scan3A_202 : i32 to index
        %get3A_278 = arith.index_cast %add3A_274 : i32 to index
        %get3A_279 = tpu.vector_load %arg9[%get3A_276, %get3A_277, %get3A_278] {strides = array<i32>} : memref<2x32x384xf32, #tpu.memory_space<vmem>>, vector<16xf32>,
        %add3A_280 = arith.constant 176 : i32
        %add3A_281 = arith.addi %mul3A_11, %add3A_280 : i32
        %get3A_282 = arith.constant 0 : i32
        %get3A_283 = arith.index_cast %get3A_282 : i32 to index
        %get3A_284 = arith.index_cast %scan3A_202 : i32 to index
        %get3A_285 = arith.index_cast %add3A_281 : i32 to index
        %get3A_286 = tpu.vector_load %arg9[%get3A_283, %get3A_284, %get3A_285] {strides = array<i32>} : memref<2x32x384xf32, #tpu.memory_space<vmem>>, vector<16xf32>,
        %add3A_287 = arith.constant 192 : i32
        %add3A_288 = arith.addi %mul3A_11, %add3A_287 : i32
        %get3A_289 = arith.constant 0 : i32
        %get3A_290 = arith.index_cast %get3A_289 : i32 to index
        %get3A_291 = arith.index_cast %scan3A_202 : i32 to index
        %get3A_292 = arith.index_cast %add3A_288 : i32 to index
        %get3A_293 = tpu.vector_load %arg9[%get3A_290, %get3A_291, %get3A_292] {strides = array<i32>} : memref<2x32x384xf32, #tpu.memory_space<vmem>>, vector<16xf32>,
        %add3A_294 = arith.constant 208 : i32
        %add3A_295 = arith.addi %mul3A_11, %add3A_294 : i32
        %get3A_296 = arith.constant 0 : i32
        %get3A_297 = arith.index_cast %get3A_296 : i32 to index
        %get3A_298 = arith.index_cast %scan3A_202 : i32 to index
        %get3A_299 = arith.index_cast %add3A_295 : i32 to index
        %get3A_300 = tpu.vector_load %arg9[%get3A_297, %get3A_298, %get3A_299] {strides = array<i32>} : memref<2x32x384xf32, #tpu.memory_space<vmem>>, vector<16xf32>,
        %add3A_301 = arith.constant 224 : i32
        %add3A_302 = arith.addi %mul3A_11, %add3A_301 : i32
        %get3A_303 = arith.constant 0 : i32
        %get3A_304 = arith.index_cast %get3A_303 : i32 to index
        %get3A_305 = arith.index_cast %scan3A_202 : i32 to index
        %get3A_306 = arith.index_cast %add3A_302 : i32 to index
        %get3A_307 = tpu.vector_load %arg9[%get3A_304, %get3A_305, %get3A_306] {strides = array<i32>} : memref<2x32x384xf32, #tpu.memory_space<vmem>>, vector<16xf32>,
        %add3A_308 = arith.constant 240 : i32
        %add3A_309 = arith.addi %mul3A_11, %add3A_308 : i32
        %get3A_310 = arith.constant 0 : i32
        %get3A_311 = arith.index_cast %get3A_310 : i32 to index
        %get3A_312 = arith.index_cast %scan3A_202 : i32 to index
        %get3A_313 = arith.index_cast %add3A_309 : i32 to index
        %get3A_314 = tpu.vector_load %arg9[%get3A_311, %get3A_312, %get3A_313] {strides = array<i32>} : memref<2x32x384xf32, #tpu.memory_space<vmem>>, vector<16xf32>,
        %add3A_315 = arith.constant 256 : i32
        %add3A_316 = arith.addi %mul3A_11, %add3A_315 : i32
        %get3A_317 = arith.constant 0 : i32
        %get3A_318 = arith.index_cast %get3A_317 : i32 to index
        %get3A_319 = arith.index_cast %scan3A_202 : i32 to index
        %get3A_320 = arith.index_cast %add3A_316 : i32 to index
        %get3A_321 = tpu.vector_load %arg9[%get3A_318, %get3A_319, %get3A_320] {strides = array<i32>} : memref<2x32x384xf32, #tpu.memory_space<vmem>>, vector<16xf32>,
        %add3A_322 = arith.constant 272 : i32
        %add3A_323 = arith.addi %mul3A_11, %add3A_322 : i32
        %get3A_324 = arith.constant 0 : i32
        %get3A_325 = arith.index_cast %get3A_324 : i32 to index
        %get3A_326 = arith.index_cast %scan3A_202 : i32 to index
        %get3A_327 = arith.index_cast %add3A_323 : i32 to index
        %get3A_328 = tpu.vector_load %arg9[%get3A_325, %get3A_326, %get3A_327] {strides = array<i32>} : memref<2x32x384xf32, #tpu.memory_space<vmem>>, vector<16xf32>,
        %add3A_329 = arith.constant 288 : i32
        %add3A_330 = arith.addi %mul3A_11, %add3A_329 : i32
        %get3A_331 = arith.constant 0 : i32
        %get3A_332 = arith.index_cast %get3A_331 : i32 to index
        %get3A_333 = arith.index_cast %scan3A_202 : i32 to index
        %get3A_334 = arith.index_cast %add3A_330 : i32 to index
        %get3A_335 = tpu.vector_load %arg9[%get3A_332, %get3A_333, %get3A_334] {strides = array<i32>} : memref<2x32x384xf32, #tpu.memory_space<vmem>>, vector<16xf32>,
        %add3A_336 = arith.constant 304 : i32
        %add3A_337 = arith.addi %mul3A_11, %add3A_336 : i32
        %get3A_338 = arith.constant 0 : i32
        %get3A_339 = arith.index_cast %get3A_338 : i32 to index
        %get3A_340 = arith.index_cast %scan3A_202 : i32 to index
        %get3A_341 = arith.index_cast %add3A_337 : i32 to index
        %get3A_342 = tpu.vector_load %arg9[%get3A_339, %get3A_340, %get3A_341] {strides = array<i32>} : memref<2x32x384xf32, #tpu.memory_space<vmem>>, vector<16xf32>,
        %parallel_loop3A_343 = arith.constant 0 : i32
        %parallel_loop3A_344 = arith.constant 32 : i32
        %parallel_loop3A_345 = arith.constant 1 : i32
        scf.for %parallel_loop3A_347 = %parallel_loop3A_343 to %parallel_loop3A_344 step %parallel_loop3A_345  : i32 {
          %parallel_loop3A_348 = arith.constant 32 : i32
          %parallel_loop3A_349 = arith.muli %add3A_145, %parallel_loop3A_348 : i32
          %parallel_loop3A_350 = arith.addi %parallel_loop3A_349, %scan3A_202 : i32
          %parallel_loop3A_351 = arith.constant 32 : i32
          %parallel_loop3A_352 = arith.muli %parallel_loop3A_350, %parallel_loop3A_351 : i32
          %parallel_loop3A_353 = arith.addi %parallel_loop3A_352, %parallel_loop3A_347 : i32
          %parallel_loop3A_354 = vector.broadcast %parallel_loop3A_353 : i32 to vector<16xi32>
          %parallel_loop3A_355 = tpu.vector_load_idx %arg7[%parallel_loop3A_354] : memref<20480xi32, #tpu.memory_space<vmem>>[vector<16xi32>], vector<16xi32>,
          %parallel_loop3A_356 = arith.addi %parallel_loop3A_355, %add3A_23 : vector<16xi32>
          %parallel_loop3A_357 = tpu.vector_load_idx %arg8[%parallel_loop3A_356] : memref<38400xf32, #tpu.memory_space<vmem>>[vector<16xi32>], vector<16xf32>,
          %parallel_loop3A_358 = arith.constant 0 : i32
          %parallel_loop3A_359 = arith.addi %mul3A_11, %parallel_loop3A_358 : i32
          %parallel_loop3A_360 = arith.mulf %parallel_loop3A_357, %get3A_209 : vector<16xf32>
          %parallel_loop3A_361 = arith.index_cast %parallel_loop3A_347 : i32 to index
          %parallel_loop3A_362 = arith.index_cast %parallel_loop3A_359 : i32 to index
          %parallel_loop3A_363 = tpu.vector_load %arg10[%parallel_loop3A_361, %parallel_loop3A_362] {strides = array<i32>} : memref<32x384xf32, #tpu.memory_space<vmem>>, vector<16xf32>,
          tpu.vector_store %arg10[%parallel_loop3A_361, %parallel_loop3A_362], %parallel_loop3A_360 {add = true, strides = array<i32>} : memref<32x384xf32, #tpu.memory_space<vmem>>, vector<16xf32>,
          %parallel_loop3A_364 = arith.addi %parallel_loop3A_355, %add3A_27 : vector<16xi32>
          %parallel_loop3A_365 = tpu.vector_load_idx %arg8[%parallel_loop3A_364] : memref<38400xf32, #tpu.memory_space<vmem>>[vector<16xi32>], vector<16xf32>,
          %parallel_loop3A_366 = arith.constant 16 : i32
          %parallel_loop3A_367 = arith.addi %mul3A_11, %parallel_loop3A_366 : i32
          %parallel_loop3A_368 = arith.mulf %parallel_loop3A_365, %get3A_216 : vector<16xf32>
          %parallel_loop3A_369 = arith.index_cast %parallel_loop3A_347 : i32 to index
          %parallel_loop3A_370 = arith.index_cast %parallel_loop3A_367 : i32 to index
          %parallel_loop3A_371 = tpu.vector_load %arg10[%parallel_loop3A_369, %parallel_loop3A_370] {strides = array<i32>} : memref<32x384xf32, #tpu.memory_space<vmem>>, vector<16xf32>,
          tpu.vector_store %arg10[%parallel_loop3A_369, %parallel_loop3A_370], %parallel_loop3A_368 {add = true, strides = array<i32>} : memref<32x384xf32, #tpu.memory_space<vmem>>, vector<16xf32>,
          %parallel_loop3A_372 = arith.addi %parallel_loop3A_355, %add3A_31 : vector<16xi32>
          %parallel_loop3A_373 = tpu.vector_load_idx %arg8[%parallel_loop3A_372] : memref<38400xf32, #tpu.memory_space<vmem>>[vector<16xi32>], vector<16xf32>,
          %parallel_loop3A_374 = arith.constant 32 : i32
          %parallel_loop3A_375 = arith.addi %mul3A_11, %parallel_loop3A_374 : i32
          %parallel_loop3A_376 = arith.mulf %parallel_loop3A_373, %get3A_223 : vector<16xf32>
          %parallel_loop3A_377 = arith.index_cast %parallel_loop3A_347 : i32 to index
          %parallel_loop3A_378 = arith.index_cast %parallel_loop3A_375 : i32 to index
          %parallel_loop3A_379 = tpu.vector_load %arg10[%parallel_loop3A_377, %parallel_loop3A_378] {strides = array<i32>} : memref<32x384xf32, #tpu.memory_space<vmem>>, vector<16xf32>,
          tpu.vector_store %arg10[%parallel_loop3A_377, %parallel_loop3A_378], %parallel_loop3A_376 {add = true, strides = array<i32>} : memref<32x384xf32, #tpu.memory_space<vmem>>, vector<16xf32>,
          %parallel_loop3A_380 = arith.addi %parallel_loop3A_355, %add3A_35 : vector<16xi32>
          %parallel_loop3A_381 = tpu.vector_load_idx %arg8[%parallel_loop3A_380] : memref<38400xf32, #tpu.memory_space<vmem>>[vector<16xi32>], vector<16xf32>,
          %parallel_loop3A_382 = arith.constant 48 : i32
          %parallel_loop3A_383 = arith.addi %mul3A_11, %parallel_loop3A_382 : i32
          %parallel_loop3A_384 = arith.mulf %parallel_loop3A_381, %get3A_230 : vector<16xf32>
          %parallel_loop3A_385 = arith.index_cast %parallel_loop3A_347 : i32 to index
          %parallel_loop3A_386 = arith.index_cast %parallel_loop3A_383 : i32 to index
          %parallel_loop3A_387 = tpu.vector_load %arg10[%parallel_loop3A_385, %parallel_loop3A_386] {strides = array<i32>} : memref<32x384xf32, #tpu.memory_space<vmem>>, vector<16xf32>,
          tpu.vector_store %arg10[%parallel_loop3A_385, %parallel_loop3A_386], %parallel_loop3A_384 {add = true, strides = array<i32>} : memref<32x384xf32, #tpu.memory_space<vmem>>, vector<16xf32>,
          %parallel_loop3A_388 = arith.addi %parallel_loop3A_355, %add3A_39 : vector<16xi32>
          %parallel_loop3A_389 = tpu.vector_load_idx %arg8[%parallel_loop3A_388] : memref<38400xf32, #tpu.memory_space<vmem>>[vector<16xi32>], vector<16xf32>,
          %parallel_loop3A_390 = arith.constant 64 : i32
          %parallel_loop3A_391 = arith.addi %mul3A_11, %parallel_loop3A_390 : i32
          %parallel_loop3A_392 = arith.mulf %parallel_loop3A_389, %get3A_237 : vector<16xf32>
          %parallel_loop3A_393 = arith.index_cast %parallel_loop3A_347 : i32 to index
          %parallel_loop3A_394 = arith.index_cast %parallel_loop3A_391 : i32 to index
          %parallel_loop3A_395 = tpu.vector_load %arg10[%parallel_loop3A_393, %parallel_loop3A_394] {strides = array<i32>} : memref<32x384xf32, #tpu.memory_space<vmem>>, vector<16xf32>,
          tpu.vector_store %arg10[%parallel_loop3A_393, %parallel_loop3A_394], %parallel_loop3A_392 {add = true, strides = array<i32>} : memref<32x384xf32, #tpu.memory_space<vmem>>, vector<16xf32>,
          %parallel_loop3A_396 = arith.addi %parallel_loop3A_355, %add3A_43 : vector<16xi32>
          %parallel_loop3A_397 = tpu.vector_load_idx %arg8[%parallel_loop3A_396] : memref<38400xf32, #tpu.memory_space<vmem>>[vector<16xi32>], vector<16xf32>,
          %parallel_loop3A_398 = arith.constant 80 : i32
          %parallel_loop3A_399 = arith.addi %mul3A_11, %parallel_loop3A_398 : i32
          %parallel_loop3A_400 = arith.mulf %parallel_loop3A_397, %get3A_244 : vector<16xf32>
          %parallel_loop3A_401 = arith.index_cast %parallel_loop3A_347 : i32 to index
          %parallel_loop3A_402 = arith.index_cast %parallel_loop3A_399 : i32 to index
          %parallel_loop3A_403 = tpu.vector_load %arg10[%parallel_loop3A_401, %parallel_loop3A_402] {strides = array<i32>} : memref<32x384xf32, #tpu.memory_space<vmem>>, vector<16xf32>,
          tpu.vector_store %arg10[%parallel_loop3A_401, %parallel_loop3A_402], %parallel_loop3A_400 {add = true, strides = array<i32>} : memref<32x384xf32, #tpu.memory_space<vmem>>, vector<16xf32>,
          %parallel_loop3A_404 = arith.addi %parallel_loop3A_355, %add3A_47 : vector<16xi32>
          %parallel_loop3A_405 = tpu.vector_load_idx %arg8[%parallel_loop3A_404] : memref<38400xf32, #tpu.memory_space<vmem>>[vector<16xi32>], vector<16xf32>,
          %parallel_loop3A_406 = arith.constant 96 : i32
          %parallel_loop3A_407 = arith.addi %mul3A_11, %parallel_loop3A_406 : i32
          %parallel_loop3A_408 = arith.mulf %parallel_loop3A_405, %get3A_251 : vector<16xf32>
          %parallel_loop3A_409 = arith.index_cast %parallel_loop3A_347 : i32 to index
          %parallel_loop3A_410 = arith.index_cast %parallel_loop3A_407 : i32 to index
          %parallel_loop3A_411 = tpu.vector_load %arg10[%parallel_loop3A_409, %parallel_loop3A_410] {strides = array<i32>} : memref<32x384xf32, #tpu.memory_space<vmem>>, vector<16xf32>,
          tpu.vector_store %arg10[%parallel_loop3A_409, %parallel_loop3A_410], %parallel_loop3A_408 {add = true, strides = array<i32>} : memref<32x384xf32, #tpu.memory_space<vmem>>, vector<16xf32>,
          %parallel_loop3A_412 = arith.addi %parallel_loop3A_355, %add3A_51 : vector<16xi32>
          %parallel_loop3A_413 = tpu.vector_load_idx %arg8[%parallel_loop3A_412] : memref<38400xf32, #tpu.memory_space<vmem>>[vector<16xi32>], vector<16xf32>,
          %parallel_loop3A_414 = arith.constant 112 : i32
          %parallel_loop3A_415 = arith.addi %mul3A_11, %parallel_loop3A_414 : i32
          %parallel_loop3A_416 = arith.mulf %parallel_loop3A_413, %get3A_258 : vector<16xf32>
          %parallel_loop3A_417 = arith.index_cast %parallel_loop3A_347 : i32 to index
          %parallel_loop3A_418 = arith.index_cast %parallel_loop3A_415 : i32 to index
          %parallel_loop3A_419 = tpu.vector_load %arg10[%parallel_loop3A_417, %parallel_loop3A_418] {strides = array<i32>} : memref<32x384xf32, #tpu.memory_space<vmem>>, vector<16xf32>,
          tpu.vector_store %arg10[%parallel_loop3A_417, %parallel_loop3A_418], %parallel_loop3A_416 {add = true, strides = array<i32>} : memref<32x384xf32, #tpu.memory_space<vmem>>, vector<16xf32>,
          %parallel_loop3A_420 = arith.addi %parallel_loop3A_355, %add3A_55 : vector<16xi32>
          %parallel_loop3A_421 = tpu.vector_load_idx %arg8[%parallel_loop3A_420] : memref<38400xf32, #tpu.memory_space<vmem>>[vector<16xi32>], vector<16xf32>,
          %parallel_loop3A_422 = arith.constant 128 : i32
          %parallel_loop3A_423 = arith.addi %mul3A_11, %parallel_loop3A_422 : i32
          %parallel_loop3A_424 = arith.mulf %parallel_loop3A_421, %get3A_265 : vector<16xf32>
          %parallel_loop3A_425 = arith.index_cast %parallel_loop3A_347 : i32 to index
          %parallel_loop3A_426 = arith.index_cast %parallel_loop3A_423 : i32 to index
          %parallel_loop3A_427 = tpu.vector_load %arg10[%parallel_loop3A_425, %parallel_loop3A_426] {strides = array<i32>} : memref<32x384xf32, #tpu.memory_space<vmem>>, vector<16xf32>,
          tpu.vector_store %arg10[%parallel_loop3A_425, %parallel_loop3A_426], %parallel_loop3A_424 {add = true, strides = array<i32>} : memref<32x384xf32, #tpu.memory_space<vmem>>, vector<16xf32>,
          %parallel_loop3A_428 = arith.addi %parallel_loop3A_355, %add3A_59 : vector<16xi32>
          %parallel_loop3A_429 = tpu.vector_load_idx %arg8[%parallel_loop3A_428] : memref<38400xf32, #tpu.memory_space<vmem>>[vector<16xi32>], vector<16xf32>,
          %parallel_loop3A_430 = arith.constant 144 : i32
          %parallel_loop3A_431 = arith.addi %mul3A_11, %parallel_loop3A_430 : i32
          %parallel_loop3A_432 = arith.mulf %parallel_loop3A_429, %get3A_272 : vector<16xf32>
          %parallel_loop3A_433 = arith.index_cast %parallel_loop3A_347 : i32 to index
          %parallel_loop3A_434 = arith.index_cast %parallel_loop3A_431 : i32 to index
          %parallel_loop3A_435 = tpu.vector_load %arg10[%parallel_loop3A_433, %parallel_loop3A_434] {strides = array<i32>} : memref<32x384xf32, #tpu.memory_space<vmem>>, vector<16xf32>,
          tpu.vector_store %arg10[%parallel_loop3A_433, %parallel_loop3A_434], %parallel_loop3A_432 {add = true, strides = array<i32>} : memref<32x384xf32, #tpu.memory_space<vmem>>, vector<16xf32>,
          %parallel_loop3A_436 = arith.addi %parallel_loop3A_355, %add3A_63 : vector<16xi32>
          %parallel_loop3A_437 = tpu.vector_load_idx %arg8[%parallel_loop3A_436] : memref<38400xf32, #tpu.memory_space<vmem>>[vector<16xi32>], vector<16xf32>,
          %parallel_loop3A_438 = arith.constant 160 : i32
          %parallel_loop3A_439 = arith.addi %mul3A_11, %parallel_loop3A_438 : i32
          %parallel_loop3A_440 = arith.mulf %parallel_loop3A_437, %get3A_279 : vector<16xf32>
          %parallel_loop3A_441 = arith.index_cast %parallel_loop3A_347 : i32 to index
          %parallel_loop3A_442 = arith.index_cast %parallel_loop3A_439 : i32 to index
          %parallel_loop3A_443 = tpu.vector_load %arg10[%parallel_loop3A_441, %parallel_loop3A_442] {strides = array<i32>} : memref<32x384xf32, #tpu.memory_space<vmem>>, vector<16xf32>,
          tpu.vector_store %arg10[%parallel_loop3A_441, %parallel_loop3A_442], %parallel_loop3A_440 {add = true, strides = array<i32>} : memref<32x384xf32, #tpu.memory_space<vmem>>, vector<16xf32>,
          %parallel_loop3A_444 = arith.addi %parallel_loop3A_355, %add3A_67 : vector<16xi32>
          %parallel_loop3A_445 = tpu.vector_load_idx %arg8[%parallel_loop3A_444] : memref<38400xf32, #tpu.memory_space<vmem>>[vector<16xi32>], vector<16xf32>,
          %parallel_loop3A_446 = arith.constant 176 : i32
          %parallel_loop3A_447 = arith.addi %mul3A_11, %parallel_loop3A_446 : i32
          %parallel_loop3A_448 = arith.mulf %parallel_loop3A_445, %get3A_286 : vector<16xf32>
          %parallel_loop3A_449 = arith.index_cast %parallel_loop3A_347 : i32 to index
          %parallel_loop3A_450 = arith.index_cast %parallel_loop3A_447 : i32 to index
          %parallel_loop3A_451 = tpu.vector_load %arg10[%parallel_loop3A_449, %parallel_loop3A_450] {strides = array<i32>} : memref<32x384xf32, #tpu.memory_space<vmem>>, vector<16xf32>,
          tpu.vector_store %arg10[%parallel_loop3A_449, %parallel_loop3A_450], %parallel_loop3A_448 {add = true, strides = array<i32>} : memref<32x384xf32, #tpu.memory_space<vmem>>, vector<16xf32>,
          %parallel_loop3A_452 = arith.addi %parallel_loop3A_355, %add3A_71 : vector<16xi32>
          %parallel_loop3A_453 = tpu.vector_load_idx %arg8[%parallel_loop3A_452] : memref<38400xf32, #tpu.memory_space<vmem>>[vector<16xi32>], vector<16xf32>,
          %parallel_loop3A_454 = arith.constant 192 : i32
          %parallel_loop3A_455 = arith.addi %mul3A_11, %parallel_loop3A_454 : i32
          %parallel_loop3A_456 = arith.mulf %parallel_loop3A_453, %get3A_293 : vector<16xf32>
          %parallel_loop3A_457 = arith.index_cast %parallel_loop3A_347 : i32 to index
          %parallel_loop3A_458 = arith.index_cast %parallel_loop3A_455 : i32 to index
          %parallel_loop3A_459 = tpu.vector_load %arg10[%parallel_loop3A_457, %parallel_loop3A_458] {strides = array<i32>} : memref<32x384xf32, #tpu.memory_space<vmem>>, vector<16xf32>,
          tpu.vector_store %arg10[%parallel_loop3A_457, %parallel_loop3A_458], %parallel_loop3A_456 {add = true, strides = array<i32>} : memref<32x384xf32, #tpu.memory_space<vmem>>, vector<16xf32>,
          %parallel_loop3A_460 = arith.addi %parallel_loop3A_355, %add3A_75 : vector<16xi32>
          %parallel_loop3A_461 = tpu.vector_load_idx %arg8[%parallel_loop3A_460] : memref<38400xf32, #tpu.memory_space<vmem>>[vector<16xi32>], vector<16xf32>,
          %parallel_loop3A_462 = arith.constant 208 : i32
          %parallel_loop3A_463 = arith.addi %mul3A_11, %parallel_loop3A_462 : i32
          %parallel_loop3A_464 = arith.mulf %parallel_loop3A_461, %get3A_300 : vector<16xf32>
          %parallel_loop3A_465 = arith.index_cast %parallel_loop3A_347 : i32 to index
          %parallel_loop3A_466 = arith.index_cast %parallel_loop3A_463 : i32 to index
          %parallel_loop3A_467 = tpu.vector_load %arg10[%parallel_loop3A_465, %parallel_loop3A_466] {strides = array<i32>} : memref<32x384xf32, #tpu.memory_space<vmem>>, vector<16xf32>,
          tpu.vector_store %arg10[%parallel_loop3A_465, %parallel_loop3A_466], %parallel_loop3A_464 {add = true, strides = array<i32>} : memref<32x384xf32, #tpu.memory_space<vmem>>, vector<16xf32>,
          %parallel_loop3A_468 = arith.addi %parallel_loop3A_355, %add3A_79 : vector<16xi32>
          %parallel_loop3A_469 = tpu.vector_load_idx %arg8[%parallel_loop3A_468] : memref<38400xf32, #tpu.memory_space<vmem>>[vector<16xi32>], vector<16xf32>,
          %parallel_loop3A_470 = arith.constant 224 : i32
          %parallel_loop3A_471 = arith.addi %mul3A_11, %parallel_loop3A_470 : i32
          %parallel_loop3A_472 = arith.mulf %parallel_loop3A_469, %get3A_307 : vector<16xf32>
          %parallel_loop3A_473 = arith.index_cast %parallel_loop3A_347 : i32 to index
          %parallel_loop3A_474 = arith.index_cast %parallel_loop3A_471 : i32 to index
          %parallel_loop3A_475 = tpu.vector_load %arg10[%parallel_loop3A_473, %parallel_loop3A_474] {strides = array<i32>} : memref<32x384xf32, #tpu.memory_space<vmem>>, vector<16xf32>,
          tpu.vector_store %arg10[%parallel_loop3A_473, %parallel_loop3A_474], %parallel_loop3A_472 {add = true, strides = array<i32>} : memref<32x384xf32, #tpu.memory_space<vmem>>, vector<16xf32>,
          %parallel_loop3A_476 = arith.addi %parallel_loop3A_355, %add3A_83 : vector<16xi32>
          %parallel_loop3A_477 = tpu.vector_load_idx %arg8[%parallel_loop3A_476] : memref<38400xf32, #tpu.memory_space<vmem>>[vector<16xi32>], vector<16xf32>,
          %parallel_loop3A_478 = arith.constant 240 : i32
          %parallel_loop3A_479 = arith.addi %mul3A_11, %parallel_loop3A_478 : i32
          %parallel_loop3A_480 = arith.mulf %parallel_loop3A_477, %get3A_314 : vector<16xf32>
          %parallel_loop3A_481 = arith.index_cast %parallel_loop3A_347 : i32 to index
          %parallel_loop3A_482 = arith.index_cast %parallel_loop3A_479 : i32 to index
          %parallel_loop3A_483 = tpu.vector_load %arg10[%parallel_loop3A_481, %parallel_loop3A_482] {strides = array<i32>} : memref<32x384xf32, #tpu.memory_space<vmem>>, vector<16xf32>,
          tpu.vector_store %arg10[%parallel_loop3A_481, %parallel_loop3A_482], %parallel_loop3A_480 {add = true, strides = array<i32>} : memref<32x384xf32, #tpu.memory_space<vmem>>, vector<16xf32>,
          %parallel_loop3A_484 = arith.addi %parallel_loop3A_355, %add3A_87 : vector<16xi32>
          %parallel_loop3A_485 = tpu.vector_load_idx %arg8[%parallel_loop3A_484] : memref<38400xf32, #tpu.memory_space<vmem>>[vector<16xi32>], vector<16xf32>,
          %parallel_loop3A_486 = arith.constant 256 : i32
          %parallel_loop3A_487 = arith.addi %mul3A_11, %parallel_loop3A_486 : i32
          %parallel_loop3A_488 = arith.mulf %parallel_loop3A_485, %get3A_321 : vector<16xf32>
          %parallel_loop3A_489 = arith.index_cast %parallel_loop3A_347 : i32 to index
          %parallel_loop3A_490 = arith.index_cast %parallel_loop3A_487 : i32 to index
          %parallel_loop3A_491 = tpu.vector_load %arg10[%parallel_loop3A_489, %parallel_loop3A_490] {strides = array<i32>} : memref<32x384xf32, #tpu.memory_space<vmem>>, vector<16xf32>,
          tpu.vector_store %arg10[%parallel_loop3A_489, %parallel_loop3A_490], %parallel_loop3A_488 {add = true, strides = array<i32>} : memref<32x384xf32, #tpu.memory_space<vmem>>, vector<16xf32>,
          %parallel_loop3A_492 = arith.addi %parallel_loop3A_355, %add3A_91 : vector<16xi32>
          %parallel_loop3A_493 = tpu.vector_load_idx %arg8[%parallel_loop3A_492] : memref<38400xf32, #tpu.memory_space<vmem>>[vector<16xi32>], vector<16xf32>,
          %parallel_loop3A_494 = arith.constant 272 : i32
          %parallel_loop3A_495 = arith.addi %mul3A_11, %parallel_loop3A_494 : i32
          %parallel_loop3A_496 = arith.mulf %parallel_loop3A_493, %get3A_328 : vector<16xf32>
          %parallel_loop3A_497 = arith.index_cast %parallel_loop3A_347 : i32 to index
          %parallel_loop3A_498 = arith.index_cast %parallel_loop3A_495 : i32 to index
          %parallel_loop3A_499 = tpu.vector_load %arg10[%parallel_loop3A_497, %parallel_loop3A_498] {strides = array<i32>} : memref<32x384xf32, #tpu.memory_space<vmem>>, vector<16xf32>,
          tpu.vector_store %arg10[%parallel_loop3A_497, %parallel_loop3A_498], %parallel_loop3A_496 {add = true, strides = array<i32>} : memref<32x384xf32, #tpu.memory_space<vmem>>, vector<16xf32>,
          %parallel_loop3A_500 = arith.addi %parallel_loop3A_355, %add3A_95 : vector<16xi32>
          %parallel_loop3A_501 = tpu.vector_load_idx %arg8[%parallel_loop3A_500] : memref<38400xf32, #tpu.memory_space<vmem>>[vector<16xi32>], vector<16xf32>,
          %parallel_loop3A_502 = arith.constant 288 : i32
          %parallel_loop3A_503 = arith.addi %mul3A_11, %parallel_loop3A_502 : i32
          %parallel_loop3A_504 = arith.mulf %parallel_loop3A_501, %get3A_335 : vector<16xf32>
          %parallel_loop3A_505 = arith.index_cast %parallel_loop3A_347 : i32 to index
          %parallel_loop3A_506 = arith.index_cast %parallel_loop3A_503 : i32 to index
          %parallel_loop3A_507 = tpu.vector_load %arg10[%parallel_loop3A_505, %parallel_loop3A_506] {strides = array<i32>} : memref<32x384xf32, #tpu.memory_space<vmem>>, vector<16xf32>,
          tpu.vector_store %arg10[%parallel_loop3A_505, %parallel_loop3A_506], %parallel_loop3A_504 {add = true, strides = array<i32>} : memref<32x384xf32, #tpu.memory_space<vmem>>, vector<16xf32>,
          %parallel_loop3A_508 = arith.addi %parallel_loop3A_355, %add3A_99 : vector<16xi32>
          %parallel_loop3A_509 = tpu.vector_load_idx %arg8[%parallel_loop3A_508] : memref<38400xf32, #tpu.memory_space<vmem>>[vector<16xi32>], vector<16xf32>,
          %parallel_loop3A_510 = arith.constant 304 : i32
          %parallel_loop3A_511 = arith.addi %mul3A_11, %parallel_loop3A_510 : i32
          %parallel_loop3A_512 = arith.mulf %parallel_loop3A_509, %get3A_342 : vector<16xf32>
          %parallel_loop3A_513 = arith.index_cast %parallel_loop3A_347 : i32 to index
          %parallel_loop3A_514 = arith.index_cast %parallel_loop3A_511 : i32 to index
          %parallel_loop3A_515 = tpu.vector_load %arg10[%parallel_loop3A_513, %parallel_loop3A_514] {strides = array<i32>} : memref<32x384xf32, #tpu.memory_space<vmem>>, vector<16xf32>,
          tpu.vector_store %arg10[%parallel_loop3A_513, %parallel_loop3A_514], %parallel_loop3A_512 {add = true, strides = array<i32>} : memref<32x384xf32, #tpu.memory_space<vmem>>, vector<16xf32>,
        } {sc.loop_unroll_factor = 4 : i64, sc.parallel_access}
        %scan3A_346 = arith.constant 0 : i32
        scf.yield %scan3A_346 : i32
      }
      %scan3A_164 = arith.constant 32 : i32
      %add3A_165 = arith.constant 2 : i32
      %add3A_166 = arith.addi %add3A_145, %add3A_165 : i32
      %lt3A_167 = arith.constant 20 : i32
      %lt3A_168 = arith.cmpi slt, %add3A_166, %lt3A_167 : i32
      %convert_element_type3A = arith.extui %lt3A_168 : i1 to i32
      %cond3A = arith.constant 0 : i32
      %cond3A_169 = arith.cmpi ne, %convert_element_type3A, %cond3A : i32
      scf.if %cond3A_169 {
        %add3A_202 = arith.constant 2 : i32
        %add3A_203 = arith.addi %add3A_145, %add3A_202 : i32
        %mul3A_204 = arith.constant 32 : i32
        %mul3A_205 = arith.muli %add3A_203, %mul3A_204 : i32
        %dma_start3A_206 = arith.constant 0 : i32
        %dma_start3A_207 = arith.constant 0 : i32
        %dma_start3A_208 = arith.constant 0 : i32
        %dma_start3A_209 = tpu.memref_slice %arg9[%dma_start3A_206, %dma_start3A_207, %dma_start3A_208] : memref<2x32x384xf32, #tpu.memory_space<vmem>> -> memref<1x32x384xf32, #tpu.memory_space<vmem>>
        %dma_start3A_210 = tpu.memref_squeeze %dma_start3A_209 : memref<1x32x384xf32, #tpu.memory_space<vmem>> -> memref<32x384xf32, #tpu.memory_space<vmem>>
        %dma_start3A_211 = tpu.memref_slice %arg3[%mul3A_205, %multiple_of3A] : memref<640x10240xf32, #tpu.memory_space<hbm>> -> memref<32x384xf32, #tpu.memory_space<hbm>>
        %dma_start3A_212 = arith.constant 0 : i32
        %dma_start3A_213 = arith.constant 0 : i32
        %dma_start3A_214 = tpu.memref_slice %arg9[%dma_start3A_206, %dma_start3A_212, %dma_start3A_213] : memref<2x32x384xf32, #tpu.memory_space<vmem>> -> memref<1x32x384xf32, #tpu.memory_space<vmem>>
        %dma_start3A_215 = tpu.memref_squeeze %dma_start3A_214 : memref<1x32x384xf32, #tpu.memory_space<vmem>> -> memref<32x384xf32, #tpu.memory_space<vmem>>
        %dma_start3A_216 = tpu.memref_slice %arg3[%mul3A_205, %multiple_of3A] : memref<640x10240xf32, #tpu.memory_space<hbm>> -> memref<32x384xf32, #tpu.memory_space<hbm>>
        tpu.enqueue_dma source(%dma_start3A_216 : memref<32x384xf32, #tpu.memory_space<hbm>>) target(%dma_start3A_215 : memref<32x384xf32, #tpu.memory_space<vmem>>) target_semaphore(%arg11 : memref<!tpu.dma_semaphore, #tpu.memory_space<semaphore_mem>>)
      } else {
      }
      %mul3A_170 = arith.constant 2 : i32
      %mul3A_171 = arith.muli %mul3A_170, %scan3A_140 : i32
      %add3A_172 = arith.constant 1 : i32
      %add3A_173 = arith.addi %mul3A_171, %add3A_172 : i32
      %mul3A_174 = arith.constant 32 : i32
      %mul3A_175 = arith.muli %add3A_173, %mul3A_174 : i32
      %dma_wait3A_176 = arith.constant 1 : i32
      %dma_wait3A_177 = arith.constant 0 : i32
      %dma_wait3A_178 = arith.constant 0 : i32
      %dma_wait3A_179 = tpu.memref_slice %arg9[%dma_wait3A_176, %dma_wait3A_177, %dma_wait3A_178] : memref<2x32x384xf32, #tpu.memory_space<vmem>> -> memref<1x32x384xf32, #tpu.memory_space<vmem>>
      %dma_wait3A_180 = tpu.memref_squeeze %dma_wait3A_179 : memref<1x32x384xf32, #tpu.memory_space<vmem>> -> memref<32x384xf32, #tpu.memory_space<vmem>>
      %dma_wait3A_181 = tpu.memref_slice %arg3[%mul3A_175, %multiple_of3A] : memref<640x10240xf32, #tpu.memory_space<hbm>> -> memref<32x384xf32, #tpu.memory_space<hbm>>
      %dma_wait3A_182 = arith.constant 0 : i32
      %dma_wait3A_183 = arith.constant 0 : i32
      %dma_wait3A_184 = tpu.memref_slice %arg9[%dma_wait3A_176, %dma_wait3A_182, %dma_wait3A_183] : memref<2x32x384xf32, #tpu.memory_space<vmem>> -> memref<1x32x384xf32, #tpu.memory_space<vmem>>
      %dma_wait3A_185 = tpu.memref_squeeze %dma_wait3A_184 : memref<1x32x384xf32, #tpu.memory_space<vmem>> -> memref<32x384xf32, #tpu.memory_space<vmem>>
      %dma_wait3A_186 = tpu.memref_slice %arg3[%mul3A_175, %multiple_of3A] : memref<640x10240xf32, #tpu.memory_space<hbm>> -> memref<32x384xf32, #tpu.memory_space<hbm>>
      tpu.wait_dma2 semaphore(%arg12 : memref<!tpu.dma_semaphore, #tpu.memory_space<semaphore_mem>>) src(%dma_wait3A_186 : memref<32x384xf32, #tpu.memory_space<hbm>>) dst(%dma_wait3A_185 : memref<32x384xf32, #tpu.memory_space<vmem>>)
      %scan3A_187 = arith.constant 0 : i32
      %scan3A_188 = arith.constant 0 : i32
      %scan3A_189 = arith.constant 32 : i32
      %scan3A_190 = arith.addi %scan3A_188, %scan3A_189 : i32
      %scan3A_191 = arith.constant 1 : i32
      %scan3A_192 = scf.for %scan3A_202 = %scan3A_188 to %scan3A_190 step %scan3A_191 iter_args(%scan3A_203 = %scan3A_187) -> (i32)  : i32 {
        %add3A_204 = arith.constant 0 : i32
        %add3A_205 = arith.addi %mul3A_11, %add3A_204 : i32
        %get3A = arith.constant 1 : i32
        %get3A_206 = arith.index_cast %get3A : i32 to index
        %get3A_207 = arith.index_cast %scan3A_202 : i32 to index
        %get3A_208 = arith.index_cast %add3A_205 : i32 to index
        %get3A_209 = tpu.vector_load %arg9[%get3A_206, %get3A_207, %get3A_208] {strides = array<i32>} : memref<2x32x384xf32, #tpu.memory_space<vmem>>, vector<16xf32>,
        %add3A_210 = arith.constant 16 : i32
        %add3A_211 = arith.addi %mul3A_11, %add3A_210 : i32
        %get3A_212 = arith.constant 1 : i32
        %get3A_213 = arith.index_cast %get3A_212 : i32 to index
        %get3A_214 = arith.index_cast %scan3A_202 : i32 to index
        %get3A_215 = arith.index_cast %add3A_211 : i32 to index
        %get3A_216 = tpu.vector_load %arg9[%get3A_213, %get3A_214, %get3A_215] {strides = array<i32>} : memref<2x32x384xf32, #tpu.memory_space<vmem>>, vector<16xf32>,
        %add3A_217 = arith.constant 32 : i32
        %add3A_218 = arith.addi %mul3A_11, %add3A_217 : i32
        %get3A_219 = arith.constant 1 : i32
        %get3A_220 = arith.index_cast %get3A_219 : i32 to index
        %get3A_221 = arith.index_cast %scan3A_202 : i32 to index
        %get3A_222 = arith.index_cast %add3A_218 : i32 to index
        %get3A_223 = tpu.vector_load %arg9[%get3A_220, %get3A_221, %get3A_222] {strides = array<i32>} : memref<2x32x384xf32, #tpu.memory_space<vmem>>, vector<16xf32>,
        %add3A_224 = arith.constant 48 : i32
        %add3A_225 = arith.addi %mul3A_11, %add3A_224 : i32
        %get3A_226 = arith.constant 1 : i32
        %get3A_227 = arith.index_cast %get3A_226 : i32 to index
        %get3A_228 = arith.index_cast %scan3A_202 : i32 to index
        %get3A_229 = arith.index_cast %add3A_225 : i32 to index
        %get3A_230 = tpu.vector_load %arg9[%get3A_227, %get3A_228, %get3A_229] {strides = array<i32>} : memref<2x32x384xf32, #tpu.memory_space<vmem>>, vector<16xf32>,
        %add3A_231 = arith.constant 64 : i32
        %add3A_232 = arith.addi %mul3A_11, %add3A_231 : i32
        %get3A_233 = arith.constant 1 : i32
        %get3A_234 = arith.index_cast %get3A_233 : i32 to index
        %get3A_235 = arith.index_cast %scan3A_202 : i32 to index
        %get3A_236 = arith.index_cast %add3A_232 : i32 to index
        %get3A_237 = tpu.vector_load %arg9[%get3A_234, %get3A_235, %get3A_236] {strides = array<i32>} : memref<2x32x384xf32, #tpu.memory_space<vmem>>, vector<16xf32>,
        %add3A_238 = arith.constant 80 : i32
        %add3A_239 = arith.addi %mul3A_11, %add3A_238 : i32
        %get3A_240 = arith.constant 1 : i32
        %get3A_241 = arith.index_cast %get3A_240 : i32 to index
        %get3A_242 = arith.index_cast %scan3A_202 : i32 to index
        %get3A_243 = arith.index_cast %add3A_239 : i32 to index
        %get3A_244 = tpu.vector_load %arg9[%get3A_241, %get3A_242, %get3A_243] {strides = array<i32>} : memref<2x32x384xf32, #tpu.memory_space<vmem>>, vector<16xf32>,
        %add3A_245 = arith.constant 96 : i32
        %add3A_246 = arith.addi %mul3A_11, %add3A_245 : i32
        %get3A_247 = arith.constant 1 : i32
        %get3A_248 = arith.index_cast %get3A_247 : i32 to index
        %get3A_249 = arith.index_cast %scan3A_202 : i32 to index
        %get3A_250 = arith.index_cast %add3A_246 : i32 to index
        %get3A_251 = tpu.vector_load %arg9[%get3A_248, %get3A_249, %get3A_250] {strides = array<i32>} : memref<2x32x384xf32, #tpu.memory_space<vmem>>, vector<16xf32>,
        %add3A_252 = arith.constant 112 : i32
        %add3A_253 = arith.addi %mul3A_11, %add3A_252 : i32
        %get3A_254 = arith.constant 1 : i32
        %get3A_255 = arith.index_cast %get3A_254 : i32 to index
        %get3A_256 = arith.index_cast %scan3A_202 : i32 to index
        %get3A_257 = arith.index_cast %add3A_253 : i32 to index
        %get3A_258 = tpu.vector_load %arg9[%get3A_255, %get3A_256, %get3A_257] {strides = array<i32>} : memref<2x32x384xf32, #tpu.memory_space<vmem>>, vector<16xf32>,
        %add3A_259 = arith.constant 128 : i32
        %add3A_260 = arith.addi %mul3A_11, %add3A_259 : i32
        %get3A_261 = arith.constant 1 : i32
        %get3A_262 = arith.index_cast %get3A_261 : i32 to index
        %get3A_263 = arith.index_cast %scan3A_202 : i32 to index
        %get3A_264 = arith.index_cast %add3A_260 : i32 to index
        %get3A_265 = tpu.vector_load %arg9[%get3A_262, %get3A_263, %get3A_264] {strides = array<i32>} : memref<2x32x384xf32, #tpu.memory_space<vmem>>, vector<16xf32>,
        %add3A_266 = arith.constant 144 : i32
        %add3A_267 = arith.addi %mul3A_11, %add3A_266 : i32
        %get3A_268 = arith.constant 1 : i32
        %get3A_269 = arith.index_cast %get3A_268 : i32 to index
        %get3A_270 = arith.index_cast %scan3A_202 : i32 to index
        %get3A_271 = arith.index_cast %add3A_267 : i32 to index
        %get3A_272 = tpu.vector_load %arg9[%get3A_269, %get3A_270, %get3A_271] {strides = array<i32>} : memref<2x32x384xf32, #tpu.memory_space<vmem>>, vector<16xf32>,
        %add3A_273 = arith.constant 160 : i32
        %add3A_274 = arith.addi %mul3A_11, %add3A_273 : i32
        %get3A_275 = arith.constant 1 : i32
        %get3A_276 = arith.index_cast %get3A_275 : i32 to index
        %get3A_277 = arith.index_cast %scan3A_202 : i32 to index
        %get3A_278 = arith.index_cast %add3A_274 : i32 to index
        %get3A_279 = tpu.vector_load %arg9[%get3A_276, %get3A_277, %get3A_278] {strides = array<i32>} : memref<2x32x384xf32, #tpu.memory_space<vmem>>, vector<16xf32>,
        %add3A_280 = arith.constant 176 : i32
        %add3A_281 = arith.addi %mul3A_11, %add3A_280 : i32
        %get3A_282 = arith.constant 1 : i32
        %get3A_283 = arith.index_cast %get3A_282 : i32 to index
        %get3A_284 = arith.index_cast %scan3A_202 : i32 to index
        %get3A_285 = arith.index_cast %add3A_281 : i32 to index
        %get3A_286 = tpu.vector_load %arg9[%get3A_283, %get3A_284, %get3A_285] {strides = array<i32>} : memref<2x32x384xf32, #tpu.memory_space<vmem>>, vector<16xf32>,
        %add3A_287 = arith.constant 192 : i32
        %add3A_288 = arith.addi %mul3A_11, %add3A_287 : i32
        %get3A_289 = arith.constant 1 : i32
        %get3A_290 = arith.index_cast %get3A_289 : i32 to index
        %get3A_291 = arith.index_cast %scan3A_202 : i32 to index
        %get3A_292 = arith.index_cast %add3A_288 : i32 to index
        %get3A_293 = tpu.vector_load %arg9[%get3A_290, %get3A_291, %get3A_292] {strides = array<i32>} : memref<2x32x384xf32, #tpu.memory_space<vmem>>, vector<16xf32>,
        %add3A_294 = arith.constant 208 : i32
        %add3A_295 = arith.addi %mul3A_11, %add3A_294 : i32
        %get3A_296 = arith.constant 1 : i32
        %get3A_297 = arith.index_cast %get3A_296 : i32 to index
        %get3A_298 = arith.index_cast %scan3A_202 : i32 to index
        %get3A_299 = arith.index_cast %add3A_295 : i32 to index
        %get3A_300 = tpu.vector_load %arg9[%get3A_297, %get3A_298, %get3A_299] {strides = array<i32>} : memref<2x32x384xf32, #tpu.memory_space<vmem>>, vector<16xf32>,
        %add3A_301 = arith.constant 224 : i32
        %add3A_302 = arith.addi %mul3A_11, %add3A_301 : i32
        %get3A_303 = arith.constant 1 : i32
        %get3A_304 = arith.index_cast %get3A_303 : i32 to index
        %get3A_305 = arith.index_cast %scan3A_202 : i32 to index
        %get3A_306 = arith.index_cast %add3A_302 : i32 to index
        %get3A_307 = tpu.vector_load %arg9[%get3A_304, %get3A_305, %get3A_306] {strides = array<i32>} : memref<2x32x384xf32, #tpu.memory_space<vmem>>, vector<16xf32>,
        %add3A_308 = arith.constant 240 : i32
        %add3A_309 = arith.addi %mul3A_11, %add3A_308 : i32
        %get3A_310 = arith.constant 1 : i32
        %get3A_311 = arith.index_cast %get3A_310 : i32 to index
        %get3A_312 = arith.index_cast %scan3A_202 : i32 to index
        %get3A_313 = arith.index_cast %add3A_309 : i32 to index
        %get3A_314 = tpu.vector_load %arg9[%get3A_311, %get3A_312, %get3A_313] {strides = array<i32>} : memref<2x32x384xf32, #tpu.memory_space<vmem>>, vector<16xf32>,
        %add3A_315 = arith.constant 256 : i32
        %add3A_316 = arith.addi %mul3A_11, %add3A_315 : i32
        %get3A_317 = arith.constant 1 : i32
        %get3A_318 = arith.index_cast %get3A_317 : i32 to index
        %get3A_319 = arith.index_cast %scan3A_202 : i32 to index
        %get3A_320 = arith.index_cast %add3A_316 : i32 to index
        %get3A_321 = tpu.vector_load %arg9[%get3A_318, %get3A_319, %get3A_320] {strides = array<i32>} : memref<2x32x384xf32, #tpu.memory_space<vmem>>, vector<16xf32>,
        %add3A_322 = arith.constant 272 : i32
        %add3A_323 = arith.addi %mul3A_11, %add3A_322 : i32
        %get3A_324 = arith.constant 1 : i32
        %get3A_325 = arith.index_cast %get3A_324 : i32 to index
        %get3A_326 = arith.index_cast %scan3A_202 : i32 to index
        %get3A_327 = arith.index_cast %add3A_323 : i32 to index
        %get3A_328 = tpu.vector_load %arg9[%get3A_325, %get3A_326, %get3A_327] {strides = array<i32>} : memref<2x32x384xf32, #tpu.memory_space<vmem>>, vector<16xf32>,
        %add3A_329 = arith.constant 288 : i32
        %add3A_330 = arith.addi %mul3A_11, %add3A_329 : i32
        %get3A_331 = arith.constant 1 : i32
        %get3A_332 = arith.index_cast %get3A_331 : i32 to index
        %get3A_333 = arith.index_cast %scan3A_202 : i32 to index
        %get3A_334 = arith.index_cast %add3A_330 : i32 to index
        %get3A_335 = tpu.vector_load %arg9[%get3A_332, %get3A_333, %get3A_334] {strides = array<i32>} : memref<2x32x384xf32, #tpu.memory_space<vmem>>, vector<16xf32>,
        %add3A_336 = arith.constant 304 : i32
        %add3A_337 = arith.addi %mul3A_11, %add3A_336 : i32
        %get3A_338 = arith.constant 1 : i32
        %get3A_339 = arith.index_cast %get3A_338 : i32 to index
        %get3A_340 = arith.index_cast %scan3A_202 : i32 to index
        %get3A_341 = arith.index_cast %add3A_337 : i32 to index
        %get3A_342 = tpu.vector_load %arg9[%get3A_339, %get3A_340, %get3A_341] {strides = array<i32>} : memref<2x32x384xf32, #tpu.memory_space<vmem>>, vector<16xf32>,
        %parallel_loop3A_343 = arith.constant 0 : i32
        %parallel_loop3A_344 = arith.constant 32 : i32
        %parallel_loop3A_345 = arith.constant 1 : i32
        scf.for %parallel_loop3A_347 = %parallel_loop3A_343 to %parallel_loop3A_344 step %parallel_loop3A_345  : i32 {
          %parallel_loop3A_348 = arith.constant 32 : i32
          %parallel_loop3A_349 = arith.muli %add3A_173, %parallel_loop3A_348 : i32
          %parallel_loop3A_350 = arith.addi %parallel_loop3A_349, %scan3A_202 : i32
          %parallel_loop3A_351 = arith.constant 32 : i32
          %parallel_loop3A_352 = arith.muli %parallel_loop3A_350, %parallel_loop3A_351 : i32
          %parallel_loop3A_353 = arith.addi %parallel_loop3A_352, %parallel_loop3A_347 : i32
          %parallel_loop3A_354 = vector.broadcast %parallel_loop3A_353 : i32 to vector<16xi32>
          %parallel_loop3A_355 = tpu.vector_load_idx %arg7[%parallel_loop3A_354] : memref<20480xi32, #tpu.memory_space<vmem>>[vector<16xi32>], vector<16xi32>,
          %parallel_loop3A_356 = arith.addi %parallel_loop3A_355, %add3A_23 : vector<16xi32>
          %parallel_loop3A_357 = tpu.vector_load_idx %arg8[%parallel_loop3A_356] : memref<38400xf32, #tpu.memory_space<vmem>>[vector<16xi32>], vector<16xf32>,
          %parallel_loop3A_358 = arith.constant 0 : i32
          %parallel_loop3A_359 = arith.addi %mul3A_11, %parallel_loop3A_358 : i32
          %parallel_loop3A_360 = arith.mulf %parallel_loop3A_357, %get3A_209 : vector<16xf32>
          %parallel_loop3A_361 = arith.index_cast %parallel_loop3A_347 : i32 to index
          %parallel_loop3A_362 = arith.index_cast %parallel_loop3A_359 : i32 to index
          %parallel_loop3A_363 = tpu.vector_load %arg10[%parallel_loop3A_361, %parallel_loop3A_362] {strides = array<i32>} : memref<32x384xf32, #tpu.memory_space<vmem>>, vector<16xf32>,
          tpu.vector_store %arg10[%parallel_loop3A_361, %parallel_loop3A_362], %parallel_loop3A_360 {add = true, strides = array<i32>} : memref<32x384xf32, #tpu.memory_space<vmem>>, vector<16xf32>,
          %parallel_loop3A_364 = arith.addi %parallel_loop3A_355, %add3A_27 : vector<16xi32>
          %parallel_loop3A_365 = tpu.vector_load_idx %arg8[%parallel_loop3A_364] : memref<38400xf32, #tpu.memory_space<vmem>>[vector<16xi32>], vector<16xf32>,
          %parallel_loop3A_366 = arith.constant 16 : i32
          %parallel_loop3A_367 = arith.addi %mul3A_11, %parallel_loop3A_366 : i32
          %parallel_loop3A_368 = arith.mulf %parallel_loop3A_365, %get3A_216 : vector<16xf32>
          %parallel_loop3A_369 = arith.index_cast %parallel_loop3A_347 : i32 to index
          %parallel_loop3A_370 = arith.index_cast %parallel_loop3A_367 : i32 to index
          %parallel_loop3A_371 = tpu.vector_load %arg10[%parallel_loop3A_369, %parallel_loop3A_370] {strides = array<i32>} : memref<32x384xf32, #tpu.memory_space<vmem>>, vector<16xf32>,
          tpu.vector_store %arg10[%parallel_loop3A_369, %parallel_loop3A_370], %parallel_loop3A_368 {add = true, strides = array<i32>} : memref<32x384xf32, #tpu.memory_space<vmem>>, vector<16xf32>,
          %parallel_loop3A_372 = arith.addi %parallel_loop3A_355, %add3A_31 : vector<16xi32>
          %parallel_loop3A_373 = tpu.vector_load_idx %arg8[%parallel_loop3A_372] : memref<38400xf32, #tpu.memory_space<vmem>>[vector<16xi32>], vector<16xf32>,
          %parallel_loop3A_374 = arith.constant 32 : i32
          %parallel_loop3A_375 = arith.addi %mul3A_11, %parallel_loop3A_374 : i32
          %parallel_loop3A_376 = arith.mulf %parallel_loop3A_373, %get3A_223 : vector<16xf32>
          %parallel_loop3A_377 = arith.index_cast %parallel_loop3A_347 : i32 to index
          %parallel_loop3A_378 = arith.index_cast %parallel_loop3A_375 : i32 to index
          %parallel_loop3A_379 = tpu.vector_load %arg10[%parallel_loop3A_377, %parallel_loop3A_378] {strides = array<i32>} : memref<32x384xf32, #tpu.memory_space<vmem>>, vector<16xf32>,
          tpu.vector_store %arg10[%parallel_loop3A_377, %parallel_loop3A_378], %parallel_loop3A_376 {add = true, strides = array<i32>} : memref<32x384xf32, #tpu.memory_space<vmem>>, vector<16xf32>,
          %parallel_loop3A_380 = arith.addi %parallel_loop3A_355, %add3A_35 : vector<16xi32>
          %parallel_loop3A_381 = tpu.vector_load_idx %arg8[%parallel_loop3A_380] : memref<38400xf32, #tpu.memory_space<vmem>>[vector<16xi32>], vector<16xf32>,
          %parallel_loop3A_382 = arith.constant 48 : i32
          %parallel_loop3A_383 = arith.addi %mul3A_11, %parallel_loop3A_382 : i32
          %parallel_loop3A_384 = arith.mulf %parallel_loop3A_381, %get3A_230 : vector<16xf32>
          %parallel_loop3A_385 = arith.index_cast %parallel_loop3A_347 : i32 to index
          %parallel_loop3A_386 = arith.index_cast %parallel_loop3A_383 : i32 to index
          %parallel_loop3A_387 = tpu.vector_load %arg10[%parallel_loop3A_385, %parallel_loop3A_386] {strides = array<i32>} : memref<32x384xf32, #tpu.memory_space<vmem>>, vector<16xf32>,
          tpu.vector_store %arg10[%parallel_loop3A_385, %parallel_loop3A_386], %parallel_loop3A_384 {add = true, strides = array<i32>} : memref<32x384xf32, #tpu.memory_space<vmem>>, vector<16xf32>,
          %parallel_loop3A_388 = arith.addi %parallel_loop3A_355, %add3A_39 : vector<16xi32>
          %parallel_loop3A_389 = tpu.vector_load_idx %arg8[%parallel_loop3A_388] : memref<38400xf32, #tpu.memory_space<vmem>>[vector<16xi32>], vector<16xf32>,
          %parallel_loop3A_390 = arith.constant 64 : i32
          %parallel_loop3A_391 = arith.addi %mul3A_11, %parallel_loop3A_390 : i32
          %parallel_loop3A_392 = arith.mulf %parallel_loop3A_389, %get3A_237 : vector<16xf32>
          %parallel_loop3A_393 = arith.index_cast %parallel_loop3A_347 : i32 to index
          %parallel_loop3A_394 = arith.index_cast %parallel_loop3A_391 : i32 to index
          %parallel_loop3A_395 = tpu.vector_load %arg10[%parallel_loop3A_393, %parallel_loop3A_394] {strides = array<i32>} : memref<32x384xf32, #tpu.memory_space<vmem>>, vector<16xf32>,
          tpu.vector_store %arg10[%parallel_loop3A_393, %parallel_loop3A_394], %parallel_loop3A_392 {add = true, strides = array<i32>} : memref<32x384xf32, #tpu.memory_space<vmem>>, vector<16xf32>,
          %parallel_loop3A_396 = arith.addi %parallel_loop3A_355, %add3A_43 : vector<16xi32>
          %parallel_loop3A_397 = tpu.vector_load_idx %arg8[%parallel_loop3A_396] : memref<38400xf32, #tpu.memory_space<vmem>>[vector<16xi32>], vector<16xf32>,
          %parallel_loop3A_398 = arith.constant 80 : i32
          %parallel_loop3A_399 = arith.addi %mul3A_11, %parallel_loop3A_398 : i32
          %parallel_loop3A_400 = arith.mulf %parallel_loop3A_397, %get3A_244 : vector<16xf32>
          %parallel_loop3A_401 = arith.index_cast %parallel_loop3A_347 : i32 to index
          %parallel_loop3A_402 = arith.index_cast %parallel_loop3A_399 : i32 to index
          %parallel_loop3A_403 = tpu.vector_load %arg10[%parallel_loop3A_401, %parallel_loop3A_402] {strides = array<i32>} : memref<32x384xf32, #tpu.memory_space<vmem>>, vector<16xf32>,
          tpu.vector_store %arg10[%parallel_loop3A_401, %parallel_loop3A_402], %parallel_loop3A_400 {add = true, strides = array<i32>} : memref<32x384xf32, #tpu.memory_space<vmem>>, vector<16xf32>,
          %parallel_loop3A_404 = arith.addi %parallel_loop3A_355, %add3A_47 : vector<16xi32>
          %parallel_loop3A_405 = tpu.vector_load_idx %arg8[%parallel_loop3A_404] : memref<38400xf32, #tpu.memory_space<vmem>>[vector<16xi32>], vector<16xf32>,
          %parallel_loop3A_406 = arith.constant 96 : i32
          %parallel_loop3A_407 = arith.addi %mul3A_11, %parallel_loop3A_406 : i32
          %parallel_loop3A_408 = arith.mulf %parallel_loop3A_405, %get3A_251 : vector<16xf32>
          %parallel_loop3A_409 = arith.index_cast %parallel_loop3A_347 : i32 to index
          %parallel_loop3A_410 = arith.index_cast %parallel_loop3A_407 : i32 to index
          %parallel_loop3A_411 = tpu.vector_load %arg10[%parallel_loop3A_409, %parallel_loop3A_410] {strides = array<i32>} : memref<32x384xf32, #tpu.memory_space<vmem>>, vector<16xf32>,
          tpu.vector_store %arg10[%parallel_loop3A_409, %parallel_loop3A_410], %parallel_loop3A_408 {add = true, strides = array<i32>} : memref<32x384xf32, #tpu.memory_space<vmem>>, vector<16xf32>,
          %parallel_loop3A_412 = arith.addi %parallel_loop3A_355, %add3A_51 : vector<16xi32>
          %parallel_loop3A_413 = tpu.vector_load_idx %arg8[%parallel_loop3A_412] : memref<38400xf32, #tpu.memory_space<vmem>>[vector<16xi32>], vector<16xf32>,
          %parallel_loop3A_414 = arith.constant 112 : i32
          %parallel_loop3A_415 = arith.addi %mul3A_11, %parallel_loop3A_414 : i32
          %parallel_loop3A_416 = arith.mulf %parallel_loop3A_413, %get3A_258 : vector<16xf32>
          %parallel_loop3A_417 = arith.index_cast %parallel_loop3A_347 : i32 to index
          %parallel_loop3A_418 = arith.index_cast %parallel_loop3A_415 : i32 to index
          %parallel_loop3A_419 = tpu.vector_load %arg10[%parallel_loop3A_417, %parallel_loop3A_418] {strides = array<i32>} : memref<32x384xf32, #tpu.memory_space<vmem>>, vector<16xf32>,
          tpu.vector_store %arg10[%parallel_loop3A_417, %parallel_loop3A_418], %parallel_loop3A_416 {add = true, strides = array<i32>} : memref<32x384xf32, #tpu.memory_space<vmem>>, vector<16xf32>,
          %parallel_loop3A_420 = arith.addi %parallel_loop3A_355, %add3A_55 : vector<16xi32>
          %parallel_loop3A_421 = tpu.vector_load_idx %arg8[%parallel_loop3A_420] : memref<38400xf32, #tpu.memory_space<vmem>>[vector<16xi32>], vector<16xf32>,
          %parallel_loop3A_422 = arith.constant 128 : i32
          %parallel_loop3A_423 = arith.addi %mul3A_11, %parallel_loop3A_422 : i32
          %parallel_loop3A_424 = arith.mulf %parallel_loop3A_421, %get3A_265 : vector<16xf32>
          %parallel_loop3A_425 = arith.index_cast %parallel_loop3A_347 : i32 to index
          %parallel_loop3A_426 = arith.index_cast %parallel_loop3A_423 : i32 to index
          %parallel_loop3A_427 = tpu.vector_load %arg10[%parallel_loop3A_425, %parallel_loop3A_426] {strides = array<i32>} : memref<32x384xf32, #tpu.memory_space<vmem>>, vector<16xf32>,
          tpu.vector_store %arg10[%parallel_loop3A_425, %parallel_loop3A_426], %parallel_loop3A_424 {add = true, strides = array<i32>} : memref<32x384xf32, #tpu.memory_space<vmem>>, vector<16xf32>,
          %parallel_loop3A_428 = arith.addi %parallel_loop3A_355, %add3A_59 : vector<16xi32>
          %parallel_loop3A_429 = tpu.vector_load_idx %arg8[%parallel_loop3A_428] : memref<38400xf32, #tpu.memory_space<vmem>>[vector<16xi32>], vector<16xf32>,
          %parallel_loop3A_430 = arith.constant 144 : i32
          %parallel_loop3A_431 = arith.addi %mul3A_11, %parallel_loop3A_430 : i32
          %parallel_loop3A_432 = arith.mulf %parallel_loop3A_429, %get3A_272 : vector<16xf32>
          %parallel_loop3A_433 = arith.index_cast %parallel_loop3A_347 : i32 to index
          %parallel_loop3A_434 = arith.index_cast %parallel_loop3A_431 : i32 to index
          %parallel_loop3A_435 = tpu.vector_load %arg10[%parallel_loop3A_433, %parallel_loop3A_434] {strides = array<i32>} : memref<32x384xf32, #tpu.memory_space<vmem>>, vector<16xf32>,
          tpu.vector_store %arg10[%parallel_loop3A_433, %parallel_loop3A_434], %parallel_loop3A_432 {add = true, strides = array<i32>} : memref<32x384xf32, #tpu.memory_space<vmem>>, vector<16xf32>,
          %parallel_loop3A_436 = arith.addi %parallel_loop3A_355, %add3A_63 : vector<16xi32>
          %parallel_loop3A_437 = tpu.vector_load_idx %arg8[%parallel_loop3A_436] : memref<38400xf32, #tpu.memory_space<vmem>>[vector<16xi32>], vector<16xf32>,
          %parallel_loop3A_438 = arith.constant 160 : i32
          %parallel_loop3A_439 = arith.addi %mul3A_11, %parallel_loop3A_438 : i32
          %parallel_loop3A_440 = arith.mulf %parallel_loop3A_437, %get3A_279 : vector<16xf32>
          %parallel_loop3A_441 = arith.index_cast %parallel_loop3A_347 : i32 to index
          %parallel_loop3A_442 = arith.index_cast %parallel_loop3A_439 : i32 to index
          %parallel_loop3A_443 = tpu.vector_load %arg10[%parallel_loop3A_441, %parallel_loop3A_442] {strides = array<i32>} : memref<32x384xf32, #tpu.memory_space<vmem>>, vector<16xf32>,
          tpu.vector_store %arg10[%parallel_loop3A_441, %parallel_loop3A_442], %parallel_loop3A_440 {add = true, strides = array<i32>} : memref<32x384xf32, #tpu.memory_space<vmem>>, vector<16xf32>,
          %parallel_loop3A_444 = arith.addi %parallel_loop3A_355, %add3A_67 : vector<16xi32>
          %parallel_loop3A_445 = tpu.vector_load_idx %arg8[%parallel_loop3A_444] : memref<38400xf32, #tpu.memory_space<vmem>>[vector<16xi32>], vector<16xf32>,
          %parallel_loop3A_446 = arith.constant 176 : i32
          %parallel_loop3A_447 = arith.addi %mul3A_11, %parallel_loop3A_446 : i32
          %parallel_loop3A_448 = arith.mulf %parallel_loop3A_445, %get3A_286 : vector<16xf32>
          %parallel_loop3A_449 = arith.index_cast %parallel_loop3A_347 : i32 to index
          %parallel_loop3A_450 = arith.index_cast %parallel_loop3A_447 : i32 to index
          %parallel_loop3A_451 = tpu.vector_load %arg10[%parallel_loop3A_449, %parallel_loop3A_450] {strides = array<i32>} : memref<32x384xf32, #tpu.memory_space<vmem>>, vector<16xf32>,
          tpu.vector_store %arg10[%parallel_loop3A_449, %parallel_loop3A_450], %parallel_loop3A_448 {add = true, strides = array<i32>} : memref<32x384xf32, #tpu.memory_space<vmem>>, vector<16xf32>,
          %parallel_loop3A_452 = arith.addi %parallel_loop3A_355, %add3A_71 : vector<16xi32>
          %parallel_loop3A_453 = tpu.vector_load_idx %arg8[%parallel_loop3A_452] : memref<38400xf32, #tpu.memory_space<vmem>>[vector<16xi32>], vector<16xf32>,
          %parallel_loop3A_454 = arith.constant 192 : i32
          %parallel_loop3A_455 = arith.addi %mul3A_11, %parallel_loop3A_454 : i32
          %parallel_loop3A_456 = arith.mulf %parallel_loop3A_453, %get3A_293 : vector<16xf32>
          %parallel_loop3A_457 = arith.index_cast %parallel_loop3A_347 : i32 to index
          %parallel_loop3A_458 = arith.index_cast %parallel_loop3A_455 : i32 to index
          %parallel_loop3A_459 = tpu.vector_load %arg10[%parallel_loop3A_457, %parallel_loop3A_458] {strides = array<i32>} : memref<32x384xf32, #tpu.memory_space<vmem>>, vector<16xf32>,
          tpu.vector_store %arg10[%parallel_loop3A_457, %parallel_loop3A_458], %parallel_loop3A_456 {add = true, strides = array<i32>} : memref<32x384xf32, #tpu.memory_space<vmem>>, vector<16xf32>,
          %parallel_loop3A_460 = arith.addi %parallel_loop3A_355, %add3A_75 : vector<16xi32>
          %parallel_loop3A_461 = tpu.vector_load_idx %arg8[%parallel_loop3A_460] : memref<38400xf32, #tpu.memory_space<vmem>>[vector<16xi32>], vector<16xf32>,
          %parallel_loop3A_462 = arith.constant 208 : i32
          %parallel_loop3A_463 = arith.addi %mul3A_11, %parallel_loop3A_462 : i32
          %parallel_loop3A_464 = arith.mulf %parallel_loop3A_461, %get3A_300 : vector<16xf32>
          %parallel_loop3A_465 = arith.index_cast %parallel_loop3A_347 : i32 to index
          %parallel_loop3A_466 = arith.index_cast %parallel_loop3A_463 : i32 to index
          %parallel_loop3A_467 = tpu.vector_load %arg10[%parallel_loop3A_465, %parallel_loop3A_466] {strides = array<i32>} : memref<32x384xf32, #tpu.memory_space<vmem>>, vector<16xf32>,
          tpu.vector_store %arg10[%parallel_loop3A_465, %parallel_loop3A_466], %parallel_loop3A_464 {add = true, strides = array<i32>} : memref<32x384xf32, #tpu.memory_space<vmem>>, vector<16xf32>,
          %parallel_loop3A_468 = arith.addi %parallel_loop3A_355, %add3A_79 : vector<16xi32>
          %parallel_loop3A_469 = tpu.vector_load_idx %arg8[%parallel_loop3A_468] : memref<38400xf32, #tpu.memory_space<vmem>>[vector<16xi32>], vector<16xf32>,
          %parallel_loop3A_470 = arith.constant 224 : i32
          %parallel_loop3A_471 = arith.addi %mul3A_11, %parallel_loop3A_470 : i32
          %parallel_loop3A_472 = arith.mulf %parallel_loop3A_469, %get3A_307 : vector<16xf32>
          %parallel_loop3A_473 = arith.index_cast %parallel_loop3A_347 : i32 to index
          %parallel_loop3A_474 = arith.index_cast %parallel_loop3A_471 : i32 to index
          %parallel_loop3A_475 = tpu.vector_load %arg10[%parallel_loop3A_473, %parallel_loop3A_474] {strides = array<i32>} : memref<32x384xf32, #tpu.memory_space<vmem>>, vector<16xf32>,
          tpu.vector_store %arg10[%parallel_loop3A_473, %parallel_loop3A_474], %parallel_loop3A_472 {add = true, strides = array<i32>} : memref<32x384xf32, #tpu.memory_space<vmem>>, vector<16xf32>,
          %parallel_loop3A_476 = arith.addi %parallel_loop3A_355, %add3A_83 : vector<16xi32>
          %parallel_loop3A_477 = tpu.vector_load_idx %arg8[%parallel_loop3A_476] : memref<38400xf32, #tpu.memory_space<vmem>>[vector<16xi32>], vector<16xf32>,
          %parallel_loop3A_478 = arith.constant 240 : i32
          %parallel_loop3A_479 = arith.addi %mul3A_11, %parallel_loop3A_478 : i32
          %parallel_loop3A_480 = arith.mulf %parallel_loop3A_477, %get3A_314 : vector<16xf32>
          %parallel_loop3A_481 = arith.index_cast %parallel_loop3A_347 : i32 to index
          %parallel_loop3A_482 = arith.index_cast %parallel_loop3A_479 : i32 to index
          %parallel_loop3A_483 = tpu.vector_load %arg10[%parallel_loop3A_481, %parallel_loop3A_482] {strides = array<i32>} : memref<32x384xf32, #tpu.memory_space<vmem>>, vector<16xf32>,
          tpu.vector_store %arg10[%parallel_loop3A_481, %parallel_loop3A_482], %parallel_loop3A_480 {add = true, strides = array<i32>} : memref<32x384xf32, #tpu.memory_space<vmem>>, vector<16xf32>,
          %parallel_loop3A_484 = arith.addi %parallel_loop3A_355, %add3A_87 : vector<16xi32>
          %parallel_loop3A_485 = tpu.vector_load_idx %arg8[%parallel_loop3A_484] : memref<38400xf32, #tpu.memory_space<vmem>>[vector<16xi32>], vector<16xf32>,
          %parallel_loop3A_486 = arith.constant 256 : i32
          %parallel_loop3A_487 = arith.addi %mul3A_11, %parallel_loop3A_486 : i32
          %parallel_loop3A_488 = arith.mulf %parallel_loop3A_485, %get3A_321 : vector<16xf32>
          %parallel_loop3A_489 = arith.index_cast %parallel_loop3A_347 : i32 to index
          %parallel_loop3A_490 = arith.index_cast %parallel_loop3A_487 : i32 to index
          %parallel_loop3A_491 = tpu.vector_load %arg10[%parallel_loop3A_489, %parallel_loop3A_490] {strides = array<i32>} : memref<32x384xf32, #tpu.memory_space<vmem>>, vector<16xf32>,
          tpu.vector_store %arg10[%parallel_loop3A_489, %parallel_loop3A_490], %parallel_loop3A_488 {add = true, strides = array<i32>} : memref<32x384xf32, #tpu.memory_space<vmem>>, vector<16xf32>,
          %parallel_loop3A_492 = arith.addi %parallel_loop3A_355, %add3A_91 : vector<16xi32>
          %parallel_loop3A_493 = tpu.vector_load_idx %arg8[%parallel_loop3A_492] : memref<38400xf32, #tpu.memory_space<vmem>>[vector<16xi32>], vector<16xf32>,
          %parallel_loop3A_494 = arith.constant 272 : i32
          %parallel_loop3A_495 = arith.addi %mul3A_11, %parallel_loop3A_494 : i32
          %parallel_loop3A_496 = arith.mulf %parallel_loop3A_493, %get3A_328 : vector<16xf32>
          %parallel_loop3A_497 = arith.index_cast %parallel_loop3A_347 : i32 to index
          %parallel_loop3A_498 = arith.index_cast %parallel_loop3A_495 : i32 to index
          %parallel_loop3A_499 = tpu.vector_load %arg10[%parallel_loop3A_497, %parallel_loop3A_498] {strides = array<i32>} : memref<32x384xf32, #tpu.memory_space<vmem>>, vector<16xf32>,
          tpu.vector_store %arg10[%parallel_loop3A_497, %parallel_loop3A_498], %parallel_loop3A_496 {add = true, strides = array<i32>} : memref<32x384xf32, #tpu.memory_space<vmem>>, vector<16xf32>,
          %parallel_loop3A_500 = arith.addi %parallel_loop3A_355, %add3A_95 : vector<16xi32>
          %parallel_loop3A_501 = tpu.vector_load_idx %arg8[%parallel_loop3A_500] : memref<38400xf32, #tpu.memory_space<vmem>>[vector<16xi32>], vector<16xf32>,
          %parallel_loop3A_502 = arith.constant 288 : i32
          %parallel_loop3A_503 = arith.addi %mul3A_11, %parallel_loop3A_502 : i32
          %parallel_loop3A_504 = arith.mulf %parallel_loop3A_501, %get3A_335 : vector<16xf32>
          %parallel_loop3A_505 = arith.index_cast %parallel_loop3A_347 : i32 to index
          %parallel_loop3A_506 = arith.index_cast %parallel_loop3A_503 : i32 to index
          %parallel_loop3A_507 = tpu.vector_load %arg10[%parallel_loop3A_505, %parallel_loop3A_506] {strides = array<i32>} : memref<32x384xf32, #tpu.memory_space<vmem>>, vector<16xf32>,
          tpu.vector_store %arg10[%parallel_loop3A_505, %parallel_loop3A_506], %parallel_loop3A_504 {add = true, strides = array<i32>} : memref<32x384xf32, #tpu.memory_space<vmem>>, vector<16xf32>,
          %parallel_loop3A_508 = arith.addi %parallel_loop3A_355, %add3A_99 : vector<16xi32>
          %parallel_loop3A_509 = tpu.vector_load_idx %arg8[%parallel_loop3A_508] : memref<38400xf32, #tpu.memory_space<vmem>>[vector<16xi32>], vector<16xf32>,
          %parallel_loop3A_510 = arith.constant 304 : i32
          %parallel_loop3A_511 = arith.addi %mul3A_11, %parallel_loop3A_510 : i32
          %parallel_loop3A_512 = arith.mulf %parallel_loop3A_509, %get3A_342 : vector<16xf32>
          %parallel_loop3A_513 = arith.index_cast %parallel_loop3A_347 : i32 to index
          %parallel_loop3A_514 = arith.index_cast %parallel_loop3A_511 : i32 to index
          %parallel_loop3A_515 = tpu.vector_load %arg10[%parallel_loop3A_513, %parallel_loop3A_514] {strides = array<i32>} : memref<32x384xf32, #tpu.memory_space<vmem>>, vector<16xf32>,
          tpu.vector_store %arg10[%parallel_loop3A_513, %parallel_loop3A_514], %parallel_loop3A_512 {add = true, strides = array<i32>} : memref<32x384xf32, #tpu.memory_space<vmem>>, vector<16xf32>,
        } {sc.loop_unroll_factor = 4 : i64, sc.parallel_access}
        %scan3A_346 = arith.constant 0 : i32
        scf.yield %scan3A_346 : i32
      }
      %scan3A_193 = arith.constant 32 : i32
      %add3A_194 = arith.constant 2 : i32
      %add3A_195 = arith.addi %add3A_173, %add3A_194 : i32
      %lt3A_196 = arith.constant 20 : i32
      %lt3A_197 = arith.cmpi slt, %add3A_195, %lt3A_196 : i32
      %convert_element_type3A_198 = arith.extui %lt3A_197 : i1 to i32
      %cond3A_199 = arith.constant 0 : i32
      %cond3A_200 = arith.cmpi ne, %convert_element_type3A_198, %cond3A_199 : i32
      scf.if %cond3A_200 {
        %add3A_202 = arith.constant 2 : i32
        %add3A_203 = arith.addi %add3A_173, %add3A_202 : i32
        %mul3A_204 = arith.constant 32 : i32
        %mul3A_205 = arith.muli %add3A_203, %mul3A_204 : i32
        %dma_start3A_206 = arith.constant 1 : i32
        %dma_start3A_207 = arith.constant 0 : i32
        %dma_start3A_208 = arith.constant 0 : i32
        %dma_start3A_209 = tpu.memref_slice %arg9[%dma_start3A_206, %dma_start3A_207, %dma_start3A_208] : memref<2x32x384xf32, #tpu.memory_space<vmem>> -> memref<1x32x384xf32, #tpu.memory_space<vmem>>
        %dma_start3A_210 = tpu.memref_squeeze %dma_start3A_209 : memref<1x32x384xf32, #tpu.memory_space<vmem>> -> memref<32x384xf32, #tpu.memory_space<vmem>>
        %dma_start3A_211 = tpu.memref_slice %arg3[%mul3A_205, %multiple_of3A] : memref<640x10240xf32, #tpu.memory_space<hbm>> -> memref<32x384xf32, #tpu.memory_space<hbm>>
        %dma_start3A_212 = arith.constant 0 : i32
        %dma_start3A_213 = arith.constant 0 : i32
        %dma_start3A_214 = tpu.memref_slice %arg9[%dma_start3A_206, %dma_start3A_212, %dma_start3A_213] : memref<2x32x384xf32, #tpu.memory_space<vmem>> -> memref<1x32x384xf32, #tpu.memory_space<vmem>>
        %dma_start3A_215 = tpu.memref_squeeze %dma_start3A_214 : memref<1x32x384xf32, #tpu.memory_space<vmem>> -> memref<32x384xf32, #tpu.memory_space<vmem>>
        %dma_start3A_216 = tpu.memref_slice %arg3[%mul3A_205, %multiple_of3A] : memref<640x10240xf32, #tpu.memory_space<hbm>> -> memref<32x384xf32, #tpu.memory_space<hbm>>
        tpu.enqueue_dma source(%dma_start3A_216 : memref<32x384xf32, #tpu.memory_space<hbm>>) target(%dma_start3A_215 : memref<32x384xf32, #tpu.memory_space<vmem>>) target_semaphore(%arg12 : memref<!tpu.dma_semaphore, #tpu.memory_space<semaphore_mem>>)
      } else {
      }
      %scan3A_201 = arith.constant 0 : i32
      scf.yield %scan3A_201 : i32
    }
    %scan3A_130 = arith.constant 10 : i32
    %broadcast_in_dim3A_131 = arith.constant 1.000000e+00 : f32
    %broadcast_in_dim3A_132 = vector.broadcast %broadcast_in_dim3A_131 : f32 to vector<16xf32>
    %broadcast_in_dim3A_133 = arith.constant -1.000000e+00 : f32
    %broadcast_in_dim3A_134 = vector.broadcast %broadcast_in_dim3A_133 : f32 to vector<16xf32>
    %parallel_loop3A_135 = arith.constant 0 : i32
    %parallel_loop3A_136 = arith.constant 768 : i32
    %parallel_loop3A_137 = arith.constant 1 : i32
    scf.for %parallel_loop3A_140 = %parallel_loop3A_135 to %parallel_loop3A_136 step %parallel_loop3A_137  : i32 {
      %parallel_loop3A_141 = arith.constant 24 : i32
      %parallel_loop3A_142 = arith.divsi %parallel_loop3A_140, %parallel_loop3A_141 : i32
      %parallel_loop3A_143 = arith.constant 0 : i32
      %parallel_loop3A_144 = arith.cmpi sgt, %parallel_loop3A_140, %parallel_loop3A_143 : i32
      %parallel_loop3A_145 = arith.extui %parallel_loop3A_144 : i1 to i32
      %parallel_loop3A_146 = arith.constant 0 : i32
      %parallel_loop3A_147 = arith.cmpi slt, %parallel_loop3A_140, %parallel_loop3A_146 : i32
      %parallel_loop3A_148 = arith.extui %parallel_loop3A_147 : i1 to i32
      %parallel_loop3A_149 = arith.subi %parallel_loop3A_145, %parallel_loop3A_148 : i32
      %parallel_loop3A_150 = arith.constant 0 : i32
      %parallel_loop3A_151 = arith.cmpi sgt, %parallel_loop3A_141, %parallel_loop3A_150 : i32
      %parallel_loop3A_152 = arith.extui %parallel_loop3A_151 : i1 to i32
      %parallel_loop3A_153 = arith.constant 0 : i32
      %parallel_loop3A_154 = arith.cmpi slt, %parallel_loop3A_141, %parallel_loop3A_153 : i32
      %parallel_loop3A_155 = arith.extui %parallel_loop3A_154 : i1 to i32
      %parallel_loop3A_156 = arith.subi %parallel_loop3A_152, %parallel_loop3A_155 : i32
      %parallel_loop3A_157 = arith.cmpi ne, %parallel_loop3A_149, %parallel_loop3A_156 : i32
      %parallel_loop3A_158 = arith.remsi %parallel_loop3A_140, %parallel_loop3A_141 : i32
      %parallel_loop3A_159 = arith.constant 0 : i32
      %parallel_loop3A_160 = arith.cmpi ne, %parallel_loop3A_158, %parallel_loop3A_159 : i32
      %parallel_loop3A_161 = arith.andi %parallel_loop3A_157, %parallel_loop3A_160 : i1
      %parallel_loop3A_162 = arith.constant 1 : i32
      %parallel_loop3A_163 = arith.subi %parallel_loop3A_142, %parallel_loop3A_162 : i32
      %parallel_loop3A_164 = arith.select %parallel_loop3A_161, %parallel_loop3A_163, %parallel_loop3A_142 : i32
      %parallel_loop3A_165 = arith.constant 24 : i32
      %parallel_loop3A_166 = arith.constant 0 : i32
      %parallel_loop3A_167 = arith.cmpi eq, %parallel_loop3A_165, %parallel_loop3A_166 : i32
      %parallel_loop3A_168 = arith.constant 1 : i32
      %parallel_loop3A_169 = arith.select %parallel_loop3A_167, %parallel_loop3A_168, %parallel_loop3A_165 : i32
      %parallel_loop3A_170 = arith.remsi %parallel_loop3A_140, %parallel_loop3A_169 : i32
      %parallel_loop3A_171 = arith.constant 0 : i32
      %parallel_loop3A_172 = arith.cmpi ne, %parallel_loop3A_170, %parallel_loop3A_171 : i32
      %parallel_loop3A_173 = arith.constant 0 : i32
      %parallel_loop3A_174 = arith.cmpi slt, %parallel_loop3A_170, %parallel_loop3A_173 : i32
      %parallel_loop3A_175 = arith.constant 0 : i32
      %parallel_loop3A_176 = arith.cmpi slt, %parallel_loop3A_169, %parallel_loop3A_175 : i32
      %parallel_loop3A_177 = arith.xori %parallel_loop3A_174, %parallel_loop3A_176 : i1
      %parallel_loop3A_178 = arith.andi %parallel_loop3A_177, %parallel_loop3A_172 : i1
      %parallel_loop3A_179 = arith.addi %parallel_loop3A_170, %parallel_loop3A_169 : i32
      %parallel_loop3A_180 = arith.select %parallel_loop3A_178, %parallel_loop3A_179, %parallel_loop3A_170 : i32
      %parallel_loop3A_181 = arith.constant 16 : i32
      %parallel_loop3A_182 = arith.muli %parallel_loop3A_181, %parallel_loop3A_180 : i32
      %parallel_loop3A_183 = arith.index_cast %parallel_loop3A_164 : i32 to index
      %parallel_loop3A_184 = arith.index_cast %parallel_loop3A_182 : i32 to index
      %parallel_loop3A_185 = tpu.vector_load %arg10[%parallel_loop3A_183, %parallel_loop3A_184] {strides = array<i32>} : memref<32x384xf32, #tpu.memory_space<vmem>>, vector<16xf32>,
      %parallel_loop3A_186 = arith.constant 0.000000e+00 : f32
      %parallel_loop3A_187 = vector.broadcast %parallel_loop3A_186 : f32 to vector<16xf32>
      %parallel_loop3A_188 = arith.cmpf ogt, %parallel_loop3A_185, %parallel_loop3A_187 : vector<16xf32>
      %parallel_loop3A_189 = arith.select %parallel_loop3A_188, %broadcast_in_dim3A_132, %broadcast_in_dim3A_134 : vector<16xi1>, vector<16xf32>
      %parallel_loop3A_190 = arith.constant 16 : i32
      %parallel_loop3A_191 = arith.muli %parallel_loop3A_190, %parallel_loop3A_180 : i32
      %parallel_loop3A_192 = arith.index_cast %parallel_loop3A_164 : i32 to index
      %parallel_loop3A_193 = arith.index_cast %parallel_loop3A_191 : i32 to index
      %parallel_loop3A_194 = tpu.vector_load %arg10[%parallel_loop3A_192, %parallel_loop3A_193] {strides = array<i32>} : memref<32x384xf32, #tpu.memory_space<vmem>>, vector<16xf32>,
      tpu.vector_store %arg10[%parallel_loop3A_192, %parallel_loop3A_193], %parallel_loop3A_189 {strides = array<i32>} : memref<32x384xf32, #tpu.memory_space<vmem>>, vector<16xf32>,
    } {sc.loop_unroll_factor = 8 : i64, sc.parallel_access}
    %mul3A_138 = arith.constant 384 : i32
    %mul3A_139 = arith.muli %add3A, %mul3A_138 : i32
    "tpu.region"() ({
      %run_scoped3A = tpu.sem_alloc : memref<!tpu.dma_semaphore, #tpu.memory_space<semaphore_mem>>
      %dma_start3A_140 = arith.constant 0 : i32
      %dma_start3A_141 = tpu.memref_slice %arg5[%dma_start3A_140, %mul3A_139] : memref<32x12288xf32, #tpu.memory_space<hbm>> -> memref<32x384xf32, #tpu.memory_space<hbm>>
      %dma_start3A_142 = arith.constant 0 : i32
      %dma_start3A_143 = tpu.memref_slice %arg5[%dma_start3A_142, %mul3A_139] : memref<32x12288xf32, #tpu.memory_space<hbm>> -> memref<32x384xf32, #tpu.memory_space<hbm>>
      tpu.enqueue_dma source(%arg10 : memref<32x384xf32, #tpu.memory_space<vmem>>) target(%dma_start3A_143 : memref<32x384xf32, #tpu.memory_space<hbm>>) target_semaphore(%run_scoped3A : memref<!tpu.dma_semaphore, #tpu.memory_space<semaphore_mem>>)
      %dma_wait3A = arith.constant 0 : i32
      %dma_wait3A_144 = tpu.memref_slice %arg5[%dma_wait3A, %mul3A_139] : memref<32x12288xf32, #tpu.memory_space<hbm>> -> memref<32x384xf32, #tpu.memory_space<hbm>>
      %dma_wait3A_145 = arith.constant 0 : i32
      %dma_wait3A_146 = tpu.memref_slice %arg5[%dma_wait3A_145, %mul3A_139] : memref<32x12288xf32, #tpu.memory_space<hbm>> -> memref<32x384xf32, #tpu.memory_space<hbm>>
      tpu.wait_dma2 semaphore(%run_scoped3A : memref<!tpu.dma_semaphore, #tpu.memory_space<semaphore_mem>>) src(%arg10 : memref<32x384xf32, #tpu.memory_space<vmem>>) dst(%dma_wait3A_146 : memref<32x384xf32, #tpu.memory_space<hbm>>)
      tpu.yield
    }) : () -> ()
    return
  }
}

module attributes {stable_mosaic.version = 14 : i64} {
  func.func @_classify_body(%arg0: memref<32x12288xf32, #tpu.memory_space<vmem>>, %arg1: memref<26x12288xf32, #tpu.memory_space<vmem>>, %arg2: memref<32x26xf32, #tpu.memory_space<vmem>>) attributes {dimension_semantics = [], scalar_prefetch = 0 : i64, scratch_operands = 0 : i64, tpu.core_type = #tpu.core_type<tc>} {
    %get3A = arith.constant 0 : index
    %get3A_0 = arith.constant 0 : index
    %get3A_1 = vector.load %arg0[%get3A, %get3A_0] : memref<32x12288xf32, #tpu.memory_space<vmem>>, vector<32x12288xf32>
    %get3A_2 = arith.constant 0 : index
    %get3A_3 = arith.constant 0 : index
    %get3A_4 = vector.load %arg1[%get3A_2, %get3A_3] : memref<26x12288xf32, #tpu.memory_space<vmem>>, vector<26x12288xf32>
    %dot_general3A = arith.constant dense<0.000000e+00> : vector<32x26xf32>
    %dot_general3A_5 = tpu.matmul %get3A_1, %get3A_4, %dot_general3A {dimension_numbers = #tpu.dot_dimension_numbers<[1], [1], [0], [0], [0, 0, 1, 0], [], []>, transpose_lhs_hint = false} : vector<32x12288xf32>, vector<26x12288xf32>, vector<32x26xf32> -> vector<32x26xf32>
    %swap3A = arith.constant 0 : index
    %swap3A_6 = arith.constant 0 : index
    %swap3A_7 = vector.load %arg2[%swap3A, %swap3A_6] : memref<32x26xf32, #tpu.memory_space<vmem>>, vector<32x26xf32>
    tpu.vector_store %arg2[%swap3A, %swap3A_6], %dot_general3A_5 {strides = array<i32>} : memref<32x26xf32, #tpu.memory_space<vmem>>, vector<32x26xf32>,
    return
  }
}

</mosaic_0001>

<sc_bundles>
// kernel: kernel.4.cloned.1.call-start
scs
__scs_entry_jumppad:
0x0: {  	(pc) =	sbr.rel $0x88, $3  }
0x1: {  	(tag) =	ssettag $0x0;
	lr =	simm.s32 $0x1  }
0x2: {  	[smem:$0x3F9D] =	sst lr;
	_ =	strace $0xD0000000  }
0x3: {  	_ = 	snop  }
0x4: {  	_ = 	snop  }
0x5: {  	_ = 	snop  }
0x6: {  	_ = 	snop  }
0x7: {  	_ = 	snop  }
__scs_overlays_trampoline_lowered:
0x8: {  	[smem:$0x3FAC] =	sst s0  }
0x9: {  	[smem:$0x3FAD] =	sst s1  }
0xa: {  	[smem:$0x3FAE] =	sst s2  }
0xb: {  	[smem:$0x3FAF] =	sst s3  }
0xc: {  	[smem:$0x3FB0] =	sst s4  }
0xd: {  	[smem:$0x3FB1] =	sst s5  }
0xe: {  	[smem:$0x3FB2] =	sst s6  }
0xf: {  	[smem:$0x3FB3] =	sst s7  }
0x10: {  	[smem:$0x3FB4] =	sst s8  }
0x11: {  	[smem:$0x3FB5] =	sst s9;
	s0 =	simm.s32 @!p0 $0x0  }
0x12: {  	s1 =	sld [smem:$0x3F9B];
	s0 =	simm.s32 @p0 $0x1  }
0x13: {  	[smem:$0x3FB6] =	sst s0;
	s0 =	simm.s32 @!p1 $0x0  }
0x14: {  	s2 =	sld [smem:$0x3F9A];
	s0 =	simm.s32 @p1 $0x1  }
0x15: {  	[smem:$0x3FB7] =	sst s0;
	s0 =	simm.s32 @!p2 $0x0  }
0x16: {  	s3 =	sld [smem:$0x3FDB];
	s0 =	simm.s32 @p2 $0x1  }
0x17: {  	s4 =	simm.s32 $0x1BF5;
	[smem:$0x3FB9] =	sst s0  }
0x18: {  	s0 =	sld [smem:$0x3F9C];
	_ =	swait.ge [sflag:s4], $0x0  }
0x19: {  	s7 =	sld [smem:$0x3F9D]  }
0x1a: {  	s8 =	sadd.s32 $0xFFFFE003, lr  }
0x1b: {  	s9 =	sadd.s32 $0xFFFFFEF7, lr;
	s5 =	simm.s32 $0xFFFFFFFF;
	p2 =	slt.u32 s8, $0xFFFFF086  }
0x1c: {  	p1 =	slt.u32 s9, $0xF7A;
	s5 =	simm.s32 @!p2 $0x0  }
0x1d: {  	s5 =	simm.s32 @p1 $0x1;
	p0 =	seq.s32 s7, s2  }
0x1e: {  	s7 =	smul.u32 @!p0 $0xF7A, s2;
	p2 =	seq.s32 @!p0 s5, $0x0  }
0x1f: {  	s9 =	smul.u32 $0xF7A, s1;
	s8 =	simm.s32 @!p0 $0x1BF5;
	p2 =	por !p2, p0  }
0x20: {  	[sflag:s8] =	ssyncset.s32 @!p0 $0xFFFFF086;
	s6 =	sadd.s32 @!p0 s3, s7;
	s7 =	simm.s32 @!p0 $0x108  }
0x21: {  	s3 =	sadd.s32 s3, s9;
	s6 =	sadd.s32 @!p0 $0x88, s6;
	s7 =	simm.s32 @p2 $0x1082  }
0x22: {  	[simem:s7], [sflag:s8] =	dma.local @!p0 [hbm:s6], $0xF7A  }
0x23: {  	s9 =	sor.u32 $0xD0000000, s2;
	s6 =	simm.s32 $0x108;
	_ =	swait.ge @!p0 [sflag:s8], $0x0  }
0x24: {  	s3 =	sadd.s32 $0x88, s3;
	s6 =	simm.s32 @!p1 $0x1082;
	[sflag:s4] =	ssyncset.s32 $0xFFFFF086  }
0x25: {  	[simem:s6], [sflag:s4] =	dma.local [hbm:s3], $0xF7A  }
0x26: {  	[smem:$0x3F9D] =	sst s1;
	(tag) =	ssettag s2;
	_ =	strace s9  }
0x27: {  	s1 =	sld [smem:$0x3FAD]  }
0x28: {  	s2 =	sld [smem:$0x3FAE]  }
0x29: {  	s4 =	sld [smem:$0x3FB0]  }
0x2a: {  	p0 =	seq.s32 s5, $0x0;
	s5 =	sld [smem:$0x3FB1]  }
0x2b: {  	s6 =	sld [smem:$0x3FB2]  }
0x2c: {  	s7 =	sld [smem:$0x3FB3]  }
0x2d: {  	s3 =	simm.s32 $0x108;
	s8 =	sld [smem:$0x3FB4]  }
0x2e: {  	s3 =	simm.s32 @!p0 $0x1082;
	s9 =	sld [smem:$0x3FB5]  }
0x2f: {  	lr =	sadd.s32 s0, s3;
	s0 =	sld [smem:$0x3FAC]  }
0x30: {  	s3 =	sld [smem:$0x3FAF]  }
0x31: {  	[smem:$0x3FB8] =	sst s10  }
0x32: {  	s10 =	sld [smem:$0x3FB6];
	_ =	sdelay $0x3  }
0x33: {  	p0 =	seq.s32 s10, $0x1;
	s10 =	sld [smem:$0x3FB8];
	_ =	sdelay $0x3  }
0x34: {  	[smem:$0x3FB8] =	sst s10  }
0x35: {  	s10 =	sld [smem:$0x3FB7];
	_ =	sdelay $0x3  }
0x36: {  	p1 =	seq.s32 s10, $0x1;
	s10 =	sld [smem:$0x3FB8];
	_ =	sdelay $0x3  }
0x37: {  	[smem:$0x3FB8] =	sst s10  }
0x38: {  	s10 =	sld [smem:$0x3FB9]  }
0x39: {  	_ = 	snop;
	(pc) =	sbr.ind lr, $3  }
0x3a: {  	_ = 	snop  }
0x3b: {  	_ = 	snop  }
0x3c: {  	p2 =	seq.s32 s10, $0x1;
	s10 =	sld [smem:$0x3FB8]  }
0x3d: {  	_ =	shalt  }
0x3e: {  	_ =	shalt  }
0x3f: {  	_ =	shalt  }
0x40: {  	_ =	shalt  }
0x41: {  	_ =	shalt  }
0x42: {  	_ =	shalt  }
0x43: {  	_ =	shalt  }
0x44: {  	_ =	shalt  }
0x45: {  	_ =	shalt  }
0x46: {  	_ =	shalt  }
0x47: {  	_ =	shalt  }
0x48: {  	_ =	shalt  }
0x49: {  	_ =	shalt  }
0x4a: {  	_ =	shalt  }
0x4b: {  	_ =	shalt  }
0x4c: {  	_ =	shalt  }
0x4d: {  	_ =	shalt  }
0x4e: {  	_ =	shalt  }
0x4f: {  	_ =	shalt  }
0x50: {  	_ =	shalt  }
0x51: {  	_ =	shalt  }
0x52: {  	_ =	shalt  }
0x53: {  	_ =	shalt  }
0x54: {  	_ =	shalt  }
0x55: {  	_ =	shalt  }
0x56: {  	_ =	shalt  }
0x57: {  	_ =	shalt  }
0x58: {  	_ =	shalt  }
0x59: {  	_ =	shalt  }
0x5a: {  	_ =	shalt  }
0x5b: {  	_ =	shalt  }
0x5c: {  	_ =	shalt  }
0x5d: {  	_ =	shalt  }
0x5e: {  	_ =	shalt  }
0x5f: {  	_ =	shalt  }
0x60: {  	_ =	shalt  }
0x61: {  	_ =	shalt  }
0x62: {  	_ =	shalt  }
0x63: {  	_ =	shalt  }
0x64: {  	_ =	shalt  }
0x65: {  	_ =	shalt  }
0x66: {  	_ =	shalt  }
0x67: {  	_ =	shalt  }
0x68: {  	_ =	shalt  }
0x69: {  	_ =	shalt  }
0x6a: {  	_ =	shalt  }
0x6b: {  	_ =	shalt  }
0x6c: {  	_ =	shalt  }
0x6d: {  	_ =	shalt  }
0x6e: {  	_ =	shalt  }
0x6f: {  	_ =	shalt  }
0x70: {  	_ =	shalt  }
0x71: {  	_ =	shalt  }
0x72: {  	_ =	shalt  }
0x73: {  	_ =	shalt  }
0x74: {  	_ =	shalt  }
0x75: {  	_ =	shalt  }
0x76: {  	_ =	shalt  }
0x77: {  	_ =	shalt  }
0x78: {  	_ =	shalt  }
0x79: {  	_ =	shalt  }
0x7a: {  	_ =	shalt  }
0x7b: {  	_ =	shalt  }
0x7c: {  	_ =	shalt  }
0x7d: {  	_ =	shalt  }
0x7e: {  	_ =	shalt  }
0x7f: {  	_ =	shalt  }
0x80: {  	_ =	shalt  }
0x81: {  	_ =	shalt  }
0x82: {  	_ =	shalt  }
0x83: {  	_ =	shalt  }
0x84: {  	_ =	shalt  }
0x85: {  	_ =	shalt  }
0x86: {  	_ =	shalt  }
0x87: {  	_ =	shalt  }
.Lfunc_end0:
.L_simem_size_0:
called_computation_lowered:
.L_overlay_start_0:
0x88: {  	s2 =	sld [smem:$0x3FD9]  }
0x89: {  	s3 =	sld [smem:$0x3FFE];
	_ =	sdelay $0x1  }
0x8a: {  	s1 =	srdreg.scid  }
0x8b: {  	s0 =	sand.u32 $0x1, s1  }
0x8c: {  	s16 =	sshll.u32 s0, $0xA;
	s2 =	sadd.s32 s3, s2  }
0x8d: {  	s2 =	sadd.s32 s2, s16  }
0x8e: {  	[smem:$0x3FC4] =	sst s2  }
0x8f: {  	_ = 	snop  }
0x90: {  	(tm) =	ssettm $0x1  }
0x91: {  	s17 =	sld [smem:$0x3FFB];
	_ =	sdelay $0x3  }
0x92: {  	_ =	strace s17  }
0x93: {  	s2 =	sld [smem:$0x3FFC];
	_ =	sdelay $0x3  }
0x94: {  	_ =	strace s2  }
0x95: {  	s2 =	sld [smem:$0x3FFD];
	_ =	sdelay $0x3  }
0x96: {  	_ =	strace s2  }
0x97: {  	_ =	strace $0x8FFFFFFF  }
0x98: {  	s18 =	sld [smem:$0x3FDB];
	_ =	sdelay $0x1  }
0x99: {  	s19 =	simm.s32 $_scs_section_size  }
0x9a: {  	s4 =	simm.s32 $_size__tile_overlayer_lowered;
	s5 =	simm.s32 $_tile_overlayer_lowered  }
0x9b: {  	s22 =	simm.s32 $0x1BFF;
	s21 =	sshll.u32 s5, $0x1;
	s2 =	sadd.s32 s19, s18  }
0x9c: {  	s6 =	simm.s32 $0x0;
	s20 =	sshll.u32 s4, $0x1;
	s4 =	sadd.s32 s21, s2  }
0x9d: {  	[timem:s6], [sflag:s22] =	dma.local [hbm:s4], s20  }
0x9e: {  	_ =	swait.ge [sflag:s22], s20  }
0x9f: {  	s3 =	ssub.s32 $0x0, s20;
	[sflag:s22] =	ssyncset.done $0x0  }
0xa0: {  	[sflag:s22] =	ssyncadd.s32 s3;
	_ =	sdelay $0x1  }
0xa1: {  	s23 =	simm.s32 $0x1B8B  }
0xa2: {  	_ =	swait.ge [sflag:s23], $0x1  }
0xa3: {  	[sflag:s23] =	ssyncset.done $0x0  }
0xa4: {  	s25 =	simm.s32 $0x1B8E;
	s24 =	sld [smem:$0x3FFE];
	[sflag:s23] =	ssyncadd.s32 $0xFFFFFFFF  }
0xa5: {  	s26 =	simm.s32 $execute0_lowered;
	[smem:$0x3FD2] =	sst s25  }
0xa6: {  	s4 =	sshll.u32 s26, $0x1;
	_ =	strace $0x80000046;
	[dreg:$0x1] =	wrdreg $0xFFFFFFFF  }
0xa7: {  	s28 =	simm.s32 $_size_execute0_lowered;
	s2 =	sadd.s32 s2, s4;
	[dreg:$0x0] =	wrdreg $0x0  }
0xa8: {  	s4 =	sshll.u32 s28, $0x1;
	[dreg:$0x2] =	wrdreg s2  }
0xa9: {  	[dreg:$0x3] =	wrdreg s4  }
0xaa: {  	[dreg:$0x4] =	wrdreg $0xC0  }
0xab: {  	_ =	task [dreg:s6], $0x5FFFF  }
0xac: {  	[dreg:$0x1] =	wrdreg $0xFFFFFFFF  }
0xad: {  	[dreg:$0x0] =	wrdreg $0x60  }
0xae: {  	[dreg:$0x2] =	wrdreg s24  }
0xaf: {  	[dreg:$0x3] =	wrdreg $0x9  }
0xb0: {  	_ =	task.clear_ibuf [dreg:s6], $0x4FFFF;
	_ =	strace $0x90000046  }
0xb1: {  	s29 =	simm.s32 $0x9;
	_ =	strace $0x80000048  }
0xb2: {  	_ =	swait.ge [sflag:s29], $0x1  }
0xb3: {  	[sflag:s29] =	ssyncadd.s32 $0xFFFFFFFF  }
0xb4: {  	_ =	strace $0x90000048  }
0xb5: {  	_ =	sfence  }
0xb6: {  	s30 =	sld [smem:$0x0];
	_ =	sdelay $0x2  }
0xb7: {  	s31 =	sshll.u32 s1, $0xD;
	s1 =	sshrl.u32 s1, $0x2  }
0xb8: {  	s3 =	sand.u32 $0x4000, s31;
	s1 =	sadd.s32 s1, s30  }
0xb9: {  	s0 =	sor.u32 s3, s0;
	s1 =	sshll.u32 s1, $0x11  }
0xba: {  	s0 =	sor.u32 s1, s0  }
0xbb: {  	s0 =	sadd.s32 $0x8F2B, s0  }
0xbc: {  	[sflag:s0] =	ssyncadd.remote.s32 $0x1  }
0xbd: {  	_ =	sfence.sel $0xFFFF  }
0xbe: {  	[dreg:$0x0] =	wrdreg $0xFFFFFFFF;
	(pc) =	sbr.abs _section_cstart, $3  }
0xbf: {  	[dreg:$0x1] =	wrdreg $0xFFFFFFFF  }
0xc0: {  	_ =	task.clear_ibuf [dreg:s6], $0x2FFFF;
	_ =	strace $0x9FFFFFFF  }
0xc1: {  	(tm) =	ssettm $0x7FFFFFFF  }
tec
execute0_lowered:
.L_overlay_start_1:
0x0: {  	(tag) =	ssettag $0x1  }
0x1: {  	s0 =	srdreg.scid  }
0x2: {  	s3 =	stileid.u32;
	s1 =	rddreg [dreg:$0x0];
	s5 =	simm.s32 $0x0  }
0x3: {  	s0 =	sand.u32 $0x1, s0;
	s2 =	sshll.u32 s3, $0x1;
	s3 =	sshrl.u32 s3, $0x2  }
0x4: {  	[smem:$0x7FF] =	sst s5;
	s26 =	sadd.s32 $0xC8E00, s1;
	s29 =	sadd.s32 $0xE00, s1  }
0x5: {  	s2 =	sor.u32 s0, s2;
	s3 =	smul.u32 $0x4B000, s3;
	_ =	strace $0x80000047  }
0x6: {  	[smem:$0x7F5] =	sst s26;
	s6 =	ssub.s32 $0x2, s0;
	s20 =	sshll.u32 s0, $0x6  }
0x7: {  	[smem:$0x7F7] =	sst s29;
	s4 =	sshll.u32 s2, $0x7;
	s30 =	smul.u32 $0x180, s2  }
0x8: {  	s2 =	smul.u32 $0x140, s2;
	s31 =	sshrl.u32 s6, $0x1;
	s7 =	sadd.s32 $0x70, s20  }
0x9: {  	s8 =	sadd.s32 $0xC0, s20;
	s9 =	sadd.s32 $0xD0, s20;
	s10 =	sadd.s32 $0xE0, s20  }
0xa: {  	v0 =	vlaneseq.u32;
	s11 =	sadd.s32 $0xF0, s20;
	s4 =	sand.u32 $0x380, s4;
	s17 =	sshll.u32 s7, $0x3  }
0xb: {  	v32 =	vor.u32 s20, v0;
	s18 =	sshll.u32 s8, $0x3;
	s19 =	sshll.u32 s9, $0x3;
	s21 =	sshll.u32 s10, $0x3  }
0xc: {  	v27 =	vor.u32 s10, v0;
	[tilespmem:$0x1FF10] =	vst v32;
	s3 =	sor.u32 s3, s4;
	s4 =	ssub.s32 s6, s31;
	s2 =	ssub.s32 s2, s20  }
0xd: {  	v21 =	vor.u32 s9, v0;
	s6 =	sadd.s32 $0x40, s20;
	s26 =	sand.u32 $0x400, s17;
	s17 =	sand.u32 $0x70, s11;
	[tilespmem:$0x1FF60] =	vst v27  }
0xe: {  	v29 =	vor.u32 s11, v0;
	s31 =	sadd.s32 $0x60, s20;
	s24 =	sand.u32 $0xC00, s18;
	[tilespmem:$0x1FF80] =	vst v21;
	[dreg:$0x12] =	wrdreg s17  }
0xf: {  	v15 =	vor.u32 s7, v0;
	s28 =	sand.u32 $0xC00, s19;
	s23 =	sand.u32 $0xC00, s21;
	[tilespmem:$0x1FF90] =	vst v29;
	[dreg:$0x5] =	wrdreg s26  }
0x10: {  	v19 =	vor.u32 s8, v0;
	s18 =	sor.u32 $0x100, s20;
	s19 =	sor.u32 $0x110, s20;
	[tilespmem:$0x1FFD0] =	vst v15;
	[dreg:$0x6] =	wrdreg s24  }
0x11: {  	s21 =	sor.u32 $0x120, s20;
	[tilespmem:$0x1FFF0] =	vst v19;
	s3 =	sshrl.u32 s3, $0x3;
	v63 =	vmov s17;
	[dreg:$0x7] =	wrdreg s28  }
0x12: {  	s13 =	sshll.u32 s6, $0x3;
	s0 =	smax.u32 s4, $0x1;
	v22 =	vor.u32 s18, v0;
	[dreg:$0x8] =	wrdreg s23;
	[tilespmem:$0x1FEB0] =	vst v63  }
0x13: {  	s4 =	sand.u32 $0x40, s8;
	s8 =	sand.u32 $0x60, s10;
	v52 =	vor.u32 s19, v0;
	[smem:$0x7FB] =	sst s0;
	[tilespmem:$0x1FEF0] =	vst v22  }
0x14: {  	v30 =	vor.u32 s21, v0;
	s16 =	sand.u32 $0x400, s13;
	s13 =	sand.u32 $0x40, s6;
	[dreg:$0xf] =	wrdreg s4;
	[tilespmem:$0x1FF00] =	vst v52  }
0x15: {  	v24 =	vor.u32 s6, v0;
	s6 =	sand.u32 $0x70, s7;
	s7 =	sand.u32 $0x50, s9;
	[dreg:$0x11] =	wrdreg s8;
	[tilespmem:$0x1FF70] =	vst v30  }
0x16: {  	s2 =	sshll.u32 s2, $0x3;
	v17 =	vor.u32 s31, v0;
	s3 =	sadd.s32 s3, s1;
	[tilespmem:$0x1FFA0] =	vst v24;
	[dreg:$0x10] =	wrdreg s7  }
0x17: {  	s1 =	sadd.s32 s30, s1;
	s30 =	sadd.s32 $0x50, s20;
	v60 =	vmov s4;
	[tilespmem:$0x1FFC0] =	vst v17;
	[dreg:$0x2] =	wrdreg s16  }
0x18: {  	s2 =	sand.u32 $0x7FFFFC00, s2;
	v62 =	vmov s8;
	s3 =	sadd.s32 $0xC9800, s3;
	[tilespmem:$0x1FE80] =	vst v60;
	[dreg:$0xe] =	wrdreg s6  }
0x19: {  	s12 =	sshrl.u32 s2, $0x3;
	s25 =	sadd.s32 $0xA0000, s2;
	v56 =	vmov s13;
	[tilespmem:$0x1FEA0] =	vst v62;
	[smem:$0x7F6] =	sst s3  }
0x1a: {  	s14 =	sshll.u32 s30, $0x3;
	s2 =	sadd.s32 $0xF0000, s2;
	v59 =	vmov s6;
	[smem:$0x7F8] =	sst s25;
	[tilespmem:$0x1FE40] =	vst v56  }
0x1b: {  	s1 =	sadd.s32 $0xEF000, s1;
	v61 =	vmov s7;
	s5 =	sadd.s32 s29, s12;
	[smem:$0x7F9] =	sst s2;
	[tilespmem:$0x1FE70] =	vst v59  }
0x1c: {  	v16 =	vor.u32 s30, v0;
	s12 =	sand.u32 $0x400, s14;
	[smem:$0x7FA] =	sst s1;
	s14 =	sand.u32 $0x50, s30;
	[tilespmem:$0x1FE90] =	vst v61  }
0x1d: {  	s29 =	sor.u32 $0x10, s20;
	s30 =	sor.u32 $0x80, s20;
	[tilespmem:$0x1FFB0] =	vst v16;
	[dreg:$0x3] =	wrdreg s12;
	v57 =	vmov s14  }
0x1e: {  	s2 =	sor.u32 $0xA0, s20;
	v28 =	vor.u32 s30, v0;
	[dreg:$0xa] =	wrdreg s29;
	[tilespmem:$0x1FE50] =	vst v57  }
0x1f: {  	s15 =	sshll.u32 s31, $0x3;
	v26 =	vor.u32 s2, v0;
	[smem:$0x7FC] =	sst s5;
	[tilespmem:$0x1FEC0] =	vst v28  }
0x20: {  	s25 =	sor.u32 $0x130, s20;
	s12 =	sand.u32 $0x400, s15;
	v54 =	vor.u32 s29, v0;
	[dreg:$0xc] =	wrdreg s14;
	[tilespmem:$0x1FEE0] =	vst v26  }
0x21: {  	s3 =	sor.u32 $0xB0, s20;
	v31 =	vor.u32 s25, v0;
	s29 =	sadd.s32 $0xA000, s5;
	[dreg:$0x4] =	wrdreg s12;
	[tilespmem:$0x1FF20] =	vst v54  }
0x22: {  	s15 =	sand.u32 $0x60, s31;
	v18 =	vor.u32 s3, v0;
	s30 =	smov.u32 s13;
	[smem:$0x7FD] =	sst s29;
	[tilespmem:$0x1FF30] =	vst v31  }
0x23: {  	s22 =	sshll.u32 s11, $0x3;
	s31 =	sor.u32 $0x90, s20;
	v58 =	vmov s15;
	[dreg:$0xb] =	wrdreg s30;
	[tilespmem:$0x1FFE0] =	vst v18  }
0x24: {  	s12 =	sand.u32 $0xC00, s22;
	v51 =	vor.u32 s31, v0;
	s22 =	sor.u32 $0x20, s20;
	[dreg:$0xd] =	wrdreg s15;
	[tilespmem:$0x1FE60] =	vst v58  }
0x25: {  	s31 =	sor.u32 $0x30, s20;
	[dreg:$0x9] =	wrdreg s12;
	v33 =	vor.u32 s22, v0;
	[tilespmem:$0x1FED0] =	vst v51  }
0x26: {  	s0 =	simm.s32 $0xA000;
	[dreg:$0x13] =	wrdreg s22;
	v34 =	vor.u32 s31, v0;
	[tilespmem:$0x1FF40] =	vst v33  }
0x27: {  	v23 =	vimm.f32 $0.0e+00;
	s9 =	simm.s32 $0x3;
	s2 =	simm.s32 $0x0;
	[dreg:$0x14] =	wrdreg s31;
	[tilespmem:$0x1FF50] =	vst v34  }
.LBB2_1:
0x28: {  	s1 =	sld [smem:$0x7F6];
	_ =	sdelay $0x1  }
0x29: {  	[smem:$0x7F4] =	sst s2;
	s25 =	simm.s32 $0x80;
	s3 =	simm.s32 $0x400  }
0x2a: {  	[tilespmem:s0], [sflag:$0x3] =	stream.strided.gather [hbm4b:s1+s25], $0x9600, s3, s25, $0x38;
	[tilespmem:$0x1C600] =	vst v63  }
0x2b: {  	_ =	swait.ge [sflag:s9], $0x9600  }
0x2c: {  	s30 =	sld [smem:$0x7F5]  }
0x2d: {  	[sflag:s9] =	ssyncset.done $0x0  }
0x2e: {  	s29 =	simm.s32 $0x0;
	[sflag:s9] =	ssyncadd.s32 $0xFFFF6A00  }
0x2f: {  	[tilespmem:s29], [sflag:$0x3] =	stream.linear.gather [hbm4b:s30+s29], $0x5000, $0x38;
	[tilespmem:$0x1C600] =	vst v63  }
0x30: {  	_ =	swait.ge [sflag:s9], $0x5000  }
0x31: {  	[sflag:s9] =	ssyncset.done $0x0  }
0x32: {  	s31 =	simm.s32 $0x40;
	[sflag:s9] =	ssyncadd.s32 $0xFFFFB000  }
0x33: {  	v0 =	vld [tilespmem:s31+$0x30]  }
0x34: {  	v1 =	vld [tilespmem:s31+$0xFFFFFFD0]  }
0x35: {  	v2 =	vld [tilespmem:s31+$0xFFFFFFE0]  }
0x36: {  	v3 =	vld [tilespmem:s31+$0xFFFFFFF0]  }
0x37: {  	v4 =	vld [tilespmem:s31+$0x0]  }
0x38: {  	v5 =	vld [tilespmem:s31+$0x10];
	_ =	sdelay $0x1  }
0x39: {  	v6 =	vld [tilespmem:s31+$0x20];
	v0 =	vmul.f32 $1.000000000e+02, v0  }
0x3a: {  	v7 =	vld [tilespmem:s31+$0xFFFFFFC0];
	v1 =	vmul.f32 $1.000000000e+02, v1;
	v2 =	vmul.f32 $1.000000000e+02, v2  }
0x3b: {  	v3 =	vmul.f32 $1.000000000e+02, v3;
	v4 =	vmul.f32 $1.000000000e+02, v4  }
0x3c: {  	v5 =	vmul.f32 $1.000000000e+02, v5;
	v0 =	vtrunc.f32 v0  }
0x3d: {  	v1 =	vtrunc.f32 v1;
	v2 =	vtrunc.f32 v2  }
0x3e: {  	v8 =	vtrunc.f32 v3;
	v3 =	vmul.f32 $1.000000000e+02, v6  }
0x3f: {  	v6 =	vmul.f32 $1.000000000e+02, v7;
	v0 =	vcvt.f32.s32 v0  }
0x40: {  	v7 =	vtrunc.f32 v4;
	v9 =	vtrunc.f32 v5  }
0x41: {  	v5 =	vcvt.f32.s32 v2;
	v2 =	vcvt.f32.s32 v7;
	vm0 =	vgt.s32 v0, $0x0  }
0x42: {  	v10 =	vtrunc.f32 v3;
	v4 =	vtrunc.f32 v6;
	v0 =	vnsel vm0, $0x0, v0  }
0x43: {  	v3 =	vcvt.f32.s32 v1;
	v1 =	vcvt.f32.s32 v9;
	v0 =	vmin.u32 v0, $0x63  }
0x44: {  	v6 =	vcvt.f32.s32 v4;
	v4 =	vcvt.f32.s32 v8;
	v11 =	vmul.u32 $0x180, v0  }
0x45: {  	s3 =	simm.s32 $0x5040;
	vm3 =	vgt.s32 v5, $0x0;
	vm1 =	vgt.s32 v2, $0x0;
	v0 =	vcvt.f32.s32 v10  }
0x46: {  	s2 =	simm.s32 $0xC0;
	s4 =	simm.s32 $0x5040;
	s1 =	simm.s32 $0x0;
	vm0 =	vgt.s32 v3, $0x0;
	vm4 =	vgt.s32 v6, $0x0;
	vm2 =	vgt.s32 v4, $0x0;
	[tilespmem:s3+$0x30] =	vst v11  }
.LBB2_2:
0x47: {  	v7 =	vld [tilespmem:s2+$0x30];
	s1 =	sadd.s32 $0x8, s1;
	v6 =	vnsel vm4, $0x0, v6;
	vm4 =	vgt.s32 v1, $0x0;
	vm5 =	vgt.s32 v0, $0x0  }
0x48: {  	v3 =	vnsel vm0, $0x0, v3;
	v5 =	vnsel vm3, $0x0, v5;
	v4 =	vnsel vm2, $0x0, v4;
	v8 =	vld [tilespmem:s2+$0xFFFFFFD0];
	p0 =	slt.u32 s1, $0x4F8  }
0x49: {  	v2 =	vnsel vm1, $0x0, v2;
	v1 =	vnsel vm4, $0x0, v1;
	v0 =	vnsel vm5, $0x0, v0;
	v9 =	vld [tilespmem:s2+$0xFFFFFFE0]  }
0x4a: {  	v6 =	vmin.u32 v6, $0x63;
	v3 =	vmin.u32 v3, $0x63;
	v5 =	vmin.u32 v5, $0x63;
	v10 =	vld [tilespmem:s2+$0xFFFFFFF0]  }
0x4b: {  	v4 =	vmin.u32 v4, $0x63;
	v2 =	vmin.u32 v2, $0x63;
	v1 =	vmin.u32 v1, $0x63;
	v11 =	vld [tilespmem:s2+$0x0]  }
0x4c: {  	v6 =	vmul.u32 $0x180, v6;
	v0 =	vmin.u32 v0, $0x63;
	v12 =	vld [tilespmem:s2+$0x10];
	v7 =	vmul.f32 $1.000000000e+02, v7  }
0x4d: {  	v3 =	vmul.u32 $0x180, v3;
	v5 =	vmul.u32 $0x180, v5;
	v8 =	vmul.f32 $1.000000000e+02, v8;
	v13 =	vld [tilespmem:s2+$0x20]  }
0x4e: {  	v4 =	vmul.u32 $0x180, v4;
	v14 =	vld [tilespmem:s2+$0xFFFFFFC0];
	v9 =	vmul.f32 $1.000000000e+02, v9;
	v7 =	vtrunc.f32 v7;
	[tilespmem:s3+$0xFFFFFFC0] =	vst v6  }
0x4f: {  	v2 =	vmul.u32 $0x180, v2;
	v6 =	vmul.f32 $1.000000000e+02, v10;
	v7 =	vcvt.f32.s32 v7;
	[tilespmem:s3+$0xFFFFFFD0] =	vst v3  }
0x50: {  	v1 =	vmul.u32 $0x180, v1;
	v3 =	vtrunc.f32 v8;
	v8 =	vmul.f32 $1.000000000e+02, v11;
	[tilespmem:s3+$0xFFFFFFE0] =	vst v5  }
0x51: {  	v5 =	vtrunc.f32 v9;
	v9 =	vmul.f32 $1.000000000e+02, v12;
	vm0 =	vgt.s32 v7, $0x0;
	[tilespmem:s3+$0xFFFFFFF0] =	vst v4  }
0x52: {  	v4 =	vtrunc.f32 v6;
	v6 =	vmul.f32 $1.000000000e+02, v13;
	v7 =	vnsel vm0, $0x0, v7;
	[tilespmem:s3+$0x0] =	vst v2  }
0x53: {  	v8 =	vtrunc.f32 v8;
	v2 =	vmul.f32 $1.000000000e+02, v14;
	v7 =	vmin.u32 v7, $0x63;
	[tilespmem:s3+$0x10] =	vst v1  }
0x54: {  	v1 =	vtrunc.f32 v9;
	v9 =	vtrunc.f32 v6;
	v7 =	vmul.u32 $0x180, v7  }
.Ltmp0:
0x55: {  	v0 =	vmul.u32 $0x180, v0;
	v3 =	vcvt.f32.s32 v3;
	s3 =	sadd.s32 $0x80, s3;
	v2 =	vtrunc.f32 v2;
	(pc) =	sbr.rel @p0 .LBB2_2-.Ltmp0, $4  }
0x56: {  	v5 =	vcvt.f32.s32 v5;
	v6 =	vcvt.f32.s32 v2;
	[tilespmem:s3+$0x30] =	vst v7  }
0x57: {  	vm0 =	vgt.s32 v3, $0x0;
	v4 =	vcvt.f32.s32 v4;
	v2 =	vcvt.f32.s32 v8;
	[tilespmem:s4+$0x20] =	vst v0;
	s4 =	smov.u32 s3  }
0x58: {  	v1 =	vcvt.f32.s32 v1;
	v0 =	vcvt.f32.s32 v9;
	vm4 =	vgt.s32 v6, $0x0  }
0x59: {  	s2 =	sadd.s32 $0x80, s2;
	vm3 =	vgt.s32 v5, $0x0;
	vm2 =	vgt.s32 v4, $0x0;
	vm1 =	vgt.s32 v2, $0x0  }
0x5a: {  	s2 =	simm.s32 $0x0  }
0x5b: {  	s7 =	smul.u32 $0xAAAB, s2;
	s9 =	sor.u32 $0x1, s2;
	s12 =	sor.u32 $0x2, s2  }
0x5c: {  	s6 =	sor.u32 $0x4, s2;
	s1 =	sor.u32 $0x5, s2;
	s14 =	sand.u32 $0xFFFF, s12  }
0x5d: {  	s8 =	sor.u32 $0x7, s2;
	s15 =	sand.u32 $0xFFFF, s9;
	s14 =	smul.u32 $0xAAAB, s14  }
0x5e: {  	s10 =	sor.u32 $0x6, s2;
	s17 =	sand.u32 $0xFFFF, s8;
	s15 =	smul.u32 $0xAAAB, s15  }
0x5f: {  	s19 =	sor.u32 $0x3, s2;
	s16 =	sand.u32 $0xFFFF, s10;
	s17 =	smul.u32 $0xAAAB, s17  }
0x60: {  	s13 =	sand.u32 $0xFFFF, s6;
	s11 =	sand.u32 $0xFFFF, s1;
	s16 =	smul.u32 $0xAAAB, s16  }
0x61: {  	s29 =	sand.u32 $0xFFFF, s19;
	s18 =	sshrl.u32 s7, $0x17;
	s13 =	smul.u32 $0xAAAB, s13  }
0x62: {  	s21 =	sshrl.u32 s7, $0xD;
	s31 =	sshrl.u32 s7, $0x14;
	s11 =	smul.u32 $0xAAAB, s11  }
0x63: {  	s18 =	smul.u32 $0x3000, s18;
	s5 =	sand.u32 $0x380, s21;
	s14 =	sshrl.u32 s14, $0x11  }
0x64: {  	s15 =	sshrl.u32 s15, $0x11;
	s17 =	sshrl.u32 s17, $0x11;
	s16 =	sshrl.u32 s16, $0x11  }
0x65: {  	s13 =	sshrl.u32 s13, $0x11;
	s11 =	sshrl.u32 s11, $0x11;
	s14 =	sand.u32 $0x18, s14  }
0x66: {  	s15 =	sand.u32 $0x18, s15;
	s30 =	sshrl.u32 s18, $0x2;
	s18 =	smul.u32 $0x18, s31  }
0x67: {  	v6 =	vnsel vm4, $0x0, v6;
	vm15 =	vgt.s32 v1, $0x0;
	s16 =	sand.u32 $0x18, s16;
	s17 =	sand.u32 $0x18, s17;
	s13 =	sand.u32 $0x18, s13  }
0x68: {  	vm5 =	vgt.s32 v0, $0x0;
	v3 =	vnsel vm0, $0x0, v3;
	v6 =	vmin.u32 v6, $0x63;
	s11 =	sand.u32 $0x18, s11;
	s12 =	sadd.s32 s14, s12;
	s15 =	sadd.s32 s15, s9  }
0x69: {  	v5 =	vnsel vm3, $0x0, v5;
	v3 =	vmin.u32 v3, $0x63;
	v6 =	vmul.u32 $0x180, v6;
	s14 =	smul.u32 $0xAAAB, s29;
	s9 =	sadd.s32 $0x19600, s30;
	s10 =	sadd.s32 s16, s10  }
0x6a: {  	v4 =	vnsel vm2, $0x0, v4;
	v5 =	vmin.u32 v5, $0x63;
	v3 =	vmul.u32 $0x180, v3;
	s6 =	sadd.s32 s13, s6;
	s1 =	sadd.s32 s11, s1;
	s12 =	sshll.u32 s12, $0x7  }
0x6b: {  	v2 =	vnsel vm1, $0x0, v2;
	v4 =	vmin.u32 v4, $0x63;
	v5 =	vmul.u32 $0x180, v5;
	[tilespmem:s3+$0xFFFFFFC0] =	vst v6;
	s15 =	sshll.u32 s15, $0x7;
	s18 =	ssub.s32 $0x0, s18;
	s6 =	sshll.u32 s6, $0x7  }
0x6c: {  	v2 =	vmin.u32 v2, $0x63;
	v0 =	vnsel vm5, $0x0, v0;
	v4 =	vmul.u32 $0x180, v4;
	[tilespmem:s3+$0xFFFFFFD0] =	vst v3;
	s1 =	sshll.u32 s1, $0x7;
	s22 =	sshll.u32 s10, $0x7;
	s14 =	sshrl.u32 s14, $0x11  }
0x6d: {  	v1 =	vnsel vm15, $0x0, v1;
	v2 =	vmul.u32 $0x180, v2;
	v0 =	vmin.u32 v0, $0x63;
	[tilespmem:s3+$0xFFFFFFE0] =	vst v5;
	s12 =	sand.u32 $0xC00, s12;
	s15 =	sand.u32 $0xC00, s15;
	s18 =	sand.u32 $0xFFFF, s18  }
0x6e: {  	v1 =	vmin.u32 v1, $0x63;
	v0 =	vmul.u32 $0x180, v0;
	[tilespmem:s3+$0xFFFFFFF0] =	vst v4;
	s21 =	sand.u32 $0xC00, s6;
	s1 =	sand.u32 $0xC00, s1;
	s25 =	sand.u32 $0xC00, s22  }
0x6f: {  	v1 =	vmul.u32 $0x180, v1;
	[tilespmem:s3+$0x0] =	vst v2;
	s14 =	sand.u32 $0x18, s14;
	s12 =	sadd.s32 s12, s9;
	s15 =	sadd.s32 s15, s9  }
0x70: {  	[tilespmem:s4+$0x20] =	vst v0;
	s18 =	sshll.u32 s18, $0x7;
	s4 =	sadd.s32 s21, s9;
	s1 =	sadd.s32 s1, s9  }
0x71: {  	[tilespmem:s3+$0x10] =	vst v1;
	s31 =	sadd.s32 s25, s9;
	s14 =	sadd.s32 s14, s19;
	s12 =	sadd.s32 s5, s12  }
0x72: {  	s15 =	sadd.s32 s5, s15;
	s19 =	sadd.s32 s17, s8;
	s14 =	sshll.u32 s14, $0x7;
	[tilespmem:s12+$0x20] =	vst v23  }
0x73: {  	s4 =	sadd.s32 s5, s4;
	s3 =	sshll.u32 s19, $0x7;
	[tilespmem:s15+$0x10] =	vst v23;
	s14 =	sand.u32 $0xC00, s14  }
0x74: {  	s1 =	sadd.s32 s5, s1;
	[tilespmem:s4+$0x40] =	vst v23;
	s3 =	sand.u32 $0xC00, s3;
	s14 =	sadd.s32 s14, s9  }
0x75: {  	s30 =	sadd.s32 s18, s9;
	[tilespmem:s1+$0x50] =	vst v23;
	s3 =	sadd.s32 s3, s9;
	s29 =	sadd.s32 s5, s14  }
0x76: {  	s1 =	sadd.s32 s5, s31;
	s4 =	sadd.s32 s5, s3;
	s3 =	sadd.s32 s5, s30;
	[tilespmem:s29+$0x30] =	vst v23  }
.LBB2_4:
0x77: {  	s2 =	sadd.s32 $0x8, s2  }
0x78: {  	[tilespmem:s3+$0x0] =	vst v23;
	s6 =	smul.u32 $0xAAAB, s2;
	s10 =	sor.u32 $0x1, s2  }
0x79: {  	s11 =	sor.u32 $0x2, s2;
	[tilespmem:s1+$0x60] =	vst v23;
	s3 =	sor.u32 $0x4, s2;
	s1 =	sor.u32 $0x5, s2  }
0x7a: {  	s8 =	sor.u32 $0x6, s2;
	[tilespmem:s4+$0x70] =	vst v23;
	s12 =	sand.u32 $0xFFFF, s3;
	s9 =	sand.u32 $0xFFFF, s1  }
0x7b: {  	s4 =	sor.u32 $0x7, s2;
	s7 =	sand.u32 $0xFFFF, s10;
	s13 =	sand.u32 $0xFFFF, s8  }
0x7c: {  	s16 =	sand.u32 $0xFFFF, s11;
	s14 =	sand.u32 $0xFFFF, s4;
	s7 =	smul.u32 $0xAAAB, s7  }
0x7d: {  	s15 =	sshrl.u32 s6, $0x17;
	s16 =	smul.u32 $0xAAAB, s16  }
0x7e: {  	s18 =	sor.u32 $0x3, s2;
	s17 =	sshrl.u32 s6, $0xD;
	s13 =	smul.u32 $0xAAAB, s13  }
0x7f: {  	s19 =	sshrl.u32 s6, $0x14;
	s6 =	sand.u32 $0xFFFF, s18;
	s14 =	smul.u32 $0xAAAB, s14  }
0x80: {  	p0 =	slt.u32 s2, $0x2F8;
	s15 =	smul.u32 $0x3000, s15  }
0x81: {  	s9 =	smul.u32 $0xAAAB, s9;
	s7 =	sshrl.u32 s7, $0x11;
	s14 =	sshrl.u32 s14, $0x11  }
0x82: {  	s22 =	smul.u32 $0xAAAB, s6;
	s15 =	sshrl.u32 s15, $0x2;
	s21 =	sand.u32 $0x18, s7  }
0x83: {  	s13 =	sshrl.u32 s13, $0x11;
	s7 =	sadd.s32 $0x19600, s15;
	s15 =	sshrl.u32 s16, $0x11  }
0x84: {  	s6 =	sand.u32 $0x380, s17;
	s16 =	sshrl.u32 s22, $0x11;
	s15 =	sand.u32 $0x18, s15  }
0x85: {  	s17 =	smul.u32 $0x18, s19;
	s11 =	sadd.s32 s15, s11;
	s15 =	sand.u32 $0x18, s16  }
0x86: {  	s10 =	sadd.s32 s21, s10;
	s11 =	sshll.u32 s11, $0x7;
	s15 =	sadd.s32 s15, s18  }
0x87: {  	s10 =	sshll.u32 s10, $0x7;
	s11 =	sand.u32 $0xC00, s11;
	s15 =	sshll.u32 s15, $0x7  }
0x88: {  	s16 =	ssub.s32 s2, s17;
	s10 =	sand.u32 $0xC00, s10;
	s11 =	sadd.s32 s11, s7  }
0x89: {  	s16 =	sand.u32 $0xFFFF, s16;
	s10 =	sadd.s32 s10, s7;
	s11 =	sadd.s32 s6, s11  }
0x8a: {  	s16 =	sshll.u32 s16, $0x7;
	s10 =	sadd.s32 s6, s10;
	[tilespmem:s11+$0x20] =	vst v23;
	s11 =	smul.u32 $0xAAAB, s12  }
0x8b: {  	s9 =	sshrl.u32 s9, $0x11;
	s12 =	sand.u32 $0x18, s13;
	[tilespmem:s10+$0x10] =	vst v23;
	s10 =	sand.u32 $0xC00, s15  }
0x8c: {  	s8 =	sadd.s32 s12, s8;
	s12 =	sand.u32 $0x18, s14;
	s11 =	sshrl.u32 s11, $0x11  }
0x8d: {  	s9 =	sand.u32 $0x18, s9;
	s10 =	sadd.s32 s10, s7;
	s11 =	sand.u32 $0x18, s11  }
0x8e: {  	s1 =	sadd.s32 s9, s1;
	s4 =	sadd.s32 s12, s4;
	s3 =	sadd.s32 s11, s3  }
0x8f: {  	s1 =	sshll.u32 s1, $0x7;
	s4 =	sshll.u32 s4, $0x7;
	s3 =	sshll.u32 s3, $0x7  }
0x90: {  	s1 =	sand.u32 $0xC00, s1;
	s4 =	sand.u32 $0xC00, s4;
	s3 =	sand.u32 $0xC00, s3  }
.Ltmp1:
0x91: {  	s4 =	sadd.s32 s4, s7;
	s3 =	sadd.s32 s3, s7;
	(pc) =	sbr.rel @p0 .LBB2_4-.Ltmp1, $4  }
0x92: {  	s1 =	sadd.s32 s1, s7;
	s8 =	sshll.u32 s8, $0x7;
	s3 =	sadd.s32 s6, s3  }
0x93: {  	s1 =	sadd.s32 s6, s1;
	s9 =	sadd.s32 s6, s10;
	[tilespmem:s3+$0x40] =	vst v23;
	s3 =	sand.u32 $0xC00, s8  }
0x94: {  	s4 =	sadd.s32 s6, s4;
	s8 =	sadd.s32 s16, s7;
	[tilespmem:s1+$0x50] =	vst v23;
	s1 =	sadd.s32 s3, s7  }
0x95: {  	s3 =	sadd.s32 s6, s8;
	[tilespmem:s9+$0x30] =	vst v23;
	s1 =	sadd.s32 s6, s1  }
0x96: {  	[tilespmem:s3+$0x0] =	vst v23  }
0x97: {  	[tilespmem:s1+$0x60] =	vst v23  }
0x98: {  	[tilespmem:s4+$0x70] =	vst v23  }
0x99: {  	s1 =	sld [smem:$0x7FC]  }
0x9a: {  	s30 =	simm.s32 $0x0;
	s25 =	sld [smem:$0x7FD]  }
0x9b: {  	[smem:$0x7F3] =	sst s30  }
0x9c: {  	s16 =	rddreg [dreg:$0x9]  }
0x9d: {  	s18 =	rddreg [dreg:$0xa]  }
0x9e: {  	s15 =	rddreg [dreg:$0x11]  }
0x9f: {  	s2 =	simm.s32 $0xC00;
	s19 =	rddreg [dreg:$0x12]  }
0xa0: {  	s21 =	simm.s32 $0x14000;
	s22 =	simm.s32 $0x13600;
	s31 =	rddreg [dreg:$0x13]  }
0xa1: {  	[tilespmem:s22], [sflag:$0x1] =	stream.strided.gather [hbm4b:s1+s2], $0x3000, s21, s2, $0x38;
	[tilespmem:$0x1C600] =	vst v63  }
0xa2: {  	s29 =	simm.s32 $0x16600;
	s22 =	rddreg [dreg:$0x10]  }
0xa3: {  	[tilespmem:s29], [sflag:$0x2] =	stream.strided.gather [hbm4b:s25+s2], $0x3000, s21, s2, $0x38;
	[tilespmem:$0x1C600] =	vst v63  }
0xa4: {  	v54 =	vld [tilespmem:$0x1FF20];
	s2 =	simm.s32 $0x0;
	s21 =	rddreg [dreg:$0xf]  }
.LBB2_6:
0xa5: {  	s1 =	simm.s32 $0x1  }
0xa6: {  	_ =	swait.ge [sflag:s1], $0x3000;
	[dreg:$0x15] =	wrdreg s2  }
0xa7: {  	[sflag:s1] =	ssyncset.done $0x0;
	[smem:$0x7F2] =	sst s2  }
0xa8: {  	s3 =	simm.s32 $0x0;
	s13 =	rddreg [dreg:$0x14];
	[sflag:s1] =	ssyncadd.s32 $0xFFFFD000  }
.LBB2_7:
0xa9: {  	v1 =	vld [tilespmem:$0x1FE40]  }
0xaa: {  	s1 =	sshrl.u32 s3, $0x3  }
0xab: {  	s1 =	smul.u32 $0x3000, s1  }
0xac: {  	s2 =	sshll.u32 s3, $0x7  }
0xad: {  	s2 =	sand.u32 $0x380, s2;
	s1 =	sshra.s32 s1, $0x2  }
0xae: {  	s1 =	sor.u32 s2, s1  }
0xaf: {  	s29 =	rddreg [dreg:$0x2];
	s2 =	sadd.s32 $0x13600, s1  }
0xb0: {  	s10 =	sadd.s32 s29, s2  }
0xb1: {  	v37 =	vld.idx.msk [tilespmem:v1+s10+$0x0 ss:$0x1], $0xffff  }
0xb2: {  	v1 =	vld [tilespmem:$0x1FE50];
	_ =	sdelay $0x5  }
0xb3: {  	s14 =	rddreg [dreg:$0x3]  }
0xb4: {  	s11 =	sadd.s32 s14, s2  }
0xb5: {  	v38 =	vld.idx.msk [tilespmem:v1+s11+$0x0 ss:$0x1], $0xffff  }
0xb6: {  	v1 =	vld [tilespmem:$0x1FE60];
	_ =	sdelay $0x5  }
0xb7: {  	s17 =	rddreg [dreg:$0x4]  }
0xb8: {  	s12 =	sadd.s32 s17, s2  }
0xb9: {  	v39 =	vld.idx.msk [tilespmem:v1+s12+$0x0 ss:$0x1], $0xffff  }
0xba: {  	v1 =	vld [tilespmem:$0x1FE70];
	_ =	sdelay $0x3  }
0xbb: {  	s4 =	rddreg [dreg:$0x15]  }
0xbc: {  	v2 =	vld [tilespmem:$0x1FE80];
	[dreg:$0x15] =	wrdreg s4;
	s4 =	sadd.s32 $0xFFFFFFFC, s4;
	s6 =	sor.u32 s20, s2  }
0xbd: {  	s7 =	sor.u32 s18, s2;
	v8 =	vld [tilespmem:s6+$0x0];
	s6 =	sadd.s32 $0x6, s4  }
0xbe: {  	s25 =	sadd.s32 s26, s2;
	v9 =	vld [tilespmem:s7+$0x0];
	s7 =	sadd.s32 $0x4, s4;
	v0 =	vmov s6  }
0xbf: {  	v0 =	vand.u32 $0xFFFFFFFE, v0;
	v40 =	vld.idx.msk [tilespmem:v1+s25+$0x0 ss:$0x1], $0xffff;
	v1 =	vmov s7  }
0xc0: {  	v0 =	vbroadcast v0, $0x0;
	v1 =	vand.u32 $0xFFFFFFFC, v1  }
0xc1: {  	s5 =	sadd.s32 $0x13A00, s1;
	s9 =	sor.u32 s13, s2;
	v1 =	vbroadcast v1, $0x0  }
0xc2: {  	s8 =	sor.u32 s31, s2;
	v35 =	vld [tilespmem:s9+$0x0];
	s9 =	sor.u32 s20, s5;
	s10 =	sor.u32 s18, s5  }
0xc3: {  	v14 =	vld [tilespmem:s8+$0x0];
	s12 =	sor.u32 s31, s5;
	s25 =	sor.u32 s13, s5;
	s5 =	sadd.s32 s24, s2  }
0xc4: {  	v46 =	vld.idx.msk [tilespmem:v2+s5+$0x0 ss:$0x1], $0xffff  }
0xc5: {  	[smem:$0x7F0] =	sst s3;
	s8 =	simm.s32 $0x5000;
	v2 =	vld [tilespmem:$0x1FE90]  }
0xc6: {  	s11 =	sadd.s32 $0x5, s4;
	v22 =	vld.idx.msk [tilespmem:v0+s8+$0x0], $0xffff  }
0xc7: {  	v0 =	vmov s11;
	v53 =	vld.idx.msk [tilespmem:v1+s8+$0x0], $0xffff  }
0xc8: {  	v0 =	vand.u32 $0xFFFFFFFD, v0;
	v1 =	vld [tilespmem:$0x1FEA0]  }
0xc9: {  	v3 =	vld [tilespmem:$0x1FEB0];
	v0 =	vbroadcast v0, $0x0  }
0xca: {  	s1 =	sadd.s32 $0x13E00, s1;
	v41 =	vld [tilespmem:s9+$0x0]  }
0xcb: {  	s9 =	sor.u32 s20, s1;
	v43 =	vld [tilespmem:s10+$0x0]  }
0xcc: {  	s6 =	sadd.s32 s28, s2;
	v36 =	vld [tilespmem:s9+$0x0]  }
0xcd: {  	v47 =	vld.idx.msk [tilespmem:v2+s6+$0x0 ss:$0x1], $0xffff;
	v2 =	vadd.s32 v32, v22  }
0xce: {  	v44 =	vld [tilespmem:s12+$0x0]  }
0xcf: {  	s4 =	sadd.s32 $0x7, s4;
	v52 =	vld.idx.msk [tilespmem:v0+s8+$0x0], $0xffff;
	s7 =	sadd.s32 s23, s2  }
0xd0: {  	s12 =	sor.u32 s18, s1;
	v48 =	vld.idx.msk [tilespmem:v1+s7+$0x0 ss:$0x1], $0xffff;
	v1 =	vmov s4  }
0xd1: {  	v11 =	vld [tilespmem:s12+$0x0]  }
0xd2: {  	s10 =	simm.s32 $0x0;
	v0 =	vld.idx.msk [tilespmem:v2+s0+$0x0], $0xffff;
	v2 =	vadd.s32 v32, v53  }
0xd3: {  	s11 =	smul.u32 $0x3000, s10;
	s2 =	sadd.s32 s16, s2;
	v45 =	vld [tilespmem:s25+$0x0]  }
0xd4: {  	v42 =	vld.idx.msk [tilespmem:v3+s2+$0x0 ss:$0x1], $0xffff  }
0xd5: {  	s28 =	simm.s32 $0x100;
	s25 =	sor.u32 s31, s1;
	s6 =	sshra.s32 s11, $0x2;
	v25 =	vld.idx.msk [tilespmem:v1+s8+$0x0], $0xffff;
	v1 =	vadd.s32 v54, v22  }
0xd6: {  	v10 =	vld [tilespmem:s25+$0x0];
	s9 =	sadd.s32 $0x19600, s6;
	s7 =	sand.u32 $0x300, s28  }
0xd7: {  	s1 =	sor.u32 s13, s1;
	v3 =	vadd.s32 v32, v52;
	s10 =	sadd.s32 s7, s9;
	v0 =	vmul.f32 v0, v8;
	v2 =	vld.idx.msk [tilespmem:v2+s0+$0x0], $0xffff  }
0xd8: {  	v13 =	vld [tilespmem:s1+$0x0];
	s4 =	sor.u32 s20, s10  }
0xd9: {  	[tilespmem:s4+$0x0] =	vst.add.f32.msk $0xffff, v0  }
0xda: {  	s5 =	simm.s32 $0x0;
	v4 =	vadd.s32 v32, v25;
	v0 =	vld.idx.msk [tilespmem:v1+s0+$0x0], $0xffff  }
0xdb: {  	s4 =	sand.u32 $0x200, s5;
	v1 =	vadd.s32 v54, v53  }
0xdc: {  	v3 =	vld.idx.msk [tilespmem:v3+s0+$0x0], $0xffff;
	s1 =	sadd.s32 s4, s9;
	v2 =	vmul.f32 v2, v8  }
0xdd: {  	v5 =	vadd.s32 v33, v22;
	s8 =	sor.u32 s20, s1  }
0xde: {  	[tilespmem:s8+$0x0] =	vst.add.f32.msk $0xffff, v2  }
0xdf: {  	v6 =	vadd.s32 v54, v52;
	s11 =	simm.s32 $0x80;
	v4 =	vld.idx.msk [tilespmem:v4+s0+$0x0], $0xffff;
	v0 =	vmul.f32 v0, v9  }
0xe0: {  	s3 =	sand.u32 $0x280, s11;
	s12 =	sor.u32 s18, s10;
	v1 =	vld.idx.msk [tilespmem:v1+s0+$0x0], $0xffff  }
0xe1: {  	v3 =	vmul.f32 v3, v8;
	s2 =	sadd.s32 s3, s9;
	[tilespmem:s12+$0x0] =	vst.add.f32.msk $0xffff, v0  }
0xe2: {  	s11 =	simm.s32 $0x180;
	s12 =	sor.u32 s20, s2;
	v0 =	vld.idx.msk [tilespmem:v5+s0+$0x0], $0xffff  }
0xe3: {  	v2 =	vadd.s32 v54, v25;
	s8 =	sand.u32 $0x380, s11;
	[tilespmem:s12+$0x0] =	vst.add.f32.msk $0xffff, v3  }
0xe4: {  	s11 =	sadd.s32 s8, s9;
	v5 =	vadd.s32 v33, v53;
	v3 =	vld.idx.msk [tilespmem:v6+s0+$0x0], $0xffff;
	v4 =	vmul.f32 v4, v8  }
0xe5: {  	s25 =	sor.u32 s20, s11;
	v1 =	vmul.f32 v1, v9  }
0xe6: {  	s28 =	sor.u32 s18, s1;
	[tilespmem:s25+$0x0] =	vst.add.f32.msk $0xffff, v4  }
0xe7: {  	v4 =	vadd.s32 v34, v22;
	[tilespmem:s28+$0x0] =	vst.add.f32.msk $0xffff, v1  }
0xe8: {  	v6 =	vadd.s32 v33, v52;
	v2 =	vld.idx.msk [tilespmem:v2+s0+$0x0], $0xffff;
	v0 =	vmul.f32 v0, v14  }
0xe9: {  	s5 =	sor.u32 s31, s10;
	v1 =	vld.idx.msk [tilespmem:v5+s0+$0x0], $0xffff;
	v3 =	vmul.f32 v3, v9  }
0xea: {  	s25 =	sor.u32 s18, s2;
	[tilespmem:s5+$0x0] =	vst.add.f32.msk $0xffff, v0  }
0xeb: {  	v5 =	vadd.s32 v33, v25;
	[tilespmem:s25+$0x0] =	vst.add.f32.msk $0xffff, v3  }
0xec: {  	v0 =	vld.idx.msk [tilespmem:v4+s0+$0x0], $0xffff  }
0xed: {  	v4 =	vadd.s32 v34, v53;
	v3 =	vld.idx.msk [tilespmem:v6+s0+$0x0], $0xffff;
	v2 =	vmul.f32 v2, v9  }
0xee: {  	s28 =	sor.u32 s18, s11  }
0xef: {  	v1 =	vmul.f32 v1, v14;
	[tilespmem:s28+$0x0] =	vst.add.f32.msk $0xffff, v2  }
0xf0: {  	s5 =	sor.u32 s31, s1;
	v2 =	vadd.s32 v24, v22;
	v5 =	vld.idx.msk [tilespmem:v5+s0+$0x0], $0xffff  }
0xf1: {  	v6 =	vadd.s32 v34, v52;
	[tilespmem:s5+$0x0] =	vst.add.f32.msk $0xffff, v1;
	v0 =	vmul.f32 v0, v35  }
0xf2: {  	s10 =	sor.u32 s13, s10;
	v1 =	vld.idx.msk [tilespmem:v4+s0+$0x0], $0xffff;
	v3 =	vmul.f32 v3, v14  }
0xf3: {  	s12 =	sor.u32 s31, s2;
	v4 =	vadd.s32 v34, v25;
	[tilespmem:s10+$0x0] =	vst.add.f32.msk $0xffff, v0  }
0xf4: {  	[tilespmem:s12+$0x0] =	vst.add.f32.msk $0xffff, v3  }
0xf5: {  	v0 =	vld.idx.msk [tilespmem:v2+s0+$0x0], $0xffff;
	v3 =	vmul.f32 v5, v14  }
0xf6: {  	s25 =	sor.u32 s31, s11;
	v2 =	vadd.s32 v24, v53;
	v5 =	vld.idx.msk [tilespmem:v6+s0+$0x0], $0xffff  }
0xf7: {  	v1 =	vmul.f32 v1, v35;
	[tilespmem:s25+$0x0] =	vst.add.f32.msk $0xffff, v3  }
0xf8: {  	s1 =	sor.u32 s13, s1;
	v3 =	vadd.s32 v16, v22;
	v4 =	vld.idx.msk [tilespmem:v4+s0+$0x0], $0xffff  }
0xf9: {  	s10 =	sadd.s32 s29, s9;
	[tilespmem:s1+$0x0] =	vst.add.f32.msk $0xffff, v1  }
0xfa: {  	s28 =	sadd.s32 s7, s10;
	v6 =	vadd.s32 v24, v52;
	v0 =	vmul.f32 v0, v37;
	s29 =	rddreg [dreg:$0xb]  }
0xfb: {  	v1 =	vld.idx.msk [tilespmem:v2+s0+$0x0], $0xffff;
	s1 =	sadd.s32 s29, s28  }
0xfc: {  	v2 =	vadd.s32 v24, v25;
	v5 =	vmul.f32 v5, v35;
	[tilespmem:s1+$0x0] =	vst.add.f32.msk $0xffff, v0  }
0xfd: {  	s2 =	sor.u32 s13, s2;
	v0 =	vld.idx.msk [tilespmem:v3+s0+$0x0], $0xffff  }
0xfe: {  	[tilespmem:s2+$0x0] =	vst.add.f32.msk $0xffff, v5;
	v4 =	vmul.f32 v4, v35  }
0xff: {  	s5 =	sor.u32 s13, s11;
	v3 =	vadd.s32 v16, v53;
	v5 =	vld.idx.msk [tilespmem:v6+s0+$0x0], $0xffff  }
0x100: {  	s11 =	sadd.s32 s4, s10;
	v1 =	vmul.f32 v1, v37;
	[tilespmem:s5+$0x0] =	vst.add.f32.msk $0xffff, v4  }
0x101: {  	s12 =	sadd.s32 s29, s11;
	v4 =	vadd.s32 v17, v22;
	v2 =	vld.idx.msk [tilespmem:v2+s0+$0x0], $0xffff  }
0x102: {  	s2 =	sadd.s32 s14, s9;
	[tilespmem:s12+$0x0] =	vst.add.f32.msk $0xffff, v1  }
0x103: {  	v6 =	vadd.s32 v16, v52;
	s14 =	sadd.s32 s7, s2;
	v0 =	vmul.f32 v0, v38;
	s25 =	rddreg [dreg:$0xc]  }
0x104: {  	v1 =	vld.idx.msk [tilespmem:v3+s0+$0x0], $0xffff;
	s1 =	sadd.s32 s25, s14  }
0x105: {  	s28 =	sadd.s32 s3, s10;
	v3 =	vadd.s32 v16, v25;
	v5 =	vmul.f32 v5, v37;
	[tilespmem:s1+$0x0] =	vst.add.f32.msk $0xffff, v0  }
0x106: {  	s5 =	sadd.s32 s29, s28;
	v0 =	vld.idx.msk [tilespmem:v4+s0+$0x0], $0xffff  }
0x107: {  	s10 =	sadd.s32 s8, s10;
	[tilespmem:s5+$0x0] =	vst.add.f32.msk $0xffff, v5;
	v2 =	vmul.f32 v2, v37  }
0x108: {  	s10 =	sadd.s32 s29, s10;
	v4 =	vadd.s32 v17, v53;
	v5 =	vld.idx.msk [tilespmem:v6+s0+$0x0], $0xffff  }
0x109: {  	s11 =	sadd.s32 s4, s2;
	s12 =	smov.u32 s25;
	v1 =	vmul.f32 v1, v38;
	[tilespmem:s10+$0x0] =	vst.add.f32.msk $0xffff, v2  }
0x10a: {  	s14 =	sadd.s32 s12, s11;
	v2 =	vadd.s32 v15, v22;
	v3 =	vld.idx.msk [tilespmem:v3+s0+$0x0], $0xffff  }
0x10b: {  	s10 =	sadd.s32 s17, s9;
	[tilespmem:s14+$0x0] =	vst.add.f32.msk $0xffff, v1  }
0x10c: {  	v6 =	vadd.s32 v17, v52;
	s17 =	sadd.s32 s7, s10;
	v0 =	vmul.f32 v0, v39;
	s5 =	rddreg [dreg:$0xd]  }
0x10d: {  	v1 =	vld.idx.msk [tilespmem:v4+s0+$0x0], $0xffff;
	s1 =	sadd.s32 s5, s17  }
0x10e: {  	s25 =	sadd.s32 s3, s2;
	v4 =	vadd.s32 v17, v25;
	v5 =	vmul.f32 v5, v38;
	[tilespmem:s1+$0x0] =	vst.add.f32.msk $0xffff, v0  }
0x10f: {  	s28 =	sadd.s32 s12, s25;
	v0 =	vld.idx.msk [tilespmem:v2+s0+$0x0], $0xffff  }
0x110: {  	s2 =	sadd.s32 s8, s2;
	[tilespmem:s28+$0x0] =	vst.add.f32.msk $0xffff, v5;
	v3 =	vmul.f32 v3, v38  }
0x111: {  	s11 =	sadd.s32 s12, s2;
	v2 =	vadd.s32 v15, v53;
	v5 =	vld.idx.msk [tilespmem:v6+s0+$0x0], $0xffff  }
0x112: {  	s12 =	sadd.s32 s4, s10;
	v1 =	vmul.f32 v1, v39;
	[tilespmem:s11+$0x0] =	vst.add.f32.msk $0xffff, v3  }
0x113: {  	s14 =	sadd.s32 s5, s12;
	v3 =	vadd.s32 v28, v22;
	v4 =	vld.idx.msk [tilespmem:v4+s0+$0x0], $0xffff  }
0x114: {  	s2 =	sadd.s32 s26, s9;
	[tilespmem:s14+$0x0] =	vst.add.f32.msk $0xffff, v1  }
0x115: {  	s17 =	sadd.s32 s7, s2;
	v6 =	vadd.s32 v15, v52;
	v0 =	vmul.f32 v0, v40;
	s25 =	rddreg [dreg:$0xe]  }
0x116: {  	v1 =	vld.idx.msk [tilespmem:v2+s0+$0x0], $0xffff;
	s1 =	sadd.s32 s25, s17  }
0x117: {  	s26 =	sadd.s32 s3, s10;
	v2 =	vadd.s32 v15, v25;
	v5 =	vmul.f32 v5, v39;
	[tilespmem:s1+$0x0] =	vst.add.f32.msk $0xffff, v0  }
0x118: {  	s28 =	sadd.s32 s5, s26;
	v0 =	vld.idx.msk [tilespmem:v3+s0+$0x0], $0xffff  }
0x119: {  	s10 =	sadd.s32 s8, s10;
	v3 =	vadd.s32 v28, v53;
	[tilespmem:s28+$0x0] =	vst.add.f32.msk $0xffff, v5;
	v4 =	vmul.f32 v4, v39  }
0x11a: {  	s11 =	sadd.s32 s5, s10;
	v5 =	vld.idx.msk [tilespmem:v6+s0+$0x0], $0xffff  }
0x11b: {  	s12 =	sadd.s32 s4, s2;
	v1 =	vmul.f32 v1, v40;
	[tilespmem:s11+$0x0] =	vst.add.f32.msk $0xffff, v4;
	v4 =	vadd.s32 v51, v22  }
0x11c: {  	s14 =	sadd.s32 s25, s12;
	s11 =	sadd.s32 $0x19A00, s6;
	v2 =	vld.idx.msk [tilespmem:v2+s0+$0x0], $0xffff  }
0x11d: {  	v6 =	vadd.s32 v28, v52;
	[tilespmem:s14+$0x0] =	vst.add.f32.msk $0xffff, v1;
	s1 =	sadd.s32 s7, s11;
	v0 =	vmul.f32 v0, v41  }
0x11e: {  	v1 =	vld.idx.msk [tilespmem:v3+s0+$0x0], $0xffff;
	s17 =	sor.u32 s20, s1  }
0x11f: {  	s26 =	sadd.s32 s3, s2;
	v3 =	vadd.s32 v28, v25;
	v5 =	vmul.f32 v5, v40;
	[tilespmem:s17+$0x0] =	vst.add.f32.msk $0xffff, v0  }
0x120: {  	s28 =	sadd.s32 s25, s26;
	v0 =	vld.idx.msk [tilespmem:v4+s0+$0x0], $0xffff  }
0x121: {  	s2 =	sadd.s32 s8, s2;
	v4 =	vadd.s32 v51, v53;
	[tilespmem:s28+$0x0] =	vst.add.f32.msk $0xffff, v5;
	v2 =	vmul.f32 v2, v40  }
0x122: {  	s5 =	sadd.s32 s25, s2;
	v5 =	vld.idx.msk [tilespmem:v6+s0+$0x0], $0xffff  }
0x123: {  	s2 =	sadd.s32 s4, s11;
	v1 =	vmul.f32 v1, v41;
	[tilespmem:s5+$0x0] =	vst.add.f32.msk $0xffff, v2;
	v2 =	vadd.s32 v26, v22  }
0x124: {  	s12 =	sor.u32 s20, s2;
	v3 =	vld.idx.msk [tilespmem:v3+s0+$0x0], $0xffff  }
0x125: {  	v6 =	vadd.s32 v51, v52;
	[tilespmem:s12+$0x0] =	vst.add.f32.msk $0xffff, v1;
	v0 =	vmul.f32 v0, v43  }
0x126: {  	s14 =	sor.u32 s18, s1;
	v1 =	vld.idx.msk [tilespmem:v4+s0+$0x0], $0xffff  }
0x127: {  	s10 =	sadd.s32 s3, s11;
	v4 =	vadd.s32 v51, v25;
	v5 =	vmul.f32 v5, v41;
	[tilespmem:s14+$0x0] =	vst.add.f32.msk $0xffff, v0  }
0x128: {  	s17 =	sor.u32 s20, s10;
	v0 =	vld.idx.msk [tilespmem:v2+s0+$0x0], $0xffff  }
0x129: {  	s11 =	sadd.s32 s8, s11;
	v2 =	vadd.s32 v26, v53;
	[tilespmem:s17+$0x0] =	vst.add.f32.msk $0xffff, v5;
	v3 =	vmul.f32 v3, v41  }
0x12a: {  	s26 =	sor.u32 s20, s11;
	v5 =	vld.idx.msk [tilespmem:v6+s0+$0x0], $0xffff  }
0x12b: {  	v1 =	vmul.f32 v1, v43;
	[tilespmem:s26+$0x0] =	vst.add.f32.msk $0xffff, v3;
	v3 =	vadd.s32 v18, v22  }
0x12c: {  	s28 =	sor.u32 s18, s2;
	v4 =	vld.idx.msk [tilespmem:v4+s0+$0x0], $0xffff  }
0x12d: {  	v6 =	vadd.s32 v26, v52;
	[tilespmem:s28+$0x0] =	vst.add.f32.msk $0xffff, v1;
	v0 =	vmul.f32 v0, v44  }
0x12e: {  	s5 =	sor.u32 s31, s1;
	v1 =	vld.idx.msk [tilespmem:v2+s0+$0x0], $0xffff  }
0x12f: {  	v2 =	vadd.s32 v26, v25;
	v5 =	vmul.f32 v5, v43;
	[tilespmem:s5+$0x0] =	vst.add.f32.msk $0xffff, v0  }
0x130: {  	s14 =	sor.u32 s18, s10;
	v0 =	vld.idx.msk [tilespmem:v3+s0+$0x0], $0xffff  }
0x131: {  	v3 =	vadd.s32 v18, v53;
	[tilespmem:s14+$0x0] =	vst.add.f32.msk $0xffff, v5;
	v4 =	vmul.f32 v4, v43  }
0x132: {  	s17 =	sor.u32 s18, s11;
	v5 =	vld.idx.msk [tilespmem:v6+s0+$0x0], $0xffff  }
0x133: {  	v1 =	vmul.f32 v1, v44;
	[tilespmem:s17+$0x0] =	vst.add.f32.msk $0xffff, v4;
	v4 =	vadd.s32 v19, v22  }
0x134: {  	s26 =	sor.u32 s31, s2;
	v2 =	vld.idx.msk [tilespmem:v2+s0+$0x0], $0xffff  }
0x135: {  	v6 =	vadd.s32 v18, v52;
	[tilespmem:s26+$0x0] =	vst.add.f32.msk $0xffff, v1;
	v0 =	vmul.f32 v0, v45  }
0x136: {  	s1 =	sor.u32 s13, s1;
	v1 =	vld.idx.msk [tilespmem:v3+s0+$0x0], $0xffff  }
0x137: {  	v3 =	vadd.s32 v18, v25;
	v5 =	vmul.f32 v5, v44;
	[tilespmem:s1+$0x0] =	vst.add.f32.msk $0xffff, v0  }
0x138: {  	s28 =	sor.u32 s31, s10;
	v0 =	vld.idx.msk [tilespmem:v4+s0+$0x0], $0xffff  }
0x139: {  	[tilespmem:s28+$0x0] =	vst.add.f32.msk $0xffff, v5;
	v2 =	vmul.f32 v2, v44  }
0x13a: {  	s5 =	sor.u32 s31, s11;
	v4 =	vadd.s32 v19, v53;
	v5 =	vld.idx.msk [tilespmem:v6+s0+$0x0], $0xffff  }
0x13b: {  	[tilespmem:s5+$0x0] =	vst.add.f32.msk $0xffff, v2  }
0x13c: {  	v1 =	vmul.f32 v1, v45;
	v2 =	vadd.s32 v21, v22;
	v3 =	vld.idx.msk [tilespmem:v3+s0+$0x0], $0xffff  }
0x13d: {  	s12 =	sor.u32 s13, s2;
	s2 =	sadd.s32 s24, s9  }
0x13e: {  	s14 =	sadd.s32 s7, s2;
	[tilespmem:s12+$0x0] =	vst.add.f32.msk $0xffff, v1;
	v0 =	vmul.f32 v0, v46  }
0x13f: {  	s1 =	sadd.s32 s21, s14;
	v6 =	vadd.s32 v19, v52;
	v1 =	vld.idx.msk [tilespmem:v4+s0+$0x0], $0xffff  }
0x140: {  	v4 =	vadd.s32 v19, v25;
	v5 =	vmul.f32 v5, v45;
	[tilespmem:s1+$0x0] =	vst.add.f32.msk $0xffff, v0  }
0x141: {  	s17 =	sor.u32 s13, s10;
	v0 =	vld.idx.msk [tilespmem:v2+s0+$0x0], $0xffff;
	v3 =	vmul.f32 v3, v45  }
0x142: {  	s24 =	sor.u32 s13, s11;
	v2 =	vadd.s32 v21, v53;
	[tilespmem:s17+$0x0] =	vst.add.f32.msk $0xffff, v5  }
0x143: {  	[tilespmem:s24+$0x0] =	vst.add.f32.msk $0xffff, v3  }
0x144: {  	s26 =	sadd.s32 s4, s2;
	v5 =	vld.idx.msk [tilespmem:v6+s0+$0x0], $0xffff;
	v1 =	vmul.f32 v1, v46;
	v3 =	vadd.s32 v27, v22;
	s5 =	rddreg [dreg:$0x7]  }
0x145: {  	s28 =	sadd.s32 s21, s26;
	v4 =	vld.idx.msk [tilespmem:v4+s0+$0x0], $0xffff;
	s10 =	sadd.s32 s5, s9  }
0x146: {  	[tilespmem:s28+$0x0] =	vst.add.f32.msk $0xffff, v1;
	v0 =	vmul.f32 v0, v47;
	s11 =	sadd.s32 s7, s10  }
0x147: {  	v1 =	vadd.s32 v21, v52;
	v2 =	vld.idx.msk [tilespmem:v2+s0+$0x0], $0xffff;
	s1 =	sadd.s32 s22, s11  }
0x148: {  	[tilespmem:s1+$0x0] =	vst.add.f32.msk $0xffff, v0  }
0x149: {  	s12 =	sadd.s32 s3, s2;
	v5 =	vmul.f32 v5, v46;
	v3 =	vld.idx.msk [tilespmem:v3+s0+$0x0], $0xffff  }
0x14a: {  	v0 =	vadd.s32 v21, v25;
	s1 =	sadd.s32 s21, s12  }
0x14b: {  	s2 =	sadd.s32 s8, s2;
	[tilespmem:s1+$0x0] =	vst.add.f32.msk $0xffff, v5;
	v4 =	vmul.f32 v4, v46  }
0x14c: {  	s14 =	sadd.s32 s21, s2;
	s17 =	sadd.s32 s4, s10;
	v5 =	vadd.s32 v29, v22;
	v1 =	vld.idx.msk [tilespmem:v1+s0+$0x0], $0xffff;
	v2 =	vmul.f32 v2, v47  }
0x14d: {  	v6 =	vadd.s32 v27, v53;
	s2 =	sadd.s32 s22, s17;
	s1 =	sadd.s32 s23, s9;
	[tilespmem:s14+$0x0] =	vst.add.f32.msk $0xffff, v4  }
0x14e: {  	s24 =	sadd.s32 s7, s1;
	[tilespmem:s2+$0x0] =	vst.add.f32.msk $0xffff, v2;
	v3 =	vmul.f32 v3, v48  }
0x14f: {  	v4 =	vadd.s32 v27, v52;
	s26 =	sadd.s32 s15, s24;
	v0 =	vld.idx.msk [tilespmem:v0+s0+$0x0], $0xffff  }
0x150: {  	[tilespmem:s26+$0x0] =	vst.add.f32.msk $0xffff, v3  }
0x151: {  	s28 =	sadd.s32 s3, s10;
	v1 =	vmul.f32 v1, v47;
	v3 =	vld.idx.msk [tilespmem:v5+s0+$0x0], $0xffff  }
0x152: {  	s2 =	sadd.s32 s22, s28;
	v5 =	vld.idx.msk [tilespmem:v6+s0+$0x0], $0xffff  }
0x153: {  	[tilespmem:s2+$0x0] =	vst.add.f32.msk $0xffff, v1  }
0x154: {  	v2 =	vadd.s32 v27, v25;
	v1 =	vld.idx.msk [tilespmem:v4+s0+$0x0], $0xffff  }
0x155: {  	s10 =	sadd.s32 s8, s10;
	v0 =	vmul.f32 v0, v47;
	v49 =	vld [tilespmem:$0x1FEF0]  }
0x156: {  	s5 =	sadd.s32 s22, s10  }
0x157: {  	s2 =	sadd.s32 s16, s9;
	[tilespmem:s5+$0x0] =	vst.add.f32.msk $0xffff, v0  }
0x158: {  	s14 =	sadd.s32 s4, s1;
	s11 =	sadd.s32 s7, s2;
	s10 =	rddreg [dreg:$0x15];
	v3 =	vmul.f32 v3, v42  }
0x159: {  	s17 =	sadd.s32 s15, s14;
	v2 =	vld.idx.msk [tilespmem:v2+s0+$0x0], $0xffff;
	s9 =	sadd.s32 $0x0, s10;
	s10 =	sadd.s32 s19, s11;
	v5 =	vmul.f32 v5, v48  }
0x15a: {  	s26 =	sadd.s32 s3, s1;
	v4 =	vadd.s32 v49, v22;
	s12 =	sadd.s32 $0x6, s9;
	s24 =	sadd.s32 $0x4, s9;
	v1 =	vmul.f32 v1, v48;
	[tilespmem:s10+$0x0] =	vst.add.f32.msk $0xffff, v3  }
0x15b: {  	v0 =	vadd.s32 v29, v53;
	s5 =	sadd.s32 s15, s26;
	s28 =	sadd.s32 $0x5, s9;
	v6 =	vmov s12;
	[tilespmem:s17+$0x0] =	vst.add.f32.msk $0xffff, v5;
	v5 =	vmov s24  }
0x15c: {  	v3 =	vand.u32 $0xFFFFFFFE, v6;
	v5 =	vand.u32 $0xFFFFFFFC, v5;
	v6 =	vmov s28;
	[tilespmem:s5+$0x0] =	vst.add.f32.msk $0xffff, v1  }
0x15d: {  	v7 =	vadd.s32 v29, v52;
	v1 =	vbroadcast v5, $0x0;
	v5 =	vand.u32 $0xFFFFFFFD, v6;
	v6 =	vld [tilespmem:$0x1FF00]  }
0x15e: {  	v3 =	vbroadcast v3, $0x0  }
0x15f: {  	v4 =	vld.idx.msk [tilespmem:v4+s0+$0x0], $0xffff;
	_ =	sdelay $0x1  }
0x160: {  	s1 =	sadd.s32 s8, s1;
	v0 =	vld.idx.msk [tilespmem:v0+s0+$0x0], $0xffff;
	v2 =	vmul.f32 v2, v48  }
0x161: {  	s12 =	sadd.s32 s15, s1;
	v7 =	vld.idx.msk [tilespmem:v7+s0+$0x0], $0xffff;
	v5 =	vbroadcast v5, $0x0;
	v6 =	vadd.s32 v6, v22  }
0x162: {  	s30 =	smov.u32 s31;
	s1 =	sadd.s32 $0x19E00, s6;
	s15 =	simm.s32 $0x5000;
	[tilespmem:s12+$0x0] =	vst.add.f32.msk $0xffff, v2  }
0x163: {  	s31 =	smov.u32 s13;
	s14 =	sadd.s32 $0x7, s9;
	s13 =	sadd.s32 s7, s1;
	v50 =	vld.idx.msk [tilespmem:v3+s15+$0x0], $0xffff;
	v3 =	vadd.s32 v29, v25;
	v2 =	vmul.f32 v4, v36  }
0x164: {  	s17 =	sor.u32 s20, s13;
	v56 =	vld.idx.msk [tilespmem:v1+s15+$0x0], $0xffff;
	v4 =	vmov s14  }
0x165: {  	[tilespmem:s17+$0x0] =	vst.add.f32.msk $0xffff, v2  }
0x166: {  	v2 =	vld.idx.msk [tilespmem:v6+s0+$0x0], $0xffff;
	v6 =	vadd.s32 v49, v53  }
0x167: {  	v12 =	vld.idx.msk [tilespmem:v5+s15+$0x0], $0xffff  }
0x168: {  	s26 =	sadd.s32 s4, s2;
	s24 =	simm.s32 $0x5000;
	v0 =	vmul.f32 v0, v42;
	v1 =	vld.idx.msk [tilespmem:v3+s0+$0x0], $0xffff  }
0x169: {  	s6 =	sadd.s32 s19, s26;
	v3 =	vadd.s32 v30, v22;
	v23 =	vld.idx.msk [tilespmem:v4+s24+$0x0], $0xffff  }
0x16a: {  	s28 =	sadd.s32 s3, s2;
	[tilespmem:s6+$0x0] =	vst.add.f32.msk $0xffff, v0;
	v0 =	vmul.f32 v7, v42;
	v4 =	vadd.s32 v32, v50  }
0x16b: {  	s5 =	sadd.s32 s19, s28;
	v5 =	vld.idx.msk [tilespmem:v6+s0+$0x0], $0xffff;
	v2 =	vmul.f32 v2, v11;
	v6 =	vadd.s32 v32, v56  }
0x16c: {  	s7 =	sor.u32 s18, s13;
	[tilespmem:s5+$0x0] =	vst.add.f32.msk $0xffff, v0;
	v0 =	vadd.s32 v32, v12  }
0x16d: {  	[tilespmem:s7+$0x0] =	vst.add.f32.msk $0xffff, v2  }
0x16e: {  	s9 =	simm.s32 $0x0;
	v2 =	vadd.s32 v32, v23;
	v3 =	vld.idx.msk [tilespmem:v3+s0+$0x0], $0xffff  }
0x16f: {  	s10 =	smul.u32 $0x3000, s9;
	s5 =	sadd.s32 s4, s1;
	v4 =	vld.idx.msk [tilespmem:v4+s0+$0x0], $0xffff  }
0x170: {  	s2 =	sadd.s32 s8, s2;
	v1 =	vmul.f32 v1, v42;
	v6 =	vld.idx.msk [tilespmem:v6+s0+$0x0], $0xffff;
	[smem:$0x7F1] =	sst s5;
	[tilespmem:$0x1FD00] =	vst v42  }
0x171: {  	s2 =	sadd.s32 s19, s2;
	s9 =	sshra.s32 s10, $0x2;
	v0 =	vld.idx.msk [tilespmem:v0+s0+$0x0], $0xffff  }
0x172: {  	s10 =	sadd.s32 $0x19600, s9;
	s14 =	simm.s32 $0x300;
	v5 =	vmul.f32 v5, v36;
	[tilespmem:s2+$0x0] =	vst.add.f32.msk $0xffff, v1  }
0x173: {  	s12 =	simm.s32 $0x200;
	s19 =	sand.u32 $0x300, s14;
	s11 =	sor.u32 s20, s5;
	v2 =	vld.idx.msk [tilespmem:v2+s0+$0x0], $0xffff;
	v1 =	vmul.f32 v3, v10  }
0x174: {  	s15 =	sor.u32 s30, s13;
	s14 =	sadd.s32 s19, s10;
	s7 =	sand.u32 $0x200, s12;
	[tilespmem:s11+$0x0] =	vst.add.f32.msk $0xffff, v5;
	v3 =	vmul.f32 v4, v8  }
0x175: {  	s26 =	sor.u32 s20, s14;
	s24 =	simm.s32 $0x280;
	s12 =	sadd.s32 s7, s10;
	[tilespmem:s15+$0x0] =	vst.add.f32.msk $0xffff, v1;
	v1 =	vmul.f32 v6, v8  }
0x176: {  	s17 =	simm.s32 $0x380;
	s6 =	sand.u32 $0x280, s24;
	s28 =	sor.u32 s20, s12;
	v4 =	vadd.s32 v31, v22;
	[tilespmem:s26+$0x0] =	vst.add.f32.msk $0xffff, v3  }
0x177: {  	s4 =	sand.u32 $0x380, s17;
	s11 =	sadd.s32 s6, s10;
	v0 =	vmul.f32 v0, v8;
	[tilespmem:s28+$0x0] =	vst.add.f32.msk $0xffff, v1  }
0x178: {  	s2 =	sadd.s32 s4, s10;
	v5 =	vadd.s32 v54, v50;
	s24 =	sor.u32 s20, s11;
	v1 =	vmul.f32 v2, v8;
	[tilespmem:$0x1FD10] =	vst v8  }
0x179: {  	s26 =	sor.u32 s20, s2;
	[tilespmem:s24+$0x0] =	vst.add.f32.msk $0xffff, v0  }
0x17a: {  	v3 =	vadd.s32 v49, v52;
	[tilespmem:s26+$0x0] =	vst.add.f32.msk $0xffff, v1  }
0x17b: {  	v6 =	vadd.s32 v54, v12;
	v4 =	vld.idx.msk [tilespmem:v4+s0+$0x0], $0xffff  }
0x17c: {  	v2 =	vadd.s32 v49, v25;
	v0 =	vld [tilespmem:$0x1FF00]  }
0x17d: {  	v1 =	vadd.s32 v54, v56;
	v5 =	vld.idx.msk [tilespmem:v5+s0+$0x0], $0xffff;
	_ =	sdelay $0x1  }
0x17e: {  	v3 =	vld.idx.msk [tilespmem:v3+s0+$0x0], $0xffff  }
0x17f: {  	v7 =	vadd.s32 v54, v23;
	v6 =	vld.idx.msk [tilespmem:v6+s0+$0x0], $0xffff  }
0x180: {  	v2 =	vld.idx.msk [tilespmem:v2+s0+$0x0], $0xffff;
	v4 =	vmul.f32 v4, v13;
	v0 =	vadd.s32 v0, v53  }
0x181: {  	s13 =	sor.u32 s31, s13;
	v1 =	vld.idx.msk [tilespmem:v1+s0+$0x0], $0xffff;
	v5 =	vmul.f32 v5, v9  }
0x182: {  	s28 =	sor.u32 s18, s14;
	v8 =	vadd.s32 v33, v50;
	s15 =	rddreg [dreg:$0x11];
	[tilespmem:s13+$0x0] =	vst.add.f32.msk $0xffff, v4  }
0x183: {  	[tilespmem:s28+$0x0] =	vst.add.f32.msk $0xffff, v5  }
0x184: {  	s3 =	sadd.s32 s3, s1;
	v3 =	vmul.f32 v3, v36;
	v4 =	vld.idx.msk [tilespmem:v7+s0+$0x0], $0xffff  }
0x185: {  	s24 =	sor.u32 s20, s3;
	v0 =	vld.idx.msk [tilespmem:v0+s0+$0x0], $0xffff;
	[tilespmem:$0x1FD20] =	vst v36  }
0x186: {  	s1 =	sadd.s32 s8, s1;
	v2 =	vmul.f32 v2, v36;
	[tilespmem:s24+$0x0] =	vst.add.f32.msk $0xffff, v3  }
0x187: {  	s8 =	sor.u32 s20, s1;
	v5 =	vadd.s32 v33, v56;
	v1 =	vmul.f32 v1, v9;
	v3 =	vld.idx.msk [tilespmem:v8+s0+$0x0], $0xffff  }
0x188: {  	s26 =	sor.u32 s18, s12;
	[tilespmem:s8+$0x0] =	vst.add.f32.msk $0xffff, v2;
	v2 =	vmul.f32 v6, v9  }
0x189: {  	v7 =	vadd.s32 v33, v12;
	s28 =	sor.u32 s18, s11;
	[tilespmem:s26+$0x0] =	vst.add.f32.msk $0xffff, v1  }
0x18a: {  	[tilespmem:s28+$0x0] =	vst.add.f32.msk $0xffff, v2  }
0x18b: {  	v2 =	vmul.f32 v4, v9;
	[tilespmem:$0x1FD30] =	vst v9;
	v6 =	vld [tilespmem:$0x1FF00]  }
0x18c: {  	s13 =	sor.u32 s18, s2;
	v5 =	vld.idx.msk [tilespmem:v5+s0+$0x0], $0xffff  }
0x18d: {  	v4 =	vadd.s32 v33, v23;
	[tilespmem:s13+$0x0] =	vst.add.f32.msk $0xffff, v2  }
0x18e: {  	v1 =	vadd.s32 v34, v50;
	v7 =	vld.idx.msk [tilespmem:v7+s0+$0x0], $0xffff;
	v3 =	vmul.f32 v3, v14  }
0x18f: {  	s24 =	sor.u32 s30, s14;
	v2 =	vld [tilespmem:$0x1FF00]  }
0x190: {  	[tilespmem:s24+$0x0] =	vst.add.f32.msk $0xffff, v3;
	v3 =	vadd.s32 v34, v56  }
0x191: {  	v6 =	vadd.s32 v6, v52  }
0x192: {  	v4 =	vld.idx.msk [tilespmem:v4+s0+$0x0], $0xffff;
	v5 =	vmul.f32 v5, v14  }
0x193: {  	v8 =	vadd.s32 v34, v12;
	s26 =	sor.u32 s30, s12;
	v1 =	vld.idx.msk [tilespmem:v1+s0+$0x0], $0xffff  }
0x194: {  	v2 =	vadd.s32 v2, v25;
	[tilespmem:s26+$0x0] =	vst.add.f32.msk $0xffff, v5  }
0x195: {  	v5 =	vmul.f32 v7, v14;
	v3 =	vld.idx.msk [tilespmem:v3+s0+$0x0], $0xffff  }
0x196: {  	s28 =	sor.u32 s30, s11;
	v6 =	vld.idx.msk [tilespmem:v6+s0+$0x0], $0xffff  }
0x197: {  	v7 =	vadd.s32 v24, v50;
	[tilespmem:s28+$0x0] =	vst.add.f32.msk $0xffff, v5  }
0x198: {  	v1 =	vmul.f32 v1, v35;
	v5 =	vld.idx.msk [tilespmem:v8+s0+$0x0], $0xffff  }
0x199: {  	s13 =	sor.u32 s31, s14;
	v4 =	vmul.f32 v4, v14;
	v2 =	vld.idx.msk [tilespmem:v2+s0+$0x0], $0xffff;
	[tilespmem:$0x1FD40] =	vst v14  }
0x19a: {  	v42 =	vadd.s32 v34, v23;
	s14 =	sor.u32 s30, s2;
	[tilespmem:s13+$0x0] =	vst.add.f32.msk $0xffff, v1  }
0x19b: {  	v0 =	vmul.f32 v0, v11;
	v1 =	vadd.s32 v24, v56;
	[tilespmem:s14+$0x0] =	vst.add.f32.msk $0xffff, v4  }
0x19c: {  	s24 =	sor.u32 s18, s5;
	v7 =	vld.idx.msk [tilespmem:v7+s0+$0x0], $0xffff;
	v3 =	vmul.f32 v3, v35  }
0x19d: {  	s12 =	sor.u32 s31, s12;
	v4 =	vadd.s32 v24, v12;
	[tilespmem:s24+$0x0] =	vst.add.f32.msk $0xffff, v0  }
0x19e: {  	[tilespmem:s12+$0x0] =	vst.add.f32.msk $0xffff, v3  }
0x19f: {  	v8 =	vld.idx.msk [tilespmem:v42+s0+$0x0], $0xffff;
	v0 =	vmul.f32 v5, v35;
	s28 =	rddreg [dreg:$0x2]  }
0x1a0: {  	s26 =	sor.u32 s31, s11;
	v3 =	vadd.s32 v16, v50;
	v1 =	vld.idx.msk [tilespmem:v1+s0+$0x0], $0xffff;
	s11 =	sadd.s32 s28, s10  }
0x1a1: {  	[tilespmem:s26+$0x0] =	vst.add.f32.msk $0xffff, v0;
	v0 =	vmul.f32 v7, v37;
	s5 =	sadd.s32 s19, s11  }
0x1a2: {  	v4 =	vld.idx.msk [tilespmem:v4+s0+$0x0], $0xffff;
	s8 =	sadd.s32 s29, s5  }
0x1a3: {  	[tilespmem:s8+$0x0] =	vst.add.f32.msk $0xffff, v0  }
0x1a4: {  	v5 =	vadd.s32 v24, v23;
	v0 =	vmul.f32 v8, v35;
	[tilespmem:$0x1FD50] =	vst v35  }
0x1a5: {  	s2 =	sor.u32 s31, s2;
	v6 =	vmul.f32 v6, v11;
	v3 =	vld.idx.msk [tilespmem:v3+s0+$0x0], $0xffff  }
0x1a6: {  	s12 =	sor.u32 s18, s3;
	v7 =	vadd.s32 v16, v56;
	s13 =	sadd.s32 s7, s11;
	[tilespmem:s2+$0x0] =	vst.add.f32.msk $0xffff, v0;
	v1 =	vmul.f32 v1, v37  }
0x1a7: {  	s8 =	sadd.s32 s29, s13;
	[tilespmem:s12+$0x0] =	vst.add.f32.msk $0xffff, v6  }
0x1a8: {  	s14 =	sadd.s32 s6, s11;
	[tilespmem:s8+$0x0] =	vst.add.f32.msk $0xffff, v1;
	v1 =	vmul.f32 v4, v37  }
0x1a9: {  	v0 =	vadd.s32 v16, v12;
	s2 =	sadd.s32 s29, s14;
	v5 =	vld.idx.msk [tilespmem:v5+s0+$0x0], $0xffff;
	s8 =	rddreg [dreg:$0x3]  }
0x1aa: {  	v4 =	vadd.s32 v17, v50;
	s8 =	sadd.s32 s8, s10;
	[tilespmem:s2+$0x0] =	vst.add.f32.msk $0xffff, v1  }
0x1ab: {  	v6 =	vld.idx.msk [tilespmem:v7+s0+$0x0], $0xffff;
	v1 =	vmul.f32 v3, v38;
	s24 =	sadd.s32 s19, s8;
	s12 =	rddreg [dreg:$0xc]  }
0x1ac: {  	s2 =	sadd.s32 s12, s24  }
0x1ad: {  	[tilespmem:s2+$0x0] =	vst.add.f32.msk $0xffff, v1  }
0x1ae: {  	s11 =	sadd.s32 s4, s11;
	v7 =	vadd.s32 v16, v23;
	v0 =	vld.idx.msk [tilespmem:v0+s0+$0x0], $0xffff;
	v1 =	vmul.f32 v5, v37;
	[tilespmem:$0x1FD60] =	vst v37  }
0x1af: {  	v2 =	vmul.f32 v2, v11;
	s26 =	sadd.s32 s29, s11;
	v3 =	vadd.s32 v17, v56;
	v4 =	vld.idx.msk [tilespmem:v4+s0+$0x0], $0xffff;
	[tilespmem:$0x1FD70] =	vst v11  }
0x1b0: {  	s28 =	sor.u32 s18, s1;
	s5 =	sadd.s32 s7, s8;
	v5 =	vmul.f32 v6, v38;
	[tilespmem:s26+$0x0] =	vst.add.f32.msk $0xffff, v1  }
0x1b1: {  	s11 =	sadd.s32 s12, s5;
	[tilespmem:s28+$0x0] =	vst.add.f32.msk $0xffff, v2  }
0x1b2: {  	v1 =	vadd.s32 v17, v12;
	[tilespmem:s11+$0x0] =	vst.add.f32.msk $0xffff, v5  }
0x1b3: {  	s13 =	sadd.s32 s6, s8;
	v0 =	vmul.f32 v0, v38;
	v6 =	vld.idx.msk [tilespmem:v7+s0+$0x0], $0xffff  }
0x1b4: {  	s2 =	sadd.s32 s12, s13;
	v3 =	vld.idx.msk [tilespmem:v3+s0+$0x0], $0xffff;
	s14 =	rddreg [dreg:$0x4]  }
0x1b5: {  	v2 =	vadd.s32 v15, v50;
	s11 =	sadd.s32 s14, s10;
	[tilespmem:s2+$0x0] =	vst.add.f32.msk $0xffff, v0  }
0x1b6: {  	s24 =	sadd.s32 s19, s11;
	s26 =	rddreg [dreg:$0xd];
	v0 =	vmul.f32 v4, v39  }
0x1b7: {  	s2 =	sadd.s32 s26, s24;
	v1 =	vld.idx.msk [tilespmem:v1+s0+$0x0], $0xffff  }
0x1b8: {  	v5 =	vadd.s32 v17, v23;
	[tilespmem:s2+$0x0] =	vst.add.f32.msk $0xffff, v0  }
0x1b9: {  	s8 =	sadd.s32 s4, s8;
	v0 =	vmul.f32 v6, v38;
	v6 =	vadd.s32 v15, v56;
	[tilespmem:$0x1FD80] =	vst v38  }
0x1ba: {  	s28 =	sadd.s32 s12, s8;
	s8 =	sadd.s32 s7, s11;
	v3 =	vmul.f32 v3, v39;
	v2 =	vld.idx.msk [tilespmem:v2+s0+$0x0], $0xffff  }
0x1bb: {  	s2 =	sadd.s32 s26, s8;
	[tilespmem:s28+$0x0] =	vst.add.f32.msk $0xffff, v0;
	v0 =	vadd.s32 v15, v12  }
0x1bc: {  	[tilespmem:s2+$0x0] =	vst.add.f32.msk $0xffff, v3  }
0x1bd: {  	s12 =	sadd.s32 s6, s11;
	v4 =	vadd.s32 v30, v53;
	v5 =	vld.idx.msk [tilespmem:v5+s0+$0x0], $0xffff;
	s24 =	rddreg [dreg:$0x5];
	v1 =	vmul.f32 v1, v39  }
0x1be: {  	s13 =	sadd.s32 s26, s12;
	s14 =	smov.u32 s26;
	v3 =	vadd.s32 v28, v50;
	s26 =	sadd.s32 s24, s10;
	v6 =	vld.idx.msk [tilespmem:v6+s0+$0x0], $0xffff  }
0x1bf: {  	s28 =	sadd.s32 s19, s26;
	[tilespmem:s13+$0x0] =	vst.add.f32.msk $0xffff, v1;
	v1 =	vmul.f32 v2, v40  }
0x1c0: {  	v7 =	vadd.s32 v15, v23;
	s2 =	sadd.s32 s25, s28;
	v0 =	vld.idx.msk [tilespmem:v0+s0+$0x0], $0xffff  }
0x1c1: {  	[tilespmem:s2+$0x0] =	vst.add.f32.msk $0xffff, v1  }
0x1c2: {  	s11 =	sadd.s32 s4, s11;
	v4 =	vld.idx.msk [tilespmem:v4+s0+$0x0], $0xffff;
	v1 =	vmul.f32 v5, v39;
	v5 =	vadd.s32 v28, v56;
	[tilespmem:$0x1FD90] =	vst v39  }
0x1c3: {  	s5 =	sadd.s32 s14, s11;
	v3 =	vld.idx.msk [tilespmem:v3+s0+$0x0], $0xffff  }
0x1c4: {  	s11 =	sadd.s32 s7, s26;
	v6 =	vmul.f32 v6, v40;
	[tilespmem:s5+$0x0] =	vst.add.f32.msk $0xffff, v1;
	v1 =	vadd.s32 v28, v12  }
0x1c5: {  	s2 =	sadd.s32 s25, s11;
	v7 =	vld.idx.msk [tilespmem:v7+s0+$0x0], $0xffff  }
0x1c6: {  	s12 =	sadd.s32 s6, s26;
	v2 =	vadd.s32 v30, v52;
	[tilespmem:s2+$0x0] =	vst.add.f32.msk $0xffff, v6;
	v0 =	vmul.f32 v0, v40  }
0x1c7: {  	s14 =	sadd.s32 $0x19A00, s9;
	s13 =	sadd.s32 s25, s12;
	v6 =	vadd.s32 v51, v50;
	v5 =	vld.idx.msk [tilespmem:v5+s0+$0x0], $0xffff  }
0x1c8: {  	s12 =	sadd.s32 s19, s14;
	[tilespmem:s13+$0x0] =	vst.add.f32.msk $0xffff, v0;
	v0 =	vmul.f32 v3, v41  }
0x1c9: {  	v8 =	vadd.s32 v28, v23;
	s24 =	sor.u32 s20, s12;
	v1 =	vld.idx.msk [tilespmem:v1+s0+$0x0], $0xffff  }
0x1ca: {  	[tilespmem:s24+$0x0] =	vst.add.f32.msk $0xffff, v0  }
0x1cb: {  	s8 =	sadd.s32 s4, s26;
	v2 =	vld.idx.msk [tilespmem:v2+s0+$0x0], $0xffff;
	v3 =	vadd.s32 v51, v56;
	v0 =	vmul.f32 v7, v40;
	[tilespmem:$0x1FDA0] =	vst v40  }
0x1cc: {  	s26 =	sadd.s32 s25, s8;
	v6 =	vld.idx.msk [tilespmem:v6+s0+$0x0], $0xffff  }
0x1cd: {  	s8 =	sadd.s32 s7, s14;
	v7 =	vadd.s32 v51, v12;
	[tilespmem:s26+$0x0] =	vst.add.f32.msk $0xffff, v0;
	v0 =	vmul.f32 v5, v41  }
0x1ce: {  	s28 =	sor.u32 s20, s8;
	v5 =	vld.idx.msk [tilespmem:v8+s0+$0x0], $0xffff  }
0x1cf: {  	s11 =	sadd.s32 s6, s14;
	[tilespmem:s28+$0x0] =	vst.add.f32.msk $0xffff, v0;
	v0 =	vmul.f32 v1, v41  }
0x1d0: {  	s5 =	sor.u32 s20, s11;
	v1 =	vadd.s32 v26, v50;
	v3 =	vld.idx.msk [tilespmem:v3+s0+$0x0], $0xffff  }
0x1d1: {  	[tilespmem:s5+$0x0] =	vst.add.f32.msk $0xffff, v0;
	v0 =	vmul.f32 v6, v43  }
0x1d2: {  	s29 =	smov.u32 s9;
	s9 =	sor.u32 s18, s12;
	v8 =	vadd.s32 v51, v23;
	v6 =	vld.idx.msk [tilespmem:v7+s0+$0x0], $0xffff  }
0x1d3: {  	[tilespmem:s9+$0x0] =	vst.add.f32.msk $0xffff, v0  }
0x1d4: {  	s2 =	sadd.s32 s4, s14;
	v0 =	vmul.f32 v5, v41;
	v5 =	vadd.s32 v26, v56;
	[tilespmem:$0x1FDB0] =	vst v41  }
0x1d5: {  	s13 =	sor.u32 s20, s2;
	v1 =	vld.idx.msk [tilespmem:v1+s0+$0x0], $0xffff  }
0x1d6: {  	[tilespmem:s13+$0x0] =	vst.add.f32.msk $0xffff, v0;
	v0 =	vmul.f32 v3, v43  }
0x1d7: {  	s24 =	sor.u32 s18, s8;
	s9 =	sld [smem:$0x7F1];
	v3 =	vld.idx.msk [tilespmem:v8+s0+$0x0], $0xffff  }
0x1d8: {  	[tilespmem:s24+$0x0] =	vst.add.f32.msk $0xffff, v0;
	v0 =	vmul.f32 v6, v43  }
0x1d9: {  	v4 =	vmul.f32 v4, v10;
	s25 =	sor.u32 s18, s11;
	v7 =	vadd.s32 v26, v12;
	v5 =	vld.idx.msk [tilespmem:v5+s0+$0x0], $0xffff  }
0x1da: {  	s14 =	sor.u32 s30, s9;
	[tilespmem:s25+$0x0] =	vst.add.f32.msk $0xffff, v0;
	v1 =	vmul.f32 v1, v44  }
0x1db: {  	s26 =	sor.u32 s30, s12;
	[tilespmem:s14+$0x0] =	vst.add.f32.msk $0xffff, v4;
	v4 =	vadd.s32 v18, v50  }
0x1dc: {  	[tilespmem:s26+$0x0] =	vst.add.f32.msk $0xffff, v1  }
0x1dd: {  	v0 =	vadd.s32 v26, v23;
	v1 =	vmul.f32 v3, v43;
	[tilespmem:$0x1FDC0] =	vst v43  }
0x1de: {  	s28 =	sor.u32 s18, s2;
	v3 =	vld.idx.msk [tilespmem:v7+s0+$0x0], $0xffff  }
0x1df: {  	v2 =	vmul.f32 v2, v10;
	v6 =	vadd.s32 v30, v25;
	[tilespmem:s28+$0x0] =	vst.add.f32.msk $0xffff, v1  }
0x1e0: {  	s5 =	sor.u32 s30, s3;
	v1 =	vld.idx.msk [tilespmem:v4+s0+$0x0], $0xffff;
	v4 =	vadd.s32 v18, v56  }
0x1e1: {  	v5 =	vmul.f32 v5, v44;
	[tilespmem:s5+$0x0] =	vst.add.f32.msk $0xffff, v2  }
0x1e2: {  	s14 =	sor.u32 s30, s8;
	v0 =	vld.idx.msk [tilespmem:v0+s0+$0x0], $0xffff  }
0x1e3: {  	[tilespmem:s14+$0x0] =	vst.add.f32.msk $0xffff, v5  }
0x1e4: {  	v2 =	vadd.s32 v18, v12;
	v5 =	vld.idx.msk [tilespmem:v6+s0+$0x0], $0xffff;
	v3 =	vmul.f32 v3, v44  }
0x1e5: {  	s24 =	sor.u32 s30, s11;
	v1 =	vmul.f32 v1, v45;
	v4 =	vld.idx.msk [tilespmem:v4+s0+$0x0], $0xffff  }
0x1e6: {  	s12 =	sor.u32 s31, s12;
	[tilespmem:s24+$0x0] =	vst.add.f32.msk $0xffff, v3;
	v3 =	vadd.s32 v19, v50  }
0x1e7: {  	[tilespmem:s12+$0x0] =	vst.add.f32.msk $0xffff, v1  }
0x1e8: {  	v0 =	vmul.f32 v0, v44;
	[tilespmem:$0x1FDD0] =	vst v44  }
0x1e9: {  	s25 =	sor.u32 s30, s2;
	v6 =	vadd.s32 v18, v23;
	v1 =	vld.idx.msk [tilespmem:v2+s0+$0x0], $0xffff;
	[tilespmem:$0x1FDE0] =	vst v10  }
0x1ea: {  	v5 =	vmul.f32 v5, v10;
	[tilespmem:s25+$0x0] =	vst.add.f32.msk $0xffff, v0  }
0x1eb: {  	s26 =	sor.u32 s30, s1;
	v2 =	vadd.s32 v19, v56;
	v4 =	vmul.f32 v4, v45;
	v0 =	vld.idx.msk [tilespmem:v3+s0+$0x0], $0xffff  }
0x1ec: {  	s8 =	sor.u32 s31, s8;
	[tilespmem:s26+$0x0] =	vst.add.f32.msk $0xffff, v5  }
0x1ed: {  	[tilespmem:s8+$0x0] =	vst.add.f32.msk $0xffff, v4  }
0x1ee: {  	s28 =	sor.u32 s31, s11;
	v3 =	vadd.s32 v19, v12;
	v5 =	vld.idx.msk [tilespmem:v6+s0+$0x0], $0xffff;
	s11 =	rddreg [dreg:$0x6]  }
0x1ef: {  	v4 =	vadd.s32 v21, v50;
	v1 =	vmul.f32 v1, v45;
	s11 =	sadd.s32 s11, s10  }
0x1f0: {  	v2 =	vld.idx.msk [tilespmem:v2+s0+$0x0], $0xffff;
	s12 =	sadd.s32 s19, s11;
	v0 =	vmul.f32 v0, v46  }
0x1f1: {  	v6 =	vadd.s32 v19, v23;
	[tilespmem:s28+$0x0] =	vst.add.f32.msk $0xffff, v1;
	s8 =	sadd.s32 s21, s12  }
0x1f2: {  	[tilespmem:s8+$0x0] =	vst.add.f32.msk $0xffff, v0  }
0x1f3: {  	v1 =	vadd.s32 v31, v53;
	v3 =	vld.idx.msk [tilespmem:v3+s0+$0x0], $0xffff;
	v0 =	vmul.f32 v5, v45;
	[tilespmem:$0x1FDF0] =	vst v45  }
0x1f4: {  	s2 =	sor.u32 s31, s2;
	v5 =	vadd.s32 v21, v56;
	v4 =	vld.idx.msk [tilespmem:v4+s0+$0x0], $0xffff  }
0x1f5: {  	s13 =	sadd.s32 s7, s11;
	v2 =	vmul.f32 v2, v46;
	[tilespmem:s2+$0x0] =	vst.add.f32.msk $0xffff, v0  }
0x1f6: {  	s2 =	sadd.s32 s21, s13;
	v6 =	vld.idx.msk [tilespmem:v6+s0+$0x0], $0xffff  }
0x1f7: {  	[tilespmem:s2+$0x0] =	vst.add.f32.msk $0xffff, v2  }
0x1f8: {  	s14 =	sadd.s32 s6, s11;
	v0 =	vadd.s32 v21, v12;
	v1 =	vld.idx.msk [tilespmem:v1+s0+$0x0], $0xffff;
	v2 =	vmul.f32 v3, v46;
	s25 =	rddreg [dreg:$0x7]  }
0x1f9: {  	s24 =	sadd.s32 s21, s14;
	v3 =	vadd.s32 v27, v50;
	v5 =	vld.idx.msk [tilespmem:v5+s0+$0x0], $0xffff;
	s26 =	sadd.s32 s25, s10  }
0x1fa: {  	[tilespmem:s24+$0x0] =	vst.add.f32.msk $0xffff, v2;
	s28 =	sadd.s32 s19, s26;
	v2 =	vmul.f32 v4, v47  }
0x1fb: {  	v7 =	vadd.s32 v21, v23;
	v4 =	vadd.s32 v31, v52;
	v52 =	vld [tilespmem:$0x1FF00];
	s2 =	sadd.s32 s22, s28  }
0x1fc: {  	[tilespmem:s2+$0x0] =	vst.add.f32.msk $0xffff, v2  }
0x1fd: {  	s11 =	sadd.s32 s4, s11;
	v0 =	vld.idx.msk [tilespmem:v0+s0+$0x0], $0xffff;
	v2 =	vmul.f32 v6, v46;
	[tilespmem:$0x1FE00] =	vst v46  }
0x1fe: {  	s5 =	sadd.s32 s21, s11;
	v6 =	vadd.s32 v27, v56;
	v3 =	vld.idx.msk [tilespmem:v3+s0+$0x0], $0xffff  }
0x1ff: {  	[tilespmem:s5+$0x0] =	vst.add.f32.msk $0xffff, v2  }
0x200: {  	s11 =	sadd.s32 s7, s26;
	v5 =	vmul.f32 v5, v47;
	v7 =	vld.idx.msk [tilespmem:v7+s0+$0x0], $0xffff  }
0x201: {  	s2 =	sadd.s32 s22, s11;
	v8 =	vld.idx.msk [tilespmem:v4+s0+$0x0], $0xffff  }
0x202: {  	s12 =	sadd.s32 s6, s26;
	v2 =	vadd.s32 v27, v12;
	[tilespmem:s2+$0x0] =	vst.add.f32.msk $0xffff, v5;
	v0 =	vmul.f32 v0, v47  }
0x203: {  	s14 =	sadd.s32 s23, s10;
	s13 =	sadd.s32 s22, s12;
	v4 =	vadd.s32 v29, v50;
	v5 =	vld.idx.msk [tilespmem:v6+s0+$0x0], $0xffff  }
0x204: {  	s21 =	sadd.s32 s19, s14;
	[tilespmem:s13+$0x0] =	vst.add.f32.msk $0xffff, v0;
	v0 =	vmul.f32 v3, v48  }
0x205: {  	s2 =	sadd.s32 s15, s21;
	v6 =	vadd.s32 v27, v23  }
0x206: {  	[tilespmem:s2+$0x0] =	vst.add.f32.msk $0xffff, v0  }
0x207: {  	v43 =	vadd.s32 v31, v25;
	s8 =	sadd.s32 s4, s26;
	v53 =	vld.idx.msk [tilespmem:v2+s0+$0x0], $0xffff;
	v0 =	vmul.f32 v7, v47;
	[tilespmem:$0x1FE10] =	vst v47  }
0x208: {  	v55 =	vadd.s32 v29, v56;
	v63 =	vadd.s32 v29, v23;
	v22 =	vadd.s32 v29, v12;
	s22 =	sadd.s32 s22, s8;
	v3 =	vld.idx.msk [tilespmem:v4+s0+$0x0], $0xffff  }
0x209: {  	v34 =	vadd.s32 v30, v56;
	v14 =	vadd.s32 v31, v56;
	s3 =	sor.u32 s31, s3;
	s23 =	sadd.s32 s7, s14;
	[tilespmem:s22+$0x0] =	vst.add.f32.msk $0xffff, v0;
	v0 =	vmul.f32 v5, v48  }
0x20a: {  	v24 =	vadd.s32 v49, v12;
	v35 =	vadd.s32 v30, v12;
	v15 =	vadd.s32 v31, v23;
	s24 =	sadd.s32 s15, s23;
	v4 =	vld.idx.msk [tilespmem:v6+s0+$0x0], $0xffff;
	[dreg:$0x18] =	wrdreg s3  }
0x20b: {  	v18 =	vadd.s32 v30, v23;
	v21 =	vadd.s32 v49, v56;
	v1 =	vmul.f32 v1, v13;
	[tilespmem:s24+$0x0] =	vst.add.f32.msk $0xffff, v0  }
0x20c: {  	s25 =	sor.u32 s31, s1;
	s28 =	sadd.s32 s4, s14;
	v59 =	vadd.s32 v52, v56;
	v46 =	vadd.s32 v52, v12;
	v2 =	vld.idx.msk [tilespmem:v43+s0+$0x0], $0xffff;
	[tilespmem:$0x1FE20] =	vst v13  }
0x20d: {  	s26 =	sadd.s32 s6, s14;
	s1 =	sadd.s32 s15, s28;
	v62 =	vadd.s32 v52, v23;
	v12 =	vadd.s32 v31, v12;
	v27 =	vadd.s32 v49, v23;
	s13 =	sor.u32 s31, s9;
	[tilespmem:$0x1FE30] =	vst v48  }
0x20e: {  	s9 =	simm.s32 $0x4;
	s2 =	sadd.s32 s16, s10;
	s3 =	sadd.s32 s15, s26;
	v7 =	vmul.f32 v53, v48;
	v6 =	vadd.s32 v49, v50;
	v0 =	vmul.f32 v8, v13;
	v5 =	vld.idx.msk [tilespmem:v55+s0+$0x0], $0xffff  }
.LBB2_8:
0x20f: {  	v11 =	vld [tilespmem:$0x1FD00]  }
0x210: {  	v57 =	vld [tilespmem:$0x1FE30]  }
0x211: {  	[tilespmem:s13+$0x0] =	vst.add.f32.msk $0xffff, v1  }
0x212: {  	v53 =	vld [tilespmem:$0x1FE20]  }
0x213: {  	v25 =	vld [tilespmem:$0x1FD20]  }
0x214: {  	v55 =	vld [tilespmem:$0x1FD70]  }
0x215: {  	v56 =	vld [tilespmem:$0x1FF40]  }
0x216: {  	[tilespmem:$0x1FCA0] =	vst v12;
	v12 =	vld [tilespmem:$0x1FFA0]  }
0x217: {  	v58 =	vld [tilespmem:$0x1FF30]  }
0x218: {  	[tilespmem:$0x1FCE0] =	vst v15;
	s5 =	rddreg [dreg:$0x15];
	v15 =	vld [tilespmem:$0x1FFD0]  }
0x219: {  	s8 =	sadd.s32 s9, s5;
	[tilespmem:s3+$0x0] =	vst.add.f32.msk $0xffff, v7  }
0x21a: {  	s16 =	sadd.s32 s19, s2;
	s21 =	rddreg [dreg:$0x12];
	s12 =	sadd.s32 $0x6, s8;
	v7 =	vld.idx.msk [tilespmem:v22+s0+$0x0], $0xffff;
	v3 =	vmul.f32 v3, v11  }
0x21b: {  	s10 =	sadd.s32 s7, s2;
	v60 =	vld [tilespmem:$0x1FF60];
	s3 =	sadd.s32 s21, s16;
	v9 =	vmov s12;
	v5 =	vmul.f32 v5, v11  }
0x21c: {  	s24 =	sadd.s32 s21, s10;
	v9 =	vand.u32 $0xFFFFFFFE, v9;
	[tilespmem:s3+$0x0] =	vst.add.f32.msk $0xffff, v3  }
0x21d: {  	s11 =	sadd.s32 $0x4, s8;
	v9 =	vbroadcast v9, $0x0;
	[tilespmem:s24+$0x0] =	vst.add.f32.msk $0xffff, v5  }
0x21e: {  	v8 =	vmov s11;
	v3 =	vmul.f32 v4, v57;
	v6 =	vld.idx.msk [tilespmem:v6+s0+$0x0], $0xffff  }
0x21f: {  	s23 =	sadd.s32 s6, s2;
	s22 =	sadd.s32 $0x5, s8;
	v1 =	vmul.f32 v2, v53;
	v4 =	vand.u32 $0xFFFFFFFC, v8;
	v2 =	vmul.f32 v7, v11;
	v7 =	vld.idx.msk [tilespmem:v21+s0+$0x0], $0xffff  }
0x220: {  	s26 =	sadd.s32 s21, s23;
	v8 =	vmov s22;
	v4 =	vbroadcast v4, $0x0;
	[tilespmem:s1+$0x0] =	vst.add.f32.msk $0xffff, v3  }
0x221: {  	s13 =	sadd.s32 $0x19E00, s29;
	v8 =	vand.u32 $0xFFFFFFFD, v8;
	[tilespmem:s26+$0x0] =	vst.add.f32.msk $0xffff, v2  }
0x222: {  	s22 =	sadd.s32 s19, s13;
	s19 =	simm.s32 $0x5000;
	v3 =	vbroadcast v8, $0x0;
	v10 =	vld.idx.msk [tilespmem:v63+s0+$0x0], $0xffff  }
0x223: {  	v38 =	vld.idx.msk [tilespmem:v9+s19+$0x0], $0xffff;
	v2 =	vmul.f32 v6, v25  }
0x224: {  	s8 =	sadd.s32 $0x7, s8;
	v5 =	vadd.s32 v52, v50;
	s24 =	sor.u32 s20, s22;
	v9 =	vld.idx.msk [tilespmem:v24+s0+$0x0], $0xffff  }
0x225: {  	v8 =	vmov s8;
	[tilespmem:s24+$0x0] =	vst.add.f32.msk $0xffff, v2  }
0x226: {  	v2 =	vld.idx.msk [tilespmem:v4+s19+$0x0], $0xffff  }
0x227: {  	v6 =	vmul.f32 v10, v11;
	v11 =	vld [tilespmem:$0x1FF70]  }
0x228: {  	v29 =	vld.idx.msk [tilespmem:v3+s19+$0x0], $0xffff  }
0x229: {  	s12 =	sadd.s32 s4, s2;
	v5 =	vld.idx.msk [tilespmem:v5+s0+$0x0], $0xffff  }
0x22a: {  	s14 =	sadd.s32 s7, s13;
	s11 =	sadd.s32 s21, s12;
	v44 =	vld.idx.msk [tilespmem:v8+s19+$0x0], $0xffff;
	v3 =	vmul.f32 v7, v25  }
0x22b: {  	s7 =	sor.u32 s20, s14;
	[tilespmem:s11+$0x0] =	vst.add.f32.msk $0xffff, v6  }
0x22c: {  	[tilespmem:s7+$0x0] =	vst.add.f32.msk $0xffff, v3;
	v4 =	vadd.s32 v11, v50  }
0x22d: {  	s16 =	sadd.s32 s6, s13;
	v33 =	vld.idx.msk [tilespmem:v27+s0+$0x0], $0xffff;
	v7 =	vadd.s32 v32, v2  }
0x22e: {  	s15 =	sor.u32 s18, s16;
	s23 =	sor.u32 s31, s16;
	s21 =	sor.u32 s20, s16;
	v21 =	vadd.s32 v54, v38;
	v27 =	vld [tilespmem:$0x1FD10];
	v3 =	vadd.s32 v32, v29;
	v5 =	vmul.f32 v5, v55  }
0x22f: {  	s26 =	sadd.s32 s4, s13;
	s13 =	sor.u32 s30, s16;
	s16 =	sor.u32 s18, s22;
	v48 =	vadd.s32 v54, v44;
	v22 =	vadd.s32 v54, v2;
	v40 =	vadd.s32 v54, v29;
	v54 =	vld [tilespmem:$0x1FDE0]  }
0x230: {  	[tilespmem:s16+$0x0] =	vst.add.f32.msk $0xffff, v5  }
0x231: {  	[tilespmem:$0x1FB80] =	vst v35;
	s17 =	sadd.s32 $0x200, s17;
	v6 =	vadd.s32 v32, v38;
	v4 =	vld.idx.msk [tilespmem:v4+s0+$0x0], $0xffff  }
0x232: {  	[tilespmem:$0x1FBC0] =	vst v18;
	s9 =	sadd.s32 $0x4, s9;
	s6 =	sadd.s32 $0xFFFFFF80, s17;
	v5 =	vadd.s32 v32, v44;
	v7 =	vld.idx.msk [tilespmem:v7+s0+$0x0], $0xffff  }
0x233: {  	[tilespmem:$0x1FC60] =	vst v14;
	s10 =	sor.u32 s30, s14;
	s2 =	sor.u32 s18, s14;
	s7 =	rddreg [dreg:$0x18];
	v3 =	vld.idx.msk [tilespmem:v3+s0+$0x0], $0xffff  }
0x234: {  	[smem:$0x7EE] =	sst s10;
	s3 =	sor.u32 s31, s14;
	s19 =	sshrl.u32 s9, $0x3;
	[tilespmem:s7+$0x0] =	vst.add.f32.msk $0xffff, v0;
	v0 =	vadd.s32 v28, v2  }
0x235: {  	[dreg:$0x1d] =	wrdreg s3;
	s14 =	sor.u32 s30, s26;
	s3 =	smul.u32 $0x3000, s19;
	v49 =	vld.idx.msk [tilespmem:v59+s0+$0x0], $0xffff;
	[tilespmem:$0x1FB90] =	vst v0;
	v0 =	vadd.s32 v28, v29  }
0x236: {  	s1 =	sor.u32 s20, s26;
	s12 =	sor.u32 s18, s26;
	[dreg:$0x1b] =	wrdreg s14;
	v6 =	vld.idx.msk [tilespmem:v6+s0+$0x0], $0xffff;
	[tilespmem:$0x1FBA0] =	vst v0;
	v0 =	vadd.s32 v28, v44  }
0x237: {  	s24 =	sor.u32 s31, s26;
	s26 =	sadd.s32 $0xFFFFFE80, s17;
	s14 =	sshra.s32 s3, $0x2;
	v20 =	vld.idx.msk [tilespmem:v5+s0+$0x0], $0xffff;
	[tilespmem:$0x1FBB0] =	vst v0  }
0x238: {  	s8 =	sor.u32 s30, s22;
	s10 =	sadd.s32 $0x19600, s14;
	s7 =	sand.u32 $0x200, s26;
	[tilespmem:s25+$0x0] =	vst.add.f32.msk $0xffff, v1;
	v0 =	vadd.s32 v51, v2;
	v4 =	vmul.f32 v4, v54  }
0x239: {  	[dreg:$0x1e] =	wrdreg s13;
	v8 =	vadd.s32 v58, v50;
	s11 =	sadd.s32 $0xFFFFFF00, s17;
	s26 =	sadd.s32 s7, s10;
	[tilespmem:$0x1FBD0] =	vst v0;
	v1 =	vmul.f32 v7, v27;
	v24 =	vmul.f32 v3, v27;
	v3 =	vld [tilespmem:$0x1FFE0]  }
0x23a: {  	s19 =	sand.u32 $0x300, s6;
	s6 =	sand.u32 $0x280, s11;
	s13 =	sor.u32 s20, s26;
	[tilespmem:s8+$0x0] =	vst.add.f32.msk $0xffff, v4  }
0x23b: {  	s28 =	sadd.s32 s6, s10;
	v0 =	vadd.s32 v51, v29;
	[tilespmem:s13+$0x0] =	vst.add.f32.msk $0xffff, v1  }
0x23c: {  	s11 =	sor.u32 s20, s28;
	[tilespmem:$0x1FBE0] =	vst v0;
	v4 =	vld [tilespmem:$0x1FFF0]  }
0x23d: {  	v19 =	vadd.s32 v15, v29;
	s25 =	sadd.s32 s19, s10;
	v0 =	vmul.f32 v6, v27;
	[tilespmem:s11+$0x0] =	vst.add.f32.msk $0xffff, v24  }
0x23e: {  	[smem:$0x7ED] =	sst s12;
	[tilespmem:$0x1FB70] =	vst v19;
	s12 =	sor.u32 s20, s25;
	v23 =	vld.idx.msk [tilespmem:v8+s0+$0x0], $0xffff  }
0x23f: {  	v16 =	vmov v46;
	s4 =	sand.u32 $0x380, s17;
	v45 =	vadd.s32 v56, v44;
	v1 =	vadd.s32 v60, v44;
	[tilespmem:s12+$0x0] =	vst.add.f32.msk $0xffff, v0  }
0x240: {  	v61 =	vld [tilespmem:$0x1FF80];
	v46 =	vadd.s32 v56, v2;
	s5 =	sadd.s32 s4, s10;
	v0 =	vadd.s32 v26, v44;
	v27 =	vmul.f32 v20, v27;
	[tilespmem:$0x1FCD0] =	vst v1  }
0x241: {  	v47 =	vadd.s32 v56, v29;
	s16 =	sor.u32 s20, s5;
	v6 =	vadd.s32 v51, v44;
	v51 =	vadd.s32 v56, v38;
	v56 =	vld [tilespmem:$0x1FD30];
	[tilespmem:$0x1FBF0] =	vst v0  }
0x242: {  	v0 =	vadd.s32 v3, v2;
	[tilespmem:s16+$0x0] =	vst.add.f32.msk $0xffff, v27  }
0x243: {  	v50 =	vld.idx.msk [tilespmem:v21+s0+$0x0], $0xffff;
	[tilespmem:$0x1FC00] =	vst v0;
	v0 =	vadd.s32 v3, v29  }
0x244: {  	v13 =	vld [tilespmem:$0x1FFB0];
	[tilespmem:$0x1FC10] =	vst v0;
	v0 =	vadd.s32 v4, v2  }
0x245: {  	v14 =	vld [tilespmem:$0x1FFC0];
	[tilespmem:$0x1FC30] =	vst v0;
	v0 =	vadd.s32 v4, v29  }
0x246: {  	s22 =	sor.u32 s31, s22;
	v10 =	vld [tilespmem:$0x1FF50];
	s3 =	sor.u32 s18, s28;
	v59 =	vmul.f32 v23, v53;
	[tilespmem:$0x1FC40] =	vst v0;
	v0 =	vadd.s32 v3, v44  }
0x247: {  	s29 =	sor.u32 s31, s26;
	v7 =	vadd.s32 v26, v2;
	s8 =	sor.u32 s18, s26;
	s13 =	sor.u32 s18, s5;
	v8 =	vadd.s32 v26, v29;
	v26 =	vld.idx.msk [tilespmem:v40+s0+$0x0], $0xffff;
	[tilespmem:$0x1FC20] =	vst v0  }
0x248: {  	s18 =	sor.u32 s30, s5;
	s16 =	smov.u32 s23;
	s23 =	rddreg [dreg:$0xa];
	v40 =	vmul.f32 v50, v56;
	v0 =	vadd.s32 v61, v2;
	[tilespmem:s22+$0x0] =	vst.add.f32.msk $0xffff, v59  }
0x249: {  	s12 =	sor.u32 s30, s26;
	s26 =	sor.u32 s31, s5;
	s5 =	sor.u32 s23, s25;
	v28 =	vld.idx.msk [tilespmem:v48+s0+$0x0], $0xffff;
	v50 =	vmul.f32 v9, v25;
	[tilespmem:$0x1FC70] =	vst v0  }
0x24a: {  	v25 =	vmul.f32 v33, v25;
	[tilespmem:s5+$0x0] =	vst.add.f32.msk $0xffff, v40  }
0x24b: {  	[tilespmem:s21+$0x0] =	vst.add.f32.msk $0xffff, v50  }
0x24c: {  	v26 =	vmul.f32 v26, v56;
	v0 =	vadd.s32 v61, v29;
	[tilespmem:s1+$0x0] =	vst.add.f32.msk $0xffff, v25  }
0x24d: {  	v36 =	vadd.s32 v12, v44;
	v23 =	vld [tilespmem:$0x1FF90];
	[tilespmem:$0x1FC80] =	vst v0  }
0x24e: {  	v43 =	vadd.s32 v10, v2;
	v42 =	vadd.s32 v10, v29;
	v0 =	vadd.s32 v4, v44;
	[tilespmem:s3+$0x0] =	vst.add.f32.msk $0xffff, v26  }
0x24f: {  	v41 =	vadd.s32 v10, v44;
	v39 =	vadd.s32 v12, v2;
	[tilespmem:$0x1FC50] =	vst v0;
	v0 =	vadd.s32 v60, v2  }
0x250: {  	v37 =	vadd.s32 v12, v29;
	v35 =	vadd.s32 v13, v2;
	v20 =	vld [tilespmem:$0x1FEF0];
	[tilespmem:$0x1FCB0] =	vst v0;
	v0 =	vadd.s32 v60, v29  }
0x251: {  	v25 =	vmul.f32 v28, v56;
	v51 =	vld.idx.msk [tilespmem:v51+s0+$0x0], $0xffff;
	[tilespmem:$0x1FCC0] =	vst v0;
	v0 =	vadd.s32 v61, v44  }
0x252: {  	v17 =	vmov v34;
	v34 =	vadd.s32 v13, v29;
	v31 =	vadd.s32 v14, v2;
	[tilespmem:$0x1FC90] =	vst v0;
	v0 =	vld.idx.msk [tilespmem:v22+s0+$0x0], $0xffff  }
0x253: {  	v30 =	vadd.s32 v14, v29;
	v18 =	vadd.s32 v15, v2;
	v1 =	vadd.s32 v23, v2;
	[tilespmem:s13+$0x0] =	vst.add.f32.msk $0xffff, v25  }
0x254: {  	v19 =	vadd.s32 v14, v44;
	v59 =	vadd.s32 v52, v2;
	[tilespmem:$0x1FCF0] =	vst v1;
	v1 =	vadd.s32 v52, v29;
	v52 =	vld [tilespmem:$0x1FF00]  }
0x255: {  	v32 =	vadd.s32 v13, v44;
	v5 =	vadd.s32 v15, v44;
	v48 =	vadd.s32 v11, v2;
	v25 =	vld.idx.msk [tilespmem:v47+s0+$0x0], $0xffff  }
0x256: {  	v21 =	vadd.s32 v20, v2;
	v24 =	vadd.s32 v20, v29;
	v27 =	vadd.s32 v20, v44;
	v47 =	vld [tilespmem:$0x1FD80]  }
0x257: {  	v9 =	vadd.s32 v58, v2;
	v40 =	vadd.s32 v11, v29;
	v0 =	vmul.f32 v0, v56;
	v56 =	vld [tilespmem:$0x1FD40]  }
0x258: {  	v2 =	vadd.s32 v58, v29;
	v22 =	vadd.s32 v23, v29;
	v29 =	vadd.s32 v58, v44;
	v58 =	vld.idx.msk [tilespmem:v16+s0+$0x0], $0xffff  }
0x259: {  	v33 =	vadd.s32 v11, v44;
	v63 =	vadd.s32 v23, v44;
	v52 =	vadd.s32 v52, v44;
	v44 =	vld [tilespmem:$0x1FD60]  }
0x25a: {  	v50 =	vmov v38;
	[tilespmem:s8+$0x0] =	vst.add.f32.msk $0xffff, v0  }
0x25b: {  	v0 =	vadd.s32 v10, v50;
	v10 =	vld [tilespmem:$0x1FD50]  }
0x25c: {  	v26 =	vld.idx.msk [tilespmem:v46+s0+$0x0], $0xffff;
	v28 =	vmul.f32 v51, v56  }
0x25d: {  	[dreg:$0x18] =	wrdreg s16;
	s16 =	smov.u32 s24;
	s24 =	sor.u32 s30, s25;
	v46 =	vmov v1;
	v1 =	vld.idx.msk [tilespmem:v62+s0+$0x0], $0xffff  }
0x25e: {  	[tilespmem:s24+$0x0] =	vst.add.f32.msk $0xffff, v28  }
0x25f: {  	v25 =	vmul.f32 v25, v56;
	v28 =	vld.idx.msk [tilespmem:v45+s0+$0x0], $0xffff  }
0x260: {  	s11 =	sor.u32 s30, s28;
	v0 =	vld.idx.msk [tilespmem:v0+s0+$0x0], $0xffff  }
0x261: {  	[tilespmem:s11+$0x0] =	vst.add.f32.msk $0xffff, v25;
	v26 =	vmul.f32 v26, v56  }
0x262: {  	v25 =	vld.idx.msk [tilespmem:v42+s0+$0x0], $0xffff  }
0x263: {  	v49 =	vmul.f32 v49, v55;
	[tilespmem:s12+$0x0] =	vst.add.f32.msk $0xffff, v26;
	v26 =	vadd.s32 v12, v50  }
0x264: {  	v43 =	vld.idx.msk [tilespmem:v43+s0+$0x0], $0xffff;
	v28 =	vmul.f32 v28, v56  }
0x265: {  	[tilespmem:s2+$0x0] =	vst.add.f32.msk $0xffff, v49;
	v0 =	vmul.f32 v0, v10  }
0x266: {  	s3 =	sor.u32 s31, s25;
	[tilespmem:s18+$0x0] =	vst.add.f32.msk $0xffff, v28  }
0x267: {  	[tilespmem:s3+$0x0] =	vst.add.f32.msk $0xffff, v0  }
0x268: {  	v25 =	vmul.f32 v25, v10;
	v26 =	vld.idx.msk [tilespmem:v26+s0+$0x0], $0xffff  }
0x269: {  	s28 =	sor.u32 s31, s28;
	v11 =	vld.idx.msk [tilespmem:v41+s0+$0x0], $0xffff;
	v28 =	vmul.f32 v43, v10  }
0x26a: {  	[tilespmem:s28+$0x0] =	vst.add.f32.msk $0xffff, v25  }
0x26b: {  	s5 =	rddreg [dreg:$0x2];
	[tilespmem:s29+$0x0] =	vst.add.f32.msk $0xffff, v28;
	v28 =	vadd.s32 v13, v50  }
0x26c: {  	s1 =	sadd.s32 s5, s10;
	v0 =	vmul.f32 v58, v55;
	v39 =	vld.idx.msk [tilespmem:v39+s0+$0x0], $0xffff  }
0x26d: {  	s13 =	sadd.s32 s19, s1;
	s18 =	rddreg [dreg:$0xb];
	v25 =	vmul.f32 v26, v44;
	v26 =	vld.idx.msk [tilespmem:v37+s0+$0x0], $0xffff  }
0x26e: {  	s5 =	sadd.s32 s18, s13;
	[tilespmem:s15+$0x0] =	vst.add.f32.msk $0xffff, v0  }
0x26f: {  	[tilespmem:s5+$0x0] =	vst.add.f32.msk $0xffff, v25;
	v25 =	vmul.f32 v11, v10  }
0x270: {  	v28 =	vld.idx.msk [tilespmem:v28+s0+$0x0], $0xffff  }
0x271: {  	s8 =	sadd.s32 s7, s1;
	[tilespmem:s26+$0x0] =	vst.add.f32.msk $0xffff, v25;
	v25 =	vmul.f32 v39, v44  }
0x272: {  	[smem:$0x7EF] =	sst s16;
	s2 =	sadd.s32 s18, s8;
	v36 =	vld.idx.msk [tilespmem:v36+s0+$0x0], $0xffff  }
0x273: {  	s16 =	rddreg [dreg:$0x3];
	s11 =	sadd.s32 s6, s1;
	v0 =	vmul.f32 v26, v44;
	[tilespmem:s2+$0x0] =	vst.add.f32.msk $0xffff, v25  }
0x274: {  	s21 =	sadd.s32 s16, s10;
	s3 =	sadd.s32 s18, s11;
	v26 =	vld.idx.msk [tilespmem:v35+s0+$0x0], $0xffff  }
0x275: {  	s24 =	sadd.s32 s19, s21;
	s26 =	rddreg [dreg:$0xc];
	v25 =	vadd.s32 v14, v50;
	[tilespmem:s3+$0x0] =	vst.add.f32.msk $0xffff, v0;
	v0 =	vmul.f32 v28, v47  }
0x276: {  	s8 =	sadd.s32 s26, s24;
	v28 =	vld.idx.msk [tilespmem:v34+s0+$0x0], $0xffff  }
0x277: {  	s1 =	sadd.s32 s4, s1;
	[tilespmem:s8+$0x0] =	vst.add.f32.msk $0xffff, v0;
	v0 =	vmul.f32 v36, v44  }
0x278: {  	s1 =	sadd.s32 s18, s1  }
0x279: {  	s22 =	sadd.s32 s7, s21;
	[tilespmem:s1+$0x0] =	vst.add.f32.msk $0xffff, v0;
	v0 =	vmul.f32 v26, v47  }
0x27a: {  	s5 =	sadd.s32 s26, s22;
	v25 =	vld.idx.msk [tilespmem:v25+s0+$0x0], $0xffff  }
0x27b: {  	[tilespmem:s5+$0x0] =	vst.add.f32.msk $0xffff, v0  }
0x27c: {  	v0 =	vmul.f32 v28, v47;
	v28 =	vld.idx.msk [tilespmem:v31+s0+$0x0], $0xffff  }
0x27d: {  	s11 =	sld [smem:$0x7ED];
	v31 =	vld [tilespmem:$0x1FD90]  }
0x27e: {  	v1 =	vmul.f32 v1, v55  }
0x27f: {  	s23 =	sadd.s32 s6, s21;
	v26 =	vld.idx.msk [tilespmem:v32+s0+$0x0], $0xffff  }
0x280: {  	s12 =	rddreg [dreg:$0x4];
	s3 =	sadd.s32 s26, s23;
	[tilespmem:s11+$0x0] =	vst.add.f32.msk $0xffff, v1  }
0x281: {  	s12 =	sadd.s32 s12, s10;
	v1 =	vadd.s32 v15, v50;
	[tilespmem:s3+$0x0] =	vst.add.f32.msk $0xffff, v0  }
0x282: {  	s18 =	sadd.s32 s19, s12;
	s2 =	sadd.s32 s4, s21;
	s21 =	rddreg [dreg:$0xd];
	v0 =	vmul.f32 v25, v31;
	v25 =	vld.idx.msk [tilespmem:v30+s0+$0x0], $0xffff  }
0x283: {  	s8 =	sadd.s32 s21, s18;
	v30 =	vld [tilespmem:$0x1FDA0]  }
0x284: {  	[tilespmem:s8+$0x0] =	vst.add.f32.msk $0xffff, v0  }
0x285: {  	v0 =	vmul.f32 v26, v47;
	v26 =	vld.idx.msk [tilespmem:v17+s0+$0x0], $0xffff  }
0x286: {  	s2 =	sadd.s32 s26, s2;
	v1 =	vld.idx.msk [tilespmem:v1+s0+$0x0], $0xffff  }
0x287: {  	s15 =	sadd.s32 s7, s12;
	[tilespmem:s2+$0x0] =	vst.add.f32.msk $0xffff, v0;
	v0 =	vmul.f32 v28, v31  }
0x288: {  	s5 =	sadd.s32 s21, s15;
	v19 =	vld.idx.msk [tilespmem:v19+s0+$0x0], $0xffff  }
0x289: {  	s16 =	sadd.s32 s6, s12;
	s13 =	rddreg [dreg:$0x5];
	[tilespmem:s5+$0x0] =	vst.add.f32.msk $0xffff, v0;
	v0 =	vmul.f32 v25, v31  }
0x28a: {  	s22 =	sadd.s32 s13, s10;
	s3 =	sadd.s32 s21, s16  }
0x28b: {  	s1 =	sadd.s32 s4, s12;
	s12 =	rddreg [dreg:$0xe];
	s11 =	sadd.s32 s19, s22;
	[tilespmem:s3+$0x0] =	vst.add.f32.msk $0xffff, v0;
	v0 =	vmul.f32 v1, v30  }
0x28c: {  	s8 =	sadd.s32 s12, s11  }
0x28d: {  	[tilespmem:s8+$0x0] =	vst.add.f32.msk $0xffff, v0;
	v0 =	vmul.f32 v19, v31  }
0x28e: {  	s1 =	sadd.s32 s21, s1  }
0x28f: {  	[tilespmem:s1+$0x0] =	vst.add.f32.msk $0xffff, v0  }
0x290: {  	v16 =	vld.idx.msk [tilespmem:v5+s0+$0x0], $0xffff  }
0x291: {  	v5 =	vld [tilespmem:$0x1FB80];
	_ =	sdelay $0x2  }
0x292: {  	v18 =	vld.idx.msk [tilespmem:v18+s0+$0x0], $0xffff;
	_ =	sdelay $0x3  }
0x293: {  	v1 =	vld [tilespmem:$0x1FB70]  }
0x294: {  	v0 =	vmul.f32 v18, v30;
	v18 =	vld.idx.msk [tilespmem:v5+s0+$0x0], $0xffff  }
0x295: {  	v5 =	vld [tilespmem:$0x1FB90];
	_ =	sdelay $0x3  }
0x296: {  	s23 =	sadd.s32 s7, s22;
	v28 =	vld [tilespmem:$0x1FEC0]  }
0x297: {  	s5 =	sadd.s32 s12, s23  }
0x298: {  	[tilespmem:s5+$0x0] =	vst.add.f32.msk $0xffff, v0  }
0x299: {  	v1 =	vld.idx.msk [tilespmem:v1+s0+$0x0], $0xffff  }
0x29a: {  	v15 =	vld.idx.msk [tilespmem:v5+s0+$0x0], $0xffff  }
0x29b: {  	v25 =	vadd.s32 v28, v50;
	v5 =	vld [tilespmem:$0x1FBA0];
	_ =	sdelay $0x4  }
0x29c: {  	s24 =	sadd.s32 s6, s22;
	v17 =	vld.idx.msk [tilespmem:v25+s0+$0x0], $0xffff;
	v0 =	vmul.f32 v1, v30  }
0x29d: {  	s3 =	sadd.s32 s12, s24;
	v25 =	vld [tilespmem:$0x1FDB0]  }
0x29e: {  	[tilespmem:s3+$0x0] =	vst.add.f32.msk $0xffff, v0  }
0x29f: {  	v14 =	vld.idx.msk [tilespmem:v5+s0+$0x0], $0xffff  }
0x2a0: {  	v5 =	vld [tilespmem:$0x1FBB0];
	_ =	sdelay $0x1  }
0x2a1: {  	s26 =	smov.u32 s13;
	s13 =	sadd.s32 $0x19A00, s14;
	s2 =	sadd.s32 s4, s22  }
0x2a2: {  	s8 =	sadd.s32 s12, s2;
	s2 =	sadd.s32 s19, s13;
	v0 =	vmul.f32 v17, v25  }
0x2a3: {  	v51 =	vld [tilespmem:$0x1FED0];
	s21 =	sor.u32 s20, s2  }
0x2a4: {  	[tilespmem:s21+$0x0] =	vst.add.f32.msk $0xffff, v0;
	v0 =	vmul.f32 v16, v30;
	_ =	sdelay $0x1  }
0x2a5: {  	[tilespmem:s8+$0x0] =	vst.add.f32.msk $0xffff, v0  }
0x2a6: {  	v13 =	vld.idx.msk [tilespmem:v5+s0+$0x0], $0xffff  }
0x2a7: {  	v5 =	vld [tilespmem:$0x1FBC0]  }
0x2a8: {  	v1 =	vadd.s32 v51, v50;
	_ =	sdelay $0x2  }
0x2a9: {  	v19 =	vmul.f32 v26, v54;
	v26 =	vld [tilespmem:$0x1FEE0]  }
0x2aa: {  	s29 =	smov.u32 s14;
	s14 =	sadd.s32 s7, s13;
	v17 =	vld [tilespmem:$0x1FDC0];
	v0 =	vmul.f32 v15, v25  }
0x2ab: {  	s15 =	sor.u32 s20, s14;
	v1 =	vld.idx.msk [tilespmem:v1+s0+$0x0], $0xffff  }
0x2ac: {  	[tilespmem:s15+$0x0] =	vst.add.f32.msk $0xffff, v0  }
0x2ad: {  	v15 =	vld.idx.msk [tilespmem:v5+s0+$0x0], $0xffff  }
0x2ae: {  	s11 =	sadd.s32 s6, s13;
	v0 =	vmul.f32 v14, v25;
	v5 =	vld [tilespmem:$0x1FBD0]  }
0x2af: {  	s18 =	sor.u32 s20, s11  }
0x2b0: {  	[tilespmem:s18+$0x0] =	vst.add.f32.msk $0xffff, v0  }
0x2b1: {  	v0 =	vmul.f32 v1, v17;
	v1 =	vld [tilespmem:$0x1FBE0]  }
0x2b2: {  	v14 =	vadd.s32 v26, v50  }
0x2b3: {  	s18 =	rddreg [dreg:$0xa]  }
0x2b4: {  	s8 =	sor.u32 s18, s2  }
0x2b5: {  	[tilespmem:s8+$0x0] =	vst.add.f32.msk $0xffff, v0  }
0x2b6: {  	s22 =	rddreg [dreg:$0xa];
	v12 =	vld.idx.msk [tilespmem:v5+s0+$0x0], $0xffff  }
0x2b7: {  	s16 =	sor.u32 s22, s14;
	s23 =	rddreg [dreg:$0xa];
	v49 =	vld.idx.msk [tilespmem:v14+s0+$0x0], $0xffff  }
0x2b8: {  	s22 =	sor.u32 s23, s11;
	s24 =	rddreg [dreg:$0xa];
	s1 =	sadd.s32 s4, s13;
	v14 =	vld [tilespmem:$0x1FDD0];
	v0 =	vmul.f32 v13, v25  }
0x2b9: {  	s23 =	sor.u32 s24, s1;
	s24 =	sld [smem:$0x7EE];
	s21 =	sor.u32 s20, s1;
	v1 =	vld.idx.msk [tilespmem:v1+s0+$0x0], $0xffff  }
0x2ba: {  	[tilespmem:s21+$0x0] =	vst.add.f32.msk $0xffff, v0  }
0x2bb: {  	v58 =	vld.idx.msk [tilespmem:v6+s0+$0x0], $0xffff;
	v0 =	vmul.f32 v12, v17  }
0x2bc: {  	[tilespmem:s24+$0x0] =	vst.add.f32.msk $0xffff, v19  }
0x2bd: {  	[tilespmem:s16+$0x0] =	vst.add.f32.msk $0xffff, v0  }
0x2be: {  	v0 =	vmul.f32 v1, v17;
	v1 =	vadd.s32 v3, v50;
	v3 =	vld [tilespmem:$0x1FBF0]  }
0x2bf: {  	v7 =	vld.idx.msk [tilespmem:v7+s0+$0x0], $0xffff  }
0x2c0: {  	[tilespmem:s22+$0x0] =	vst.add.f32.msk $0xffff, v0;
	v0 =	vmul.f32 v49, v14  }
0x2c1: {  	s8 =	sor.u32 s30, s2;
	v8 =	vld.idx.msk [tilespmem:v8+s0+$0x0], $0xffff  }
0x2c2: {  	[tilespmem:s8+$0x0] =	vst.add.f32.msk $0xffff, v0;
	v0 =	vmul.f32 v58, v17;
	_ =	sdelay $0x1  }
0x2c3: {  	[tilespmem:s23+$0x0] =	vst.add.f32.msk $0xffff, v0;
	v0 =	vmul.f32 v7, v14  }
0x2c4: {  	s13 =	sor.u32 s30, s14;
	v1 =	vld.idx.msk [tilespmem:v1+s0+$0x0], $0xffff  }
0x2c5: {  	[tilespmem:s13+$0x0] =	vst.add.f32.msk $0xffff, v0  }
0x2c6: {  	v0 =	vmul.f32 v8, v14;
	v8 =	vld [tilespmem:$0x1FDF0]  }
0x2c7: {  	v16 =	vmul.f32 v18, v54;
	v6 =	vld.idx.msk [tilespmem:v3+s0+$0x0], $0xffff  }
0x2c8: {  	s24 =	rddreg [dreg:$0x1e];
	v3 =	vld [tilespmem:$0x1FC00]  }
0x2c9: {  	s3 =	sor.u32 s30, s11;
	[tilespmem:s24+$0x0] =	vst.add.f32.msk $0xffff, v16  }
0x2ca: {  	[tilespmem:s3+$0x0] =	vst.add.f32.msk $0xffff, v0  }
0x2cb: {  	v0 =	vmul.f32 v1, v8;
	v1 =	vld [tilespmem:$0x1FC10];
	_ =	sdelay $0x4  }
0x2cc: {  	v5 =	vld.idx.msk [tilespmem:v3+s0+$0x0], $0xffff  }
0x2cd: {  	s2 =	sor.u32 s31, s2;
	v7 =	vadd.s32 v4, v50;
	v4 =	vld [tilespmem:$0x1FC20]  }
0x2ce: {  	[tilespmem:s2+$0x0] =	vst.add.f32.msk $0xffff, v0;
	v0 =	vmul.f32 v6, v14  }
0x2cf: {  	s12 =	sor.u32 s31, s14;
	s14 =	sor.u32 s30, s1;
	v1 =	vld.idx.msk [tilespmem:v1+s0+$0x0], $0xffff  }
0x2d0: {  	[tilespmem:s14+$0x0] =	vst.add.f32.msk $0xffff, v0  }
0x2d1: {  	v0 =	vmul.f32 v5, v8;
	v5 =	vld [tilespmem:$0x1FC30]  }
0x2d2: {  	v3 =	vld.idx.msk [tilespmem:v7+s0+$0x0], $0xffff  }
0x2d3: {  	[tilespmem:s12+$0x0] =	vst.add.f32.msk $0xffff, v0  }
0x2d4: {  	v0 =	vmul.f32 v1, v8;
	v1 =	vadd.s32 v61, v50;
	v61 =	vld [tilespmem:$0x1FE00]  }
0x2d5: {  	v13 =	vmul.f32 v15, v54  }
0x2d6: {  	s3 =	rddreg [dreg:$0x1b];
	v4 =	vld.idx.msk [tilespmem:v4+s0+$0x0], $0xffff  }
0x2d7: {  	s28 =	rddreg [dreg:$0x6];
	s11 =	sor.u32 s31, s11;
	[tilespmem:s3+$0x0] =	vst.add.f32.msk $0xffff, v13  }
0x2d8: {  	s5 =	sadd.s32 s28, s10;
	[tilespmem:s11+$0x0] =	vst.add.f32.msk $0xffff, v0  }
0x2d9: {  	s21 =	rddreg [dreg:$0xf];
	s8 =	sadd.s32 s7, s5;
	s14 =	sadd.s32 s19, s5;
	v5 =	vld.idx.msk [tilespmem:v5+s0+$0x0], $0xffff;
	v0 =	vmul.f32 v3, v61  }
0x2da: {  	s3 =	sadd.s32 s21, s8;
	s8 =	sadd.s32 s21, s14;
	v3 =	vld [tilespmem:$0x1FC40]  }
0x2db: {  	[tilespmem:s8+$0x0] =	vst.add.f32.msk $0xffff, v0;
	v0 =	vmul.f32 v4, v8  }
0x2dc: {  	s1 =	sor.u32 s31, s1  }
0x2dd: {  	[tilespmem:s1+$0x0] =	vst.add.f32.msk $0xffff, v0  }
0x2de: {  	v0 =	vmul.f32 v5, v61;
	v5 =	vld [tilespmem:$0x1FC60];
	_ =	sdelay $0x3  }
0x2df: {  	v3 =	vld.idx.msk [tilespmem:v3+s0+$0x0], $0xffff  }
0x2e0: {  	v6 =	vld [tilespmem:$0x1FC70]  }
0x2e1: {  	v8 =	vld [tilespmem:$0x1FE10]  }
0x2e2: {  	v1 =	vld.idx.msk [tilespmem:v1+s0+$0x0], $0xffff  }
0x2e3: {  	v5 =	vld.idx.msk [tilespmem:v5+s0+$0x0], $0xffff  }
0x2e4: {  	s12 =	sadd.s32 s6, s5;
	[tilespmem:s3+$0x0] =	vst.add.f32.msk $0xffff, v0;
	v0 =	vmul.f32 v3, v61  }
0x2e5: {  	s2 =	sadd.s32 s4, s5;
	s5 =	sadd.s32 s21, s12;
	v4 =	vld [tilespmem:$0x1FC50]  }
0x2e6: {  	[tilespmem:s5+$0x0] =	vst.add.f32.msk $0xffff, v0  }
0x2e7: {  	v0 =	vmul.f32 v1, v8;
	v1 =	vld [tilespmem:$0x1FC80];
	_ =	sdelay $0x5  }
0x2e8: {  	v4 =	vld.idx.msk [tilespmem:v4+s0+$0x0], $0xffff  }
0x2e9: {  	s25 =	rddreg [dreg:$0x7];
	v6 =	vld.idx.msk [tilespmem:v6+s0+$0x0], $0xffff  }
0x2ea: {  	s1 =	sadd.s32 s25, s10;
	v3 =	vadd.s32 v60, v50;
	v7 =	vld.idx.msk [tilespmem:v1+s0+$0x0], $0xffff  }
0x2eb: {  	s22 =	rddreg [dreg:$0x10];
	s14 =	sadd.s32 s19, s1;
	v1 =	vmul.f32 v5, v53;
	v5 =	vld [tilespmem:$0x1FCA0]  }
0x2ec: {  	s8 =	sadd.s32 s22, s14  }
0x2ed: {  	[tilespmem:s8+$0x0] =	vst.add.f32.msk $0xffff, v0  }
0x2ee: {  	v0 =	vmul.f32 v4, v61;
	v4 =	vld [tilespmem:$0x1FC90]  }
0x2ef: {  	s2 =	sadd.s32 s21, s2;
	v3 =	vld.idx.msk [tilespmem:v3+s0+$0x0], $0xffff  }
0x2f0: {  	s11 =	sadd.s32 s7, s1;
	[tilespmem:s2+$0x0] =	vst.add.f32.msk $0xffff, v0;
	v0 =	vmul.f32 v6, v8  }
0x2f1: {  	s3 =	sadd.s32 s22, s11;
	v6 =	vld [tilespmem:$0x1FCB0]  }
0x2f2: {  	s12 =	sadd.s32 s6, s1;
	[tilespmem:s3+$0x0] =	vst.add.f32.msk $0xffff, v0;
	v0 =	vmul.f32 v7, v8  }
0x2f3: {  	s5 =	sadd.s32 s22, s12;
	v5 =	vld.idx.msk [tilespmem:v5+s0+$0x0], $0xffff  }
0x2f4: {  	[tilespmem:s5+$0x0] =	vst.add.f32.msk $0xffff, v0  }
0x2f5: {  	v0 =	vmul.f32 v3, v57;
	v3 =	vld [tilespmem:$0x1FCC0];
	_ =	sdelay $0x2  }
0x2f6: {  	s23 =	rddreg [dreg:$0x8]  }
0x2f7: {  	v12 =	vmov v2;
	v2 =	vadd.s32 v23, v50;
	s3 =	sadd.s32 s23, s10  }
0x2f8: {  	s15 =	rddreg [dreg:$0x11];
	s14 =	sadd.s32 s19, s3;
	v4 =	vld.idx.msk [tilespmem:v4+s0+$0x0], $0xffff  }
0x2f9: {  	v6 =	vld.idx.msk [tilespmem:v6+s0+$0x0], $0xffff;
	s5 =	sadd.s32 s15, s14  }
0x2fa: {  	[tilespmem:s5+$0x0] =	vst.add.f32.msk $0xffff, v0  }
0x2fb: {  	v7 =	vld.idx.msk [tilespmem:v3+s0+$0x0], $0xffff  }
0x2fc: {  	v3 =	vld.idx.msk [tilespmem:v2+s0+$0x0], $0xffff  }
0x2fd: {  	v2 =	vld [tilespmem:$0x1FCD0];
	_ =	sdelay $0x2  }
0x2fe: {  	s1 =	sadd.s32 s4, s1;
	v4 =	vmul.f32 v4, v8  }
0x2ff: {  	s8 =	sadd.s32 s22, s1;
	s11 =	sadd.s32 s7, s3;
	v0 =	vmul.f32 v5, v53;
	v5 =	vmul.f32 v6, v57  }
0x300: {  	s2 =	sadd.s32 s15, s11;
	[tilespmem:s8+$0x0] =	vst.add.f32.msk $0xffff, v4  }
0x301: {  	[tilespmem:s2+$0x0] =	vst.add.f32.msk $0xffff, v5  }
0x302: {  	v5 =	vld [tilespmem:$0x1FCF0]  }
0x303: {  	v4 =	vld.idx.msk [tilespmem:v2+s0+$0x0], $0xffff  }
0x304: {  	v2 =	vld [tilespmem:$0x1FCE0];
	_ =	sdelay $0x2  }
0x305: {  	p0 =	slt.u32 s9, $0x1C  }
.Ltmp2:
0x306: {  	v62 =	vmov v52;
	v52 =	vld [tilespmem:$0x1FF00];
	(pc) =	sbr.rel @p0 .LBB2_8-.Ltmp2, $4  }
0x307: {  	v32 =	vld [tilespmem:$0x1FF10];
	s16 =	rddreg [dreg:$0x9]  }
0x308: {  	v54 =	vld [tilespmem:$0x1FF20];
	s24 =	smov.u32 s28;
	s28 =	smov.u32 s25;
	s13 =	rddreg [dreg:$0x1d]  }
0x309: {  	v35 =	vmov v40;
	v34 =	vmov v48;
	v18 =	vmov v33;
	s25 =	sld [smem:$0x7EF];
	s12 =	sadd.s32 s6, s3;
	s1 =	sadd.s32 s4, s3;
	v5 =	vld.idx.msk [tilespmem:v5+s0+$0x0], $0xffff  }
0x30a: {  	v15 =	vmovc v29;
	v14 =	vmov v9;
	s3 =	sadd.s32 s15, s12;
	s1 =	sadd.s32 s15, s1;
	v6 =	vadd.s32 v20, v50;
	s2 =	sadd.s32 s16, s10;
	v7 =	vmul.f32 v7, v57;
	v2 =	vld.idx.msk [tilespmem:v2+s0+$0x0], $0xffff  }
0x30b: {  	_ = 	snop  }
0x30c: {  	[tilespmem:s3+$0x0] =	vst.add.f32.msk $0xffff, v7  }
0x30d: {  	v7 =	vld [tilespmem:$0x1FE30];
	_ =	sdelay $0x4  }
0x30e: {  	v4 =	vmul.f32 v4, v7;
	_ =	sdelay $0x1  }
0x30f: {  	[tilespmem:s1+$0x0] =	vst.add.f32.msk $0xffff, v4  }
0x310: {  	v8 =	vld [tilespmem:$0x1FD00];
	_ =	sdelay $0x1  }
0x311: {  	v60 =	vld.idx.msk [tilespmem:v22+s0+$0x0], $0xffff  }
0x312: {  	v4 =	vld.idx.msk [tilespmem:v63+s0+$0x0], $0xffff;
	_ =	sdelay $0x1  }
0x313: {  	s3 =	sadd.s32 s19, s2;
	s14 =	rddreg [dreg:$0x12];
	v3 =	vmul.f32 v3, v8  }
0x314: {  	s5 =	sadd.s32 s7, s2;
	s1 =	sadd.s32 s14, s3;
	v61 =	vmul.f32 v5, v8  }
0x315: {  	s9 =	sadd.s32 s6, s2;
	s8 =	sadd.s32 s14, s5;
	v33 =	vmul.f32 v60, v8;
	[tilespmem:s1+$0x0] =	vst.add.f32.msk $0xffff, v3  }
0x316: {  	s11 =	sadd.s32 s4, s2;
	s10 =	sadd.s32 s14, s9;
	v4 =	vmul.f32 v4, v8;
	[tilespmem:s8+$0x0] =	vst.add.f32.msk $0xffff, v61  }
0x317: {  	s2 =	sadd.s32 s14, s11;
	[tilespmem:s10+$0x0] =	vst.add.f32.msk $0xffff, v33  }
0x318: {  	[tilespmem:s2+$0x0] =	vst.add.f32.msk $0xffff, v4  }
0x319: {  	v63 =	vld.idx.msk [tilespmem:v6+s0+$0x0], $0xffff  }
0x31a: {  	v39 =	vld [tilespmem:$0x1FD20]  }
0x31b: {  	v36 =	vld.idx.msk [tilespmem:v21+s0+$0x0], $0xffff  }
0x31c: {  	v38 =	vld.idx.msk [tilespmem:v24+s0+$0x0], $0xffff  }
0x31d: {  	v40 =	vld.idx.msk [tilespmem:v27+s0+$0x0], $0xffff  }
0x31e: {  	s12 =	sadd.s32 $0x19E00, s29  }
0x31f: {  	s2 =	sadd.s32 s19, s12;
	v5 =	vmul.f32 v63, v39  }
0x320: {  	v37 =	vadd.s32 v52, v50;
	s5 =	sadd.s32 s7, s12;
	s17 =	sor.u32 s20, s2;
	v41 =	vmul.f32 v36, v39  }
0x321: {  	s6 =	sadd.s32 s6, s12;
	s19 =	sor.u32 s20, s5;
	v4 =	vmul.f32 v38, v39;
	[tilespmem:s17+$0x0] =	vst.add.f32.msk $0xffff, v5  }
0x322: {  	s29 =	sor.u32 s20, s6;
	s1 =	sadd.s32 s4, s12;
	v42 =	vmul.f32 v40, v39;
	[tilespmem:s19+$0x0] =	vst.add.f32.msk $0xffff, v41  }
0x323: {  	s4 =	sor.u32 s20, s1;
	[tilespmem:s29+$0x0] =	vst.add.f32.msk $0xffff, v4  }
0x324: {  	[tilespmem:s4+$0x0] =	vst.add.f32.msk $0xffff, v42  }
0x325: {  	v3 =	vld.idx.msk [tilespmem:v37+s0+$0x0], $0xffff  }
0x326: {  	v44 =	vld.idx.msk [tilespmem:v46+s0+$0x0], $0xffff  }
0x327: {  	v46 =	vld [tilespmem:$0x1FD70]  }
0x328: {  	v5 =	vld.idx.msk [tilespmem:v59+s0+$0x0], $0xffff;
	_ =	sdelay $0x1  }
0x329: {  	v45 =	vld.idx.msk [tilespmem:v62+s0+$0x0], $0xffff;
	_ =	sdelay $0x1  }
0x32a: {  	v3 =	vmul.f32 v3, v46  }
0x32b: {  	s7 =	sor.u32 s18, s2;
	v30 =	vld [tilespmem:$0x1FF70];
	v47 =	vmul.f32 v5, v46  }
0x32c: {  	s8 =	sor.u32 s18, s5;
	v48 =	vmul.f32 v44, v46;
	[tilespmem:s7+$0x0] =	vst.add.f32.msk $0xffff, v3  }
0x32d: {  	s9 =	sor.u32 s18, s6;
	v49 =	vmul.f32 v45, v46;
	[tilespmem:s8+$0x0] =	vst.add.f32.msk $0xffff, v47  }
0x32e: {  	s10 =	sor.u32 s18, s1;
	[tilespmem:s9+$0x0] =	vst.add.f32.msk $0xffff, v48  }
0x32f: {  	[tilespmem:s10+$0x0] =	vst.add.f32.msk $0xffff, v49  }
0x330: {  	v43 =	vadd.s32 v30, v50;
	v3 =	vld.idx.msk [tilespmem:v34+s0+$0x0], $0xffff  }
0x331: {  	v31 =	vld [tilespmem:$0x1FF30]  }
0x332: {  	v55 =	vld [tilespmem:$0x1FDE0]  }
0x333: {  	v52 =	vld.idx.msk [tilespmem:v35+s0+$0x0], $0xffff  }
0x334: {  	v53 =	vld.idx.msk [tilespmem:v18+s0+$0x0], $0xffff  }
0x335: {  	v4 =	vld.idx.msk [tilespmem:v43+s0+$0x0], $0xffff;
	_ =	sdelay $0x1  }
0x336: {  	v3 =	vmul.f32 v3, v55  }
0x337: {  	s12 =	sor.u32 s30, s5;
	[tilespmem:s13+$0x0] =	vst.add.f32.msk $0xffff, v1;
	v56 =	vmul.f32 v52, v55  }
0x338: {  	s17 =	sor.u32 s30, s6;
	v50 =	vadd.s32 v31, v50;
	v57 =	vmul.f32 v53, v55;
	[tilespmem:s12+$0x0] =	vst.add.f32.msk $0xffff, v3  }
0x339: {  	s19 =	sor.u32 s30, s1;
	v4 =	vmul.f32 v4, v55;
	[tilespmem:s17+$0x0] =	vst.add.f32.msk $0xffff, v56  }
0x33a: {  	s11 =	sor.u32 s30, s2;
	[tilespmem:s19+$0x0] =	vst.add.f32.msk $0xffff, v57  }
0x33b: {  	[tilespmem:s11+$0x0] =	vst.add.f32.msk $0xffff, v4  }
0x33c: {  	v58 =	vld [tilespmem:$0x1FE20]  }
0x33d: {  	v4 =	vld.idx.msk [tilespmem:v50+s0+$0x0], $0xffff  }
0x33e: {  	v3 =	vld.idx.msk [tilespmem:v14+s0+$0x0], $0xffff  }
0x33f: {  	v5 =	vld.idx.msk [tilespmem:v12+s0+$0x0], $0xffff  }
0x340: {  	v6 =	vld.idx.msk [tilespmem:v15+s0+$0x0], $0xffff  }
0x341: {  	s3 =	rddreg [dreg:$0x18];
	v59 =	vmul.f32 v2, v58  }
0x342: {  	[tilespmem:s3+$0x0] =	vst.add.f32.msk $0xffff, v0;
	v60 =	vmul.f32 v4, v58  }
0x343: {  	s2 =	sor.u32 s31, s2;
	v61 =	vmul.f32 v3, v58;
	[tilespmem:s25+$0x0] =	vst.add.f32.msk $0xffff, v59  }
0x344: {  	v62 =	vmul.f32 v5, v58;
	s25 =	sor.u32 s31, s5;
	[tilespmem:s2+$0x0] =	vst.add.f32.msk $0xffff, v60  }
0x345: {  	s29 =	sor.u32 s31, s6;
	v63 =	vmul.f32 v6, v58;
	[tilespmem:s25+$0x0] =	vst.add.f32.msk $0xffff, v61  }
0x346: {  	s1 =	sor.u32 s31, s1;
	s3 =	sld [smem:$0x7F0];
	[tilespmem:s29+$0x0] =	vst.add.f32.msk $0xffff, v62  }
0x347: {  	[tilespmem:s1+$0x0] =	vst.add.f32.msk $0xffff, v63  }
0x348: {  	v24 =	vld [tilespmem:$0x1FFA0]  }
0x349: {  	v16 =	vld [tilespmem:$0x1FFB0]  }
0x34a: {  	v17 =	vld [tilespmem:$0x1FFC0]  }
0x34b: {  	v15 =	vld [tilespmem:$0x1FFD0]  }
0x34c: {  	v18 =	vld [tilespmem:$0x1FFE0];
	s3 =	sadd.s32 $0x1, s3  }
0x34d: {  	v19 =	vld [tilespmem:$0x1FFF0];
	p0 =	sne.s32 s3, $0x20  }
.Ltmp3:
0x34e: {  	v21 =	vld [tilespmem:$0x1FF80];
	(pc) =	sbr.rel @p0 .LBB2_7-.Ltmp3, $4  }
0x34f: {  	v27 =	vld [tilespmem:$0x1FF60]  }
0x350: {  	s1 =	rddreg [dreg:$0x15];
	v29 =	vld [tilespmem:$0x1FF90]  }
0x351: {  	s13 =	smov.u32 s31;
	v33 =	vld [tilespmem:$0x1FF40];
	s1 =	sadd.s32 $0x20, s1  }
0x352: {  	s19 =	smov.u32 s14;
	s31 =	smov.u32 s30;
	v34 =	vld [tilespmem:$0x1FF50];
	[dreg:$0x15] =	wrdreg s1  }
0x353: {  	s1 =	sld [smem:$0x7F3];
	_ =	sdelay $0x2  }
0x354: {  	s2 =	sld [smem:$0x7F8];
	p0 =	seq.s32 s1, $0x9  }
0x355: {  	s1 =	smul.u32 @!p0 $0xA0000, s1;
	_ =	sdelay $0x1  }
0x356: {  	s1 =	sadd.s32 @!p0 s1, s2;
	s2 =	sld [smem:$0x7F7];
	_ =	sdelay $0x1  }
0x357: {  	s29 =	simm.s32 $0x2;
	s3 =	simm.s32 @!p0 $0x14000;
	s1 =	sshrl.u32 @!p0 s1, $0x3  }
0x358: {  	s4 =	simm.s32 @!p0 $0x13600;
	s1 =	sadd.s32 @!p0 s2, s1;
	s2 =	simm.s32 @!p0 $0xC00  }
0x359: {  	[tilespmem:s4], [sflag:$0x1] =	stream.strided.gather @!p0 [hbm4b:s1+s2], $0x3000, s3, s2, $0x38;
	[tilespmem:$0x1C600] =	vst v63  }
0x35a: {  	_ =	swait.ge [sflag:s29], $0x3000  }
0x35b: {  	s30 =	sld [smem:$0x7F2];
	_ =	sdelay $0x1  }
0x35c: {  	[sflag:s29] =	ssyncset.done $0x0  }
0x35d: {  	s3 =	simm.s32 $0x0;
	[sflag:s29] =	ssyncadd.s32 $0xFFFFD000;
	[dreg:$0x16] =	wrdreg s30  }
.LBB2_11:
0x35e: {  	v1 =	vld [tilespmem:$0x1FE40]  }
0x35f: {  	s1 =	sshrl.u32 s3, $0x3  }
0x360: {  	s1 =	smul.u32 $0x3000, s1  }
0x361: {  	s2 =	sshll.u32 s3, $0x7  }
0x362: {  	s2 =	sand.u32 $0x380, s2;
	s1 =	sshra.s32 s1, $0x2  }
0x363: {  	s1 =	sor.u32 s2, s1  }
0x364: {  	s25 =	rddreg [dreg:$0x2];
	s2 =	sadd.s32 $0x16600, s1  }
0x365: {  	s10 =	sadd.s32 s25, s2  }
0x366: {  	v37 =	vld.idx.msk [tilespmem:v1+s10+$0x0 ss:$0x1], $0xffff  }
0x367: {  	v1 =	vld [tilespmem:$0x1FE50];
	_ =	sdelay $0x5  }
0x368: {  	s11 =	rddreg [dreg:$0x3]  }
0x369: {  	s12 =	sadd.s32 s11, s2  }
0x36a: {  	v38 =	vld.idx.msk [tilespmem:v1+s12+$0x0 ss:$0x1], $0xffff  }
0x36b: {  	v1 =	vld [tilespmem:$0x1FE60];
	_ =	sdelay $0x5  }
0x36c: {  	s17 =	rddreg [dreg:$0x4]  }
0x36d: {  	s30 =	sadd.s32 s17, s2  }
0x36e: {  	v39 =	vld.idx.msk [tilespmem:v1+s30+$0x0 ss:$0x1], $0xffff  }
0x36f: {  	v1 =	vld [tilespmem:$0x1FE70];
	_ =	sdelay $0x1  }
0x370: {  	s4 =	rddreg [dreg:$0x16]  }
0x371: {  	[dreg:$0x16] =	wrdreg s4;
	s4 =	sadd.s32 $0xFFFFFFFC, s4  }
0x372: {  	s5 =	sadd.s32 $0x406, s4  }
0x373: {  	v0 =	vmov s5  }
0x374: {  	v2 =	vld [tilespmem:$0x1FE80];
	v0 =	vand.u32 $0xFFFFFFFE, v0;
	s6 =	sor.u32 s20, s2  }
0x375: {  	v0 =	vbroadcast v0, $0x0;
	s5 =	sadd.s32 s26, s2;
	v8 =	vld [tilespmem:s6+$0x0];
	s6 =	sadd.s32 $0x404, s4  }
0x376: {  	v40 =	vld.idx.msk [tilespmem:v1+s5+$0x0 ss:$0x1], $0xffff;
	v1 =	vmov s6  }
0x377: {  	v1 =	vand.u32 $0xFFFFFFFC, v1  }
0x378: {  	v3 =	vld [tilespmem:$0x1FEB0];
	s7 =	sor.u32 s18, s2;
	v1 =	vbroadcast v1, $0x0  }
0x379: {  	s8 =	sor.u32 s31, s2;
	v9 =	vld [tilespmem:s7+$0x0]  }
0x37a: {  	[smem:$0x7EC] =	sst s3;
	s29 =	simm.s32 $0x5000;
	v14 =	vld [tilespmem:s8+$0x0]  }
0x37b: {  	s10 =	sadd.s32 $0x405, s4;
	v22 =	vld.idx.msk [tilespmem:v0+s29+$0x0], $0xffff;
	s30 =	sadd.s32 s24, s2  }
0x37c: {  	v0 =	vmov s10;
	v46 =	vld.idx.msk [tilespmem:v2+s30+$0x0 ss:$0x1], $0xffff  }
0x37d: {  	v0 =	vand.u32 $0xFFFFFFFD, v0;
	v2 =	vld [tilespmem:$0x1FE90]  }
0x37e: {  	v0 =	vbroadcast v0, $0x0;
	v53 =	vld.idx.msk [tilespmem:v1+s29+$0x0], $0xffff  }
0x37f: {  	s9 =	sor.u32 s13, s2;
	s7 =	sadd.s32 $0x16A00, s1;
	v1 =	vld [tilespmem:$0x1FEA0]  }
0x380: {  	v35 =	vld [tilespmem:s9+$0x0];
	s8 =	sor.u32 s20, s7  }
0x381: {  	s9 =	sor.u32 s18, s7;
	v41 =	vld [tilespmem:s8+$0x0]  }
0x382: {  	s14 =	smov.u32 s11;
	s11 =	sor.u32 s31, s7;
	v43 =	vld [tilespmem:s9+$0x0]  }
0x383: {  	v44 =	vld [tilespmem:s11+$0x0]  }
0x384: {  	s1 =	sadd.s32 $0x16E00, s1;
	v52 =	vld.idx.msk [tilespmem:v0+s29+$0x0], $0xffff;
	s5 =	sadd.s32 s28, s2  }
0x385: {  	s11 =	sor.u32 s31, s1;
	v47 =	vld.idx.msk [tilespmem:v2+s5+$0x0 ss:$0x1], $0xffff;
	v2 =	vadd.s32 v32, v22  }
0x386: {  	s4 =	sadd.s32 $0x407, s4;
	v10 =	vld [tilespmem:s11+$0x0];
	s6 =	sadd.s32 s23, s2  }
0x387: {  	s10 =	sor.u32 s18, s1;
	v48 =	vld.idx.msk [tilespmem:v1+s6+$0x0 ss:$0x1], $0xffff;
	v1 =	vmov s4  }
0x388: {  	v11 =	vld [tilespmem:s10+$0x0];
	s2 =	sadd.s32 s16, s2  }
0x389: {  	v42 =	vld.idx.msk [tilespmem:v3+s2+$0x0 ss:$0x1], $0xffff;
	v3 =	vadd.s32 v32, v52  }
0x38a: {  	s8 =	simm.s32 $0x0;
	s12 =	smov.u32 s17;
	s17 =	sor.u32 s13, s7;
	v0 =	vld.idx.msk [tilespmem:v2+s0+$0x0], $0xffff  }
0x38b: {  	s9 =	smul.u32 $0x3000, s8;
	v45 =	vld [tilespmem:s17+$0x0];
	v2 =	vadd.s32 v32, v53  }
0x38c: {  	s7 =	sor.u32 s20, s1;
	v25 =	vld.idx.msk [tilespmem:v1+s29+$0x0], $0xffff  }
0x38d: {  	s17 =	smov.u32 s24;
	v36 =	vld [tilespmem:s7+$0x0];
	s24 =	simm.s32 $0x100;
	s6 =	sshra.s32 s9, $0x2;
	v1 =	vadd.s32 v54, v22  }
0x38e: {  	s1 =	sor.u32 s13, s1;
	s7 =	sand.u32 $0x300, s24;
	v3 =	vld.idx.msk [tilespmem:v3+s0+$0x0], $0xffff;
	s9 =	sadd.s32 $0x19600, s6  }
0x38f: {  	v13 =	vld [tilespmem:s1+$0x0];
	v0 =	vmul.f32 v0, v8;
	s10 =	sadd.s32 s7, s9  }
0x390: {  	v2 =	vld.idx.msk [tilespmem:v2+s0+$0x0], $0xffff;
	s3 =	sor.u32 s20, s10  }
0x391: {  	s8 =	simm.s32 $0x80;
	[tilespmem:s3+$0x0] =	vst.add.f32.msk $0xffff, v0;
	v4 =	vadd.s32 v32, v25  }
0x392: {  	s2 =	sand.u32 $0x280, s8;
	v0 =	vld.idx.msk [tilespmem:v1+s0+$0x0], $0xffff  }
0x393: {  	v3 =	vmul.f32 v3, v8;
	s4 =	simm.s32 $0x0;
	s3 =	sadd.s32 s2, s9;
	v1 =	vadd.s32 v54, v53  }
0x394: {  	s4 =	sand.u32 $0x200, s4;
	s24 =	sor.u32 s20, s3  }
0x395: {  	v5 =	vadd.s32 v33, v22;
	s1 =	sadd.s32 s4, s9;
	[tilespmem:s24+$0x0] =	vst.add.f32.msk $0xffff, v3;
	v2 =	vmul.f32 v2, v8  }
0x396: {  	v6 =	vadd.s32 v54, v52;
	s5 =	sor.u32 s20, s1;
	v4 =	vld.idx.msk [tilespmem:v4+s0+$0x0], $0xffff  }
0x397: {  	[tilespmem:s5+$0x0] =	vst.add.f32.msk $0xffff, v2;
	v0 =	vmul.f32 v0, v9  }
0x398: {  	s11 =	sor.u32 s18, s10;
	v1 =	vld.idx.msk [tilespmem:v1+s0+$0x0], $0xffff  }
0x399: {  	s8 =	simm.s32 $0x180;
	v2 =	vadd.s32 v54, v25;
	[tilespmem:s11+$0x0] =	vst.add.f32.msk $0xffff, v0  }
0x39a: {  	s8 =	sand.u32 $0x380, s8;
	v0 =	vld.idx.msk [tilespmem:v5+s0+$0x0], $0xffff  }
0x39b: {  	v3 =	vld.idx.msk [tilespmem:v6+s0+$0x0], $0xffff;
	s11 =	sadd.s32 s8, s9;
	v5 =	vadd.s32 v33, v53;
	v4 =	vmul.f32 v4, v8  }
0x39c: {  	s24 =	sor.u32 s20, s11  }
0x39d: {  	v1 =	vmul.f32 v1, v9;
	[tilespmem:s24+$0x0] =	vst.add.f32.msk $0xffff, v4  }
0x39e: {  	v4 =	vadd.s32 v34, v22;
	s24 =	sor.u32 s18, s1;
	v2 =	vld.idx.msk [tilespmem:v2+s0+$0x0], $0xffff  }
0x39f: {  	v6 =	vadd.s32 v33, v52;
	[tilespmem:s24+$0x0] =	vst.add.f32.msk $0xffff, v1;
	v0 =	vmul.f32 v0, v14  }
0x3a0: {  	v3 =	vmul.f32 v3, v9;
	s24 =	sor.u32 s31, s10;
	v1 =	vld.idx.msk [tilespmem:v5+s0+$0x0], $0xffff  }
0x3a1: {  	[tilespmem:s24+$0x0] =	vst.add.f32.msk $0xffff, v0;
	s24 =	sor.u32 s18, s3  }
0x3a2: {  	v5 =	vadd.s32 v33, v25;
	[tilespmem:s24+$0x0] =	vst.add.f32.msk $0xffff, v3  }
0x3a3: {  	v0 =	vld.idx.msk [tilespmem:v4+s0+$0x0], $0xffff  }
0x3a4: {  	v4 =	vadd.s32 v34, v53;
	v3 =	vld.idx.msk [tilespmem:v6+s0+$0x0], $0xffff;
	v2 =	vmul.f32 v2, v9  }
0x3a5: {  	s24 =	sor.u32 s18, s11  }
0x3a6: {  	v1 =	vmul.f32 v1, v14;
	[tilespmem:s24+$0x0] =	vst.add.f32.msk $0xffff, v2  }
0x3a7: {  	v2 =	vadd.s32 v24, v22;
	s24 =	sor.u32 s31, s1;
	v5 =	vld.idx.msk [tilespmem:v5+s0+$0x0], $0xffff  }
0x3a8: {  	v6 =	vadd.s32 v34, v52;
	[tilespmem:s24+$0x0] =	vst.add.f32.msk $0xffff, v1;
	v0 =	vmul.f32 v0, v35  }
0x3a9: {  	s24 =	sor.u32 s13, s10;
	v1 =	vld.idx.msk [tilespmem:v4+s0+$0x0], $0xffff;
	v3 =	vmul.f32 v3, v14  }
0x3aa: {  	s10 =	sor.u32 s31, s3;
	v4 =	vadd.s32 v34, v25;
	[tilespmem:s24+$0x0] =	vst.add.f32.msk $0xffff, v0  }
0x3ab: {  	[tilespmem:s10+$0x0] =	vst.add.f32.msk $0xffff, v3  }
0x3ac: {  	v0 =	vld.idx.msk [tilespmem:v2+s0+$0x0], $0xffff;
	v3 =	vmul.f32 v5, v14  }
0x3ad: {  	s24 =	sor.u32 s31, s11;
	v2 =	vadd.s32 v24, v53;
	v5 =	vld.idx.msk [tilespmem:v6+s0+$0x0], $0xffff  }
0x3ae: {  	v1 =	vmul.f32 v1, v35;
	[tilespmem:s24+$0x0] =	vst.add.f32.msk $0xffff, v3  }
0x3af: {  	s1 =	sor.u32 s13, s1;
	v3 =	vadd.s32 v16, v22;
	v4 =	vld.idx.msk [tilespmem:v4+s0+$0x0], $0xffff  }
0x3b0: {  	s5 =	sadd.s32 s25, s9;
	[tilespmem:s1+$0x0] =	vst.add.f32.msk $0xffff, v1  }
0x3b1: {  	s30 =	smov.u32 s31;
	s25 =	sadd.s32 s7, s5;
	v6 =	vadd.s32 v24, v52;
	v0 =	vmul.f32 v0, v37;
	s31 =	rddreg [dreg:$0xb]  }
0x3b2: {  	v1 =	vld.idx.msk [tilespmem:v2+s0+$0x0], $0xffff;
	s1 =	sadd.s32 s31, s25  }
0x3b3: {  	v2 =	vadd.s32 v24, v25;
	v5 =	vmul.f32 v5, v35;
	[tilespmem:s1+$0x0] =	vst.add.f32.msk $0xffff, v0  }
0x3b4: {  	s10 =	sor.u32 s13, s3;
	v0 =	vld.idx.msk [tilespmem:v3+s0+$0x0], $0xffff  }
0x3b5: {  	[tilespmem:s10+$0x0] =	vst.add.f32.msk $0xffff, v5;
	v4 =	vmul.f32 v4, v35  }
0x3b6: {  	s24 =	sor.u32 s13, s11;
	v3 =	vadd.s32 v16, v53;
	v5 =	vld.idx.msk [tilespmem:v6+s0+$0x0], $0xffff  }
0x3b7: {  	s25 =	sadd.s32 s4, s5;
	v1 =	vmul.f32 v1, v37;
	[tilespmem:s24+$0x0] =	vst.add.f32.msk $0xffff, v4  }
0x3b8: {  	s10 =	sadd.s32 s31, s25;
	v4 =	vadd.s32 v17, v22;
	v2 =	vld.idx.msk [tilespmem:v2+s0+$0x0], $0xffff  }
0x3b9: {  	s3 =	sadd.s32 s14, s9;
	[tilespmem:s10+$0x0] =	vst.add.f32.msk $0xffff, v1  }
0x3ba: {  	s11 =	sadd.s32 s7, s3;
	v6 =	vadd.s32 v16, v52;
	v0 =	vmul.f32 v0, v38;
	s25 =	rddreg [dreg:$0xc]  }
0x3bb: {  	v1 =	vld.idx.msk [tilespmem:v3+s0+$0x0], $0xffff;
	s1 =	sadd.s32 s25, s11  }
0x3bc: {  	s14 =	sadd.s32 s2, s5;
	v3 =	vadd.s32 v16, v25;
	v5 =	vmul.f32 v5, v37;
	[tilespmem:s1+$0x0] =	vst.add.f32.msk $0xffff, v0  }
0x3bd: {  	s24 =	sadd.s32 s31, s14;
	v0 =	vld.idx.msk [tilespmem:v4+s0+$0x0], $0xffff  }
0x3be: {  	s5 =	sadd.s32 s8, s5;
	[tilespmem:s24+$0x0] =	vst.add.f32.msk $0xffff, v5;
	v2 =	vmul.f32 v2, v37  }
0x3bf: {  	s5 =	sadd.s32 s31, s5;
	v4 =	vadd.s32 v17, v53;
	v5 =	vld.idx.msk [tilespmem:v6+s0+$0x0], $0xffff  }
0x3c0: {  	s10 =	sadd.s32 s4, s3;
	v1 =	vmul.f32 v1, v38;
	[tilespmem:s5+$0x0] =	vst.add.f32.msk $0xffff, v2  }
0x3c1: {  	s11 =	sadd.s32 s25, s10;
	v2 =	vadd.s32 v15, v22;
	v3 =	vld.idx.msk [tilespmem:v3+s0+$0x0], $0xffff  }
0x3c2: {  	s5 =	sadd.s32 s12, s9;
	[tilespmem:s11+$0x0] =	vst.add.f32.msk $0xffff, v1  }
0x3c3: {  	v6 =	vadd.s32 v17, v52;
	s12 =	sadd.s32 s7, s5;
	v0 =	vmul.f32 v0, v39;
	s24 =	rddreg [dreg:$0xd]  }
0x3c4: {  	v1 =	vld.idx.msk [tilespmem:v4+s0+$0x0], $0xffff;
	s1 =	sadd.s32 s24, s12  }
0x3c5: {  	s14 =	sadd.s32 s2, s3;
	v4 =	vadd.s32 v17, v25;
	v5 =	vmul.f32 v5, v38;
	[tilespmem:s1+$0x0] =	vst.add.f32.msk $0xffff, v0  }
0x3c6: {  	s11 =	sadd.s32 s25, s14;
	v0 =	vld.idx.msk [tilespmem:v2+s0+$0x0], $0xffff  }
0x3c7: {  	s3 =	sadd.s32 s8, s3;
	[tilespmem:s11+$0x0] =	vst.add.f32.msk $0xffff, v5;
	v3 =	vmul.f32 v3, v38  }
0x3c8: {  	s12 =	sadd.s32 s25, s3;
	v2 =	vadd.s32 v15, v53;
	v5 =	vld.idx.msk [tilespmem:v6+s0+$0x0], $0xffff  }
0x3c9: {  	s14 =	sadd.s32 s4, s5;
	v1 =	vmul.f32 v1, v39;
	[tilespmem:s12+$0x0] =	vst.add.f32.msk $0xffff, v3  }
0x3ca: {  	s10 =	sadd.s32 s24, s14;
	v3 =	vadd.s32 v28, v22;
	v4 =	vld.idx.msk [tilespmem:v4+s0+$0x0], $0xffff  }
0x3cb: {  	s3 =	sadd.s32 s26, s9;
	[tilespmem:s10+$0x0] =	vst.add.f32.msk $0xffff, v1  }
0x3cc: {  	s11 =	sadd.s32 s7, s3;
	v6 =	vadd.s32 v15, v52;
	v0 =	vmul.f32 v0, v40;
	s26 =	rddreg [dreg:$0xe]  }
0x3cd: {  	v1 =	vld.idx.msk [tilespmem:v2+s0+$0x0], $0xffff;
	s1 =	sadd.s32 s26, s11  }
0x3ce: {  	s12 =	sadd.s32 s2, s5;
	v2 =	vadd.s32 v15, v25;
	v5 =	vmul.f32 v5, v39;
	[tilespmem:s1+$0x0] =	vst.add.f32.msk $0xffff, v0  }
0x3cf: {  	s14 =	sadd.s32 s24, s12;
	v0 =	vld.idx.msk [tilespmem:v3+s0+$0x0], $0xffff  }
0x3d0: {  	s5 =	sadd.s32 s8, s5;
	v3 =	vadd.s32 v28, v53;
	[tilespmem:s14+$0x0] =	vst.add.f32.msk $0xffff, v5;
	v4 =	vmul.f32 v4, v39  }
0x3d1: {  	s5 =	sadd.s32 s24, s5;
	v5 =	vld.idx.msk [tilespmem:v6+s0+$0x0], $0xffff  }
0x3d2: {  	s10 =	sadd.s32 s4, s3;
	v1 =	vmul.f32 v1, v40;
	[tilespmem:s5+$0x0] =	vst.add.f32.msk $0xffff, v4;
	v4 =	vadd.s32 v51, v22  }
0x3d3: {  	s11 =	sadd.s32 s26, s10;
	s5 =	sadd.s32 $0x19A00, s6;
	v2 =	vld.idx.msk [tilespmem:v2+s0+$0x0], $0xffff  }
0x3d4: {  	v6 =	vadd.s32 v28, v52;
	[tilespmem:s11+$0x0] =	vst.add.f32.msk $0xffff, v1;
	s1 =	sadd.s32 s7, s5;
	v0 =	vmul.f32 v0, v41  }
0x3d5: {  	v1 =	vld.idx.msk [tilespmem:v3+s0+$0x0], $0xffff;
	s12 =	sor.u32 s20, s1  }
0x3d6: {  	s14 =	sadd.s32 s2, s3;
	v3 =	vadd.s32 v28, v25;
	v5 =	vmul.f32 v5, v40;
	[tilespmem:s12+$0x0] =	vst.add.f32.msk $0xffff, v0  }
0x3d7: {  	s12 =	sadd.s32 s26, s14;
	v0 =	vld.idx.msk [tilespmem:v4+s0+$0x0], $0xffff  }
0x3d8: {  	s3 =	sadd.s32 s8, s3;
	v4 =	vadd.s32 v51, v53;
	[tilespmem:s12+$0x0] =	vst.add.f32.msk $0xffff, v5;
	v2 =	vmul.f32 v2, v40  }
0x3d9: {  	s14 =	sadd.s32 s26, s3;
	v5 =	vld.idx.msk [tilespmem:v6+s0+$0x0], $0xffff  }
0x3da: {  	s3 =	sadd.s32 s4, s5;
	v1 =	vmul.f32 v1, v41;
	[tilespmem:s14+$0x0] =	vst.add.f32.msk $0xffff, v2;
	v2 =	vadd.s32 v26, v22  }
0x3db: {  	s11 =	sor.u32 s20, s3;
	v3 =	vld.idx.msk [tilespmem:v3+s0+$0x0], $0xffff  }
0x3dc: {  	v6 =	vadd.s32 v51, v52;
	[tilespmem:s11+$0x0] =	vst.add.f32.msk $0xffff, v1;
	v0 =	vmul.f32 v0, v43  }
0x3dd: {  	s12 =	sor.u32 s18, s1;
	v1 =	vld.idx.msk [tilespmem:v4+s0+$0x0], $0xffff  }
0x3de: {  	s10 =	sadd.s32 s2, s5;
	v4 =	vadd.s32 v51, v25;
	v5 =	vmul.f32 v5, v41;
	[tilespmem:s12+$0x0] =	vst.add.f32.msk $0xffff, v0  }
0x3df: {  	s14 =	sor.u32 s20, s10;
	v0 =	vld.idx.msk [tilespmem:v2+s0+$0x0], $0xffff  }
0x3e0: {  	s11 =	sadd.s32 s8, s5;
	v2 =	vadd.s32 v26, v53;
	[tilespmem:s14+$0x0] =	vst.add.f32.msk $0xffff, v5;
	v3 =	vmul.f32 v3, v41  }
0x3e1: {  	s5 =	sor.u32 s20, s11;
	v5 =	vld.idx.msk [tilespmem:v6+s0+$0x0], $0xffff  }
0x3e2: {  	v1 =	vmul.f32 v1, v43;
	[tilespmem:s5+$0x0] =	vst.add.f32.msk $0xffff, v3;
	v3 =	vadd.s32 v18, v22  }
0x3e3: {  	s14 =	sor.u32 s18, s3;
	v4 =	vld.idx.msk [tilespmem:v4+s0+$0x0], $0xffff  }
0x3e4: {  	v6 =	vadd.s32 v26, v52;
	[tilespmem:s14+$0x0] =	vst.add.f32.msk $0xffff, v1;
	v0 =	vmul.f32 v0, v44  }
0x3e5: {  	s12 =	sor.u32 s30, s1;
	v1 =	vld.idx.msk [tilespmem:v2+s0+$0x0], $0xffff  }
0x3e6: {  	v2 =	vadd.s32 v26, v25;
	v5 =	vmul.f32 v5, v43;
	[tilespmem:s12+$0x0] =	vst.add.f32.msk $0xffff, v0  }
0x3e7: {  	s14 =	sor.u32 s18, s10;
	v0 =	vld.idx.msk [tilespmem:v3+s0+$0x0], $0xffff  }
0x3e8: {  	v3 =	vadd.s32 v18, v53;
	[tilespmem:s14+$0x0] =	vst.add.f32.msk $0xffff, v5;
	v4 =	vmul.f32 v4, v43  }
0x3e9: {  	s12 =	sor.u32 s18, s11;
	v5 =	vld.idx.msk [tilespmem:v6+s0+$0x0], $0xffff  }
0x3ea: {  	v1 =	vmul.f32 v1, v44;
	[tilespmem:s12+$0x0] =	vst.add.f32.msk $0xffff, v4;
	v4 =	vadd.s32 v19, v22  }
0x3eb: {  	s14 =	sor.u32 s30, s3;
	v2 =	vld.idx.msk [tilespmem:v2+s0+$0x0], $0xffff  }
0x3ec: {  	v6 =	vadd.s32 v18, v52;
	[tilespmem:s14+$0x0] =	vst.add.f32.msk $0xffff, v1;
	v0 =	vmul.f32 v0, v45  }
0x3ed: {  	s1 =	sor.u32 s13, s1;
	v1 =	vld.idx.msk [tilespmem:v3+s0+$0x0], $0xffff  }
0x3ee: {  	v3 =	vadd.s32 v18, v25;
	v5 =	vmul.f32 v5, v44;
	[tilespmem:s1+$0x0] =	vst.add.f32.msk $0xffff, v0  }
0x3ef: {  	s5 =	sor.u32 s30, s10;
	v0 =	vld.idx.msk [tilespmem:v4+s0+$0x0], $0xffff  }
0x3f0: {  	v4 =	vadd.s32 v19, v53;
	[tilespmem:s5+$0x0] =	vst.add.f32.msk $0xffff, v5;
	v2 =	vmul.f32 v2, v44  }
0x3f1: {  	s12 =	sor.u32 s30, s11;
	v5 =	vld.idx.msk [tilespmem:v6+s0+$0x0], $0xffff  }
0x3f2: {  	v1 =	vmul.f32 v1, v45;
	[tilespmem:s12+$0x0] =	vst.add.f32.msk $0xffff, v2;
	v2 =	vadd.s32 v21, v22  }
0x3f3: {  	s14 =	sor.u32 s13, s3;
	s3 =	sadd.s32 s17, s9;
	v3 =	vld.idx.msk [tilespmem:v3+s0+$0x0], $0xffff  }
0x3f4: {  	s5 =	sadd.s32 s7, s3;
	v6 =	vadd.s32 v19, v52;
	[tilespmem:s14+$0x0] =	vst.add.f32.msk $0xffff, v1;
	v0 =	vmul.f32 v0, v46  }
0x3f5: {  	s1 =	sadd.s32 s21, s5;
	v1 =	vld.idx.msk [tilespmem:v4+s0+$0x0], $0xffff  }
0x3f6: {  	v4 =	vadd.s32 v19, v25;
	v5 =	vmul.f32 v5, v45;
	[tilespmem:s1+$0x0] =	vst.add.f32.msk $0xffff, v0  }
0x3f7: {  	s12 =	sor.u32 s13, s10;
	v0 =	vld.idx.msk [tilespmem:v2+s0+$0x0], $0xffff  }
0x3f8: {  	v2 =	vadd.s32 v21, v53;
	[tilespmem:s12+$0x0] =	vst.add.f32.msk $0xffff, v5;
	v3 =	vmul.f32 v3, v45  }
0x3f9: {  	s14 =	sor.u32 s13, s11;
	v5 =	vld.idx.msk [tilespmem:v6+s0+$0x0], $0xffff  }
0x3fa: {  	s17 =	sadd.s32 s4, s3;
	v1 =	vmul.f32 v1, v46;
	[tilespmem:s14+$0x0] =	vst.add.f32.msk $0xffff, v3;
	v3 =	vadd.s32 v27, v22  }
0x3fb: {  	s5 =	sadd.s32 s28, s9;
	s10 =	sadd.s32 s21, s17;
	v4 =	vld.idx.msk [tilespmem:v4+s0+$0x0], $0xffff  }
0x3fc: {  	s11 =	sadd.s32 s7, s5;
	[tilespmem:s10+$0x0] =	vst.add.f32.msk $0xffff, v1;
	v0 =	vmul.f32 v0, v47  }
0x3fd: {  	s1 =	sadd.s32 s22, s11;
	v1 =	vadd.s32 v21, v52;
	v2 =	vld.idx.msk [tilespmem:v2+s0+$0x0], $0xffff  }
0x3fe: {  	[tilespmem:s1+$0x0] =	vst.add.f32.msk $0xffff, v0  }
0x3ff: {  	s12 =	sadd.s32 s2, s3;
	v5 =	vmul.f32 v5, v46;
	v0 =	vadd.s32 v21, v25;
	v3 =	vld.idx.msk [tilespmem:v3+s0+$0x0], $0xffff  }
0x400: {  	s1 =	sadd.s32 s21, s12  }
0x401: {  	s3 =	sadd.s32 s8, s3;
	[tilespmem:s1+$0x0] =	vst.add.f32.msk $0xffff, v5;
	v4 =	vmul.f32 v4, v46  }
0x402: {  	s13 =	sadd.s32 s21, s3;
	v5 =	vadd.s32 v29, v22;
	v1 =	vld.idx.msk [tilespmem:v1+s0+$0x0], $0xffff  }
0x403: {  	v6 =	vadd.s32 v27, v53;
	s14 =	sadd.s32 s4, s5;
	s1 =	sadd.s32 s23, s9;
	v2 =	vmul.f32 v2, v47;
	[tilespmem:s13+$0x0] =	vst.add.f32.msk $0xffff, v4  }
0x404: {  	s3 =	sadd.s32 s22, s14;
	s17 =	sadd.s32 s7, s1;
	v0 =	vld.idx.msk [tilespmem:v0+s0+$0x0], $0xffff;
	v3 =	vmul.f32 v3, v48  }
0x405: {  	s10 =	sadd.s32 s15, s17;
	v4 =	vadd.s32 v27, v52;
	[tilespmem:s3+$0x0] =	vst.add.f32.msk $0xffff, v2  }
0x406: {  	[tilespmem:s10+$0x0] =	vst.add.f32.msk $0xffff, v3  }
0x407: {  	s11 =	sadd.s32 s2, s5;
	v1 =	vmul.f32 v1, v47;
	v3 =	vld.idx.msk [tilespmem:v5+s0+$0x0], $0xffff  }
0x408: {  	s3 =	sadd.s32 s22, s11;
	v5 =	vld.idx.msk [tilespmem:v6+s0+$0x0], $0xffff  }
0x409: {  	[tilespmem:s3+$0x0] =	vst.add.f32.msk $0xffff, v1  }
0x40a: {  	v2 =	vadd.s32 v27, v25;
	v1 =	vld.idx.msk [tilespmem:v4+s0+$0x0], $0xffff  }
0x40b: {  	s5 =	sadd.s32 s8, s5;
	v0 =	vmul.f32 v0, v47;
	v49 =	vld [tilespmem:$0x1FEF0]  }
0x40c: {  	s12 =	sadd.s32 s22, s5  }
0x40d: {  	s3 =	sadd.s32 s16, s9;
	[tilespmem:s12+$0x0] =	vst.add.f32.msk $0xffff, v0  }
0x40e: {  	s17 =	sadd.s32 s4, s1;
	s9 =	sadd.s32 s7, s3;
	s13 =	rddreg [dreg:$0x16];
	v3 =	vmul.f32 v3, v42  }
0x40f: {  	s11 =	sadd.s32 s15, s17;
	s9 =	sadd.s32 s19, s9;
	v2 =	vld.idx.msk [tilespmem:v2+s0+$0x0], $0xffff;
	s5 =	sadd.s32 $0x0, s13;
	v5 =	vmul.f32 v5, v48  }
0x410: {  	s13 =	sadd.s32 s2, s1;
	v4 =	vadd.s32 v49, v22;
	s14 =	sadd.s32 $0x406, s5;
	s12 =	sadd.s32 $0x404, s5;
	v1 =	vmul.f32 v1, v48;
	[tilespmem:s9+$0x0] =	vst.add.f32.msk $0xffff, v3  }
0x411: {  	v0 =	vadd.s32 v29, v53;
	s17 =	sadd.s32 s15, s13;
	v6 =	vmov s14;
	[tilespmem:s11+$0x0] =	vst.add.f32.msk $0xffff, v5;
	v5 =	vmov s12;
	s14 =	sadd.s32 $0x405, s5  }
0x412: {  	v3 =	vand.u32 $0xFFFFFFFE, v6;
	v5 =	vand.u32 $0xFFFFFFFC, v5;
	v6 =	vmov s14;
	[tilespmem:s17+$0x0] =	vst.add.f32.msk $0xffff, v1  }
0x413: {  	v7 =	vadd.s32 v29, v52;
	v1 =	vbroadcast v5, $0x0;
	v5 =	vand.u32 $0xFFFFFFFD, v6;
	v6 =	vld [tilespmem:$0x1FF00]  }
0x414: {  	v3 =	vbroadcast v3, $0x0  }
0x415: {  	v4 =	vld.idx.msk [tilespmem:v4+s0+$0x0], $0xffff;
	_ =	sdelay $0x1  }
0x416: {  	s1 =	sadd.s32 s8, s1;
	v0 =	vld.idx.msk [tilespmem:v0+s0+$0x0], $0xffff;
	v2 =	vmul.f32 v2, v48  }
0x417: {  	s11 =	sadd.s32 s15, s1;
	v7 =	vld.idx.msk [tilespmem:v7+s0+$0x0], $0xffff;
	v5 =	vbroadcast v5, $0x0;
	v6 =	vadd.s32 v6, v22  }
0x418: {  	s1 =	sadd.s32 $0x19E00, s6;
	[tilespmem:s11+$0x0] =	vst.add.f32.msk $0xffff, v2  }
0x419: {  	s5 =	sadd.s32 $0x407, s5;
	s13 =	sadd.s32 s7, s1;
	v50 =	vld.idx.msk [tilespmem:v3+s29+$0x0], $0xffff;
	v3 =	vadd.s32 v29, v25;
	v2 =	vmul.f32 v4, v36  }
0x41a: {  	s12 =	sor.u32 s20, s13;
	v56 =	vld.idx.msk [tilespmem:v1+s29+$0x0], $0xffff;
	v4 =	vmov s5  }
0x41b: {  	[tilespmem:s12+$0x0] =	vst.add.f32.msk $0xffff, v2  }
0x41c: {  	v2 =	vld.idx.msk [tilespmem:v6+s0+$0x0], $0xffff;
	v6 =	vadd.s32 v49, v53  }
0x41d: {  	v12 =	vld.idx.msk [tilespmem:v5+s29+$0x0], $0xffff  }
0x41e: {  	s14 =	sadd.s32 s4, s3;
	v0 =	vmul.f32 v0, v42;
	v1 =	vld.idx.msk [tilespmem:v3+s0+$0x0], $0xffff  }
0x41f: {  	s5 =	sadd.s32 s19, s14;
	v3 =	vadd.s32 v30, v22;
	v23 =	vld.idx.msk [tilespmem:v4+s29+$0x0], $0xffff  }
0x420: {  	s17 =	sadd.s32 s2, s3;
	[tilespmem:s5+$0x0] =	vst.add.f32.msk $0xffff, v0;
	v0 =	vmul.f32 v7, v42;
	v4 =	vadd.s32 v32, v50  }
0x421: {  	s7 =	sadd.s32 s19, s17;
	v5 =	vld.idx.msk [tilespmem:v6+s0+$0x0], $0xffff;
	v2 =	vmul.f32 v2, v11;
	v6 =	vadd.s32 v32, v56  }
0x422: {  	s9 =	sor.u32 s18, s13;
	[tilespmem:s7+$0x0] =	vst.add.f32.msk $0xffff, v0;
	v0 =	vadd.s32 v32, v12  }
0x423: {  	[tilespmem:s9+$0x0] =	vst.add.f32.msk $0xffff, v2  }
0x424: {  	v2 =	vadd.s32 v32, v23;
	v3 =	vld.idx.msk [tilespmem:v3+s0+$0x0], $0xffff  }
0x425: {  	s10 =	simm.s32 $0x0;
	v4 =	vld.idx.msk [tilespmem:v4+s0+$0x0], $0xffff  }
0x426: {  	s3 =	sadd.s32 s8, s3;
	s11 =	smul.u32 $0x3000, s10;
	v1 =	vmul.f32 v1, v42;
	v6 =	vld.idx.msk [tilespmem:v6+s0+$0x0], $0xffff;
	[tilespmem:$0x1FA30] =	vst v42  }
0x427: {  	s3 =	sadd.s32 s19, s3;
	s14 =	simm.s32 $0x200;
	s7 =	simm.s32 $0x300;
	v0 =	vld.idx.msk [tilespmem:v0+s0+$0x0], $0xffff  }
0x428: {  	s19 =	sand.u32 $0x300, s7;
	s29 =	sshra.s32 s11, $0x2;
	s9 =	sadd.s32 s4, s1;
	v5 =	vmul.f32 v5, v36;
	[tilespmem:s3+$0x0] =	vst.add.f32.msk $0xffff, v1  }
0x429: {  	s7 =	sand.u32 $0x200, s14;
	s10 =	sadd.s32 $0x19600, s29;
	s12 =	sor.u32 s20, s9;
	v2 =	vld.idx.msk [tilespmem:v2+s0+$0x0], $0xffff;
	v1 =	vmul.f32 v3, v10  }
0x42a: {  	s11 =	sor.u32 s30, s13;
	s14 =	sadd.s32 s19, s10;
	[tilespmem:s12+$0x0] =	vst.add.f32.msk $0xffff, v5;
	s12 =	simm.s32 $0x280;
	v3 =	vmul.f32 v4, v8  }
0x42b: {  	s5 =	sor.u32 s20, s14;
	v4 =	vadd.s32 v31, v22;
	s6 =	sand.u32 $0x280, s12;
	s12 =	sadd.s32 s7, s10;
	[tilespmem:s11+$0x0] =	vst.add.f32.msk $0xffff, v1;
	v1 =	vmul.f32 v6, v8  }
0x42c: {  	[tilespmem:s5+$0x0] =	vst.add.f32.msk $0xffff, v3;
	s5 =	sor.u32 s20, s12  }
0x42d: {  	s17 =	simm.s32 $0x380;
	s11 =	sadd.s32 s6, s10;
	v0 =	vmul.f32 v0, v8;
	[tilespmem:s5+$0x0] =	vst.add.f32.msk $0xffff, v1  }
0x42e: {  	s4 =	sand.u32 $0x380, s17;
	v5 =	vadd.s32 v54, v50;
	s5 =	sor.u32 s20, s11;
	[tilespmem:$0x1FA40] =	vst v8  }
0x42f: {  	s3 =	sadd.s32 s4, s10;
	v1 =	vmul.f32 v2, v8;
	[tilespmem:s5+$0x0] =	vst.add.f32.msk $0xffff, v0  }
0x430: {  	v3 =	vadd.s32 v49, v52;
	s5 =	sor.u32 s20, s3;
	v4 =	vld.idx.msk [tilespmem:v4+s0+$0x0], $0xffff  }
0x431: {  	v6 =	vadd.s32 v54, v12;
	[tilespmem:s5+$0x0] =	vst.add.f32.msk $0xffff, v1  }
0x432: {  	v2 =	vadd.s32 v49, v25;
	v0 =	vld [tilespmem:$0x1FF00]  }
0x433: {  	v5 =	vld.idx.msk [tilespmem:v5+s0+$0x0], $0xffff;
	v1 =	vadd.s32 v54, v56;
	_ =	sdelay $0x1  }
0x434: {  	v3 =	vld.idx.msk [tilespmem:v3+s0+$0x0], $0xffff  }
0x435: {  	v7 =	vadd.s32 v54, v23;
	v6 =	vld.idx.msk [tilespmem:v6+s0+$0x0], $0xffff  }
0x436: {  	s5 =	rddreg [dreg:$0x14];
	v2 =	vld.idx.msk [tilespmem:v2+s0+$0x0], $0xffff;
	v4 =	vmul.f32 v4, v13;
	v0 =	vadd.s32 v0, v53  }
0x437: {  	s5 =	sor.u32 s5, s13;
	v5 =	vmul.f32 v5, v9;
	v1 =	vld.idx.msk [tilespmem:v1+s0+$0x0], $0xffff  }
0x438: {  	v8 =	vadd.s32 v33, v50;
	s13 =	sor.u32 s18, s14;
	[tilespmem:s5+$0x0] =	vst.add.f32.msk $0xffff, v4  }
0x439: {  	[tilespmem:s13+$0x0] =	vst.add.f32.msk $0xffff, v5  }
0x43a: {  	s2 =	sadd.s32 s2, s1;
	v3 =	vmul.f32 v3, v36;
	v4 =	vld.idx.msk [tilespmem:v7+s0+$0x0], $0xffff  }
0x43b: {  	s13 =	sor.u32 s20, s2;
	v0 =	vld.idx.msk [tilespmem:v0+s0+$0x0], $0xffff;
	[tilespmem:$0x1FA50] =	vst v36  }
0x43c: {  	s1 =	sadd.s32 s8, s1;
	v2 =	vmul.f32 v2, v36;
	[tilespmem:s13+$0x0] =	vst.add.f32.msk $0xffff, v3  }
0x43d: {  	v5 =	vadd.s32 v33, v56;
	v1 =	vmul.f32 v1, v9;
	s13 =	sor.u32 s20, s1;
	v3 =	vld.idx.msk [tilespmem:v8+s0+$0x0], $0xffff  }
0x43e: {  	s8 =	sor.u32 s18, s12;
	[tilespmem:s13+$0x0] =	vst.add.f32.msk $0xffff, v2;
	v2 =	vmul.f32 v6, v9  }
0x43f: {  	v7 =	vadd.s32 v33, v12;
	[tilespmem:s8+$0x0] =	vst.add.f32.msk $0xffff, v1;
	s13 =	sor.u32 s18, s11  }
0x440: {  	[tilespmem:s13+$0x0] =	vst.add.f32.msk $0xffff, v2  }
0x441: {  	v2 =	vmul.f32 v4, v9;
	[tilespmem:$0x1FA60] =	vst v9;
	v6 =	vld [tilespmem:$0x1FF00]  }
0x442: {  	s8 =	sor.u32 s18, s3;
	v5 =	vld.idx.msk [tilespmem:v5+s0+$0x0], $0xffff  }
0x443: {  	v1 =	vadd.s32 v34, v50;
	[tilespmem:s8+$0x0] =	vst.add.f32.msk $0xffff, v2  }
0x444: {  	v4 =	vadd.s32 v33, v23;
	v3 =	vmul.f32 v3, v14;
	v7 =	vld.idx.msk [tilespmem:v7+s0+$0x0], $0xffff  }
0x445: {  	s13 =	sor.u32 s30, s14;
	v2 =	vld [tilespmem:$0x1FF00]  }
0x446: {  	[tilespmem:s13+$0x0] =	vst.add.f32.msk $0xffff, v3;
	v3 =	vadd.s32 v34, v56  }
0x447: {  	v6 =	vadd.s32 v6, v52  }
0x448: {  	v1 =	vld.idx.msk [tilespmem:v1+s0+$0x0], $0xffff;
	v5 =	vmul.f32 v5, v14  }
0x449: {  	v8 =	vadd.s32 v34, v12;
	s8 =	sor.u32 s30, s12;
	v4 =	vld.idx.msk [tilespmem:v4+s0+$0x0], $0xffff  }
0x44a: {  	v2 =	vadd.s32 v2, v25;
	[tilespmem:s8+$0x0] =	vst.add.f32.msk $0xffff, v5  }
0x44b: {  	v5 =	vmul.f32 v7, v14;
	v3 =	vld.idx.msk [tilespmem:v3+s0+$0x0], $0xffff  }
0x44c: {  	s13 =	sor.u32 s30, s11;
	v6 =	vld.idx.msk [tilespmem:v6+s0+$0x0], $0xffff  }
0x44d: {  	v7 =	vadd.s32 v24, v50;
	[tilespmem:s13+$0x0] =	vst.add.f32.msk $0xffff, v5  }
0x44e: {  	v1 =	vmul.f32 v1, v35;
	v5 =	vld.idx.msk [tilespmem:v8+s0+$0x0], $0xffff;
	s5 =	rddreg [dreg:$0x14]  }
0x44f: {  	v4 =	vmul.f32 v4, v14;
	v2 =	vld.idx.msk [tilespmem:v2+s0+$0x0], $0xffff;
	s5 =	sor.u32 s5, s14;
	[tilespmem:$0x1FA70] =	vst v14  }
0x450: {  	s8 =	sor.u32 s30, s3;
	[tilespmem:s5+$0x0] =	vst.add.f32.msk $0xffff, v1  }
0x451: {  	v42 =	vadd.s32 v34, v23;
	v0 =	vmul.f32 v0, v11;
	[tilespmem:s8+$0x0] =	vst.add.f32.msk $0xffff, v4  }
0x452: {  	s13 =	sor.u32 s18, s9;
	v1 =	vadd.s32 v24, v56;
	v7 =	vld.idx.msk [tilespmem:v7+s0+$0x0], $0xffff;
	v3 =	vmul.f32 v3, v35;
	s14 =	rddreg [dreg:$0x14]  }
0x453: {  	[tilespmem:s13+$0x0] =	vst.add.f32.msk $0xffff, v0;
	s8 =	sor.u32 s14, s12  }
0x454: {  	[tilespmem:s8+$0x0] =	vst.add.f32.msk $0xffff, v3  }
0x455: {  	s5 =	rddreg [dreg:$0x14]  }
0x456: {  	v4 =	vadd.s32 v24, v12;
	v8 =	vld.idx.msk [tilespmem:v42+s0+$0x0], $0xffff;
	v0 =	vmul.f32 v5, v35;
	s8 =	rddreg [dreg:$0x2]  }
0x457: {  	v3 =	vadd.s32 v16, v50;
	s5 =	sor.u32 s5, s11;
	v1 =	vld.idx.msk [tilespmem:v1+s0+$0x0], $0xffff;
	s8 =	sadd.s32 s8, s10  }
0x458: {  	[tilespmem:s5+$0x0] =	vst.add.f32.msk $0xffff, v0;
	v0 =	vmul.f32 v7, v37;
	s12 =	sadd.s32 s19, s8  }
0x459: {  	s5 =	sadd.s32 s31, s12  }
0x45a: {  	[tilespmem:s5+$0x0] =	vst.add.f32.msk $0xffff, v0  }
0x45b: {  	v6 =	vmul.f32 v6, v11;
	v5 =	vadd.s32 v24, v23;
	v4 =	vld.idx.msk [tilespmem:v4+s0+$0x0], $0xffff;
	[tilespmem:$0x1FA80] =	vst v35  }
0x45c: {  	s13 =	sor.u32 s18, s2;
	v7 =	vadd.s32 v16, v56;
	v0 =	vmul.f32 v8, v35;
	s5 =	rddreg [dreg:$0x14];
	v3 =	vld.idx.msk [tilespmem:v3+s0+$0x0], $0xffff  }
0x45d: {  	s14 =	sadd.s32 s7, s8;
	s3 =	sor.u32 s5, s3;
	v1 =	vmul.f32 v1, v37;
	[tilespmem:s13+$0x0] =	vst.add.f32.msk $0xffff, v6  }
0x45e: {  	s5 =	sadd.s32 s31, s14;
	[tilespmem:s3+$0x0] =	vst.add.f32.msk $0xffff, v0  }
0x45f: {  	[tilespmem:s5+$0x0] =	vst.add.f32.msk $0xffff, v1  }
0x460: {  	s11 =	sadd.s32 s6, s8;
	v0 =	vadd.s32 v16, v12;
	v5 =	vld.idx.msk [tilespmem:v5+s0+$0x0], $0xffff;
	v1 =	vmul.f32 v4, v37;
	s5 =	rddreg [dreg:$0x3]  }
0x461: {  	s3 =	sadd.s32 s31, s11;
	v4 =	vadd.s32 v17, v50;
	v6 =	vld.idx.msk [tilespmem:v7+s0+$0x0], $0xffff;
	s5 =	sadd.s32 s5, s10  }
0x462: {  	[tilespmem:s3+$0x0] =	vst.add.f32.msk $0xffff, v1;
	v1 =	vmul.f32 v3, v38;
	s12 =	sadd.s32 s19, s5  }
0x463: {  	s3 =	sadd.s32 s25, s12  }
0x464: {  	[tilespmem:s3+$0x0] =	vst.add.f32.msk $0xffff, v1  }
0x465: {  	s8 =	sadd.s32 s4, s8;
	v7 =	vadd.s32 v16, v23;
	v0 =	vld.idx.msk [tilespmem:v0+s0+$0x0], $0xffff;
	v1 =	vmul.f32 v5, v37;
	[tilespmem:$0x1FA90] =	vst v37  }
0x466: {  	v2 =	vmul.f32 v2, v11;
	s13 =	sadd.s32 s31, s8;
	v3 =	vadd.s32 v17, v56;
	v4 =	vld.idx.msk [tilespmem:v4+s0+$0x0], $0xffff;
	[tilespmem:$0x1FAA0] =	vst v11  }
0x467: {  	s14 =	sor.u32 s18, s1;
	s31 =	sadd.s32 s7, s5;
	v5 =	vmul.f32 v6, v38;
	[tilespmem:s13+$0x0] =	vst.add.f32.msk $0xffff, v1  }
0x468: {  	s8 =	sadd.s32 s25, s31;
	v1 =	vadd.s32 v17, v12;
	[tilespmem:s14+$0x0] =	vst.add.f32.msk $0xffff, v2  }
0x469: {  	[tilespmem:s8+$0x0] =	vst.add.f32.msk $0xffff, v5  }
0x46a: {  	s11 =	sadd.s32 s6, s5;
	v6 =	vld.idx.msk [tilespmem:v7+s0+$0x0], $0xffff;
	v0 =	vmul.f32 v0, v38;
	s8 =	rddreg [dreg:$0x4]  }
0x46b: {  	s3 =	sadd.s32 s25, s11;
	v2 =	vadd.s32 v15, v50;
	v3 =	vld.idx.msk [tilespmem:v3+s0+$0x0], $0xffff;
	s8 =	sadd.s32 s8, s10  }
0x46c: {  	[tilespmem:s3+$0x0] =	vst.add.f32.msk $0xffff, v0;
	s12 =	sadd.s32 s19, s8;
	v0 =	vmul.f32 v4, v39  }
0x46d: {  	s3 =	sadd.s32 s24, s12;
	v1 =	vld.idx.msk [tilespmem:v1+s0+$0x0], $0xffff  }
0x46e: {  	v5 =	vadd.s32 v17, v23;
	[tilespmem:s3+$0x0] =	vst.add.f32.msk $0xffff, v0  }
0x46f: {  	s5 =	sadd.s32 s4, s5;
	v0 =	vmul.f32 v6, v38;
	v6 =	vadd.s32 v15, v56;
	[tilespmem:$0x1FAB0] =	vst v38  }
0x470: {  	s13 =	sadd.s32 s25, s5;
	s14 =	sadd.s32 s7, s8;
	v3 =	vmul.f32 v3, v39;
	v2 =	vld.idx.msk [tilespmem:v2+s0+$0x0], $0xffff  }
0x471: {  	s3 =	sadd.s32 s24, s14;
	[tilespmem:s13+$0x0] =	vst.add.f32.msk $0xffff, v0;
	v0 =	vadd.s32 v15, v12  }
0x472: {  	[tilespmem:s3+$0x0] =	vst.add.f32.msk $0xffff, v3  }
0x473: {  	s25 =	sadd.s32 s6, s8;
	v4 =	vadd.s32 v30, v53;
	v5 =	vld.idx.msk [tilespmem:v5+s0+$0x0], $0xffff;
	s11 =	rddreg [dreg:$0x5];
	v1 =	vmul.f32 v1, v39  }
0x474: {  	s31 =	sadd.s32 s24, s25;
	v3 =	vadd.s32 v28, v50;
	s5 =	sadd.s32 s11, s10;
	v6 =	vld.idx.msk [tilespmem:v6+s0+$0x0], $0xffff  }
0x475: {  	s12 =	sadd.s32 s19, s5;
	[tilespmem:s31+$0x0] =	vst.add.f32.msk $0xffff, v1;
	v1 =	vmul.f32 v2, v40  }
0x476: {  	v7 =	vadd.s32 v15, v23;
	s3 =	sadd.s32 s26, s12;
	v0 =	vld.idx.msk [tilespmem:v0+s0+$0x0], $0xffff  }
0x477: {  	[tilespmem:s3+$0x0] =	vst.add.f32.msk $0xffff, v1  }
0x478: {  	s8 =	sadd.s32 s4, s8;
	v4 =	vld.idx.msk [tilespmem:v4+s0+$0x0], $0xffff;
	v1 =	vmul.f32 v5, v39;
	v5 =	vadd.s32 v28, v56;
	[tilespmem:$0x1FAC0] =	vst v39  }
0x479: {  	s13 =	sadd.s32 s24, s8;
	v3 =	vld.idx.msk [tilespmem:v3+s0+$0x0], $0xffff  }
0x47a: {  	s14 =	sadd.s32 s7, s5;
	v6 =	vmul.f32 v6, v40;
	[tilespmem:s13+$0x0] =	vst.add.f32.msk $0xffff, v1;
	v1 =	vadd.s32 v28, v12  }
0x47b: {  	s3 =	sadd.s32 s26, s14;
	v7 =	vld.idx.msk [tilespmem:v7+s0+$0x0], $0xffff  }
0x47c: {  	s24 =	sadd.s32 s6, s5;
	v2 =	vadd.s32 v30, v52;
	[tilespmem:s3+$0x0] =	vst.add.f32.msk $0xffff, v6;
	v0 =	vmul.f32 v0, v40  }
0x47d: {  	s25 =	sadd.s32 s26, s24;
	s31 =	sadd.s32 $0x19A00, s29;
	v6 =	vadd.s32 v51, v50;
	v5 =	vld.idx.msk [tilespmem:v5+s0+$0x0], $0xffff  }
0x47e: {  	s12 =	sadd.s32 s19, s31;
	[tilespmem:s25+$0x0] =	vst.add.f32.msk $0xffff, v0;
	v0 =	vmul.f32 v3, v41  }
0x47f: {  	v8 =	vadd.s32 v28, v23;
	s8 =	sor.u32 s20, s12;
	v1 =	vld.idx.msk [tilespmem:v1+s0+$0x0], $0xffff  }
0x480: {  	[tilespmem:s8+$0x0] =	vst.add.f32.msk $0xffff, v0  }
0x481: {  	s5 =	sadd.s32 s4, s5;
	v2 =	vld.idx.msk [tilespmem:v2+s0+$0x0], $0xffff;
	v0 =	vmul.f32 v7, v40;
	[tilespmem:$0x1FAD0] =	vst v40  }
0x482: {  	s11 =	sadd.s32 s26, s5;
	v6 =	vld.idx.msk [tilespmem:v6+s0+$0x0], $0xffff  }
0x483: {  	v3 =	vadd.s32 v51, v56;
	s8 =	sadd.s32 s7, s31;
	[tilespmem:s11+$0x0] =	vst.add.f32.msk $0xffff, v0;
	v0 =	vmul.f32 v5, v41  }
0x484: {  	s14 =	sor.u32 s20, s8;
	v5 =	vld.idx.msk [tilespmem:v8+s0+$0x0], $0xffff  }
0x485: {  	v7 =	vadd.s32 v51, v12;
	s11 =	sadd.s32 s6, s31;
	[tilespmem:s14+$0x0] =	vst.add.f32.msk $0xffff, v0;
	v0 =	vmul.f32 v1, v41  }
0x486: {  	s24 =	sor.u32 s20, s11;
	v1 =	vadd.s32 v26, v50  }
0x487: {  	[tilespmem:s24+$0x0] =	vst.add.f32.msk $0xffff, v0;
	v0 =	vmul.f32 v6, v43  }
0x488: {  	s25 =	sor.u32 s18, s12;
	v3 =	vld.idx.msk [tilespmem:v3+s0+$0x0], $0xffff  }
0x489: {  	v8 =	vadd.s32 v51, v23;
	s13 =	rddreg [dreg:$0x14];
	[tilespmem:s25+$0x0] =	vst.add.f32.msk $0xffff, v0  }
0x48a: {  	s3 =	sadd.s32 s4, s31;
	v6 =	vld.idx.msk [tilespmem:v7+s0+$0x0], $0xffff;
	v0 =	vmul.f32 v5, v41;
	[tilespmem:$0x1FAE0] =	vst v41  }
0x48b: {  	v4 =	vmul.f32 v4, v10;
	s26 =	sor.u32 s20, s3;
	v5 =	vadd.s32 v26, v56;
	v1 =	vld.idx.msk [tilespmem:v1+s0+$0x0], $0xffff  }
0x48c: {  	s31 =	sor.u32 s30, s9;
	[tilespmem:s26+$0x0] =	vst.add.f32.msk $0xffff, v0  }
0x48d: {  	v0 =	vmul.f32 v3, v43;
	[tilespmem:s31+$0x0] =	vst.add.f32.msk $0xffff, v4  }
0x48e: {  	s14 =	sor.u32 s18, s8;
	v3 =	vld.idx.msk [tilespmem:v8+s0+$0x0], $0xffff  }
0x48f: {  	v7 =	vadd.s32 v26, v12;
	[tilespmem:s14+$0x0] =	vst.add.f32.msk $0xffff, v0;
	v0 =	vmul.f32 v6, v43  }
0x490: {  	s24 =	sor.u32 s18, s11;
	v5 =	vld.idx.msk [tilespmem:v5+s0+$0x0], $0xffff;
	v1 =	vmul.f32 v1, v44  }
0x491: {  	s25 =	sor.u32 s30, s12;
	v4 =	vadd.s32 v18, v50;
	[tilespmem:s24+$0x0] =	vst.add.f32.msk $0xffff, v0  }
0x492: {  	[tilespmem:s25+$0x0] =	vst.add.f32.msk $0xffff, v1  }
0x493: {  	v0 =	vadd.s32 v26, v23;
	v1 =	vmul.f32 v3, v43;
	[tilespmem:$0x1FAF0] =	vst v43  }
0x494: {  	s26 =	sor.u32 s18, s3;
	v3 =	vld.idx.msk [tilespmem:v7+s0+$0x0], $0xffff  }
0x495: {  	v2 =	vmul.f32 v2, v10;
	v6 =	vadd.s32 v30, v25;
	[tilespmem:s26+$0x0] =	vst.add.f32.msk $0xffff, v1  }
0x496: {  	s31 =	sor.u32 s30, s2;
	v1 =	vld.idx.msk [tilespmem:v4+s0+$0x0], $0xffff;
	v4 =	vadd.s32 v18, v56  }
0x497: {  	v5 =	vmul.f32 v5, v44;
	[tilespmem:s31+$0x0] =	vst.add.f32.msk $0xffff, v2  }
0x498: {  	s14 =	sor.u32 s30, s8;
	v0 =	vld.idx.msk [tilespmem:v0+s0+$0x0], $0xffff  }
0x499: {  	[tilespmem:s14+$0x0] =	vst.add.f32.msk $0xffff, v5  }
0x49a: {  	v2 =	vadd.s32 v18, v12;
	v5 =	vld.idx.msk [tilespmem:v6+s0+$0x0], $0xffff;
	v3 =	vmul.f32 v3, v44  }
0x49b: {  	s24 =	sor.u32 s30, s11;
	v1 =	vmul.f32 v1, v45;
	v4 =	vld.idx.msk [tilespmem:v4+s0+$0x0], $0xffff  }
0x49c: {  	s25 =	sor.u32 s13, s12;
	[tilespmem:s24+$0x0] =	vst.add.f32.msk $0xffff, v3;
	v3 =	vadd.s32 v19, v50  }
0x49d: {  	[tilespmem:s25+$0x0] =	vst.add.f32.msk $0xffff, v1  }
0x49e: {  	v0 =	vmul.f32 v0, v44;
	[tilespmem:$0x1FB00] =	vst v44  }
0x49f: {  	s26 =	sor.u32 s30, s3;
	v6 =	vadd.s32 v18, v23;
	v1 =	vld.idx.msk [tilespmem:v2+s0+$0x0], $0xffff;
	[tilespmem:$0x1FB10] =	vst v10  }
0x4a0: {  	v5 =	vmul.f32 v5, v10;
	v2 =	vadd.s32 v19, v56;
	[tilespmem:s26+$0x0] =	vst.add.f32.msk $0xffff, v0  }
0x4a1: {  	s31 =	sor.u32 s30, s1;
	v4 =	vmul.f32 v4, v45;
	v0 =	vld.idx.msk [tilespmem:v3+s0+$0x0], $0xffff  }
0x4a2: {  	s8 =	sor.u32 s13, s8;
	[tilespmem:s31+$0x0] =	vst.add.f32.msk $0xffff, v5;
	v3 =	vadd.s32 v19, v12  }
0x4a3: {  	[tilespmem:s8+$0x0] =	vst.add.f32.msk $0xffff, v4  }
0x4a4: {  	v5 =	vld.idx.msk [tilespmem:v6+s0+$0x0], $0xffff;
	s12 =	rddreg [dreg:$0x6];
	v1 =	vmul.f32 v1, v45  }
0x4a5: {  	s11 =	sor.u32 s13, s11;
	v4 =	vadd.s32 v21, v50;
	v2 =	vld.idx.msk [tilespmem:v2+s0+$0x0], $0xffff;
	s8 =	sadd.s32 s12, s10  }
0x4a6: {  	s14 =	sadd.s32 s19, s8;
	[tilespmem:s11+$0x0] =	vst.add.f32.msk $0xffff, v1;
	v0 =	vmul.f32 v0, v46  }
0x4a7: {  	v6 =	vadd.s32 v19, v23;
	s5 =	sadd.s32 s21, s14;
	v3 =	vld.idx.msk [tilespmem:v3+s0+$0x0], $0xffff  }
0x4a8: {  	[tilespmem:s5+$0x0] =	vst.add.f32.msk $0xffff, v0  }
0x4a9: {  	v0 =	vmul.f32 v5, v45;
	v5 =	vadd.s32 v21, v56;
	[tilespmem:$0x1FB20] =	vst v45  }
0x4aa: {  	s3 =	sor.u32 s13, s3;
	v4 =	vld.idx.msk [tilespmem:v4+s0+$0x0], $0xffff  }
0x4ab: {  	s24 =	sadd.s32 s7, s8;
	v2 =	vmul.f32 v2, v46;
	[tilespmem:s3+$0x0] =	vst.add.f32.msk $0xffff, v0  }
0x4ac: {  	v0 =	vadd.s32 v21, v12;
	s3 =	sadd.s32 s21, s24;
	v6 =	vld.idx.msk [tilespmem:v6+s0+$0x0], $0xffff  }
0x4ad: {  	s25 =	sadd.s32 s6, s8;
	[tilespmem:s3+$0x0] =	vst.add.f32.msk $0xffff, v2;
	v2 =	vmul.f32 v3, v46  }
0x4ae: {  	v1 =	vadd.s32 v31, v53;
	s26 =	sadd.s32 s21, s25;
	v5 =	vld.idx.msk [tilespmem:v5+s0+$0x0], $0xffff  }
0x4af: {  	s30 =	sadd.s32 s28, s10;
	v3 =	vadd.s32 v27, v50;
	[tilespmem:s26+$0x0] =	vst.add.f32.msk $0xffff, v2  }
0x4b0: {  	s31 =	sadd.s32 s19, s30;
	v2 =	vmul.f32 v4, v47;
	v4 =	vadd.s32 v31, v52;
	v52 =	vld [tilespmem:$0x1FF00]  }
0x4b1: {  	v7 =	vadd.s32 v21, v23;
	s3 =	sadd.s32 s22, s31;
	v0 =	vld.idx.msk [tilespmem:v0+s0+$0x0], $0xffff  }
0x4b2: {  	[tilespmem:s3+$0x0] =	vst.add.f32.msk $0xffff, v2  }
0x4b3: {  	s8 =	sadd.s32 s4, s8;
	v1 =	vld.idx.msk [tilespmem:v1+s0+$0x0], $0xffff;
	v2 =	vmul.f32 v6, v46;
	[tilespmem:$0x1FB30] =	vst v46  }
0x4b4: {  	s11 =	sadd.s32 s21, s8;
	v3 =	vld.idx.msk [tilespmem:v3+s0+$0x0], $0xffff  }
0x4b5: {  	v6 =	vadd.s32 v27, v56;
	[tilespmem:s11+$0x0] =	vst.add.f32.msk $0xffff, v2  }
0x4b6: {  	s12 =	sadd.s32 s7, s30;
	v5 =	vmul.f32 v5, v47;
	v7 =	vld.idx.msk [tilespmem:v7+s0+$0x0], $0xffff  }
0x4b7: {  	s14 =	sadd.s32 s6, s30;
	s3 =	sadd.s32 s22, s12;
	v2 =	vadd.s32 v27, v12;
	v8 =	vld.idx.msk [tilespmem:v4+s0+$0x0], $0xffff;
	v0 =	vmul.f32 v0, v47  }
0x4b8: {  	s23 =	sadd.s32 s23, s10;
	s21 =	sadd.s32 s22, s14;
	[tilespmem:s3+$0x0] =	vst.add.f32.msk $0xffff, v5;
	v4 =	vadd.s32 v29, v50  }
0x4b9: {  	s24 =	sadd.s32 s19, s23;
	[tilespmem:s21+$0x0] =	vst.add.f32.msk $0xffff, v0;
	v0 =	vmul.f32 v3, v48  }
0x4ba: {  	s3 =	sadd.s32 s15, s24;
	v5 =	vld.idx.msk [tilespmem:v6+s0+$0x0], $0xffff;
	v6 =	vadd.s32 v27, v23  }
0x4bb: {  	[tilespmem:s3+$0x0] =	vst.add.f32.msk $0xffff, v0  }
0x4bc: {  	s5 =	sadd.s32 s4, s30;
	v53 =	vld.idx.msk [tilespmem:v2+s0+$0x0], $0xffff;
	v0 =	vmul.f32 v7, v47;
	[tilespmem:$0x1FB40] =	vst v47  }
0x4bd: {  	v43 =	vadd.s32 v31, v25;
	s25 =	sadd.s32 s22, s5;
	v3 =	vld.idx.msk [tilespmem:v4+s0+$0x0], $0xffff  }
0x4be: {  	v55 =	vadd.s32 v29, v56;
	v63 =	vadd.s32 v29, v23;
	v22 =	vadd.s32 v29, v12;
	s2 =	sor.u32 s13, s2;
	[tilespmem:s25+$0x0] =	vst.add.f32.msk $0xffff, v0  }
0x4bf: {  	v34 =	vadd.s32 v30, v56;
	v14 =	vadd.s32 v31, v56;
	s1 =	sor.u32 s13, s1;
	s26 =	sadd.s32 s7, s23;
	v0 =	vmul.f32 v5, v48;
	v4 =	vld.idx.msk [tilespmem:v6+s0+$0x0], $0xffff;
	[dreg:$0x19] =	wrdreg s2  }
0x4c0: {  	v24 =	vadd.s32 v49, v12;
	v35 =	vadd.s32 v30, v12;
	v15 =	vadd.s32 v31, v23;
	s28 =	sadd.s32 s15, s26;
	[dreg:$0x17] =	wrdreg s1  }
0x4c1: {  	v18 =	vadd.s32 v30, v23;
	v21 =	vadd.s32 v49, v56;
	v1 =	vmul.f32 v1, v13;
	[tilespmem:s28+$0x0] =	vst.add.f32.msk $0xffff, v0  }
0x4c2: {  	s30 =	sadd.s32 s6, s23;
	v59 =	vadd.s32 v52, v56;
	v46 =	vadd.s32 v52, v12;
	v2 =	vld.idx.msk [tilespmem:v43+s0+$0x0], $0xffff;
	[tilespmem:$0x1FB50] =	vst v13  }
0x4c3: {  	s31 =	sadd.s32 s4, s23;
	v62 =	vadd.s32 v52, v23;
	v12 =	vadd.s32 v31, v12;
	v27 =	vadd.s32 v49, v23;
	s3 =	sadd.s32 s15, s30;
	s25 =	sor.u32 s13, s9;
	[tilespmem:$0x1FB60] =	vst v48  }
0x4c4: {  	s9 =	simm.s32 $0x4;
	s1 =	sadd.s32 s15, s31;
	v7 =	vmul.f32 v53, v48;
	v6 =	vadd.s32 v49, v50;
	s2 =	sadd.s32 s16, s10;
	v0 =	vmul.f32 v8, v13;
	v5 =	vld.idx.msk [tilespmem:v55+s0+$0x0], $0xffff  }
.LBB2_12:
0x4c5: {  	v11 =	vld [tilespmem:$0x1FA30]  }
0x4c6: {  	v57 =	vld [tilespmem:$0x1FB60]  }
0x4c7: {  	[tilespmem:s25+$0x0] =	vst.add.f32.msk $0xffff, v1  }
0x4c8: {  	v53 =	vld [tilespmem:$0x1FB50]  }
0x4c9: {  	v25 =	vld [tilespmem:$0x1FA50]  }
0x4ca: {  	v55 =	vld [tilespmem:$0x1FAA0]  }
0x4cb: {  	v56 =	vld [tilespmem:$0x1FF40]  }
0x4cc: {  	v58 =	vld [tilespmem:$0x1FF30]  }
0x4cd: {  	[tilespmem:$0x1FA10] =	vst v15;
	v15 =	vld [tilespmem:$0x1FFD0]  }
0x4ce: {  	s5 =	rddreg [dreg:$0x16];
	v61 =	vld [tilespmem:$0x1FF80]  }
0x4cf: {  	s5 =	sadd.s32 s9, s5;
	[tilespmem:s3+$0x0] =	vst.add.f32.msk $0xffff, v7  }
0x4d0: {  	s22 =	sadd.s32 s19, s2;
	s12 =	rddreg [dreg:$0x12];
	s11 =	sadd.s32 $0x406, s5;
	v7 =	vld.idx.msk [tilespmem:v22+s0+$0x0], $0xffff;
	v3 =	vmul.f32 v3, v11  }
0x4d1: {  	s8 =	sadd.s32 s7, s2;
	v60 =	vld [tilespmem:$0x1FF60];
	s3 =	sadd.s32 s12, s22;
	v9 =	vmov s11;
	v5 =	vmul.f32 v5, v11  }
0x4d2: {  	s26 =	sadd.s32 s12, s8;
	s10 =	sadd.s32 $0x404, s5;
	v9 =	vand.u32 $0xFFFFFFFE, v9;
	[tilespmem:s3+$0x0] =	vst.add.f32.msk $0xffff, v3  }
0x4d3: {  	s23 =	sadd.s32 $0x405, s5;
	v8 =	vmov s10;
	v9 =	vbroadcast v9, $0x0;
	[tilespmem:s26+$0x0] =	vst.add.f32.msk $0xffff, v5  }
0x4d4: {  	v3 =	vmul.f32 v4, v57;
	v4 =	vand.u32 $0xFFFFFFFC, v8;
	v8 =	vmov s23;
	v6 =	vld.idx.msk [tilespmem:v6+s0+$0x0], $0xffff  }
0x4d5: {  	s24 =	sadd.s32 s6, s2;
	s5 =	sadd.s32 $0x407, s5;
	v1 =	vmul.f32 v2, v53;
	v2 =	vmul.f32 v7, v11;
	v8 =	vand.u32 $0xFFFFFFFD, v8;
	v7 =	vld.idx.msk [tilespmem:v21+s0+$0x0], $0xffff  }
0x4d6: {  	s31 =	sadd.s32 s12, s24;
	[tilespmem:s1+$0x0] =	vst.add.f32.msk $0xffff, v3;
	v3 =	vbroadcast v8, $0x0;
	v8 =	vmov s5  }
0x4d7: {  	s11 =	sadd.s32 $0x19E00, s29;
	[tilespmem:s31+$0x0] =	vst.add.f32.msk $0xffff, v2  }
0x4d8: {  	s22 =	sadd.s32 s19, s11;
	s19 =	simm.s32 $0x5000;
	v10 =	vld.idx.msk [tilespmem:v63+s0+$0x0], $0xffff  }
0x4d9: {  	v38 =	vld.idx.msk [tilespmem:v9+s19+$0x0], $0xffff  }
0x4da: {  	v5 =	vadd.s32 v52, v50;
	v4 =	vbroadcast v4, $0x0;
	v9 =	vld.idx.msk [tilespmem:v24+s0+$0x0], $0xffff;
	v2 =	vmul.f32 v6, v25  }
0x4db: {  	s23 =	sor.u32 s20, s22;
	v44 =	vld.idx.msk [tilespmem:v8+s19+$0x0], $0xffff  }
0x4dc: {  	[tilespmem:s23+$0x0] =	vst.add.f32.msk $0xffff, v2  }
0x4dd: {  	v6 =	vmul.f32 v10, v11;
	v11 =	vld [tilespmem:$0x1FF70]  }
0x4de: {  	v29 =	vld.idx.msk [tilespmem:v3+s19+$0x0], $0xffff  }
0x4df: {  	s10 =	sadd.s32 s4, s2;
	v5 =	vld.idx.msk [tilespmem:v5+s0+$0x0], $0xffff  }
0x4e0: {  	s2 =	sadd.s32 s12, s10;
	s12 =	sadd.s32 s7, s11;
	v2 =	vld.idx.msk [tilespmem:v4+s19+$0x0], $0xffff;
	v3 =	vmul.f32 v7, v25  }
0x4e1: {  	s7 =	sor.u32 s20, s12;
	[tilespmem:s2+$0x0] =	vst.add.f32.msk $0xffff, v6  }
0x4e2: {  	[tilespmem:s7+$0x0] =	vst.add.f32.msk $0xffff, v3;
	v4 =	vadd.s32 v11, v50  }
0x4e3: {  	s16 =	sadd.s32 s6, s11;
	s24 =	sadd.s32 s4, s11;
	v33 =	vld.idx.msk [tilespmem:v27+s0+$0x0], $0xffff;
	v3 =	vadd.s32 v32, v29  }
0x4e4: {  	[tilespmem:$0x1F8B0] =	vst v35;
	s21 =	sor.u32 s20, s16;
	s15 =	sor.u32 s18, s16;
	s31 =	rddreg [dreg:$0x13];
	v21 =	vadd.s32 v54, v38;
	v27 =	vld [tilespmem:$0x1FA40];
	v48 =	vadd.s32 v54, v44;
	v5 =	vmul.f32 v5, v55  }
0x4e5: {  	[tilespmem:$0x1F8F0] =	vst v18;
	s11 =	sor.u32 s31, s16;
	s23 =	sor.u32 s13, s16;
	s16 =	sor.u32 s18, s22;
	v7 =	vadd.s32 v32, v2;
	v22 =	vadd.s32 v54, v2;
	v40 =	vadd.s32 v54, v29;
	v54 =	vld [tilespmem:$0x1FB10]  }
0x4e6: {  	v6 =	vadd.s32 v32, v38;
	[tilespmem:s16+$0x0] =	vst.add.f32.msk $0xffff, v5  }
0x4e7: {  	[tilespmem:$0x1F990] =	vst v14;
	v5 =	vadd.s32 v32, v44;
	v4 =	vld.idx.msk [tilespmem:v4+s0+$0x0], $0xffff  }
0x4e8: {  	[tilespmem:$0x1F9D0] =	vst v12;
	s5 =	rddreg [dreg:$0x19];
	v3 =	vld.idx.msk [tilespmem:v3+s0+$0x0], $0xffff  }
0x4e9: {  	s17 =	sadd.s32 $0x200, s17;
	s9 =	sadd.s32 $0x4, s9;
	s8 =	sor.u32 s13, s12;
	[tilespmem:s5+$0x0] =	vst.add.f32.msk $0xffff, v0;
	v0 =	vadd.s32 v28, v2  }
0x4ea: {  	s14 =	sor.u32 s18, s12;
	[dreg:$0x1a] =	wrdreg s8;
	s19 =	sshrl.u32 s9, $0x3;
	v7 =	vld.idx.msk [tilespmem:v7+s0+$0x0], $0xffff;
	[tilespmem:$0x1F8C0] =	vst v0;
	v0 =	vadd.s32 v28, v29  }
0x4eb: {  	s8 =	rddreg [dreg:$0x17];
	s26 =	sor.u32 s18, s24;
	s2 =	smul.u32 $0x3000, s19;
	v6 =	vld.idx.msk [tilespmem:v6+s0+$0x0], $0xffff;
	[tilespmem:$0x1F8D0] =	vst v0;
	v0 =	vadd.s32 v28, v44  }
0x4ec: {  	[smem:$0x7EA] =	sst s26;
	s26 =	sadd.s32 $0xFFFFFF80, s17;
	s25 =	sor.u32 s31, s12;
	v20 =	vld.idx.msk [tilespmem:v5+s0+$0x0], $0xffff;
	[tilespmem:$0x1F8E0] =	vst v0  }
0x4ed: {  	[smem:$0x7EB] =	sst s25;
	s25 =	sadd.s32 $0xFFFFFE80, s17;
	v8 =	vadd.s32 v58, v50;
	s29 =	sshra.s32 s2, $0x2;
	[tilespmem:s8+$0x0] =	vst.add.f32.msk $0xffff, v1;
	v0 =	vadd.s32 v51, v2  }
0x4ee: {  	s1 =	sor.u32 s20, s24;
	s7 =	sand.u32 $0x200, s25;
	v49 =	vld.idx.msk [tilespmem:v59+s0+$0x0], $0xffff;
	s10 =	sadd.s32 $0x19600, s29;
	[tilespmem:$0x1F900] =	vst v0;
	v0 =	vadd.s32 v51, v29;
	v4 =	vmul.f32 v4, v54  }
0x4ef: {  	s12 =	sor.u32 s31, s24;
	s6 =	sor.u32 s31, s22;
	s5 =	sadd.s32 s7, s10;
	[tilespmem:$0x1F910] =	vst v0;
	v1 =	vmul.f32 v7, v27;
	v24 =	vmul.f32 v3, v27;
	v3 =	vld [tilespmem:$0x1FFE0]  }
0x4f0: {  	s24 =	sor.u32 s13, s24;
	s19 =	sand.u32 $0x300, s26;
	s13 =	sor.u32 s20, s5;
	[tilespmem:s6+$0x0] =	vst.add.f32.msk $0xffff, v4  }
0x4f1: {  	[dreg:$0x1f] =	wrdreg s11;
	v19 =	vadd.s32 v15, v29;
	s25 =	sadd.s32 s19, s10;
	v0 =	vmul.f32 v6, v27;
	[tilespmem:s13+$0x0] =	vst.add.f32.msk $0xffff, v1  }
0x4f2: {  	[dreg:$0x1c] =	wrdreg s12;
	s11 =	sadd.s32 $0xFFFFFF00, s17;
	[tilespmem:$0x1F8A0] =	vst v19;
	s12 =	sor.u32 s20, s25;
	v23 =	vld.idx.msk [tilespmem:v8+s0+$0x0], $0xffff  }
0x4f3: {  	v16 =	vmov v46;
	v45 =	vadd.s32 v56, v44;
	s6 =	sand.u32 $0x280, s11;
	v1 =	vadd.s32 v60, v44;
	[tilespmem:s12+$0x0] =	vst.add.f32.msk $0xffff, v0  }
0x4f4: {  	s4 =	sand.u32 $0x380, s17;
	v46 =	vadd.s32 v56, v2;
	v47 =	vadd.s32 v56, v29;
	v4 =	vld [tilespmem:$0x1FFF0];
	s26 =	sadd.s32 s6, s10;
	v0 =	vadd.s32 v26, v44;
	[tilespmem:$0x1FA00] =	vst v1  }
0x4f5: {  	s16 =	sadd.s32 s4, s10;
	v6 =	vadd.s32 v51, v44;
	v51 =	vadd.s32 v56, v38;
	v56 =	vld [tilespmem:$0x1FA60];
	v27 =	vmul.f32 v20, v27;
	[tilespmem:$0x1F920] =	vst v0;
	s3 =	sor.u32 s20, s26  }
0x4f6: {  	s30 =	smov.u32 s20;
	s20 =	sor.u32 s20, s16;
	[tilespmem:s3+$0x0] =	vst.add.f32.msk $0xffff, v24  }
0x4f7: {  	v0 =	vadd.s32 v3, v2;
	[tilespmem:s20+$0x0] =	vst.add.f32.msk $0xffff, v27  }
0x4f8: {  	s28 =	rddreg [dreg:$0x14];
	s8 =	sor.u32 s18, s5;
	s12 =	sor.u32 s31, s5;
	v50 =	vld.idx.msk [tilespmem:v21+s0+$0x0], $0xffff;
	[tilespmem:$0x1F930] =	vst v0;
	v0 =	vadd.s32 v3, v29  }
0x4f9: {  	v12 =	vld [tilespmem:$0x1FFA0];
	s3 =	sor.u32 s28, s5;
	s5 =	rddreg [dreg:$0x14];
	s20 =	smov.u32 s23;
	[tilespmem:$0x1F940] =	vst v0;
	v0 =	vadd.s32 v4, v2  }
0x4fa: {  	v13 =	vld [tilespmem:$0x1FFB0];
	s13 =	sor.u32 s18, s16;
	s2 =	sor.u32 s18, s26;
	[dreg:$0x19] =	wrdreg s20;
	[tilespmem:$0x1F960] =	vst v0;
	v0 =	vadd.s32 v4, v29  }
0x4fb: {  	v10 =	vld [tilespmem:$0x1FF50];
	s11 =	sor.u32 s31, s26;
	s18 =	sor.u32 s31, s16;
	s20 =	rddreg [dreg:$0x14];
	v59 =	vmul.f32 v23, v53;
	[tilespmem:$0x1F970] =	vst v0;
	v0 =	vadd.s32 v3, v44  }
0x4fc: {  	v7 =	vadd.s32 v26, v2;
	v8 =	vadd.s32 v26, v29;
	s28 =	sor.u32 s5, s26;
	s26 =	rddreg [dreg:$0x14];
	v26 =	vld.idx.msk [tilespmem:v40+s0+$0x0], $0xffff;
	s5 =	sor.u32 s20, s22;
	[tilespmem:$0x1F950] =	vst v0  }
0x4fd: {  	s26 =	sor.u32 s26, s16;
	s16 =	smov.u32 s24;
	s24 =	rddreg [dreg:$0xa];
	v40 =	vmul.f32 v50, v56;
	v0 =	vadd.s32 v61, v2;
	[tilespmem:s5+$0x0] =	vst.add.f32.msk $0xffff, v59  }
0x4fe: {  	v28 =	vld.idx.msk [tilespmem:v48+s0+$0x0], $0xffff;
	v50 =	vmul.f32 v9, v25;
	s5 =	sor.u32 s24, s25;
	[tilespmem:$0x1F9A0] =	vst v0  }
0x4ff: {  	v25 =	vmul.f32 v33, v25;
	[tilespmem:s5+$0x0] =	vst.add.f32.msk $0xffff, v40  }
0x500: {  	[tilespmem:s21+$0x0] =	vst.add.f32.msk $0xffff, v50  }
0x501: {  	v0 =	vadd.s32 v61, v29;
	[tilespmem:s1+$0x0] =	vst.add.f32.msk $0xffff, v25  }
0x502: {  	v14 =	vld [tilespmem:$0x1FFC0];
	v26 =	vmul.f32 v26, v56;
	[tilespmem:$0x1F9B0] =	vst v0;
	v0 =	vadd.s32 v4, v44  }
0x503: {  	v36 =	vadd.s32 v12, v44;
	v43 =	vadd.s32 v10, v2;
	v42 =	vadd.s32 v10, v29;
	v23 =	vld [tilespmem:$0x1FF90];
	[tilespmem:$0x1F980] =	vst v0  }
0x504: {  	v41 =	vadd.s32 v10, v44;
	v39 =	vadd.s32 v12, v2;
	v0 =	vadd.s32 v60, v2;
	[tilespmem:s2+$0x0] =	vst.add.f32.msk $0xffff, v26  }
0x505: {  	v37 =	vadd.s32 v12, v29;
	v35 =	vadd.s32 v13, v2;
	v20 =	vld [tilespmem:$0x1FEF0];
	[tilespmem:$0x1F9E0] =	vst v0;
	v0 =	vadd.s32 v60, v29  }
0x506: {  	v25 =	vmul.f32 v28, v56;
	v51 =	vld.idx.msk [tilespmem:v51+s0+$0x0], $0xffff;
	[tilespmem:$0x1F9F0] =	vst v0;
	v0 =	vadd.s32 v61, v44  }
0x507: {  	v17 =	vmov v34;
	v34 =	vadd.s32 v13, v29;
	v31 =	vadd.s32 v14, v2;
	[tilespmem:$0x1F9C0] =	vst v0;
	v0 =	vld.idx.msk [tilespmem:v22+s0+$0x0], $0xffff  }
0x508: {  	v30 =	vadd.s32 v14, v29;
	v18 =	vadd.s32 v15, v2;
	v1 =	vadd.s32 v23, v2;
	[tilespmem:s13+$0x0] =	vst.add.f32.msk $0xffff, v25  }
0x509: {  	v19 =	vadd.s32 v14, v44;
	v59 =	vadd.s32 v52, v2;
	[tilespmem:$0x1FA20] =	vst v1;
	v1 =	vadd.s32 v52, v29;
	v52 =	vld [tilespmem:$0x1FF00]  }
0x50a: {  	v32 =	vadd.s32 v13, v44;
	v5 =	vadd.s32 v15, v44;
	v48 =	vadd.s32 v11, v2;
	v25 =	vld.idx.msk [tilespmem:v47+s0+$0x0], $0xffff  }
0x50b: {  	v21 =	vadd.s32 v20, v2;
	v24 =	vadd.s32 v20, v29;
	v27 =	vadd.s32 v20, v44;
	v47 =	vld [tilespmem:$0x1FAB0]  }
0x50c: {  	v9 =	vadd.s32 v58, v2;
	v40 =	vadd.s32 v11, v29;
	v0 =	vmul.f32 v0, v56;
	v56 =	vld [tilespmem:$0x1FA70]  }
0x50d: {  	v2 =	vadd.s32 v58, v29;
	v22 =	vadd.s32 v23, v29;
	v29 =	vadd.s32 v58, v44;
	v58 =	vld.idx.msk [tilespmem:v16+s0+$0x0], $0xffff  }
0x50e: {  	v33 =	vadd.s32 v11, v44;
	v63 =	vadd.s32 v23, v44;
	v52 =	vadd.s32 v52, v44;
	v44 =	vld [tilespmem:$0x1FA90]  }
0x50f: {  	v50 =	vmov v38;
	[tilespmem:s8+$0x0] =	vst.add.f32.msk $0xffff, v0  }
0x510: {  	v0 =	vadd.s32 v10, v50;
	v10 =	vld [tilespmem:$0x1FA80]  }
0x511: {  	v26 =	vld.idx.msk [tilespmem:v46+s0+$0x0], $0xffff;
	v28 =	vmul.f32 v51, v56  }
0x512: {  	s2 =	sor.u32 s31, s25;
	v46 =	vmov v1;
	v1 =	vld.idx.msk [tilespmem:v62+s0+$0x0], $0xffff  }
0x513: {  	[tilespmem:s2+$0x0] =	vst.add.f32.msk $0xffff, v28  }
0x514: {  	v25 =	vmul.f32 v25, v56;
	v28 =	vld.idx.msk [tilespmem:v45+s0+$0x0], $0xffff  }
0x515: {  	v0 =	vld.idx.msk [tilespmem:v0+s0+$0x0], $0xffff  }
0x516: {  	[tilespmem:s11+$0x0] =	vst.add.f32.msk $0xffff, v25;
	v26 =	vmul.f32 v26, v56  }
0x517: {  	v25 =	vld.idx.msk [tilespmem:v42+s0+$0x0], $0xffff  }
0x518: {  	v49 =	vmul.f32 v49, v55;
	[tilespmem:s12+$0x0] =	vst.add.f32.msk $0xffff, v26;
	v26 =	vadd.s32 v12, v50  }
0x519: {  	v43 =	vld.idx.msk [tilespmem:v43+s0+$0x0], $0xffff;
	v28 =	vmul.f32 v28, v56  }
0x51a: {  	s5 =	rddreg [dreg:$0x14];
	[tilespmem:s14+$0x0] =	vst.add.f32.msk $0xffff, v49;
	v0 =	vmul.f32 v0, v10  }
0x51b: {  	s1 =	sor.u32 s5, s25;
	[tilespmem:s18+$0x0] =	vst.add.f32.msk $0xffff, v28  }
0x51c: {  	[tilespmem:s1+$0x0] =	vst.add.f32.msk $0xffff, v0  }
0x51d: {  	v25 =	vmul.f32 v25, v10;
	v26 =	vld.idx.msk [tilespmem:v26+s0+$0x0], $0xffff  }
0x51e: {  	v11 =	vld.idx.msk [tilespmem:v41+s0+$0x0], $0xffff;
	v28 =	vmul.f32 v43, v10  }
0x51f: {  	[tilespmem:s28+$0x0] =	vst.add.f32.msk $0xffff, v25  }
0x520: {  	s8 =	rddreg [dreg:$0x2];
	[tilespmem:s3+$0x0] =	vst.add.f32.msk $0xffff, v28;
	v28 =	vadd.s32 v13, v50  }
0x521: {  	v0 =	vmul.f32 v58, v55;
	s1 =	sadd.s32 s8, s10;
	v39 =	vld.idx.msk [tilespmem:v39+s0+$0x0], $0xffff  }
0x522: {  	s18 =	rddreg [dreg:$0xb];
	s14 =	sadd.s32 s19, s1;
	v25 =	vmul.f32 v26, v44;
	v26 =	vld.idx.msk [tilespmem:v37+s0+$0x0], $0xffff  }
0x523: {  	s5 =	sadd.s32 s18, s14;
	[tilespmem:s15+$0x0] =	vst.add.f32.msk $0xffff, v0  }
0x524: {  	[tilespmem:s5+$0x0] =	vst.add.f32.msk $0xffff, v25;
	v25 =	vmul.f32 v11, v10  }
0x525: {  	v28 =	vld.idx.msk [tilespmem:v28+s0+$0x0], $0xffff  }
0x526: {  	s11 =	sadd.s32 s7, s1;
	[tilespmem:s26+$0x0] =	vst.add.f32.msk $0xffff, v25;
	v25 =	vmul.f32 v39, v44  }
0x527: {  	[dreg:$0x17] =	wrdreg s16;
	s2 =	sadd.s32 s18, s11;
	v36 =	vld.idx.msk [tilespmem:v36+s0+$0x0], $0xffff  }
0x528: {  	s16 =	rddreg [dreg:$0x3];
	s13 =	sadd.s32 s6, s1;
	v0 =	vmul.f32 v26, v44;
	[tilespmem:s2+$0x0] =	vst.add.f32.msk $0xffff, v25  }
0x529: {  	s20 =	sadd.s32 s16, s10;
	s3 =	sadd.s32 s18, s13;
	v26 =	vld.idx.msk [tilespmem:v35+s0+$0x0], $0xffff  }
0x52a: {  	s24 =	sadd.s32 s19, s20;
	s26 =	rddreg [dreg:$0xc];
	v25 =	vadd.s32 v14, v50;
	[tilespmem:s3+$0x0] =	vst.add.f32.msk $0xffff, v0;
	v0 =	vmul.f32 v28, v47  }
0x52b: {  	s8 =	sadd.s32 s26, s24;
	v28 =	vld.idx.msk [tilespmem:v34+s0+$0x0], $0xffff  }
0x52c: {  	s1 =	sadd.s32 s4, s1;
	[tilespmem:s8+$0x0] =	vst.add.f32.msk $0xffff, v0;
	v0 =	vmul.f32 v36, v44  }
0x52d: {  	s1 =	sadd.s32 s18, s1  }
0x52e: {  	s21 =	sadd.s32 s7, s20;
	[tilespmem:s1+$0x0] =	vst.add.f32.msk $0xffff, v0;
	v0 =	vmul.f32 v26, v47  }
0x52f: {  	s5 =	sadd.s32 s26, s21;
	v25 =	vld.idx.msk [tilespmem:v25+s0+$0x0], $0xffff  }
0x530: {  	[tilespmem:s5+$0x0] =	vst.add.f32.msk $0xffff, v0  }
0x531: {  	v0 =	vmul.f32 v28, v47;
	v28 =	vld.idx.msk [tilespmem:v31+s0+$0x0], $0xffff  }
0x532: {  	s11 =	sld [smem:$0x7EA];
	v31 =	vld [tilespmem:$0x1FAC0]  }
0x533: {  	v1 =	vmul.f32 v1, v55  }
0x534: {  	s22 =	sadd.s32 s6, s20;
	v26 =	vld.idx.msk [tilespmem:v32+s0+$0x0], $0xffff  }
0x535: {  	s12 =	rddreg [dreg:$0x4];
	s3 =	sadd.s32 s26, s22;
	[tilespmem:s11+$0x0] =	vst.add.f32.msk $0xffff, v1  }
0x536: {  	s14 =	sadd.s32 s12, s10;
	v1 =	vadd.s32 v15, v50;
	[tilespmem:s3+$0x0] =	vst.add.f32.msk $0xffff, v0  }
0x537: {  	s18 =	sadd.s32 s19, s14;
	s2 =	sadd.s32 s4, s20;
	s20 =	rddreg [dreg:$0xd];
	v0 =	vmul.f32 v25, v31;
	v25 =	vld.idx.msk [tilespmem:v30+s0+$0x0], $0xffff  }
0x538: {  	s8 =	sadd.s32 s20, s18;
	v30 =	vld [tilespmem:$0x1FAD0]  }
0x539: {  	[tilespmem:s8+$0x0] =	vst.add.f32.msk $0xffff, v0  }
0x53a: {  	v0 =	vmul.f32 v26, v47;
	v26 =	vld.idx.msk [tilespmem:v17+s0+$0x0], $0xffff  }
0x53b: {  	s2 =	sadd.s32 s26, s2;
	v1 =	vld.idx.msk [tilespmem:v1+s0+$0x0], $0xffff  }
0x53c: {  	s15 =	sadd.s32 s7, s14;
	[tilespmem:s2+$0x0] =	vst.add.f32.msk $0xffff, v0;
	v0 =	vmul.f32 v28, v31  }
0x53d: {  	s5 =	sadd.s32 s20, s15;
	v19 =	vld.idx.msk [tilespmem:v19+s0+$0x0], $0xffff  }
0x53e: {  	s13 =	rddreg [dreg:$0x5];
	s16 =	sadd.s32 s6, s14;
	[tilespmem:s5+$0x0] =	vst.add.f32.msk $0xffff, v0;
	v0 =	vmul.f32 v25, v31  }
0x53f: {  	s21 =	sadd.s32 s13, s10;
	s3 =	sadd.s32 s20, s16  }
0x540: {  	s12 =	rddreg [dreg:$0xe];
	s11 =	sadd.s32 s19, s21;
	[tilespmem:s3+$0x0] =	vst.add.f32.msk $0xffff, v0;
	v0 =	vmul.f32 v1, v30  }
0x541: {  	s8 =	sadd.s32 s12, s11  }
0x542: {  	s1 =	sadd.s32 s4, s14;
	[tilespmem:s8+$0x0] =	vst.add.f32.msk $0xffff, v0;
	v0 =	vmul.f32 v19, v31  }
0x543: {  	s1 =	sadd.s32 s20, s1  }
0x544: {  	[tilespmem:s1+$0x0] =	vst.add.f32.msk $0xffff, v0  }
0x545: {  	v16 =	vld.idx.msk [tilespmem:v5+s0+$0x0], $0xffff  }
0x546: {  	v5 =	vld [tilespmem:$0x1F8B0];
	_ =	sdelay $0x2  }
0x547: {  	v18 =	vld.idx.msk [tilespmem:v18+s0+$0x0], $0xffff;
	_ =	sdelay $0x3  }
0x548: {  	v1 =	vld [tilespmem:$0x1F8A0]  }
0x549: {  	v0 =	vmul.f32 v18, v30;
	v18 =	vld.idx.msk [tilespmem:v5+s0+$0x0], $0xffff  }
0x54a: {  	v5 =	vld [tilespmem:$0x1F8C0];
	_ =	sdelay $0x3  }
0x54b: {  	s22 =	sadd.s32 s7, s21;
	v28 =	vld [tilespmem:$0x1FEC0]  }
0x54c: {  	s5 =	sadd.s32 s12, s22  }
0x54d: {  	[tilespmem:s5+$0x0] =	vst.add.f32.msk $0xffff, v0  }
0x54e: {  	v1 =	vld.idx.msk [tilespmem:v1+s0+$0x0], $0xffff  }
0x54f: {  	v15 =	vld.idx.msk [tilespmem:v5+s0+$0x0], $0xffff  }
0x550: {  	v25 =	vadd.s32 v28, v50;
	v5 =	vld [tilespmem:$0x1F8D0];
	_ =	sdelay $0x4  }
0x551: {  	s24 =	sadd.s32 s6, s21;
	v17 =	vld.idx.msk [tilespmem:v25+s0+$0x0], $0xffff;
	v0 =	vmul.f32 v1, v30  }
0x552: {  	s3 =	sadd.s32 s12, s24;
	v25 =	vld [tilespmem:$0x1FAE0]  }
0x553: {  	[tilespmem:s3+$0x0] =	vst.add.f32.msk $0xffff, v0  }
0x554: {  	v14 =	vld.idx.msk [tilespmem:v5+s0+$0x0], $0xffff  }
0x555: {  	v5 =	vld [tilespmem:$0x1F8E0];
	_ =	sdelay $0x1  }
0x556: {  	s26 =	smov.u32 s13;
	s13 =	sadd.s32 $0x19A00, s29  }
0x557: {  	v0 =	vmul.f32 v17, v25;
	s3 =	sadd.s32 s19, s13  }
0x558: {  	v51 =	vld [tilespmem:$0x1FED0];
	s14 =	sor.u32 s30, s3  }
0x559: {  	s2 =	sadd.s32 s4, s21;
	[tilespmem:s14+$0x0] =	vst.add.f32.msk $0xffff, v0;
	v0 =	vmul.f32 v16, v30  }
0x55a: {  	s8 =	sadd.s32 s12, s2  }
0x55b: {  	[tilespmem:s8+$0x0] =	vst.add.f32.msk $0xffff, v0  }
0x55c: {  	v13 =	vld.idx.msk [tilespmem:v5+s0+$0x0], $0xffff  }
0x55d: {  	v5 =	vld [tilespmem:$0x1F8F0]  }
0x55e: {  	v1 =	vadd.s32 v51, v50;
	_ =	sdelay $0x2  }
0x55f: {  	v19 =	vmul.f32 v26, v54;
	v26 =	vld [tilespmem:$0x1FEE0]  }
0x560: {  	s2 =	sadd.s32 s7, s13;
	v17 =	vld [tilespmem:$0x1FAF0];
	v0 =	vmul.f32 v15, v25  }
0x561: {  	s15 =	sor.u32 s30, s2;
	v1 =	vld.idx.msk [tilespmem:v1+s0+$0x0], $0xffff  }
0x562: {  	[tilespmem:s15+$0x0] =	vst.add.f32.msk $0xffff, v0  }
0x563: {  	v15 =	vld.idx.msk [tilespmem:v5+s0+$0x0], $0xffff  }
0x564: {  	s5 =	sadd.s32 s6, s13;
	v0 =	vmul.f32 v14, v25;
	v5 =	vld [tilespmem:$0x1F900]  }
0x565: {  	s18 =	sor.u32 s30, s5  }
0x566: {  	[tilespmem:s18+$0x0] =	vst.add.f32.msk $0xffff, v0  }
0x567: {  	v0 =	vmul.f32 v1, v17;
	v1 =	vld [tilespmem:$0x1F910]  }
0x568: {  	v14 =	vadd.s32 v26, v50  }
0x569: {  	s18 =	rddreg [dreg:$0xa]  }
0x56a: {  	s20 =	rddreg [dreg:$0xa];
	s8 =	sor.u32 s18, s3  }
0x56b: {  	s22 =	rddreg [dreg:$0xa];
	[tilespmem:s8+$0x0] =	vst.add.f32.msk $0xffff, v0  }
0x56c: {  	s24 =	rddreg [dreg:$0x14];
	v12 =	vld.idx.msk [tilespmem:v5+s0+$0x0], $0xffff  }
0x56d: {  	s16 =	sor.u32 s20, s2;
	s12 =	sor.u32 s24, s2;
	s1 =	sadd.s32 s4, s13;
	v49 =	vld.idx.msk [tilespmem:v14+s0+$0x0], $0xffff  }
0x56e: {  	s24 =	rddreg [dreg:$0x14];
	s20 =	sor.u32 s30, s1;
	s22 =	sor.u32 s22, s1;
	v14 =	vld [tilespmem:$0x1FB00];
	v0 =	vmul.f32 v13, v25  }
0x56f: {  	s14 =	sor.u32 s31, s1;
	s1 =	sor.u32 s24, s1;
	s24 =	sld [smem:$0x7EB];
	v1 =	vld.idx.msk [tilespmem:v1+s0+$0x0], $0xffff  }
0x570: {  	[tilespmem:s20+$0x0] =	vst.add.f32.msk $0xffff, v0  }
0x571: {  	v58 =	vld.idx.msk [tilespmem:v6+s0+$0x0], $0xffff;
	v0 =	vmul.f32 v12, v17  }
0x572: {  	[tilespmem:s24+$0x0] =	vst.add.f32.msk $0xffff, v19  }
0x573: {  	[tilespmem:s16+$0x0] =	vst.add.f32.msk $0xffff, v0  }
0x574: {  	s21 =	rddreg [dreg:$0xa];
	v0 =	vmul.f32 v1, v17;
	v1 =	vadd.s32 v3, v50;
	v3 =	vld [tilespmem:$0x1F920]  }
0x575: {  	s21 =	sor.u32 s21, s5;
	v7 =	vld.idx.msk [tilespmem:v7+s0+$0x0], $0xffff  }
0x576: {  	[tilespmem:s21+$0x0] =	vst.add.f32.msk $0xffff, v0;
	v0 =	vmul.f32 v49, v14  }
0x577: {  	s8 =	sor.u32 s31, s3;
	v8 =	vld.idx.msk [tilespmem:v8+s0+$0x0], $0xffff  }
0x578: {  	[tilespmem:s8+$0x0] =	vst.add.f32.msk $0xffff, v0;
	v0 =	vmul.f32 v58, v17;
	_ =	sdelay $0x1  }
0x579: {  	[tilespmem:s22+$0x0] =	vst.add.f32.msk $0xffff, v0;
	v0 =	vmul.f32 v7, v14  }
0x57a: {  	s13 =	sor.u32 s31, s2;
	v1 =	vld.idx.msk [tilespmem:v1+s0+$0x0], $0xffff  }
0x57b: {  	[tilespmem:s13+$0x0] =	vst.add.f32.msk $0xffff, v0  }
0x57c: {  	v0 =	vmul.f32 v8, v14;
	v8 =	vld [tilespmem:$0x1FB20]  }
0x57d: {  	v16 =	vmul.f32 v18, v54;
	v6 =	vld.idx.msk [tilespmem:v3+s0+$0x0], $0xffff  }
0x57e: {  	s24 =	rddreg [dreg:$0x1f];
	v3 =	vld [tilespmem:$0x1F930]  }
0x57f: {  	s2 =	sor.u32 s31, s5;
	[tilespmem:s24+$0x0] =	vst.add.f32.msk $0xffff, v16  }
0x580: {  	[tilespmem:s2+$0x0] =	vst.add.f32.msk $0xffff, v0  }
0x581: {  	v0 =	vmul.f32 v1, v8;
	v1 =	vld [tilespmem:$0x1F940];
	_ =	sdelay $0x4  }
0x582: {  	s13 =	rddreg [dreg:$0x14];
	v5 =	vld.idx.msk [tilespmem:v3+s0+$0x0], $0xffff  }
0x583: {  	v7 =	vadd.s32 v4, v50;
	v4 =	vld [tilespmem:$0x1F950];
	s31 =	sor.u32 s13, s3  }
0x584: {  	[tilespmem:s31+$0x0] =	vst.add.f32.msk $0xffff, v0;
	v0 =	vmul.f32 v6, v14  }
0x585: {  	v1 =	vld.idx.msk [tilespmem:v1+s0+$0x0], $0xffff  }
0x586: {  	[tilespmem:s14+$0x0] =	vst.add.f32.msk $0xffff, v0  }
0x587: {  	v0 =	vmul.f32 v5, v8;
	v5 =	vld [tilespmem:$0x1F960]  }
0x588: {  	v3 =	vld.idx.msk [tilespmem:v7+s0+$0x0], $0xffff  }
0x589: {  	[tilespmem:s12+$0x0] =	vst.add.f32.msk $0xffff, v0  }
0x58a: {  	v0 =	vmul.f32 v1, v8;
	v1 =	vadd.s32 v61, v50;
	v61 =	vld [tilespmem:$0x1FB30];
	_ =	sdelay $0x1  }
0x58b: {  	s11 =	rddreg [dreg:$0x14];
	v4 =	vld.idx.msk [tilespmem:v4+s0+$0x0], $0xffff  }
0x58c: {  	s28 =	rddreg [dreg:$0x6];
	s11 =	sor.u32 s11, s5  }
0x58d: {  	s5 =	sadd.s32 s28, s10;
	[tilespmem:s11+$0x0] =	vst.add.f32.msk $0xffff, v0  }
0x58e: {  	s21 =	rddreg [dreg:$0xf];
	s31 =	sadd.s32 s19, s5;
	v5 =	vld.idx.msk [tilespmem:v5+s0+$0x0], $0xffff;
	v0 =	vmul.f32 v3, v61  }
0x58f: {  	v13 =	vmul.f32 v15, v54;
	s8 =	sadd.s32 s21, s31;
	v3 =	vld [tilespmem:$0x1F970]  }
0x590: {  	s3 =	rddreg [dreg:$0x1c];
	[tilespmem:s8+$0x0] =	vst.add.f32.msk $0xffff, v0;
	v0 =	vmul.f32 v4, v8  }
0x591: {  	[tilespmem:s3+$0x0] =	vst.add.f32.msk $0xffff, v13  }
0x592: {  	[tilespmem:s1+$0x0] =	vst.add.f32.msk $0xffff, v0  }
0x593: {  	v0 =	vmul.f32 v5, v61;
	v5 =	vld [tilespmem:$0x1F990];
	_ =	sdelay $0x3  }
0x594: {  	v3 =	vld.idx.msk [tilespmem:v3+s0+$0x0], $0xffff  }
0x595: {  	v6 =	vld [tilespmem:$0x1F9A0]  }
0x596: {  	v8 =	vld [tilespmem:$0x1FB40]  }
0x597: {  	s12 =	sadd.s32 s7, s5;
	v1 =	vld.idx.msk [tilespmem:v1+s0+$0x0], $0xffff  }
0x598: {  	s3 =	sadd.s32 s21, s12;
	v5 =	vld.idx.msk [tilespmem:v5+s0+$0x0], $0xffff  }
0x599: {  	s14 =	sadd.s32 s6, s5;
	[tilespmem:s3+$0x0] =	vst.add.f32.msk $0xffff, v0;
	v0 =	vmul.f32 v3, v61  }
0x59a: {  	s2 =	sadd.s32 s4, s5;
	s5 =	sadd.s32 s21, s14;
	v4 =	vld [tilespmem:$0x1F980]  }
0x59b: {  	[tilespmem:s5+$0x0] =	vst.add.f32.msk $0xffff, v0  }
0x59c: {  	v0 =	vmul.f32 v1, v8;
	v1 =	vld [tilespmem:$0x1F9B0];
	_ =	sdelay $0x5  }
0x59d: {  	v4 =	vld.idx.msk [tilespmem:v4+s0+$0x0], $0xffff  }
0x59e: {  	s25 =	rddreg [dreg:$0x7];
	v6 =	vld.idx.msk [tilespmem:v6+s0+$0x0], $0xffff  }
0x59f: {  	s11 =	sadd.s32 s25, s10;
	v3 =	vadd.s32 v60, v50;
	v7 =	vld.idx.msk [tilespmem:v1+s0+$0x0], $0xffff  }
0x5a0: {  	s22 =	rddreg [dreg:$0x10];
	s31 =	sadd.s32 s19, s11;
	v1 =	vmul.f32 v5, v53;
	v5 =	vld [tilespmem:$0x1F9D0]  }
0x5a1: {  	s8 =	sadd.s32 s22, s31  }
0x5a2: {  	[tilespmem:s8+$0x0] =	vst.add.f32.msk $0xffff, v0  }
0x5a3: {  	v0 =	vmul.f32 v4, v61;
	v4 =	vld [tilespmem:$0x1F9C0]  }
0x5a4: {  	s2 =	sadd.s32 s21, s2;
	v3 =	vld.idx.msk [tilespmem:v3+s0+$0x0], $0xffff  }
0x5a5: {  	s12 =	sadd.s32 s7, s11;
	[tilespmem:s2+$0x0] =	vst.add.f32.msk $0xffff, v0;
	v0 =	vmul.f32 v6, v8  }
0x5a6: {  	s3 =	sadd.s32 s22, s12;
	v6 =	vld [tilespmem:$0x1F9E0]  }
0x5a7: {  	s14 =	sadd.s32 s6, s11;
	[tilespmem:s3+$0x0] =	vst.add.f32.msk $0xffff, v0;
	v0 =	vmul.f32 v7, v8  }
0x5a8: {  	s5 =	sadd.s32 s22, s14;
	v5 =	vld.idx.msk [tilespmem:v5+s0+$0x0], $0xffff  }
0x5a9: {  	[tilespmem:s5+$0x0] =	vst.add.f32.msk $0xffff, v0  }
0x5aa: {  	v0 =	vmul.f32 v3, v57;
	v3 =	vld [tilespmem:$0x1F9F0];
	_ =	sdelay $0x2  }
0x5ab: {  	s23 =	rddreg [dreg:$0x8]  }
0x5ac: {  	v12 =	vmov v2;
	v2 =	vadd.s32 v23, v50;
	s1 =	sadd.s32 s4, s11;
	s11 =	sadd.s32 s23, s10  }
0x5ad: {  	s15 =	rddreg [dreg:$0x11];
	s31 =	sadd.s32 s19, s11;
	v4 =	vld.idx.msk [tilespmem:v4+s0+$0x0], $0xffff  }
0x5ae: {  	v6 =	vld.idx.msk [tilespmem:v6+s0+$0x0], $0xffff;
	s5 =	sadd.s32 s15, s31  }
0x5af: {  	[tilespmem:s5+$0x0] =	vst.add.f32.msk $0xffff, v0  }
0x5b0: {  	v7 =	vld.idx.msk [tilespmem:v3+s0+$0x0], $0xffff  }
0x5b1: {  	v3 =	vld.idx.msk [tilespmem:v2+s0+$0x0], $0xffff  }
0x5b2: {  	v2 =	vld [tilespmem:$0x1FA00];
	_ =	sdelay $0x2  }
0x5b3: {  	v4 =	vmul.f32 v4, v8  }
0x5b4: {  	s12 =	sadd.s32 s7, s11;
	s8 =	sadd.s32 s22, s1;
	v0 =	vmul.f32 v5, v53;
	v5 =	vmul.f32 v6, v57  }
0x5b5: {  	s2 =	sadd.s32 s15, s12;
	[tilespmem:s8+$0x0] =	vst.add.f32.msk $0xffff, v4  }
0x5b6: {  	[tilespmem:s2+$0x0] =	vst.add.f32.msk $0xffff, v5  }
0x5b7: {  	v5 =	vld [tilespmem:$0x1FA20]  }
0x5b8: {  	v4 =	vld.idx.msk [tilespmem:v2+s0+$0x0], $0xffff  }
0x5b9: {  	v2 =	vld [tilespmem:$0x1FA10];
	_ =	sdelay $0x2  }
0x5ba: {  	p1 =	slt.u32 s9, $0x1C  }
.Ltmp4:
0x5bb: {  	v62 =	vmov v52;
	v52 =	vld [tilespmem:$0x1FF00];
	(pc) =	sbr.rel @p1 .LBB2_12-.Ltmp4, $4  }
0x5bc: {  	v32 =	vld [tilespmem:$0x1FF10];
	s20 =	smov.u32 s30  }
0x5bd: {  	v54 =	vld [tilespmem:$0x1FF20];
	s16 =	rddreg [dreg:$0x9];
	s24 =	smov.u32 s28;
	s28 =	smov.u32 s25  }
0x5be: {  	v35 =	vmov v40;
	v34 =	vmov v48;
	v18 =	vmov v33;
	s25 =	rddreg [dreg:$0x1a];
	s14 =	sadd.s32 s6, s11;
	s1 =	sadd.s32 s4, s11;
	v5 =	vld.idx.msk [tilespmem:v5+s0+$0x0], $0xffff  }
0x5bf: {  	v15 =	vmovc v29;
	v14 =	vmov v9;
	s1 =	sadd.s32 s15, s1;
	s3 =	sadd.s32 s15, s14;
	v6 =	vadd.s32 v20, v50;
	s2 =	sadd.s32 s16, s10;
	v7 =	vmul.f32 v7, v57;
	v2 =	vld.idx.msk [tilespmem:v2+s0+$0x0], $0xffff  }
0x5c0: {  	_ = 	snop  }
0x5c1: {  	[tilespmem:s3+$0x0] =	vst.add.f32.msk $0xffff, v7  }
0x5c2: {  	v7 =	vld [tilespmem:$0x1FB60];
	_ =	sdelay $0x4  }
0x5c3: {  	v4 =	vmul.f32 v4, v7;
	_ =	sdelay $0x1  }
0x5c4: {  	[tilespmem:s1+$0x0] =	vst.add.f32.msk $0xffff, v4  }
0x5c5: {  	v8 =	vld [tilespmem:$0x1FA30];
	_ =	sdelay $0x1  }
0x5c6: {  	v60 =	vld.idx.msk [tilespmem:v22+s0+$0x0], $0xffff  }
0x5c7: {  	v4 =	vld.idx.msk [tilespmem:v63+s0+$0x0], $0xffff;
	_ =	sdelay $0x1  }
0x5c8: {  	s3 =	sadd.s32 s19, s2;
	s14 =	rddreg [dreg:$0x12];
	v3 =	vmul.f32 v3, v8  }
0x5c9: {  	s5 =	sadd.s32 s7, s2;
	s1 =	sadd.s32 s14, s3;
	v61 =	vmul.f32 v5, v8  }
0x5ca: {  	s9 =	sadd.s32 s6, s2;
	s8 =	sadd.s32 s14, s5;
	v33 =	vmul.f32 v60, v8;
	[tilespmem:s1+$0x0] =	vst.add.f32.msk $0xffff, v3  }
0x5cb: {  	s11 =	sadd.s32 s4, s2;
	s10 =	sadd.s32 s14, s9;
	v4 =	vmul.f32 v4, v8;
	[tilespmem:s8+$0x0] =	vst.add.f32.msk $0xffff, v61  }
0x5cc: {  	s2 =	sadd.s32 s14, s11;
	[tilespmem:s10+$0x0] =	vst.add.f32.msk $0xffff, v33  }
0x5cd: {  	[tilespmem:s2+$0x0] =	vst.add.f32.msk $0xffff, v4  }
0x5ce: {  	v63 =	vld.idx.msk [tilespmem:v6+s0+$0x0], $0xffff  }
0x5cf: {  	v39 =	vld [tilespmem:$0x1FA50]  }
0x5d0: {  	v36 =	vld.idx.msk [tilespmem:v21+s0+$0x0], $0xffff  }
0x5d1: {  	v38 =	vld.idx.msk [tilespmem:v24+s0+$0x0], $0xffff  }
0x5d2: {  	v40 =	vld.idx.msk [tilespmem:v27+s0+$0x0], $0xffff  }
0x5d3: {  	s12 =	sadd.s32 $0x19E00, s29  }
0x5d4: {  	s2 =	sadd.s32 s19, s12;
	v5 =	vmul.f32 v63, v39  }
0x5d5: {  	v37 =	vadd.s32 v52, v50;
	s5 =	sadd.s32 s7, s12;
	s17 =	sor.u32 s20, s2;
	v41 =	vmul.f32 v36, v39  }
0x5d6: {  	s6 =	sadd.s32 s6, s12;
	s19 =	sor.u32 s20, s5;
	v4 =	vmul.f32 v38, v39;
	[tilespmem:s17+$0x0] =	vst.add.f32.msk $0xffff, v5  }
0x5d7: {  	s29 =	sor.u32 s20, s6;
	s1 =	sadd.s32 s4, s12;
	v42 =	vmul.f32 v40, v39;
	[tilespmem:s19+$0x0] =	vst.add.f32.msk $0xffff, v41  }
0x5d8: {  	s4 =	sor.u32 s20, s1;
	[tilespmem:s29+$0x0] =	vst.add.f32.msk $0xffff, v4  }
0x5d9: {  	[tilespmem:s4+$0x0] =	vst.add.f32.msk $0xffff, v42  }
0x5da: {  	v3 =	vld.idx.msk [tilespmem:v37+s0+$0x0], $0xffff  }
0x5db: {  	v44 =	vld.idx.msk [tilespmem:v46+s0+$0x0], $0xffff  }
0x5dc: {  	v46 =	vld [tilespmem:$0x1FAA0]  }
0x5dd: {  	v5 =	vld.idx.msk [tilespmem:v59+s0+$0x0], $0xffff;
	_ =	sdelay $0x1  }
0x5de: {  	v45 =	vld.idx.msk [tilespmem:v62+s0+$0x0], $0xffff;
	_ =	sdelay $0x1  }
0x5df: {  	v3 =	vmul.f32 v3, v46  }
0x5e0: {  	s7 =	sor.u32 s18, s2;
	v30 =	vld [tilespmem:$0x1FF70];
	v47 =	vmul.f32 v5, v46  }
0x5e1: {  	s8 =	sor.u32 s18, s5;
	v48 =	vmul.f32 v44, v46;
	[tilespmem:s7+$0x0] =	vst.add.f32.msk $0xffff, v3  }
0x5e2: {  	s9 =	sor.u32 s18, s6;
	v49 =	vmul.f32 v45, v46;
	[tilespmem:s8+$0x0] =	vst.add.f32.msk $0xffff, v47  }
0x5e3: {  	s10 =	sor.u32 s18, s1;
	[tilespmem:s9+$0x0] =	vst.add.f32.msk $0xffff, v48  }
0x5e4: {  	[tilespmem:s10+$0x0] =	vst.add.f32.msk $0xffff, v49  }
0x5e5: {  	v43 =	vadd.s32 v30, v50;
	v3 =	vld.idx.msk [tilespmem:v34+s0+$0x0], $0xffff  }
0x5e6: {  	v31 =	vld [tilespmem:$0x1FF30]  }
0x5e7: {  	v55 =	vld [tilespmem:$0x1FB10]  }
0x5e8: {  	v52 =	vld.idx.msk [tilespmem:v35+s0+$0x0], $0xffff  }
0x5e9: {  	v53 =	vld.idx.msk [tilespmem:v18+s0+$0x0], $0xffff  }
0x5ea: {  	v4 =	vld.idx.msk [tilespmem:v43+s0+$0x0], $0xffff;
	_ =	sdelay $0x1  }
0x5eb: {  	s31 =	rddreg [dreg:$0x13];
	v3 =	vmul.f32 v3, v55  }
0x5ec: {  	[tilespmem:s25+$0x0] =	vst.add.f32.msk $0xffff, v1;
	s12 =	sor.u32 s31, s5;
	v56 =	vmul.f32 v52, v55  }
0x5ed: {  	s17 =	sor.u32 s31, s6;
	v50 =	vadd.s32 v31, v50;
	v57 =	vmul.f32 v53, v55;
	[tilespmem:s12+$0x0] =	vst.add.f32.msk $0xffff, v3  }
0x5ee: {  	s19 =	sor.u32 s31, s1;
	v4 =	vmul.f32 v4, v55;
	[tilespmem:s17+$0x0] =	vst.add.f32.msk $0xffff, v56  }
0x5ef: {  	s11 =	sor.u32 s31, s2;
	[tilespmem:s19+$0x0] =	vst.add.f32.msk $0xffff, v57  }
0x5f0: {  	[tilespmem:s11+$0x0] =	vst.add.f32.msk $0xffff, v4  }
0x5f1: {  	v58 =	vld [tilespmem:$0x1FB50]  }
0x5f2: {  	v4 =	vld.idx.msk [tilespmem:v50+s0+$0x0], $0xffff  }
0x5f3: {  	v3 =	vld.idx.msk [tilespmem:v14+s0+$0x0], $0xffff  }
0x5f4: {  	v5 =	vld.idx.msk [tilespmem:v12+s0+$0x0], $0xffff  }
0x5f5: {  	v6 =	vld.idx.msk [tilespmem:v15+s0+$0x0], $0xffff;
	s3 =	rddreg [dreg:$0x19]  }
0x5f6: {  	[tilespmem:s3+$0x0] =	vst.add.f32.msk $0xffff, v0;
	v59 =	vmul.f32 v2, v58  }
0x5f7: {  	s3 =	rddreg [dreg:$0x17];
	v60 =	vmul.f32 v4, v58  }
0x5f8: {  	s2 =	sor.u32 s13, s2;
	v61 =	vmul.f32 v3, v58;
	[tilespmem:s3+$0x0] =	vst.add.f32.msk $0xffff, v59  }
0x5f9: {  	s25 =	sor.u32 s13, s5;
	v62 =	vmul.f32 v5, v58;
	[tilespmem:s2+$0x0] =	vst.add.f32.msk $0xffff, v60  }
0x5fa: {  	s29 =	sor.u32 s13, s6;
	v63 =	vmul.f32 v6, v58;
	[tilespmem:s25+$0x0] =	vst.add.f32.msk $0xffff, v61  }
0x5fb: {  	s1 =	sor.u32 s13, s1;
	s3 =	sld [smem:$0x7EC];
	[tilespmem:s29+$0x0] =	vst.add.f32.msk $0xffff, v62  }
0x5fc: {  	[tilespmem:s1+$0x0] =	vst.add.f32.msk $0xffff, v63  }
0x5fd: {  	v24 =	vld [tilespmem:$0x1FFA0]  }
0x5fe: {  	v16 =	vld [tilespmem:$0x1FFB0]  }
0x5ff: {  	v17 =	vld [tilespmem:$0x1FFC0]  }
0x600: {  	v15 =	vld [tilespmem:$0x1FFD0]  }
0x601: {  	v18 =	vld [tilespmem:$0x1FFE0];
	s3 =	sadd.s32 $0x1, s3  }
0x602: {  	v19 =	vld [tilespmem:$0x1FFF0];
	p1 =	sne.s32 s3, $0x20  }
.Ltmp5:
0x603: {  	v21 =	vld [tilespmem:$0x1FF80];
	(pc) =	sbr.rel @p1 .LBB2_11-.Ltmp5, $4  }
0x604: {  	v27 =	vld [tilespmem:$0x1FF60]  }
0x605: {  	s1 =	rddreg [dreg:$0x16];
	v29 =	vld [tilespmem:$0x1FF90]  }
0x606: {  	v33 =	vld [tilespmem:$0x1FF40];
	s1 =	sadd.s32 $0x20, s1  }
0x607: {  	s19 =	smov.u32 s14;
	v34 =	vld [tilespmem:$0x1FF50];
	[dreg:$0x16] =	wrdreg s1  }
.Ltmp6:
0x608: {  	(pc) =	sbr.rel @p0 .LBB2_15-.Ltmp6, $1  }
0x609: {  	_ =	sdelay $0x3  }
0x60a: {  	s5 =	sld [smem:$0x7F3];
	_ =	sdelay $0x1  }
0x60b: {  	s2 =	sld [smem:$0x7F9]  }
0x60c: {  	s25 =	sld [smem:$0x7F7];
	s1 =	smul.u32 $0xA0000, s5  }
.Ltmp7:
0x60d: {  	s30 =	sld [smem:$0x7F2];
	(pc) =	sbr.rel .LBB2_6-.Ltmp7, $4  }
0x60e: {  	s29 =	simm.s32 $0xC00;
	s3 =	simm.s32 $0x14000;
	s1 =	sadd.s32 s1, s2  }
0x60f: {  	s4 =	simm.s32 $0x16600;
	s5 =	sadd.s32 $0x1, s5;
	s1 =	sshrl.u32 s1, $0x3  }
0x610: {  	[smem:$0x7F3] =	sst s5;
	s2 =	sadd.s32 $0x800, s30;
	s1 =	sadd.s32 s25, s1  }
0x611: {  	[tilespmem:s4], [sflag:$0x2] =	stream.strided.gather [hbm4b:s1+s29], $0x3000, s3, s29, $0x38;
	[tilespmem:$0x1C600] =	vst v63  }
.LBB2_15:
0x612: {  	s2 =	simm.s32 $0x0  }
0x613: {  	s6 =	sor.u32 $0x4, s2  }
0x614: {  	s3 =	sor.u32 $0x2, s2;
	s15 =	smul.u32 $0xAAAB, s2;
	s9 =	sand.u32 $0xFFFF, s6  }
0x615: {  	s1 =	sor.u32 $0x1, s2;
	s5 =	sand.u32 $0xFFFF, s3;
	s9 =	smul.u32 $0xAAAB, s9  }
0x616: {  	s4 =	sor.u32 $0x6, s2;
	s8 =	sand.u32 $0xFFFF, s1;
	s5 =	smul.u32 $0xAAAB, s5  }
0x617: {  	s11 =	sor.u32 $0x3, s2;
	s14 =	sand.u32 $0xFFFF, s4;
	s8 =	smul.u32 $0xAAAB, s8  }
0x618: {  	s7 =	sor.u32 $0x5, s2;
	s16 =	sand.u32 $0xFFFF, s11;
	s14 =	smul.u32 $0xAAAB, s14  }
0x619: {  	s10 =	sor.u32 $0x7, s2;
	s13 =	sand.u32 $0xFFFF, s7;
	s16 =	smul.u32 $0xAAAB, s16  }
0x61a: {  	s12 =	sand.u32 $0xFFFF, s10;
	s13 =	smul.u32 $0xAAAB, s13  }
0x61b: {  	s17 =	sshrl.u32 s15, $0x14;
	s18 =	sshrl.u32 s15, $0xD;
	s12 =	smul.u32 $0xAAAB, s12  }
0x61c: {  	s25 =	sshrl.u32 s15, $0x17;
	s17 =	smul.u32 $0x18, s17;
	s9 =	sshrl.u32 s9, $0x11  }
0x61d: {  	s5 =	sshrl.u32 s5, $0x11;
	s8 =	sshrl.u32 s8, $0x11;
	s14 =	sshrl.u32 s14, $0x11  }
0x61e: {  	s29 =	sshrl.u32 s16, $0x11;
	s13 =	sshrl.u32 s13, $0x11;
	s9 =	sand.u32 $0x18, s9  }
0x61f: {  	s5 =	sand.u32 $0x18, s5;
	s8 =	sand.u32 $0x18, s8;
	s31 =	ssub.s32 $0x0, s17  }
0x620: {  	s13 =	sand.u32 $0x18, s13;
	s14 =	sand.u32 $0x18, s14;
	s17 =	sand.u32 $0x380, s18  }
0x621: {  	s18 =	sshrl.u32 s12, $0x11;
	s3 =	sadd.s32 s5, s3;
	s5 =	smul.u32 $0x3000, s25  }
0x622: {  	s1 =	sadd.s32 s8, s1;
	s8 =	sand.u32 $0x18, s29;
	s7 =	sadd.s32 s13, s7  }
0x623: {  	s16 =	sand.u32 $0xFFFF, s31;
	s6 =	sadd.s32 s9, s6;
	s4 =	sadd.s32 s14, s4  }
0x624: {  	s9 =	sand.u32 $0x18, s18;
	s1 =	sshll.u32 s1, $0x7;
	s8 =	sadd.s32 s8, s11  }
0x625: {  	s3 =	sshll.u32 s3, $0x7;
	s7 =	sshll.u32 s7, $0x7;
	s13 =	sshll.u32 s16, $0x7  }
0x626: {  	s6 =	sshll.u32 s6, $0x7;
	s4 =	sshll.u32 s4, $0x7;
	s9 =	sadd.s32 s9, s10  }
0x627: {  	s1 =	sand.u32 $0xC00, s1;
	s3 =	sand.u32 $0xC00, s3;
	s8 =	sshll.u32 s8, $0x7  }
0x628: {  	s7 =	sand.u32 $0xC00, s7;
	s5 =	sshrl.u32 s5, $0x2;
	s6 =	sand.u32 $0xC00, s6  }
0x629: {  	s4 =	sand.u32 $0xC00, s4;
	s20 =	sshll.u32 s9, $0x7;
	s5 =	sadd.s32 $0x19600, s5  }
0x62a: {  	s8 =	sand.u32 $0xC00, s8;
	s31 =	sand.u32 $0xC00, s20;
	s4 =	sadd.s32 s4, s5  }
0x62b: {  	s21 =	sadd.s32 s3, s5;
	s22 =	sadd.s32 s7, s5;
	s3 =	sadd.s32 s17, s4  }
0x62c: {  	s19 =	sadd.s32 s13, s5;
	s23 =	sadd.s32 s8, s5;
	s9 =	sadd.s32 s17, s22;
	v0 =	vld [tilespmem:s3+$0x60]  }
0x62d: {  	s25 =	sadd.s32 s6, s5;
	s29 =	sadd.s32 s1, s5;
	s12 =	sadd.s32 s17, s21;
	v1 =	vld [tilespmem:s9+$0x50]  }
0x62e: {  	s5 =	sadd.s32 s31, s5;
	s1 =	sadd.s32 s17, s23;
	s16 =	sadd.s32 s17, s29;
	v3 =	vld [tilespmem:s12+$0x20]  }
0x62f: {  	v7 =	vimm.f32 $-1.000000000e+00;
	v23 =	vimm.f32 $0.0e+00;
	s4 =	sadd.s32 s17, s25;
	s11 =	sadd.s32 s17, s19;
	s6 =	sadd.s32 s17, s5;
	v2 =	vld [tilespmem:s16+$0x10]  }
.LBB2_16:
0x630: {  	s2 =	sadd.s32 $0x8, s2  }
0x631: {  	v4 =	vld [tilespmem:s11+$0x0];
	s15 =	sor.u32 $0x1, s2;
	s5 =	sor.u32 $0x2, s2  }
0x632: {  	s8 =	sor.u32 $0x6, s2;
	v5 =	vld [tilespmem:s6+$0x70];
	s10 =	sor.u32 $0x4, s2;
	s13 =	sor.u32 $0x5, s2  }
0x633: {  	s7 =	sor.u32 $0x7, s2;
	s17 =	sand.u32 $0xFFFF, s5;
	v6 =	vld [tilespmem:s4+$0x40];
	vm0 =	vgt.f32 v1, $0.0e+00;
	s14 =	sand.u32 $0xFFFF, s10  }
0x634: {  	vm2 =	vgt.f32 v0, $0.0e+00;
	s19 =	sor.u32 $0x3, s2;
	s18 =	sand.u32 $0xFFFF, s15;
	vm1 =	vgt.f32 v3, $0.0e+00;
	v1 =	vld [tilespmem:s1+$0x30];
	s20 =	smul.u32 $0xAAAB, s14  }
0x635: {  	p0 =	slt.u32 s2, $0x2F8;
	s14 =	sand.u32 $0xFFFF, s7;
	s17 =	smul.u32 $0xAAAB, s17;
	vm3 =	vgt.f32 v2, $0.0e+00;
	v0 =	vsel vm1, $0x3F800000, v7;
	v2 =	vsel vm0, $0x3F800000, v7  }
0x636: {  	s21 =	sand.u32 $0xFFFF, s13;
	s22 =	sand.u32 $0xFFFF, s8;
	vm0 =	vgt.f32 v4, $0.0e+00;
	v3 =	vsel vm3, $0x3F800000, v7;
	[tilespmem:s12+$0x20] =	vst v0;
	v0 =	vsel vm2, $0x3F800000, v7;
	s12 =	smul.u32 $0xAAAB, s2  }
0x637: {  	s23 =	sand.u32 $0xFFFF, s19;
	s20 =	sshrl.u32 s20, $0x11;
	v4 =	vsel vm0, $0x3F800000, v7;
	[tilespmem:s16+$0x10] =	vst v3;
	vm0 =	vgt.f32 v5, $0.0e+00;
	s16 =	smul.u32 $0xAAAB, s18  }
0x638: {  	s17 =	sshrl.u32 s17, $0x11;
	s18 =	sand.u32 $0x18, s20;
	s20 =	smul.u32 $0xAAAB, s22;
	vm1 =	vgt.f32 v6, $0.0e+00;
	[tilespmem:s9+$0x50] =	vst v2  }
0x639: {  	s17 =	sand.u32 $0x18, s17;
	s22 =	smul.u32 $0xAAAB, s23;
	s9 =	sshrl.u32 s12, $0x14;
	v2 =	vsel vm0, $0x3F800000, v7;
	[tilespmem:s11+$0x0] =	vst v4;
	vm2 =	vgt.f32 v1, $0.0e+00;
	v1 =	vsel vm1, $0x3F800000, v7  }
0x63a: {  	s5 =	sadd.s32 s17, s5;
	s11 =	sshrl.u32 s12, $0xD;
	s16 =	sshrl.u32 s16, $0x11;
	v3 =	vsel vm2, $0x3F800000, v7;
	[tilespmem:s3+$0x60] =	vst v0  }
0x63b: {  	s10 =	sadd.s32 s18, s10;
	s3 =	smul.u32 $0x18, s9;
	s9 =	sand.u32 $0x18, s16;
	[tilespmem:s4+$0x40] =	vst v1  }
0x63c: {  	s16 =	sshrl.u32 s20, $0x11;
	s4 =	sshrl.u32 s12, $0x17;
	s12 =	smul.u32 $0xAAAB, s21;
	[tilespmem:s6+$0x70] =	vst v2  }
0x63d: {  	s4 =	smul.u32 $0x3000, s4;
	s6 =	sadd.s32 s9, s15;
	s9 =	sshrl.u32 s22, $0x11;
	[tilespmem:s1+$0x30] =	vst v3  }
0x63e: {  	s1 =	ssub.s32 s2, s3;
	s3 =	sand.u32 $0x18, s9;
	s9 =	sshrl.u32 s12, $0x11  }
0x63f: {  	s6 =	sshll.u32 s6, $0x7;
	s3 =	sadd.s32 s3, s19;
	s9 =	sand.u32 $0x18, s9  }
0x640: {  	s5 =	sshll.u32 s5, $0x7;
	s6 =	sand.u32 $0xC00, s6;
	s9 =	sadd.s32 s9, s13  }
0x641: {  	s5 =	sand.u32 $0xC00, s5;
	s12 =	sand.u32 $0x18, s16;
	s9 =	sshll.u32 s9, $0x7  }
0x642: {  	s1 =	sand.u32 $0xFFFF, s1;
	s3 =	sshll.u32 s3, $0x7;
	s9 =	sand.u32 $0xC00, s9  }
0x643: {  	s4 =	sshrl.u32 s4, $0x2;
	s13 =	smul.u32 $0xAAAB, s14;
	s3 =	sand.u32 $0xC00, s3  }
0x644: {  	s10 =	sshll.u32 s10, $0x7;
	s8 =	sadd.s32 s12, s8;
	s1 =	sshll.u32 s1, $0x7  }
0x645: {  	s10 =	sand.u32 $0xC00, s10;
	s14 =	sand.u32 $0x380, s11;
	s11 =	sshrl.u32 s13, $0x11  }
0x646: {  	s8 =	sshll.u32 s8, $0x7;
	s13 =	sadd.s32 $0x19600, s4;
	s11 =	sand.u32 $0x18, s11  }
0x647: {  	s4 =	sand.u32 $0xC00, s8;
	s8 =	sadd.s32 s1, s13;
	s7 =	sadd.s32 s11, s7  }
0x648: {  	s1 =	sadd.s32 s4, s13;
	s5 =	sadd.s32 s5, s13;
	s4 =	sshll.u32 s7, $0x7  }
0x649: {  	s12 =	sadd.s32 s14, s5;
	s7 =	sadd.s32 s3, s13;
	s3 =	sadd.s32 s14, s1  }
.Ltmp8:
0x64a: {  	s5 =	sadd.s32 s10, s13;
	s1 =	sadd.s32 s9, s13;
	v0 =	vld [tilespmem:s3+$0x60];
	(pc) =	sbr.rel @p0 .LBB2_16-.Ltmp8, $4  }
0x64b: {  	s6 =	sadd.s32 s6, s13;
	s9 =	sadd.s32 s14, s1;
	s10 =	sand.u32 $0xC00, s4  }
0x64c: {  	s1 =	sadd.s32 s14, s7;
	s4 =	sadd.s32 s14, s5;
	s5 =	sadd.s32 s10, s13;
	v1 =	vld [tilespmem:s9+$0x50]  }
0x64d: {  	s11 =	sadd.s32 s14, s8;
	s16 =	sadd.s32 s14, s6;
	s6 =	sadd.s32 s14, s5;
	v3 =	vld [tilespmem:s12+$0x20]  }
0x64e: {  	v2 =	vld [tilespmem:s16+$0x10]  }
0x64f: {  	v4 =	vld [tilespmem:s11+$0x0]  }
0x650: {  	v5 =	vld [tilespmem:s4+$0x40];
	vm12 =	vgt.f32 v0, $0.0e+00  }
0x651: {  	v55 =	vld [tilespmem:s6+$0x70];
	v60 =	vsel vm12, $0x3F800000, v7;
	vm10 =	vgt.f32 v1, $0.0e+00  }
0x652: {  	v57 =	vld [tilespmem:s1+$0x30];
	[tilespmem:s3+$0x60] =	vst v60;
	vm0 =	vgt.f32 v3, $0.0e+00;
	v58 =	vsel vm10, $0x3F800000, v7  }
0x653: {  	vm1 =	vgt.f32 v2, $0.0e+00;
	v56 =	vsel vm0, $0x3F800000, v7;
	[tilespmem:s9+$0x50] =	vst v58  }
0x654: {  	v6 =	vsel vm1, $0x3F800000, v7;
	[tilespmem:s12+$0x20] =	vst v56;
	vm11 =	vgt.f32 v4, $0.0e+00  }
0x655: {  	vm13 =	vgt.f32 v5, $0.0e+00;
	[tilespmem:s16+$0x10] =	vst v6;
	v59 =	vsel vm11, $0x3F800000, v7  }
0x656: {  	vm14 =	vgt.f32 v55, $0.0e+00;
	v61 =	vsel vm13, $0x3F800000, v7;
	[tilespmem:s11+$0x0] =	vst v59  }
0x657: {  	vm15 =	vgt.f32 v57, $0.0e+00;
	v62 =	vsel vm14, $0x3F800000, v7;
	[tilespmem:s4+$0x40] =	vst v61  }
0x658: {  	v63 =	vsel vm15, $0x3F800000, v7;
	[tilespmem:s6+$0x70] =	vst v62  }
0x659: {  	[tilespmem:s1+$0x30] =	vst v63  }
0x65a: {  	s1 =	sld [smem:$0x7FA]  }
0x65b: {  	s2 =	simm.s32 $0xC00  }
0x65c: {  	s23 =	simm.s32 $0x18000;
	s25 =	simm.s32 $0x19600;
	s9 =	simm.s32 $0x3  }
0x65d: {  	[hbm4b:s1+s2] =	stream.strided.scatter [tilespmem:s25], [sflag:$0x3], $0x3000, s23, s2, $0x38;
	[tilespmem:$0x1C600] =	vst v63  }
0x65e: {  	_ =	swait.ge [sflag:s9], $0x3000  }
0x65f: {  	s29 =	sld [smem:$0x7F4]  }
0x660: {  	s31 =	sld [smem:$0x7FB];
	_ =	sdelay $0x1  }
0x661: {  	s2 =	sadd.s32 $0x1, s29  }
0x662: {  	p0 =	sne.s32 s2, s31  }
.Ltmp9:
0x663: {  	_ = 	snop;
	(pc) =	sbr.rel @p0 .LBB2_1-.Ltmp9, $3  }
0x664: {  	_ =	sdelay $0x1  }
0x665: {  	[sflag:s9] =	ssyncset.done $0x0  }
0x666: {  	s20 =	smov.u32 s30;
	s23 =	rddreg [dreg:$0x8];
	[sflag:s9] =	ssyncadd.s32 $0xFFFFD000  }
0x667: {  	_ =	sfence.sel $0x180000  }
0x668: {  	[bflag:$0x0] =	sbarrier.arrive $0xFFFF  }
0x669: {  	_ =	strace $0x90000047  }
0x66a: {  	s0 =	stileid.u32;
	[bflag:$0x2] =	sbarrier.arrive $0xFFFF  }
0x66b: {  	p0 =	sne.s32 s0, $0x0;
	s0 =	rddreg [dreg:$0x1]  }
0x66c: {  	s0 =	sadd.s32 @!p0 $0x100000, s0  }
0x66d: {  	[sflag:s0] =	ssyncadd.tile.s32 @!p0 $0x1;
	_ =	shalt  }
.Lfunc_end2:
_tile_overlayer_lowered:
.L_overlay_start_2:
0x66e: {  	(tag) =	ssettag $0x2  }
0x66f: {  	s0 =	rddreg [dreg:$0x0];
	s2 =	stileid.u32  }
0x670: {  	s1 =	rddreg [dreg:$0x1];
	p0 =	sne.s32 s2, $0x0  }
0x671: {  	s3 =	rddreg [dreg:$0x2];
	[bflag:$0x3] =	sbarrier.arrive $0xFFFF;
	s2 =	simm.s32 @!p0 $0x1C03  }
0x672: {  	[timem:s3], [sflag:s2] =	dma.local @!p0 [hbm:s0], s1  }
0x673: {  	s0 =	simm.s32 @!p0 $0x3  }
0x674: {  	_ =	swait.ge @!p0 [sflag:s0], s1  }
0x675: {  	s1 =	ssub.s32 @!p0 $0x0, s1;
	[sflag:s0] =	ssyncset.done @!p0 $0x0  }
0x676: {  	[sflag:s0] =	ssyncadd.s32 @!p0 s1  }
0x677: {  	[bflag:$0x3] =	sbarrier.arrive $0xFFFF  }
0x678: {  	_ =	shalt  }

</sc_bundles>
